<compile_context>
chip_gen: v7x
topology: tpu7x:2x2x1
jax: 0.10.2.dev20260603
libtpu: 0.0.44.dev20260713+nightly
codegen_flags: <defaults>
</compile_context>

<pallas_src>
import jax
import jax.numpy as jnp
from jax.experimental import pallas as pl
from jax.experimental.pallas import tpu as pltpu
from jax.experimental.pallas import tpu_sc as plsc

_D = 256
_T = 8192
_C = 8192
_BM = 512
_TB = _T // _BM
_NCHUNK = _C // 128
_COMMIT = 0.25


_BJ = 1024


def _argmin_body(x_ref, ef_ref, idx_ref, loss_ref, et_ref,
                 ebf_s, e2_s, acc_ref):
    t = pl.program_id(0)

    @pl.when(t == 0)
    def _():
        ef = ef_ref[...]
        ebf_s[...] = ef.astype(jnp.bfloat16)
        e2_s[...] = jnp.sum(ef * ef, axis=0)[None, :]
        acc_ref[0] = 0.0

    et_ref[...] = ef_ref[:, pl.ds(t * _BM, _BM)].T

    e = ebf_s[...]
    x = x_ref[...]
    x2x = (x + x).astype(jnp.bfloat16)

    lane = jax.lax.broadcasted_iota(jnp.int32, (128, 128), 1)
    lsum = 0.0
    for r in range(_BM // 128):
        xr = x2x[r * 128:(r + 1) * 128, :]
        rmin = jnp.full((128, 128), jnp.inf, jnp.float32)
        rarg = jnp.zeros((128, 128), jnp.int32)
        for j in range(_C // _BJ):
            mmj = jnp.dot(xr, e[:, j * _BJ:(j + 1) * _BJ],
                          preferred_element_type=jnp.float32,
                          precision=jax.lax.Precision.DEFAULT)
            for kk in range(_BJ // 128):
                k = j * (_BJ // 128) + kk
                e2c = e2_s[:, k * 128:(k + 1) * 128]
                sc = e2c - mmj[:, kk * 128:(kk + 1) * 128]
                upd = sc < rmin
                rmin = jnp.minimum(sc, rmin)
                rarg = jnp.where(upd, k, rarg)
        full = rarg * 128 + lane
        gmin = jnp.min(rmin, axis=1, keepdims=True)
        cand = jnp.where(rmin == gmin, full, _C)
        idx_ref[pl.ds(r * 128, 128)] = jnp.min(cand, axis=1)
        lsum += jnp.sum(gmin)

    acc_ref[0] += jnp.sum(x * x) + lsum

    @pl.when(t == pl.num_programs(0) - 1)
    def _():
        loss_ref[0] = acc_ref[0]


def _argmin_loss(x, embed):
    return pl.pallas_call(
        _argmin_body,
        grid=(_TB,),
        in_specs=[
            pl.BlockSpec((_BM, _D), lambda t: (t, 0)),
            pl.BlockSpec((_D, _C), lambda t: (0, 0)),
        ],
        out_specs=[
            pl.BlockSpec((_BM,), lambda t: (t,)),
            pl.BlockSpec(memory_space=pltpu.SMEM),
            pl.BlockSpec((_BM, _D), lambda t: (t, 0)),
        ],
        out_shape=[
            jax.ShapeDtypeStruct((_T,), jnp.int32),
            jax.ShapeDtypeStruct((1,), jnp.float32),
            jax.ShapeDtypeStruct((_C, _D), jnp.float32),
        ],
        scratch_shapes=[
            pltpu.VMEM((_D, _C), jnp.bfloat16),
            pltpu.VMEM((1, _C), jnp.float32),
            pltpu.SMEM((1,), jnp.float32),
        ],
    )(x, embed)


_GW = 128


def _gather_codes(embed_t, indices):
    n = indices.shape[0]
    idx2 = indices.reshape(1, n)

    @pl.kernel(
        out_type=jax.ShapeDtypeStruct((n, _D), jnp.float32),
        mesh=plsc.VectorSubcoreMesh(core_axis_name="core",
                                    subcore_axis_name="subcore"),
    )
    def k(x_hbm, i_hbm, o_hbm):
        def body(i_vmem, o_vmem):
            pltpu.sync_copy(x_hbm.at[i_vmem.at[0]], o_vmem)

        pltpu.emit_pipeline(
            body,
            grid=(n // _GW,),
            in_specs=[pl.BlockSpec((1, _GW), index_map=lambda i: (0, i))],
            out_specs=[pl.BlockSpec((_GW, _D), index_map=lambda i: (i, 0))],
            core_axis_name=("core", "subcore"),
            dimension_semantics=(pltpu.PARALLEL,),
        )(i_hbm, o_hbm)

    return k(embed_t, idx2)


def kernel(inputs, embed):
    x = inputs.reshape(_T, _D)
    indices, s, embed_t = _argmin_loss(x, embed)
    quantized = _gather_codes(embed_t, indices).reshape(inputs.shape)
    loss = s[0] * (_COMMIT / (_T * _D))
    return quantized, loss, indices

# --- scband reference (transcript-rebuilt; emitter-appended) ---
"""Pipeline reference for scband-emaquantizer-91130616086753 (READ-ONLY COPY).

The authoritative reference and input builder live on the scoring server;
editing this copy changes nothing except your own understanding.
"""

import jax, jax.numpy as jnp
import numpy as np

EMBEDDING_DIM = 256
NUM_EMBEDDINGS = 8192
COMMITMENT_COST = 0.25


def setup_inputs(seed: int = 0) -> dict:
    key = jax.random.key(seed)
    k1, k2 = jax.random.split(key)
    inputs = jax.random.normal(k1, (8, 1024, EMBEDDING_DIM), dtype=jnp.float32)
    # buffer 'embed' is [embedding_dim, num_embeddings], init with randn as in torch
    embed = jax.random.normal(k2, (EMBEDDING_DIM, NUM_EMBEDDINGS), dtype=jnp.float32)
    return {"inputs": inputs, "embed": embed}


def reference(inputs, embed):
    # eval-mode forward (no EMA buffer updates)
    flat_input = inputs.reshape(-1, EMBEDDING_DIM)
    distances = (
        jnp.sum(flat_input ** 2, axis=1, keepdims=True)
        + jnp.sum(embed ** 2, axis=0)
        - 2.0 * jnp.matmul(flat_input, embed)
    )
    encoding_indices = jnp.argmin(distances, axis=1)
    # one-hot @ embed.T is equivalent to a gather of codebook rows
    quantized = jnp.take(embed.T, encoding_indices, axis=0).reshape(inputs.shape)
    e_latent_loss = jnp.mean((jax.lax.stop_gradient(quantized) - inputs) ** 2)
    loss = COMMITMENT_COST * e_latent_loss
    quantized_st = inputs + jax.lax.stop_gradient(quantized - inputs)
    return quantized_st, loss, encoding_indices

if __name__ == "__main__":
    import jax
    _d = setup_inputs()
    print(jax.jit(kernel)(*tuple(_d.values())))

</pallas_src>

<mosaic_0001>
#map = affine_map<(d0, d1) -> (0, 0)>
module attributes {stable_mosaic.version = 14 : i64} {
  func.func @k(%arg0: i32, %arg1: i32, %arg2: memref<8192x256xf32, #tpu.memory_space<hbm>>, %arg3: memref<1x8192xi32, #tpu.memory_space<hbm>>, %arg4: memref<8192x256xf32, #tpu.memory_space<hbm>>) attributes {dimension_semantics = [#tpu.dimension_semantics<core_parallel>, #tpu.dimension_semantics<subcore_parallel>], iteration_bounds = array<i64: 2, 16>, scalar_prefetch = 0 : i64, scratch_operands = 0 : i64, tpu.core_type = #tpu.core_type<sc_vector_subcore>, window_params = [{transform_indices = #map}, {transform_indices = #map}, {transform_indices = #map}]} {
    %mul3A = arith.constant 1 : i32
    %mul3A_0 = arith.muli %arg1, %mul3A : i32
    %add3A = arith.constant 0 : i32
    %add3A_1 = arith.addi %add3A, %mul3A_0 : i32
    %mul3A_2 = arith.constant 16 : i32
    %mul3A_3 = arith.muli %arg0, %mul3A_2 : i32
    %add3A_4 = arith.addi %add3A_1, %mul3A_3 : i32
    %mul3A_5 = arith.constant 2 : i32
    %mul3A_6 = arith.muli %add3A_4, %mul3A_5 : i32
    "tpu.region"() ({
      %run_scoped3A = memref.alloca() : memref<2x1x128xi32, #tpu.memory_space<vmem>>
      %run_scoped3A_7 = tpu.sem_alloc : memref<2x!tpu.dma_semaphore, #tpu.memory_space<semaphore_mem>>
      %run_scoped3A_8 = memref.alloca() : memref<2x128x256xf32, #tpu.memory_space<vmem>>
      %run_scoped3A_9 = tpu.sem_alloc : memref<2x!tpu.dma_semaphore, #tpu.memory_space<semaphore_mem>>
      %add3A_10 = arith.constant 0 : i32
      %add3A_11 = arith.addi %add3A_10, %mul3A_6 : i32
      %select_n3A = arith.constant true
      %select_n3A_12 = arith.constant 0 : i32
      %select_n3A_13 = arith.constant -1 : i32
      %select_n3A_14 = arith.select %select_n3A, %select_n3A_13, %select_n3A_12 : i32
      %eq3A = arith.constant -1 : i32
      %eq3A_15 = arith.cmpi eq, %select_n3A_14, %eq3A : i32
      %select_n3A_16 = arith.constant 1 : i32
      %select_n3A_17 = arith.select %eq3A_15, %select_n3A_16, %select_n3A_14 : i32
      %add3A_18 = arith.addi %select_n3A_17, %mul3A_6 : i32
      %select_n3A_19 = arith.constant true
      %select_n3A_20 = arith.constant 0 : i32
      %select_n3A_21 = arith.constant 1 : i32
      %select_n3A_22 = arith.select %select_n3A_19, %select_n3A_21, %select_n3A_20 : i32
      %eq3A_23 = arith.constant 2 : i32
      %eq3A_24 = arith.cmpi eq, %select_n3A_22, %eq3A_23 : i32
      %select_n3A_25 = arith.constant 0 : i32
      %select_n3A_26 = arith.select %eq3A_24, %select_n3A_25, %select_n3A_22 : i32
      %add3A_27 = arith.addi %select_n3A_26, %mul3A_6 : i32
      %add3A_28 = arith.constant 1 : i32
      %add3A_29 = arith.addi %select_n3A_26, %add3A_28 : i32
      %select_n3A_30 = arith.constant true
      %select_n3A_31 = arith.select %select_n3A_30, %add3A_29, %select_n3A_26 : i32
      %eq3A_32 = arith.constant 2 : i32
      %eq3A_33 = arith.cmpi eq, %select_n3A_31, %eq3A_32 : i32
      %select_n3A_34 = arith.constant 0 : i32
      %select_n3A_35 = arith.select %eq3A_33, %select_n3A_34, %select_n3A_31 : i32
      %add3A_36 = arith.addi %select_n3A_35, %mul3A_6 : i32
      "tpu.trace_start"() <{level = 10 : i32, message = "ep_initialize_0"}> : () -> ()
      %rem3A = arith.constant 0 : i32
      %rem3A_37 = arith.constant 2 : i32
      %rem3A_38 = arith.remui %rem3A, %rem3A_37 : i32
      %mul3A_39 = arith.constant 128 : i32
      %mul3A_40 = arith.muli %mul3A_39, %add3A_11 : i32
      %dma_start3A = arith.constant 0 : i32
      %dma_start3A_41 = arith.constant 0 : i32
      %dma_start3A_42 = tpu.memref_slice %run_scoped3A[%rem3A_38, %dma_start3A, %dma_start3A_41] : memref<2x1x128xi32, #tpu.memory_space<vmem>> -> memref<1x1x128xi32, #tpu.memory_space<vmem>>
      %dma_start3A_43 = tpu.memref_squeeze %dma_start3A_42 : memref<1x1x128xi32, #tpu.memory_space<vmem>> -> memref<1x128xi32, #tpu.memory_space<vmem>>
      %dma_start3A_44 = arith.constant 0 : i32
      %dma_start3A_45 = tpu.memref_slice %arg3[%dma_start3A_44, %mul3A_40] : memref<1x8192xi32, #tpu.memory_space<hbm>> -> memref<1x128xi32, #tpu.memory_space<hbm>>
      %dma_start3A_46 = tpu.memref_slice %run_scoped3A_7[%rem3A_38] : memref<2x!tpu.dma_semaphore, #tpu.memory_space<semaphore_mem>> -> memref<1x!tpu.dma_semaphore, #tpu.memory_space<semaphore_mem>>
      %dma_start3A_47 = tpu.memref_squeeze %dma_start3A_46 : memref<1x!tpu.dma_semaphore, #tpu.memory_space<semaphore_mem>> -> memref<!tpu.dma_semaphore, #tpu.memory_space<semaphore_mem>>
      %dma_start3A_48 = arith.constant 0 : i32
      %dma_start3A_49 = arith.constant 0 : i32
      %dma_start3A_50 = tpu.memref_slice %run_scoped3A[%rem3A_38, %dma_start3A_48, %dma_start3A_49] : memref<2x1x128xi32, #tpu.memory_space<vmem>> -> memref<1x1x128xi32, #tpu.memory_space<vmem>>
      %dma_start3A_51 = tpu.memref_squeeze %dma_start3A_50 : memref<1x1x128xi32, #tpu.memory_space<vmem>> -> memref<1x128xi32, #tpu.memory_space<vmem>>
      %dma_start3A_52 = arith.constant 0 : i32
      %dma_start3A_53 = tpu.memref_slice %arg3[%dma_start3A_52, %mul3A_40] : memref<1x8192xi32, #tpu.memory_space<hbm>> -> memref<1x128xi32, #tpu.memory_space<hbm>>
      tpu.enqueue_dma source(%dma_start3A_53 : memref<1x128xi32, #tpu.memory_space<hbm>>) target(%dma_start3A_51 : memref<1x128xi32, #tpu.memory_space<vmem>>) target_semaphore(%dma_start3A_47 : memref<!tpu.dma_semaphore, #tpu.memory_space<semaphore_mem>>)
      %add3A_54 = arith.constant 0 : i32
      %add3A_55 = arith.constant 1 : i32
      %add3A_56 = arith.addi %add3A_54, %add3A_55 : i32
      %select_n3A_57 = arith.constant true
      %select_n3A_58 = arith.constant 0 : i32
      %select_n3A_59 = arith.select %select_n3A_57, %add3A_56, %select_n3A_58 : i32
      "tpu.trace_stop"() : () -> ()
      %scan3A = arith.constant 0 : i32
      %scan3A_60 = arith.constant 0 : i32
      %scan3A_61 = arith.constant 0 : i32
      %scan3A_62 = arith.constant 0 : i32
      %scan3A_63 = arith.constant 0 : i32
      %scan3A_64 = arith.constant 2 : i32
      %scan3A_65 = arith.addi %scan3A_63, %scan3A_64 : i32
      %scan3A_66 = arith.constant 1 : i32
      %scan3A_67:5 = scf.for %scan3A_121 = %scan3A_63 to %scan3A_65 step %scan3A_66 iter_args(%scan3A_122 = %select_n3A_59, %scan3A_123 = %scan3A, %scan3A_124 = %scan3A_60, %scan3A_125 = %scan3A_61, %scan3A_126 = %scan3A_62) -> (i32, i32, i32, i32, i32)  : i32 {
        %eq3A_127 = arith.constant 0 : i32
        %eq3A_128 = arith.cmpi eq, %scan3A_121, %eq3A_127 : i32
        %eq3A_129 = arith.constant 1 : i32
        %eq3A_130 = arith.cmpi eq, %scan3A_121, %eq3A_129 : i32
        %add3A_131 = arith.addi %scan3A_126, %mul3A_6 : i32
        %sub3A_132 = arith.constant 1 : i32
        %sub3A_133 = arith.subi %scan3A_126, %sub3A_132 : i32
        %select_n3A_134 = arith.constant true
        %select_n3A_135 = arith.select %select_n3A_134, %sub3A_133, %scan3A_126 : i32
        %eq3A_136 = arith.constant -1 : i32
        %eq3A_137 = arith.cmpi eq, %select_n3A_135, %eq3A_136 : i32
        %select_n3A_138 = arith.constant 1 : i32
        %select_n3A_139 = arith.select %eq3A_137, %select_n3A_138, %select_n3A_135 : i32
        %add3A_140 = arith.addi %select_n3A_139, %mul3A_6 : i32
        %add3A_141 = arith.constant 1 : i32
        %add3A_142 = arith.addi %scan3A_126, %add3A_141 : i32
        %select_n3A_143 = arith.constant true
        %select_n3A_144 = arith.select %select_n3A_143, %add3A_142, %scan3A_126 : i32
        %eq3A_145 = arith.constant 2 : i32
        %eq3A_146 = arith.cmpi eq, %select_n3A_144, %eq3A_145 : i32
        %select_n3A_147 = arith.constant 0 : i32
        %select_n3A_148 = arith.select %eq3A_146, %select_n3A_147, %select_n3A_144 : i32
        %add3A_149 = arith.addi %select_n3A_148, %mul3A_6 : i32
        %add3A_150 = arith.constant 1 : i32
        %add3A_151 = arith.addi %select_n3A_148, %add3A_150 : i32
        %select_n3A_152 = arith.constant true
        %select_n3A_153 = arith.select %select_n3A_152, %add3A_151, %select_n3A_148 : i32
        %eq3A_154 = arith.constant 2 : i32
        %eq3A_155 = arith.cmpi eq, %select_n3A_153, %eq3A_154 : i32
        %select_n3A_156 = arith.constant 0 : i32
        %select_n3A_157 = arith.select %eq3A_155, %select_n3A_156, %select_n3A_153 : i32
        %add3A_158 = arith.addi %select_n3A_157, %mul3A_6 : i32
        %ne3A = arith.cmpi ne, %add3A_131, %add3A_149 : i32
        %or3A = arith.constant false
        %or3A_159 = arith.ori %or3A, %ne3A : i1
        %ge3A = arith.constant 1 : i32
        %ge3A_160 = arith.cmpi sge, %scan3A_121, %ge3A : i32
        %not3A = arith.constant true
        %not3A_161 = arith.xori %ge3A_160, %not3A : i1
        %and3A = arith.andi %or3A_159, %not3A_161 : i1
        %convert_element_type3A = arith.extui %and3A : i1 to i32
        %cond3A = arith.constant 0 : i32
        %cond3A_162 = arith.cmpi ne, %convert_element_type3A, %cond3A : i32
        scf.if %cond3A_162 {
          "tpu.trace_start"() <{level = 10 : i32, message = "ep_copy_in"}> : () -> ()
          %rem3A_264 = arith.constant 2 : i32
          %rem3A_265 = arith.remui %scan3A_122, %rem3A_264 : i32
          %mul3A_266 = arith.constant 128 : i32
          %mul3A_267 = arith.muli %mul3A_266, %add3A_149 : i32
          %dma_start3A_268 = arith.constant 0 : i32
          %dma_start3A_269 = arith.constant 0 : i32
          %dma_start3A_270 = tpu.memref_slice %run_scoped3A[%rem3A_265, %dma_start3A_268, %dma_start3A_269] : memref<2x1x128xi32, #tpu.memory_space<vmem>> -> memref<1x1x128xi32, #tpu.memory_space<vmem>>
          %dma_start3A_271 = tpu.memref_squeeze %dma_start3A_270 : memref<1x1x128xi32, #tpu.memory_space<vmem>> -> memref<1x128xi32, #tpu.memory_space<vmem>>
          %dma_start3A_272 = arith.constant 0 : i32
          %dma_start3A_273 = tpu.memref_slice %arg3[%dma_start3A_272, %mul3A_267] : memref<1x8192xi32, #tpu.memory_space<hbm>> -> memref<1x128xi32, #tpu.memory_space<hbm>>
          %dma_start3A_274 = tpu.memref_slice %run_scoped3A_7[%rem3A_265] : memref<2x!tpu.dma_semaphore, #tpu.memory_space<semaphore_mem>> -> memref<1x!tpu.dma_semaphore, #tpu.memory_space<semaphore_mem>>
          %dma_start3A_275 = tpu.memref_squeeze %dma_start3A_274 : memref<1x!tpu.dma_semaphore, #tpu.memory_space<semaphore_mem>> -> memref<!tpu.dma_semaphore, #tpu.memory_space<semaphore_mem>>
          %dma_start3A_276 = arith.constant 0 : i32
          %dma_start3A_277 = arith.constant 0 : i32
          %dma_start3A_278 = tpu.memref_slice %run_scoped3A[%rem3A_265, %dma_start3A_276, %dma_start3A_277] : memref<2x1x128xi32, #tpu.memory_space<vmem>> -> memref<1x1x128xi32, #tpu.memory_space<vmem>>
          %dma_start3A_279 = tpu.memref_squeeze %dma_start3A_278 : memref<1x1x128xi32, #tpu.memory_space<vmem>> -> memref<1x128xi32, #tpu.memory_space<vmem>>
          %dma_start3A_280 = arith.constant 0 : i32
          %dma_start3A_281 = tpu.memref_slice %arg3[%dma_start3A_280, %mul3A_267] : memref<1x8192xi32, #tpu.memory_space<hbm>> -> memref<1x128xi32, #tpu.memory_space<hbm>>
          tpu.enqueue_dma source(%dma_start3A_281 : memref<1x128xi32, #tpu.memory_space<hbm>>) target(%dma_start3A_279 : memref<1x128xi32, #tpu.memory_space<vmem>>) target_semaphore(%dma_start3A_275 : memref<!tpu.dma_semaphore, #tpu.memory_space<semaphore_mem>>)
          "tpu.trace_stop"() : () -> ()
        } else {
        }
        %and3A_163 = arith.constant true
        %and3A_164 = arith.andi %and3A, %and3A_163 : i1
        %add3A_165 = arith.constant 1 : i32
        %add3A_166 = arith.addi %scan3A_122, %add3A_165 : i32
        %select_n3A_167 = arith.select %and3A_164, %add3A_166, %scan3A_122 : i32
        %ne3A_168 = arith.cmpi ne, %add3A_131, %add3A_149 : i32
        %or3A_169 = arith.constant false
        %or3A_170 = arith.ori %or3A_169, %ne3A_168 : i1
        %or3A_171 = arith.constant false
        %or3A_172 = arith.ori %or3A_170, %or3A_171 : i1
        %ge3A_173 = arith.constant 1 : i32
        %ge3A_174 = arith.cmpi sge, %scan3A_121, %ge3A_173 : i32
        %not3A_175 = arith.constant true
        %not3A_176 = arith.xori %ge3A_174, %not3A_175 : i1
        %and3A_177 = arith.andi %or3A_172, %not3A_176 : i1
        %ne3A_178 = arith.cmpi ne, %add3A_131, %add3A_140 : i32
        %or3A_179 = arith.constant false
        %or3A_180 = arith.ori %or3A_179, %ne3A_178 : i1
        %or3A_181 = arith.ori %or3A_180, %eq3A_128 : i1
        %convert_element_type3A_182 = arith.extui %or3A_181 : i1 to i32
        %cond3A_183 = arith.constant 0 : i32
        %cond3A_184 = arith.cmpi ne, %convert_element_type3A_182, %cond3A_183 : i32
        scf.if %cond3A_184 {
          "tpu.trace_start"() <{level = 10 : i32, message = "ep_wait_in"}> : () -> ()
          %mul3A_264 = arith.constant 128 : i32
          %mul3A_265 = arith.muli %mul3A_264, %add3A_131 : i32
          %rem3A_266 = arith.constant 2 : i32
          %rem3A_267 = arith.remui %scan3A_123, %rem3A_266 : i32
          %dma_wait3A_268 = arith.constant 0 : i32
          %dma_wait3A_269 = arith.constant 0 : i32
          %dma_wait3A_270 = tpu.memref_slice %run_scoped3A[%rem3A_267, %dma_wait3A_268, %dma_wait3A_269] : memref<2x1x128xi32, #tpu.memory_space<vmem>> -> memref<1x1x128xi32, #tpu.memory_space<vmem>>
          %dma_wait3A_271 = tpu.memref_squeeze %dma_wait3A_270 : memref<1x1x128xi32, #tpu.memory_space<vmem>> -> memref<1x128xi32, #tpu.memory_space<vmem>>
          %dma_wait3A_272 = arith.constant 0 : i32
          %dma_wait3A_273 = tpu.memref_slice %arg3[%dma_wait3A_272, %mul3A_265] : memref<1x8192xi32, #tpu.memory_space<hbm>> -> memref<1x128xi32, #tpu.memory_space<hbm>>
          %dma_wait3A_274 = tpu.memref_slice %run_scoped3A_7[%rem3A_267] : memref<2x!tpu.dma_semaphore, #tpu.memory_space<semaphore_mem>> -> memref<1x!tpu.dma_semaphore, #tpu.memory_space<semaphore_mem>>
          %dma_wait3A_275 = tpu.memref_squeeze %dma_wait3A_274 : memref<1x!tpu.dma_semaphore, #tpu.memory_space<semaphore_mem>> -> memref<!tpu.dma_semaphore, #tpu.memory_space<semaphore_mem>>
          %dma_wait3A_276 = arith.constant 0 : i32
          %dma_wait3A_277 = arith.constant 0 : i32
          %dma_wait3A_278 = tpu.memref_slice %run_scoped3A[%rem3A_267, %dma_wait3A_276, %dma_wait3A_277] : memref<2x1x128xi32, #tpu.memory_space<vmem>> -> memref<1x1x128xi32, #tpu.memory_space<vmem>>
          %dma_wait3A_279 = tpu.memref_squeeze %dma_wait3A_278 : memref<1x1x128xi32, #tpu.memory_space<vmem>> -> memref<1x128xi32, #tpu.memory_space<vmem>>
          %dma_wait3A_280 = arith.constant 0 : i32
          %dma_wait3A_281 = tpu.memref_slice %arg3[%dma_wait3A_280, %mul3A_265] : memref<1x8192xi32, #tpu.memory_space<hbm>> -> memref<1x128xi32, #tpu.memory_space<hbm>>
          tpu.wait_dma2 semaphore(%dma_wait3A_275 : memref<!tpu.dma_semaphore, #tpu.memory_space<semaphore_mem>>) src(%dma_wait3A_281 : memref<1x128xi32, #tpu.memory_space<hbm>>) dst(%dma_wait3A_279 : memref<1x128xi32, #tpu.memory_space<vmem>>)
          "tpu.trace_stop"() : () -> ()
        } else {
        }
        %ne3A_185 = arith.cmpi ne, %add3A_131, %add3A_140 : i32
        %or3A_186 = arith.constant false
        %or3A_187 = arith.ori %or3A_186, %ne3A_185 : i1
        %or3A_188 = arith.constant false
        %or3A_189 = arith.ori %or3A_187, %or3A_188 : i1
        %or3A_190 = arith.ori %or3A_189, %eq3A_128 : i1
        %convert_element_type3A_191 = arith.extui %or3A_190 : i1 to i32
        %cond3A_192 = arith.constant 0 : i32
        %cond3A_193 = arith.cmpi ne, %convert_element_type3A_191, %cond3A_192 : i32
        scf.if %cond3A_193 {
        } else {
        }
        %rem3A_194 = arith.constant 2 : i32
        %rem3A_195 = arith.remui %scan3A_123, %rem3A_194 : i32
        %rem3A_196 = arith.constant 2 : i32
        %rem3A_197 = arith.remui %scan3A_124, %rem3A_196 : i32
        %run_scoped3A_198 = arith.constant 0 : i32
        "tpu.trace_start"() <{level = 10 : i32, message = "ep_run_kernel"}> : () -> ()
        "tpu.region"() ({
          %run_scoped3A_264 = tpu.sem_alloc : memref<!tpu.dma_semaphore, #tpu.memory_space<semaphore_mem>>
          %dma_start3A_265 = arith.constant 0 : i32
          %dma_start3A_266 = arith.constant 0 : i32
          %dma_start3A_267 = tpu.memref_slice %run_scoped3A_8[%rem3A_197, %dma_start3A_265, %dma_start3A_266] : memref<2x128x256xf32, #tpu.memory_space<vmem>> -> memref<1x128x256xf32, #tpu.memory_space<vmem>>
          %dma_start3A_268 = tpu.memref_squeeze %dma_start3A_267 : memref<1x128x256xf32, #tpu.memory_space<vmem>> -> memref<128x256xf32, #tpu.memory_space<vmem>>
          %dma_start3A_269 = arith.constant 0 : i32
          %dma_start3A_270 = arith.constant 0 : i32
          %dma_start3A_271 = tpu.memref_slice %run_scoped3A[%rem3A_195, %dma_start3A_269, %dma_start3A_270] : memref<2x1x128xi32, #tpu.memory_space<vmem>> -> memref<1x1x128xi32, #tpu.memory_space<vmem>>
          %dma_start3A_272 = tpu.memref_squeeze %dma_start3A_271 : memref<1x1x128xi32, #tpu.memory_space<vmem>> -> memref<1x128xi32, #tpu.memory_space<vmem>>
          %dma_start3A_273 = arith.constant 0 : i32
          %dma_start3A_274 = tpu.memref_slice %dma_start3A_272[%run_scoped3A_198, %dma_start3A_273] : memref<1x128xi32, #tpu.memory_space<vmem>> -> memref<1x128xi32, #tpu.memory_space<vmem>>
          %dma_start3A_275 = tpu.memref_squeeze %dma_start3A_274 : memref<1x128xi32, #tpu.memory_space<vmem>> -> memref<128xi32, #tpu.memory_space<vmem>>
          %dma_start3A_276 = arith.constant 0 : i32
          %dma_start3A_277 = arith.constant 0 : i32
          %dma_start3A_278 = tpu.memref_slice %arg2[%dma_start3A_276, %dma_start3A_277] : memref<8192x256xf32, #tpu.memory_space<hbm>> -> memref<8192x256xf32, #tpu.memory_space<hbm>>
          tpu.enqueue_indirect_dma source(%dma_start3A_278 : memref<8192x256xf32, #tpu.memory_space<hbm>>) target(%dma_start3A_268 : memref<128x256xf32, #tpu.memory_space<vmem>>) offsets(%dma_start3A_275 : memref<128xi32, #tpu.memory_space<vmem>>) semaphore(%run_scoped3A_264 : memref<!tpu.dma_semaphore, #tpu.memory_space<semaphore_mem>>)
          %dma_wait3A_279 = arith.constant 0 : i32
          %dma_wait3A_280 = arith.constant 0 : i32
          %dma_wait3A_281 = tpu.memref_slice %run_scoped3A_8[%rem3A_197, %dma_wait3A_279, %dma_wait3A_280] : memref<2x128x256xf32, #tpu.memory_space<vmem>> -> memref<1x128x256xf32, #tpu.memory_space<vmem>>
          %dma_wait3A_282 = tpu.memref_squeeze %dma_wait3A_281 : memref<1x128x256xf32, #tpu.memory_space<vmem>> -> memref<128x256xf32, #tpu.memory_space<vmem>>
          %dma_wait3A_283 = arith.constant 0 : i32
          %dma_wait3A_284 = arith.constant 0 : i32
          %dma_wait3A_285 = tpu.memref_slice %run_scoped3A[%rem3A_195, %dma_wait3A_283, %dma_wait3A_284] : memref<2x1x128xi32, #tpu.memory_space<vmem>> -> memref<1x1x128xi32, #tpu.memory_space<vmem>>
          %dma_wait3A_286 = tpu.memref_squeeze %dma_wait3A_285 : memref<1x1x128xi32, #tpu.memory_space<vmem>> -> memref<1x128xi32, #tpu.memory_space<vmem>>
          %dma_wait3A_287 = arith.constant 0 : i32
          %dma_wait3A_288 = tpu.memref_slice %dma_wait3A_286[%run_scoped3A_198, %dma_wait3A_287] : memref<1x128xi32, #tpu.memory_space<vmem>> -> memref<1x128xi32, #tpu.memory_space<vmem>>
          %dma_wait3A_289 = tpu.memref_squeeze %dma_wait3A_288 : memref<1x128xi32, #tpu.memory_space<vmem>> -> memref<128xi32, #tpu.memory_space<vmem>>
          %dma_wait3A_290 = arith.constant 0 : i32
          %dma_wait3A_291 = arith.constant 0 : i32
          %dma_wait3A_292 = tpu.memref_slice %arg2[%dma_wait3A_290, %dma_wait3A_291] : memref<8192x256xf32, #tpu.memory_space<hbm>> -> memref<8192x256xf32, #tpu.memory_space<hbm>>
          tpu.wait_indirect_dma semaphore(%run_scoped3A_264 : memref<!tpu.dma_semaphore, #tpu.memory_space<semaphore_mem>>) src(%dma_wait3A_292 : memref<8192x256xf32, #tpu.memory_space<hbm>>) dst(%dma_wait3A_282 : memref<128x256xf32, #tpu.memory_space<vmem>>)
          tpu.yield
        }) : () -> ()
        "tpu.trace_stop"() : () -> ()
        %ne3A_199 = arith.cmpi ne, %add3A_131, %add3A_149 : i32
        %or3A_200 = arith.constant false
        %or3A_201 = arith.ori %or3A_200, %ne3A_199 : i1
        %or3A_202 = arith.ori %or3A_201, %eq3A_130 : i1
        %convert_element_type3A_203 = arith.extui %or3A_202 : i1 to i32
        %cond3A_204 = arith.constant 0 : i32
        %cond3A_205 = arith.cmpi ne, %convert_element_type3A_203, %cond3A_204 : i32
        scf.if %cond3A_205 {
        } else {
        }
        %and3A_206 = arith.constant false
        %and3A_207 = arith.andi %or3A_202, %and3A_206 : i1
        %ne3A_208 = arith.cmpi ne, %add3A_131, %add3A_149 : i32
        %or3A_209 = arith.constant false
        %or3A_210 = arith.ori %or3A_209, %ne3A_208 : i1
        %or3A_211 = arith.constant false
        %or3A_212 = arith.ori %or3A_210, %or3A_211 : i1
        %or3A_213 = arith.ori %or3A_212, %eq3A_130 : i1
        %convert_element_type3A_214 = arith.extui %or3A_213 : i1 to i32
        %cond3A_215 = arith.constant 0 : i32
        %cond3A_216 = arith.cmpi ne, %convert_element_type3A_214, %cond3A_215 : i32
        scf.if %cond3A_216 {
          "tpu.trace_start"() <{level = 10 : i32, message = "ep_copy_out"}> : () -> ()
          %rem3A_264 = arith.constant 2 : i32
          %rem3A_265 = arith.remui %scan3A_124, %rem3A_264 : i32
          %mul3A_266 = arith.constant 128 : i32
          %mul3A_267 = arith.muli %mul3A_266, %add3A_131 : i32
          %dma_start3A_268 = arith.constant 0 : i32
          %dma_start3A_269 = arith.constant 0 : i32
          %dma_start3A_270 = tpu.memref_slice %run_scoped3A_8[%rem3A_265, %dma_start3A_268, %dma_start3A_269] : memref<2x128x256xf32, #tpu.memory_space<vmem>> -> memref<1x128x256xf32, #tpu.memory_space<vmem>>
          %dma_start3A_271 = tpu.memref_squeeze %dma_start3A_270 : memref<1x128x256xf32, #tpu.memory_space<vmem>> -> memref<128x256xf32, #tpu.memory_space<vmem>>
          %dma_start3A_272 = arith.constant 0 : i32
          %dma_start3A_273 = tpu.memref_slice %arg4[%mul3A_267, %dma_start3A_272] : memref<8192x256xf32, #tpu.memory_space<hbm>> -> memref<128x256xf32, #tpu.memory_space<hbm>>
          %dma_start3A_274 = tpu.memref_slice %run_scoped3A_9[%rem3A_265] : memref<2x!tpu.dma_semaphore, #tpu.memory_space<semaphore_mem>> -> memref<1x!tpu.dma_semaphore, #tpu.memory_space<semaphore_mem>>
          %dma_start3A_275 = tpu.memref_squeeze %dma_start3A_274 : memref<1x!tpu.dma_semaphore, #tpu.memory_space<semaphore_mem>> -> memref<!tpu.dma_semaphore, #tpu.memory_space<semaphore_mem>>
          %dma_start3A_276 = arith.constant 0 : i32
          %dma_start3A_277 = tpu.memref_slice %arg4[%mul3A_267, %dma_start3A_276] : memref<8192x256xf32, #tpu.memory_space<hbm>> -> memref<128x256xf32, #tpu.memory_space<hbm>>
          %dma_start3A_278 = arith.constant 0 : i32
          %dma_start3A_279 = arith.constant 0 : i32
          %dma_start3A_280 = tpu.memref_slice %run_scoped3A_8[%rem3A_265, %dma_start3A_278, %dma_start3A_279] : memref<2x128x256xf32, #tpu.memory_space<vmem>> -> memref<1x128x256xf32, #tpu.memory_space<vmem>>
          %dma_start3A_281 = tpu.memref_squeeze %dma_start3A_280 : memref<1x128x256xf32, #tpu.memory_space<vmem>> -> memref<128x256xf32, #tpu.memory_space<vmem>>
          tpu.enqueue_dma source(%dma_start3A_281 : memref<128x256xf32, #tpu.memory_space<vmem>>) target(%dma_start3A_277 : memref<128x256xf32, #tpu.memory_space<hbm>>) target_semaphore(%dma_start3A_275 : memref<!tpu.dma_semaphore, #tpu.memory_space<semaphore_mem>>)
          "tpu.trace_stop"() : () -> ()
        } else {
        }
        %and3A_217 = arith.constant true
        %and3A_218 = arith.andi %or3A_213, %and3A_217 : i1
        %add3A_219 = arith.constant 1 : i32
        %add3A_220 = arith.addi %scan3A_124, %add3A_219 : i32
        %select_n3A_221 = arith.select %and3A_218, %add3A_220, %scan3A_124 : i32
        %ne3A_222 = arith.cmpi ne, %add3A_131, %add3A_140 : i32
        %or3A_223 = arith.constant false
        %or3A_224 = arith.ori %or3A_223, %ne3A_222 : i1
        %not3A_225 = arith.constant true
        %not3A_226 = arith.xori %eq3A_128, %not3A_225 : i1
        %and3A_227 = arith.andi %or3A_224, %not3A_226 : i1
        %convert_element_type3A_228 = arith.extui %and3A_227 : i1 to i32
        %cond3A_229 = arith.constant 0 : i32
        %cond3A_230 = arith.cmpi ne, %convert_element_type3A_228, %cond3A_229 : i32
        scf.if %cond3A_230 {
        } else {
        }
        %and3A_231 = arith.constant false
        %and3A_232 = arith.andi %and3A_227, %and3A_231 : i1
        %ne3A_233 = arith.cmpi ne, %add3A_131, %add3A_140 : i32
        %or3A_234 = arith.constant false
        %or3A_235 = arith.ori %or3A_234, %ne3A_233 : i1
        %or3A_236 = arith.constant false
        %or3A_237 = arith.ori %or3A_235, %or3A_236 : i1
        %not3A_238 = arith.constant true
        %not3A_239 = arith.xori %eq3A_128, %not3A_238 : i1
        %and3A_240 = arith.andi %or3A_237, %not3A_239 : i1
        %convert_element_type3A_241 = arith.extui %and3A_240 : i1 to i32
        %cond3A_242 = arith.constant 0 : i32
        %cond3A_243 = arith.cmpi ne, %convert_element_type3A_241, %cond3A_242 : i32
        scf.if %cond3A_243 {
          "tpu.trace_start"() <{level = 10 : i32, message = "ep_wait_out"}> : () -> ()
          %rem3A_264 = arith.constant 2 : i32
          %rem3A_265 = arith.remui %scan3A_125, %rem3A_264 : i32
          %mul3A_266 = arith.constant 128 : i32
          %mul3A_267 = arith.muli %mul3A_266, %add3A_140 : i32
          %dma_wait3A_268 = arith.constant 0 : i32
          %dma_wait3A_269 = arith.constant 0 : i32
          %dma_wait3A_270 = tpu.memref_slice %run_scoped3A_8[%rem3A_265, %dma_wait3A_268, %dma_wait3A_269] : memref<2x128x256xf32, #tpu.memory_space<vmem>> -> memref<1x128x256xf32, #tpu.memory_space<vmem>>
          %dma_wait3A_271 = tpu.memref_squeeze %dma_wait3A_270 : memref<1x128x256xf32, #tpu.memory_space<vmem>> -> memref<128x256xf32, #tpu.memory_space<vmem>>
          %dma_wait3A_272 = arith.constant 0 : i32
          %dma_wait3A_273 = tpu.memref_slice %arg4[%mul3A_267, %dma_wait3A_272] : memref<8192x256xf32, #tpu.memory_space<hbm>> -> memref<128x256xf32, #tpu.memory_space<hbm>>
          %dma_wait3A_274 = tpu.memref_slice %run_scoped3A_9[%rem3A_265] : memref<2x!tpu.dma_semaphore, #tpu.memory_space<semaphore_mem>> -> memref<1x!tpu.dma_semaphore, #tpu.memory_space<semaphore_mem>>
          %dma_wait3A_275 = tpu.memref_squeeze %dma_wait3A_274 : memref<1x!tpu.dma_semaphore, #tpu.memory_space<semaphore_mem>> -> memref<!tpu.dma_semaphore, #tpu.memory_space<semaphore_mem>>
          %dma_wait3A_276 = arith.constant 0 : i32
          %dma_wait3A_277 = tpu.memref_slice %arg4[%mul3A_267, %dma_wait3A_276] : memref<8192x256xf32, #tpu.memory_space<hbm>> -> memref<128x256xf32, #tpu.memory_space<hbm>>
          %dma_wait3A_278 = arith.constant 0 : i32
          %dma_wait3A_279 = arith.constant 0 : i32
          %dma_wait3A_280 = tpu.memref_slice %run_scoped3A_8[%rem3A_265, %dma_wait3A_278, %dma_wait3A_279] : memref<2x128x256xf32, #tpu.memory_space<vmem>> -> memref<1x128x256xf32, #tpu.memory_space<vmem>>
          %dma_wait3A_281 = tpu.memref_squeeze %dma_wait3A_280 : memref<1x128x256xf32, #tpu.memory_space<vmem>> -> memref<128x256xf32, #tpu.memory_space<vmem>>
          tpu.wait_dma2 semaphore(%dma_wait3A_275 : memref<!tpu.dma_semaphore, #tpu.memory_space<semaphore_mem>>) src(%dma_wait3A_281 : memref<128x256xf32, #tpu.memory_space<vmem>>) dst(%dma_wait3A_277 : memref<128x256xf32, #tpu.memory_space<hbm>>)
          "tpu.trace_stop"() : () -> ()
        } else {
        }
        %and3A_244 = arith.constant true
        %and3A_245 = arith.andi %and3A_240, %and3A_244 : i1
        %add3A_246 = arith.constant 1 : i32
        %add3A_247 = arith.addi %scan3A_125, %add3A_246 : i32
        %select_n3A_248 = arith.select %and3A_245, %add3A_247, %scan3A_125 : i32
        %ne3A_249 = arith.cmpi ne, %add3A_131, %add3A_149 : i32
        %or3A_250 = arith.constant false
        %or3A_251 = arith.ori %or3A_250, %ne3A_249 : i1
        %or3A_252 = arith.ori %or3A_251, %eq3A_130 : i1
        %add3A_253 = arith.constant 1 : i32
        %add3A_254 = arith.addi %scan3A_123, %add3A_253 : i32
        %select_n3A_255 = arith.select %or3A_252, %add3A_254, %scan3A_123 : i32
        %add3A_256 = arith.constant 1 : i32
        %add3A_257 = arith.addi %scan3A_126, %add3A_256 : i32
        %select_n3A_258 = arith.constant true
        %select_n3A_259 = arith.select %select_n3A_258, %add3A_257, %scan3A_126 : i32
        %eq3A_260 = arith.constant 2 : i32
        %eq3A_261 = arith.cmpi eq, %select_n3A_259, %eq3A_260 : i32
        %select_n3A_262 = arith.constant 0 : i32
        %select_n3A_263 = arith.select %eq3A_261, %select_n3A_262, %select_n3A_259 : i32
        scf.yield %select_n3A_167, %select_n3A_255, %select_n3A_221, %select_n3A_248, %select_n3A_263 : i32, i32, i32, i32, i32
      }
      %scan3A_68 = arith.constant 2 : i32
      %sub3A = arith.constant 1 : i32
      %sub3A_69 = arith.subi %scan3A_67#4, %sub3A : i32
      %select_n3A_70 = arith.constant true
      %select_n3A_71 = arith.select %select_n3A_70, %sub3A_69, %scan3A_67#4 : i32
      %eq3A_72 = arith.constant -1 : i32
      %eq3A_73 = arith.cmpi eq, %select_n3A_71, %eq3A_72 : i32
      %select_n3A_74 = arith.constant 1 : i32
      %select_n3A_75 = arith.select %eq3A_73, %select_n3A_74, %select_n3A_71 : i32
      %add3A_76 = arith.addi %select_n3A_75, %mul3A_6 : i32
      %sub3A_77 = arith.constant 1 : i32
      %sub3A_78 = arith.subi %select_n3A_75, %sub3A_77 : i32
      %select_n3A_79 = arith.constant true
      %select_n3A_80 = arith.select %select_n3A_79, %sub3A_78, %select_n3A_75 : i32
      %eq3A_81 = arith.constant -1 : i32
      %eq3A_82 = arith.cmpi eq, %select_n3A_80, %eq3A_81 : i32
      %select_n3A_83 = arith.constant 1 : i32
      %select_n3A_84 = arith.select %eq3A_82, %select_n3A_83, %select_n3A_80 : i32
      %add3A_85 = arith.addi %select_n3A_84, %mul3A_6 : i32
      %add3A_86 = arith.constant 1 : i32
      %add3A_87 = arith.addi %select_n3A_75, %add3A_86 : i32
      %select_n3A_88 = arith.constant true
      %select_n3A_89 = arith.select %select_n3A_88, %add3A_87, %select_n3A_75 : i32
      %eq3A_90 = arith.constant 2 : i32
      %eq3A_91 = arith.cmpi eq, %select_n3A_89, %eq3A_90 : i32
      %select_n3A_92 = arith.constant 0 : i32
      %select_n3A_93 = arith.select %eq3A_91, %select_n3A_92, %select_n3A_89 : i32
      %add3A_94 = arith.addi %select_n3A_93, %mul3A_6 : i32
      %add3A_95 = arith.constant 1 : i32
      %add3A_96 = arith.addi %select_n3A_93, %add3A_95 : i32
      %select_n3A_97 = arith.constant true
      %select_n3A_98 = arith.select %select_n3A_97, %add3A_96, %select_n3A_93 : i32
      %eq3A_99 = arith.constant 2 : i32
      %eq3A_100 = arith.cmpi eq, %select_n3A_98, %eq3A_99 : i32
      %select_n3A_101 = arith.constant 0 : i32
      %select_n3A_102 = arith.select %eq3A_100, %select_n3A_101, %select_n3A_98 : i32
      %add3A_103 = arith.addi %select_n3A_102, %mul3A_6 : i32
      "tpu.trace_start"() <{level = 10 : i32, message = "ep_finalize"}> : () -> ()
      %rem3A_104 = arith.constant 2 : i32
      %rem3A_105 = arith.remui %scan3A_67#3, %rem3A_104 : i32
      %mul3A_106 = arith.constant 128 : i32
      %mul3A_107 = arith.muli %mul3A_106, %add3A_76 : i32
      %dma_wait3A = arith.constant 0 : i32
      %dma_wait3A_108 = arith.constant 0 : i32
      %dma_wait3A_109 = tpu.memref_slice %run_scoped3A_8[%rem3A_105, %dma_wait3A, %dma_wait3A_108] : memref<2x128x256xf32, #tpu.memory_space<vmem>> -> memref<1x128x256xf32, #tpu.memory_space<vmem>>
      %dma_wait3A_110 = tpu.memref_squeeze %dma_wait3A_109 : memref<1x128x256xf32, #tpu.memory_space<vmem>> -> memref<128x256xf32, #tpu.memory_space<vmem>>
      %dma_wait3A_111 = arith.constant 0 : i32
      %dma_wait3A_112 = tpu.memref_slice %arg4[%mul3A_107, %dma_wait3A_111] : memref<8192x256xf32, #tpu.memory_space<hbm>> -> memref<128x256xf32, #tpu.memory_space<hbm>>
      %dma_wait3A_113 = tpu.memref_slice %run_scoped3A_9[%rem3A_105] : memref<2x!tpu.dma_semaphore, #tpu.memory_space<semaphore_mem>> -> memref<1x!tpu.dma_semaphore, #tpu.memory_space<semaphore_mem>>
      %dma_wait3A_114 = tpu.memref_squeeze %dma_wait3A_113 : memref<1x!tpu.dma_semaphore, #tpu.memory_space<semaphore_mem>> -> memref<!tpu.dma_semaphore, #tpu.memory_space<semaphore_mem>>
      %dma_wait3A_115 = arith.constant 0 : i32
      %dma_wait3A_116 = tpu.memref_slice %arg4[%mul3A_107, %dma_wait3A_115] : memref<8192x256xf32, #tpu.memory_space<hbm>> -> memref<128x256xf32, #tpu.memory_space<hbm>>
      %dma_wait3A_117 = arith.constant 0 : i32
      %dma_wait3A_118 = arith.constant 0 : i32
      %dma_wait3A_119 = tpu.memref_slice %run_scoped3A_8[%rem3A_105, %dma_wait3A_117, %dma_wait3A_118] : memref<2x128x256xf32, #tpu.memory_space<vmem>> -> memref<1x128x256xf32, #tpu.memory_space<vmem>>
      %dma_wait3A_120 = tpu.memref_squeeze %dma_wait3A_119 : memref<1x128x256xf32, #tpu.memory_space<vmem>> -> memref<128x256xf32, #tpu.memory_space<vmem>>
      tpu.wait_dma2 semaphore(%dma_wait3A_114 : memref<!tpu.dma_semaphore, #tpu.memory_space<semaphore_mem>>) src(%dma_wait3A_120 : memref<128x256xf32, #tpu.memory_space<vmem>>) dst(%dma_wait3A_116 : memref<128x256xf32, #tpu.memory_space<hbm>>)
      "tpu.trace_stop"() : () -> ()
      tpu.yield
    }) : () -> ()
    return
  }
}

module attributes {stable_mosaic.version = 14 : i64} {
  func.func @_argmin_body(%arg0: i32, %arg1: memref<512x256xf32, #tpu.memory_space<vmem>>, %arg2: memref<256x8192xf32, #tpu.memory_space<vmem>>, %arg3: memref<512xi32, #tpu.memory_space<vmem>>, %arg4: memref<1xf32, #tpu.memory_space<smem>>, %arg5: memref<512x256xf32, #tpu.memory_space<vmem>>, %arg6: memref<256x8192xbf16, #tpu.memory_space<vmem>>, %arg7: memref<1x8192xf32, #tpu.memory_space<vmem>>, %arg8: memref<1xf32, #tpu.memory_space<smem>>) attributes {dimension_semantics = [#tpu.dimension_semantics<arbitrary>], iteration_bounds = array<i64: 16>, scalar_prefetch = 0 : i64, scratch_operands = 3 : i64, tpu.core_type = #tpu.core_type<tc>, window_params = [{transform_indices = @transform_0, window_bounds = array<i64: 512, 256>}, {pipeline_mode = #tpu.pipeline_mode<synchronous>, transform_indices = @transform_1, window_bounds = array<i64: 256, 8192>}, {transform_indices = @transform_2, window_bounds = array<i64: 512>}, {transform_indices = @transform_3, window_bounds = array<i64: 1>}, {transform_indices = @transform_4, window_bounds = array<i64: 512, 256>}]} {
    %eq3A = arith.constant 0 : i32
    %eq3A_0 = arith.cmpi eq, %arg0, %eq3A : i32
    %convert_element_type3A = arith.extui %eq3A_0 : i1 to i32
    %cond3A = arith.constant 0 : i32
    %cond3A_1 = arith.cmpi ne, %convert_element_type3A, %cond3A : i32
    scf.if %cond3A_1 {
      %get3A_3042 = arith.constant 0 : index
      %get3A_3043 = arith.constant 0 : index
      %get3A_3044 = vector.load %arg2[%get3A_3042, %get3A_3043] : memref<256x8192xf32, #tpu.memory_space<vmem>>, vector<256x8192xf32>
      %convert_element_type3A_3045 = arith.truncf %get3A_3044 : vector<256x8192xf32> to vector<256x8192xbf16>
      %swap3A_3046 = arith.constant 0 : index
      %swap3A_3047 = arith.constant 0 : index
      %swap3A_3048 = vector.load %arg6[%swap3A_3046, %swap3A_3047] : memref<256x8192xbf16, #tpu.memory_space<vmem>>, vector<256x8192xbf16>
      tpu.vector_store %arg6[%swap3A_3046, %swap3A_3047], %convert_element_type3A_3045 {strides = array<i32>} : memref<256x8192xbf16, #tpu.memory_space<vmem>>, vector<256x8192xbf16>,
      %mul3A_3049 = arith.mulf %get3A_3044, %get3A_3044 : vector<256x8192xf32>
      %reduce_sum3A_3050 = arith.constant dense<0.000000e+00> : vector<8192xf32>
      %reduce_sum3A_3051 = vector.multi_reduction <add>, %mul3A_3049, %reduce_sum3A_3050 [0] : vector<256x8192xf32> to vector<8192xf32>
      %broadcast_in_dim3A_3052 = vector.shape_cast %reduce_sum3A_3051 : vector<8192xf32> to vector<1x8192xf32>
      %swap3A_3053 = arith.constant 0 : index
      %swap3A_3054 = arith.constant 0 : index
      %swap3A_3055 = vector.load %arg7[%swap3A_3053, %swap3A_3054] : memref<1x8192xf32, #tpu.memory_space<vmem>>, vector<1x8192xf32>
      tpu.vector_store %arg7[%swap3A_3053, %swap3A_3054], %broadcast_in_dim3A_3052 {strides = array<i32>} : memref<1x8192xf32, #tpu.memory_space<vmem>>, vector<1x8192xf32>,
      %swap3A_3056 = arith.constant 0.000000e+00 : f32
      %swap3A_3057 = arith.constant 0 : index
      %swap3A_3058 = memref.load %arg8[%swap3A_3057] : memref<1xf32, #tpu.memory_space<smem>>
      memref.store %swap3A_3056, %arg8[%swap3A_3057] : memref<1xf32, #tpu.memory_space<smem>>
    } else {
    }
    %mul3A = arith.constant 512 : i32
    %mul3A_2 = arith.muli %arg0, %mul3A : i32
    %get3A = arith.constant 0 : index
    %get3A_3 = arith.index_cast %mul3A_2 : i32 to index
    %get3A_4 = vector.load %arg2[%get3A, %get3A_3] : memref<256x8192xf32, #tpu.memory_space<vmem>>, vector<256x512xf32>
    %transpose3A = tpu.transpose %get3A_4, [1, 0] : vector<256x512xf32> -> vector<512x256xf32>
    %swap3A = arith.constant 0 : index
    %swap3A_5 = arith.constant 0 : index
    %swap3A_6 = vector.load %arg5[%swap3A, %swap3A_5] : memref<512x256xf32, #tpu.memory_space<vmem>>, vector<512x256xf32>
    tpu.vector_store %arg5[%swap3A, %swap3A_5], %transpose3A {strides = array<i32>} : memref<512x256xf32, #tpu.memory_space<vmem>>, vector<512x256xf32>,
    %get3A_7 = arith.constant 0 : index
    %get3A_8 = arith.constant 0 : index
    %get3A_9 = vector.load %arg6[%get3A_7, %get3A_8] : memref<256x8192xbf16, #tpu.memory_space<vmem>>, vector<256x8192xbf16>
    %get3A_10 = arith.constant 0 : index
    %get3A_11 = arith.constant 0 : index
    %get3A_12 = vector.load %arg1[%get3A_10, %get3A_11] : memref<512x256xf32, #tpu.memory_space<vmem>>, vector<512x256xf32>
    %add3A = arith.addf %get3A_12, %get3A_12 : vector<512x256xf32>
    %convert_element_type3A_13 = arith.truncf %add3A : vector<512x256xf32> to vector<512x256xbf16>
    %iota3A = tpu.iota {dimensions = array<i32: 1>} : vector<128x128xi32>
    %slice3A = vector.extract_strided_slice %convert_element_type3A_13 {offsets = [0, 0], sizes = [128, 256], strides = [1, 1]} : vector<512x256xbf16> to vector<128x256xbf16>
    %broadcast_in_dim3A = arith.constant 0x7F800000 : f32
    %broadcast_in_dim3A_14 = vector.broadcast %broadcast_in_dim3A : f32 to vector<128x128xf32>
    %broadcast_in_dim3A_15 = arith.constant 0 : i32
    %broadcast_in_dim3A_16 = vector.broadcast %broadcast_in_dim3A_15 : i32 to vector<128x128xi32>
    %slice3A_17 = vector.extract_strided_slice %get3A_9 {offsets = [0, 0], sizes = [256, 1024], strides = [1, 1]} : vector<256x8192xbf16> to vector<256x1024xbf16>
    %dot_general3A = arith.constant dense<0.000000e+00> : vector<128x1024xf32>
    %dot_general3A_18 = tpu.matmul %slice3A, %slice3A_17, %dot_general3A {dimension_numbers = #tpu.dot_dimension_numbers<[1], [0], [0], [1], [0, 0, 1, 1], [], []>, transpose_lhs_hint = false} : vector<128x256xbf16>, vector<256x1024xbf16>, vector<128x1024xf32> -> vector<128x1024xf32>
    %get3A_19 = arith.constant 0 : index
    %get3A_20 = arith.constant 0 : index
    %get3A_21 = vector.load %arg7[%get3A_19, %get3A_20] : memref<1x8192xf32, #tpu.memory_space<vmem>>, vector<1x128xf32>
    %slice3A_22 = vector.extract_strided_slice %dot_general3A_18 {offsets = [0, 0], sizes = [128, 128], strides = [1, 1]} : vector<128x1024xf32> to vector<128x128xf32>
    %sub3A = vector.broadcast %get3A_21 : vector<1x128xf32> to vector<128x128xf32>
    %sub3A_23 = arith.subf %sub3A, %slice3A_22 : vector<128x128xf32>
    %lt3A = arith.cmpf olt, %sub3A_23, %broadcast_in_dim3A_14 : vector<128x128xf32>
    %min3A = arith.minimumf %sub3A_23, %broadcast_in_dim3A_14 : vector<128x128xf32>
    %jit3A = arith.constant 0 : i32
    %broadcast_in_dim3A_24 = vector.broadcast %jit3A : i32 to vector<128x128xi32>
    %select_n3A = arith.select %lt3A, %broadcast_in_dim3A_24, %broadcast_in_dim3A_16 : vector<128x128xi1>, vector<128x128xi32>
    %get3A_25 = arith.constant 0 : index
    %get3A_26 = arith.constant 128 : index
    %get3A_27 = vector.load %arg7[%get3A_25, %get3A_26] : memref<1x8192xf32, #tpu.memory_space<vmem>>, vector<1x128xf32>
    %slice3A_28 = vector.extract_strided_slice %dot_general3A_18 {offsets = [0, 128], sizes = [128, 128], strides = [1, 1]} : vector<128x1024xf32> to vector<128x128xf32>
    %sub3A_29 = vector.broadcast %get3A_27 : vector<1x128xf32> to vector<128x128xf32>
    %sub3A_30 = arith.subf %sub3A_29, %slice3A_28 : vector<128x128xf32>
    %lt3A_31 = arith.cmpf olt, %sub3A_30, %min3A : vector<128x128xf32>
    %min3A_32 = arith.minimumf %sub3A_30, %min3A : vector<128x128xf32>
    %jit3A_33 = arith.constant 1 : i32
    %broadcast_in_dim3A_34 = vector.broadcast %jit3A_33 : i32 to vector<128x128xi32>
    %select_n3A_35 = arith.select %lt3A_31, %broadcast_in_dim3A_34, %select_n3A : vector<128x128xi1>, vector<128x128xi32>
    %get3A_36 = arith.constant 0 : index
    %get3A_37 = arith.constant 256 : index
    %get3A_38 = vector.load %arg7[%get3A_36, %get3A_37] : memref<1x8192xf32, #tpu.memory_space<vmem>>, vector<1x128xf32>
    %slice3A_39 = vector.extract_strided_slice %dot_general3A_18 {offsets = [0, 256], sizes = [128, 128], strides = [1, 1]} : vector<128x1024xf32> to vector<128x128xf32>
    %sub3A_40 = vector.broadcast %get3A_38 : vector<1x128xf32> to vector<128x128xf32>
    %sub3A_41 = arith.subf %sub3A_40, %slice3A_39 : vector<128x128xf32>
    %lt3A_42 = arith.cmpf olt, %sub3A_41, %min3A_32 : vector<128x128xf32>
    %min3A_43 = arith.minimumf %sub3A_41, %min3A_32 : vector<128x128xf32>
    %jit3A_44 = arith.constant 2 : i32
    %broadcast_in_dim3A_45 = vector.broadcast %jit3A_44 : i32 to vector<128x128xi32>
    %select_n3A_46 = arith.select %lt3A_42, %broadcast_in_dim3A_45, %select_n3A_35 : vector<128x128xi1>, vector<128x128xi32>
    %get3A_47 = arith.constant 0 : index
    %get3A_48 = arith.constant 384 : index
    %get3A_49 = vector.load %arg7[%get3A_47, %get3A_48] : memref<1x8192xf32, #tpu.memory_space<vmem>>, vector<1x128xf32>
    %slice3A_50 = vector.extract_strided_slice %dot_general3A_18 {offsets = [0, 384], sizes = [128, 128], strides = [1, 1]} : vector<128x1024xf32> to vector<128x128xf32>
    %sub3A_51 = vector.broadcast %get3A_49 : vector<1x128xf32> to vector<128x128xf32>
    %sub3A_52 = arith.subf %sub3A_51, %slice3A_50 : vector<128x128xf32>
    %lt3A_53 = arith.cmpf olt, %sub3A_52, %min3A_43 : vector<128x128xf32>
    %min3A_54 = arith.minimumf %sub3A_52, %min3A_43 : vector<128x128xf32>
    %jit3A_55 = arith.constant 3 : i32
    %broadcast_in_dim3A_56 = vector.broadcast %jit3A_55 : i32 to vector<128x128xi32>
    %select_n3A_57 = arith.select %lt3A_53, %broadcast_in_dim3A_56, %select_n3A_46 : vector<128x128xi1>, vector<128x128xi32>
    %get3A_58 = arith.constant 0 : index
    %get3A_59 = arith.constant 512 : index
    %get3A_60 = vector.load %arg7[%get3A_58, %get3A_59] : memref<1x8192xf32, #tpu.memory_space<vmem>>, vector<1x128xf32>
    %slice3A_61 = vector.extract_strided_slice %dot_general3A_18 {offsets = [0, 512], sizes = [128, 128], strides = [1, 1]} : vector<128x1024xf32> to vector<128x128xf32>
    %sub3A_62 = vector.broadcast %get3A_60 : vector<1x128xf32> to vector<128x128xf32>
    %sub3A_63 = arith.subf %sub3A_62, %slice3A_61 : vector<128x128xf32>
    %lt3A_64 = arith.cmpf olt, %sub3A_63, %min3A_54 : vector<128x128xf32>
    %min3A_65 = arith.minimumf %sub3A_63, %min3A_54 : vector<128x128xf32>
    %jit3A_66 = arith.constant 4 : i32
    %broadcast_in_dim3A_67 = vector.broadcast %jit3A_66 : i32 to vector<128x128xi32>
    %select_n3A_68 = arith.select %lt3A_64, %broadcast_in_dim3A_67, %select_n3A_57 : vector<128x128xi1>, vector<128x128xi32>
    %get3A_69 = arith.constant 0 : index
    %get3A_70 = arith.constant 640 : index
    %get3A_71 = vector.load %arg7[%get3A_69, %get3A_70] : memref<1x8192xf32, #tpu.memory_space<vmem>>, vector<1x128xf32>
    %slice3A_72 = vector.extract_strided_slice %dot_general3A_18 {offsets = [0, 640], sizes = [128, 128], strides = [1, 1]} : vector<128x1024xf32> to vector<128x128xf32>
    %sub3A_73 = vector.broadcast %get3A_71 : vector<1x128xf32> to vector<128x128xf32>
    %sub3A_74 = arith.subf %sub3A_73, %slice3A_72 : vector<128x128xf32>
    %lt3A_75 = arith.cmpf olt, %sub3A_74, %min3A_65 : vector<128x128xf32>
    %min3A_76 = arith.minimumf %sub3A_74, %min3A_65 : vector<128x128xf32>
    %jit3A_77 = arith.constant 5 : i32
    %broadcast_in_dim3A_78 = vector.broadcast %jit3A_77 : i32 to vector<128x128xi32>
    %select_n3A_79 = arith.select %lt3A_75, %broadcast_in_dim3A_78, %select_n3A_68 : vector<128x128xi1>, vector<128x128xi32>
    %get3A_80 = arith.constant 0 : index
    %get3A_81 = arith.constant 768 : index
    %get3A_82 = vector.load %arg7[%get3A_80, %get3A_81] : memref<1x8192xf32, #tpu.memory_space<vmem>>, vector<1x128xf32>
    %slice3A_83 = vector.extract_strided_slice %dot_general3A_18 {offsets = [0, 768], sizes = [128, 128], strides = [1, 1]} : vector<128x1024xf32> to vector<128x128xf32>
    %sub3A_84 = vector.broadcast %get3A_82 : vector<1x128xf32> to vector<128x128xf32>
    %sub3A_85 = arith.subf %sub3A_84, %slice3A_83 : vector<128x128xf32>
    %lt3A_86 = arith.cmpf olt, %sub3A_85, %min3A_76 : vector<128x128xf32>
    %min3A_87 = arith.minimumf %sub3A_85, %min3A_76 : vector<128x128xf32>
    %jit3A_88 = arith.constant 6 : i32
    %broadcast_in_dim3A_89 = vector.broadcast %jit3A_88 : i32 to vector<128x128xi32>
    %select_n3A_90 = arith.select %lt3A_86, %broadcast_in_dim3A_89, %select_n3A_79 : vector<128x128xi1>, vector<128x128xi32>
    %get3A_91 = arith.constant 0 : index
    %get3A_92 = arith.constant 896 : index
    %get3A_93 = vector.load %arg7[%get3A_91, %get3A_92] : memref<1x8192xf32, #tpu.memory_space<vmem>>, vector<1x128xf32>
    %slice3A_94 = vector.extract_strided_slice %dot_general3A_18 {offsets = [0, 896], sizes = [128, 128], strides = [1, 1]} : vector<128x1024xf32> to vector<128x128xf32>
    %sub3A_95 = vector.broadcast %get3A_93 : vector<1x128xf32> to vector<128x128xf32>
    %sub3A_96 = arith.subf %sub3A_95, %slice3A_94 : vector<128x128xf32>
    %lt3A_97 = arith.cmpf olt, %sub3A_96, %min3A_87 : vector<128x128xf32>
    %min3A_98 = arith.minimumf %sub3A_96, %min3A_87 : vector<128x128xf32>
    %jit3A_99 = arith.constant 7 : i32
    %broadcast_in_dim3A_100 = vector.broadcast %jit3A_99 : i32 to vector<128x128xi32>
    %select_n3A_101 = arith.select %lt3A_97, %broadcast_in_dim3A_100, %select_n3A_90 : vector<128x128xi1>, vector<128x128xi32>
    %slice3A_102 = vector.extract_strided_slice %get3A_9 {offsets = [0, 1024], sizes = [256, 1024], strides = [1, 1]} : vector<256x8192xbf16> to vector<256x1024xbf16>
    %dot_general3A_103 = arith.constant dense<0.000000e+00> : vector<128x1024xf32>
    %dot_general3A_104 = tpu.matmul %slice3A, %slice3A_102, %dot_general3A_103 {dimension_numbers = #tpu.dot_dimension_numbers<[1], [0], [0], [1], [0, 0, 1, 1], [], []>, transpose_lhs_hint = false} : vector<128x256xbf16>, vector<256x1024xbf16>, vector<128x1024xf32> -> vector<128x1024xf32>
    %get3A_105 = arith.constant 0 : index
    %get3A_106 = arith.constant 1024 : index
    %get3A_107 = vector.load %arg7[%get3A_105, %get3A_106] : memref<1x8192xf32, #tpu.memory_space<vmem>>, vector<1x128xf32>
    %slice3A_108 = vector.extract_strided_slice %dot_general3A_104 {offsets = [0, 0], sizes = [128, 128], strides = [1, 1]} : vector<128x1024xf32> to vector<128x128xf32>
    %sub3A_109 = vector.broadcast %get3A_107 : vector<1x128xf32> to vector<128x128xf32>
    %sub3A_110 = arith.subf %sub3A_109, %slice3A_108 : vector<128x128xf32>
    %lt3A_111 = arith.cmpf olt, %sub3A_110, %min3A_98 : vector<128x128xf32>
    %min3A_112 = arith.minimumf %sub3A_110, %min3A_98 : vector<128x128xf32>
    %jit3A_113 = arith.constant 8 : i32
    %broadcast_in_dim3A_114 = vector.broadcast %jit3A_113 : i32 to vector<128x128xi32>
    %select_n3A_115 = arith.select %lt3A_111, %broadcast_in_dim3A_114, %select_n3A_101 : vector<128x128xi1>, vector<128x128xi32>
    %get3A_116 = arith.constant 0 : index
    %get3A_117 = arith.constant 1152 : index
    %get3A_118 = vector.load %arg7[%get3A_116, %get3A_117] : memref<1x8192xf32, #tpu.memory_space<vmem>>, vector<1x128xf32>
    %slice3A_119 = vector.extract_strided_slice %dot_general3A_104 {offsets = [0, 128], sizes = [128, 128], strides = [1, 1]} : vector<128x1024xf32> to vector<128x128xf32>
    %sub3A_120 = vector.broadcast %get3A_118 : vector<1x128xf32> to vector<128x128xf32>
    %sub3A_121 = arith.subf %sub3A_120, %slice3A_119 : vector<128x128xf32>
    %lt3A_122 = arith.cmpf olt, %sub3A_121, %min3A_112 : vector<128x128xf32>
    %min3A_123 = arith.minimumf %sub3A_121, %min3A_112 : vector<128x128xf32>
    %jit3A_124 = arith.constant 9 : i32
    %broadcast_in_dim3A_125 = vector.broadcast %jit3A_124 : i32 to vector<128x128xi32>
    %select_n3A_126 = arith.select %lt3A_122, %broadcast_in_dim3A_125, %select_n3A_115 : vector<128x128xi1>, vector<128x128xi32>
    %get3A_127 = arith.constant 0 : index
    %get3A_128 = arith.constant 1280 : index
    %get3A_129 = vector.load %arg7[%get3A_127, %get3A_128] : memref<1x8192xf32, #tpu.memory_space<vmem>>, vector<1x128xf32>
    %slice3A_130 = vector.extract_strided_slice %dot_general3A_104 {offsets = [0, 256], sizes = [128, 128], strides = [1, 1]} : vector<128x1024xf32> to vector<128x128xf32>
    %sub3A_131 = vector.broadcast %get3A_129 : vector<1x128xf32> to vector<128x128xf32>
    %sub3A_132 = arith.subf %sub3A_131, %slice3A_130 : vector<128x128xf32>
    %lt3A_133 = arith.cmpf olt, %sub3A_132, %min3A_123 : vector<128x128xf32>
    %min3A_134 = arith.minimumf %sub3A_132, %min3A_123 : vector<128x128xf32>
    %jit3A_135 = arith.constant 10 : i32
    %broadcast_in_dim3A_136 = vector.broadcast %jit3A_135 : i32 to vector<128x128xi32>
    %select_n3A_137 = arith.select %lt3A_133, %broadcast_in_dim3A_136, %select_n3A_126 : vector<128x128xi1>, vector<128x128xi32>
    %get3A_138 = arith.constant 0 : index
    %get3A_139 = arith.constant 1408 : index
    %get3A_140 = vector.load %arg7[%get3A_138, %get3A_139] : memref<1x8192xf32, #tpu.memory_space<vmem>>, vector<1x128xf32>
    %slice3A_141 = vector.extract_strided_slice %dot_general3A_104 {offsets = [0, 384], sizes = [128, 128], strides = [1, 1]} : vector<128x1024xf32> to vector<128x128xf32>
    %sub3A_142 = vector.broadcast %get3A_140 : vector<1x128xf32> to vector<128x128xf32>
    %sub3A_143 = arith.subf %sub3A_142, %slice3A_141 : vector<128x128xf32>
    %lt3A_144 = arith.cmpf olt, %sub3A_143, %min3A_134 : vector<128x128xf32>
    %min3A_145 = arith.minimumf %sub3A_143, %min3A_134 : vector<128x128xf32>
    %jit3A_146 = arith.constant 11 : i32
    %broadcast_in_dim3A_147 = vector.broadcast %jit3A_146 : i32 to vector<128x128xi32>
    %select_n3A_148 = arith.select %lt3A_144, %broadcast_in_dim3A_147, %select_n3A_137 : vector<128x128xi1>, vector<128x128xi32>
    %get3A_149 = arith.constant 0 : index
    %get3A_150 = arith.constant 1536 : index
    %get3A_151 = vector.load %arg7[%get3A_149, %get3A_150] : memref<1x8192xf32, #tpu.memory_space<vmem>>, vector<1x128xf32>
    %slice3A_152 = vector.extract_strided_slice %dot_general3A_104 {offsets = [0, 512], sizes = [128, 128], strides = [1, 1]} : vector<128x1024xf32> to vector<128x128xf32>
    %sub3A_153 = vector.broadcast %get3A_151 : vector<1x128xf32> to vector<128x128xf32>
    %sub3A_154 = arith.subf %sub3A_153, %slice3A_152 : vector<128x128xf32>
    %lt3A_155 = arith.cmpf olt, %sub3A_154, %min3A_145 : vector<128x128xf32>
    %min3A_156 = arith.minimumf %sub3A_154, %min3A_145 : vector<128x128xf32>
    %jit3A_157 = arith.constant 12 : i32
    %broadcast_in_dim3A_158 = vector.broadcast %jit3A_157 : i32 to vector<128x128xi32>
    %select_n3A_159 = arith.select %lt3A_155, %broadcast_in_dim3A_158, %select_n3A_148 : vector<128x128xi1>, vector<128x128xi32>
    %get3A_160 = arith.constant 0 : index
    %get3A_161 = arith.constant 1664 : index
    %get3A_162 = vector.load %arg7[%get3A_160, %get3A_161] : memref<1x8192xf32, #tpu.memory_space<vmem>>, vector<1x128xf32>
    %slice3A_163 = vector.extract_strided_slice %dot_general3A_104 {offsets = [0, 640], sizes = [128, 128], strides = [1, 1]} : vector<128x1024xf32> to vector<128x128xf32>
    %sub3A_164 = vector.broadcast %get3A_162 : vector<1x128xf32> to vector<128x128xf32>
    %sub3A_165 = arith.subf %sub3A_164, %slice3A_163 : vector<128x128xf32>
    %lt3A_166 = arith.cmpf olt, %sub3A_165, %min3A_156 : vector<128x128xf32>
    %min3A_167 = arith.minimumf %sub3A_165, %min3A_156 : vector<128x128xf32>
    %jit3A_168 = arith.constant 13 : i32
    %broadcast_in_dim3A_169 = vector.broadcast %jit3A_168 : i32 to vector<128x128xi32>
    %select_n3A_170 = arith.select %lt3A_166, %broadcast_in_dim3A_169, %select_n3A_159 : vector<128x128xi1>, vector<128x128xi32>
    %get3A_171 = arith.constant 0 : index
    %get3A_172 = arith.constant 1792 : index
    %get3A_173 = vector.load %arg7[%get3A_171, %get3A_172] : memref<1x8192xf32, #tpu.memory_space<vmem>>, vector<1x128xf32>
    %slice3A_174 = vector.extract_strided_slice %dot_general3A_104 {offsets = [0, 768], sizes = [128, 128], strides = [1, 1]} : vector<128x1024xf32> to vector<128x128xf32>
    %sub3A_175 = vector.broadcast %get3A_173 : vector<1x128xf32> to vector<128x128xf32>
    %sub3A_176 = arith.subf %sub3A_175, %slice3A_174 : vector<128x128xf32>
    %lt3A_177 = arith.cmpf olt, %sub3A_176, %min3A_167 : vector<128x128xf32>
    %min3A_178 = arith.minimumf %sub3A_176, %min3A_167 : vector<128x128xf32>
    %jit3A_179 = arith.constant 14 : i32
    %broadcast_in_dim3A_180 = vector.broadcast %jit3A_179 : i32 to vector<128x128xi32>
    %select_n3A_181 = arith.select %lt3A_177, %broadcast_in_dim3A_180, %select_n3A_170 : vector<128x128xi1>, vector<128x128xi32>
    %get3A_182 = arith.constant 0 : index
    %get3A_183 = arith.constant 1920 : index
    %get3A_184 = vector.load %arg7[%get3A_182, %get3A_183] : memref<1x8192xf32, #tpu.memory_space<vmem>>, vector<1x128xf32>
    %slice3A_185 = vector.extract_strided_slice %dot_general3A_104 {offsets = [0, 896], sizes = [128, 128], strides = [1, 1]} : vector<128x1024xf32> to vector<128x128xf32>
    %sub3A_186 = vector.broadcast %get3A_184 : vector<1x128xf32> to vector<128x128xf32>
    %sub3A_187 = arith.subf %sub3A_186, %slice3A_185 : vector<128x128xf32>
    %lt3A_188 = arith.cmpf olt, %sub3A_187, %min3A_178 : vector<128x128xf32>
    %min3A_189 = arith.minimumf %sub3A_187, %min3A_178 : vector<128x128xf32>
    %jit3A_190 = arith.constant 15 : i32
    %broadcast_in_dim3A_191 = vector.broadcast %jit3A_190 : i32 to vector<128x128xi32>
    %select_n3A_192 = arith.select %lt3A_188, %broadcast_in_dim3A_191, %select_n3A_181 : vector<128x128xi1>, vector<128x128xi32>
    %slice3A_193 = vector.extract_strided_slice %get3A_9 {offsets = [0, 2048], sizes = [256, 1024], strides = [1, 1]} : vector<256x8192xbf16> to vector<256x1024xbf16>
    %dot_general3A_194 = arith.constant dense<0.000000e+00> : vector<128x1024xf32>
    %dot_general3A_195 = tpu.matmul %slice3A, %slice3A_193, %dot_general3A_194 {dimension_numbers = #tpu.dot_dimension_numbers<[1], [0], [0], [1], [0, 0, 1, 1], [], []>, transpose_lhs_hint = false} : vector<128x256xbf16>, vector<256x1024xbf16>, vector<128x1024xf32> -> vector<128x1024xf32>
    %get3A_196 = arith.constant 0 : index
    %get3A_197 = arith.constant 2048 : index
    %get3A_198 = vector.load %arg7[%get3A_196, %get3A_197] : memref<1x8192xf32, #tpu.memory_space<vmem>>, vector<1x128xf32>
    %slice3A_199 = vector.extract_strided_slice %dot_general3A_195 {offsets = [0, 0], sizes = [128, 128], strides = [1, 1]} : vector<128x1024xf32> to vector<128x128xf32>
    %sub3A_200 = vector.broadcast %get3A_198 : vector<1x128xf32> to vector<128x128xf32>
    %sub3A_201 = arith.subf %sub3A_200, %slice3A_199 : vector<128x128xf32>
    %lt3A_202 = arith.cmpf olt, %sub3A_201, %min3A_189 : vector<128x128xf32>
    %min3A_203 = arith.minimumf %sub3A_201, %min3A_189 : vector<128x128xf32>
    %jit3A_204 = arith.constant 16 : i32
    %broadcast_in_dim3A_205 = vector.broadcast %jit3A_204 : i32 to vector<128x128xi32>
    %select_n3A_206 = arith.select %lt3A_202, %broadcast_in_dim3A_205, %select_n3A_192 : vector<128x128xi1>, vector<128x128xi32>
    %get3A_207 = arith.constant 0 : index
    %get3A_208 = arith.constant 2176 : index
    %get3A_209 = vector.load %arg7[%get3A_207, %get3A_208] : memref<1x8192xf32, #tpu.memory_space<vmem>>, vector<1x128xf32>
    %slice3A_210 = vector.extract_strided_slice %dot_general3A_195 {offsets = [0, 128], sizes = [128, 128], strides = [1, 1]} : vector<128x1024xf32> to vector<128x128xf32>
    %sub3A_211 = vector.broadcast %get3A_209 : vector<1x128xf32> to vector<128x128xf32>
    %sub3A_212 = arith.subf %sub3A_211, %slice3A_210 : vector<128x128xf32>
    %lt3A_213 = arith.cmpf olt, %sub3A_212, %min3A_203 : vector<128x128xf32>
    %min3A_214 = arith.minimumf %sub3A_212, %min3A_203 : vector<128x128xf32>
    %jit3A_215 = arith.constant 17 : i32
    %broadcast_in_dim3A_216 = vector.broadcast %jit3A_215 : i32 to vector<128x128xi32>
    %select_n3A_217 = arith.select %lt3A_213, %broadcast_in_dim3A_216, %select_n3A_206 : vector<128x128xi1>, vector<128x128xi32>
    %get3A_218 = arith.constant 0 : index
    %get3A_219 = arith.constant 2304 : index
    %get3A_220 = vector.load %arg7[%get3A_218, %get3A_219] : memref<1x8192xf32, #tpu.memory_space<vmem>>, vector<1x128xf32>
    %slice3A_221 = vector.extract_strided_slice %dot_general3A_195 {offsets = [0, 256], sizes = [128, 128], strides = [1, 1]} : vector<128x1024xf32> to vector<128x128xf32>
    %sub3A_222 = vector.broadcast %get3A_220 : vector<1x128xf32> to vector<128x128xf32>
    %sub3A_223 = arith.subf %sub3A_222, %slice3A_221 : vector<128x128xf32>
    %lt3A_224 = arith.cmpf olt, %sub3A_223, %min3A_214 : vector<128x128xf32>
    %min3A_225 = arith.minimumf %sub3A_223, %min3A_214 : vector<128x128xf32>
    %jit3A_226 = arith.constant 18 : i32
    %broadcast_in_dim3A_227 = vector.broadcast %jit3A_226 : i32 to vector<128x128xi32>
    %select_n3A_228 = arith.select %lt3A_224, %broadcast_in_dim3A_227, %select_n3A_217 : vector<128x128xi1>, vector<128x128xi32>
    %get3A_229 = arith.constant 0 : index
    %get3A_230 = arith.constant 2432 : index
    %get3A_231 = vector.load %arg7[%get3A_229, %get3A_230] : memref<1x8192xf32, #tpu.memory_space<vmem>>, vector<1x128xf32>
    %slice3A_232 = vector.extract_strided_slice %dot_general3A_195 {offsets = [0, 384], sizes = [128, 128], strides = [1, 1]} : vector<128x1024xf32> to vector<128x128xf32>
    %sub3A_233 = vector.broadcast %get3A_231 : vector<1x128xf32> to vector<128x128xf32>
    %sub3A_234 = arith.subf %sub3A_233, %slice3A_232 : vector<128x128xf32>
    %lt3A_235 = arith.cmpf olt, %sub3A_234, %min3A_225 : vector<128x128xf32>
    %min3A_236 = arith.minimumf %sub3A_234, %min3A_225 : vector<128x128xf32>
    %jit3A_237 = arith.constant 19 : i32
    %broadcast_in_dim3A_238 = vector.broadcast %jit3A_237 : i32 to vector<128x128xi32>
    %select_n3A_239 = arith.select %lt3A_235, %broadcast_in_dim3A_238, %select_n3A_228 : vector<128x128xi1>, vector<128x128xi32>
    %get3A_240 = arith.constant 0 : index
    %get3A_241 = arith.constant 2560 : index
    %get3A_242 = vector.load %arg7[%get3A_240, %get3A_241] : memref<1x8192xf32, #tpu.memory_space<vmem>>, vector<1x128xf32>
    %slice3A_243 = vector.extract_strided_slice %dot_general3A_195 {offsets = [0, 512], sizes = [128, 128], strides = [1, 1]} : vector<128x1024xf32> to vector<128x128xf32>
    %sub3A_244 = vector.broadcast %get3A_242 : vector<1x128xf32> to vector<128x128xf32>
    %sub3A_245 = arith.subf %sub3A_244, %slice3A_243 : vector<128x128xf32>
    %lt3A_246 = arith.cmpf olt, %sub3A_245, %min3A_236 : vector<128x128xf32>
    %min3A_247 = arith.minimumf %sub3A_245, %min3A_236 : vector<128x128xf32>
    %jit3A_248 = arith.constant 20 : i32
    %broadcast_in_dim3A_249 = vector.broadcast %jit3A_248 : i32 to vector<128x128xi32>
    %select_n3A_250 = arith.select %lt3A_246, %broadcast_in_dim3A_249, %select_n3A_239 : vector<128x128xi1>, vector<128x128xi32>
    %get3A_251 = arith.constant 0 : index
    %get3A_252 = arith.constant 2688 : index
    %get3A_253 = vector.load %arg7[%get3A_251, %get3A_252] : memref<1x8192xf32, #tpu.memory_space<vmem>>, vector<1x128xf32>
    %slice3A_254 = vector.extract_strided_slice %dot_general3A_195 {offsets = [0, 640], sizes = [128, 128], strides = [1, 1]} : vector<128x1024xf32> to vector<128x128xf32>
    %sub3A_255 = vector.broadcast %get3A_253 : vector<1x128xf32> to vector<128x128xf32>
    %sub3A_256 = arith.subf %sub3A_255, %slice3A_254 : vector<128x128xf32>
    %lt3A_257 = arith.cmpf olt, %sub3A_256, %min3A_247 : vector<128x128xf32>
    %min3A_258 = arith.minimumf %sub3A_256, %min3A_247 : vector<128x128xf32>
    %jit3A_259 = arith.constant 21 : i32
    %broadcast_in_dim3A_260 = vector.broadcast %jit3A_259 : i32 to vector<128x128xi32>
    %select_n3A_261 = arith.select %lt3A_257, %broadcast_in_dim3A_260, %select_n3A_250 : vector<128x128xi1>, vector<128x128xi32>
    %get3A_262 = arith.constant 0 : index
    %get3A_263 = arith.constant 2816 : index
    %get3A_264 = vector.load %arg7[%get3A_262, %get3A_263] : memref<1x8192xf32, #tpu.memory_space<vmem>>, vector<1x128xf32>
    %slice3A_265 = vector.extract_strided_slice %dot_general3A_195 {offsets = [0, 768], sizes = [128, 128], strides = [1, 1]} : vector<128x1024xf32> to vector<128x128xf32>
    %sub3A_266 = vector.broadcast %get3A_264 : vector<1x128xf32> to vector<128x128xf32>
    %sub3A_267 = arith.subf %sub3A_266, %slice3A_265 : vector<128x128xf32>
    %lt3A_268 = arith.cmpf olt, %sub3A_267, %min3A_258 : vector<128x128xf32>
    %min3A_269 = arith.minimumf %sub3A_267, %min3A_258 : vector<128x128xf32>
    %jit3A_270 = arith.constant 22 : i32
    %broadcast_in_dim3A_271 = vector.broadcast %jit3A_270 : i32 to vector<128x128xi32>
    %select_n3A_272 = arith.select %lt3A_268, %broadcast_in_dim3A_271, %select_n3A_261 : vector<128x128xi1>, vector<128x128xi32>
    %get3A_273 = arith.constant 0 : index
    %get3A_274 = arith.constant 2944 : index
    %get3A_275 = vector.load %arg7[%get3A_273, %get3A_274] : memref<1x8192xf32, #tpu.memory_space<vmem>>, vector<1x128xf32>
    %slice3A_276 = vector.extract_strided_slice %dot_general3A_195 {offsets = [0, 896], sizes = [128, 128], strides = [1, 1]} : vector<128x1024xf32> to vector<128x128xf32>
    %sub3A_277 = vector.broadcast %get3A_275 : vector<1x128xf32> to vector<128x128xf32>
    %sub3A_278 = arith.subf %sub3A_277, %slice3A_276 : vector<128x128xf32>
    %lt3A_279 = arith.cmpf olt, %sub3A_278, %min3A_269 : vector<128x128xf32>
    %min3A_280 = arith.minimumf %sub3A_278, %min3A_269 : vector<128x128xf32>
    %jit3A_281 = arith.constant 23 : i32
    %broadcast_in_dim3A_282 = vector.broadcast %jit3A_281 : i32 to vector<128x128xi32>
    %select_n3A_283 = arith.select %lt3A_279, %broadcast_in_dim3A_282, %select_n3A_272 : vector<128x128xi1>, vector<128x128xi32>
    %slice3A_284 = vector.extract_strided_slice %get3A_9 {offsets = [0, 3072], sizes = [256, 1024], strides = [1, 1]} : vector<256x8192xbf16> to vector<256x1024xbf16>
    %dot_general3A_285 = arith.constant dense<0.000000e+00> : vector<128x1024xf32>
    %dot_general3A_286 = tpu.matmul %slice3A, %slice3A_284, %dot_general3A_285 {dimension_numbers = #tpu.dot_dimension_numbers<[1], [0], [0], [1], [0, 0, 1, 1], [], []>, transpose_lhs_hint = false} : vector<128x256xbf16>, vector<256x1024xbf16>, vector<128x1024xf32> -> vector<128x1024xf32>
    %get3A_287 = arith.constant 0 : index
    %get3A_288 = arith.constant 3072 : index
    %get3A_289 = vector.load %arg7[%get3A_287, %get3A_288] : memref<1x8192xf32, #tpu.memory_space<vmem>>, vector<1x128xf32>
    %slice3A_290 = vector.extract_strided_slice %dot_general3A_286 {offsets = [0, 0], sizes = [128, 128], strides = [1, 1]} : vector<128x1024xf32> to vector<128x128xf32>
    %sub3A_291 = vector.broadcast %get3A_289 : vector<1x128xf32> to vector<128x128xf32>
    %sub3A_292 = arith.subf %sub3A_291, %slice3A_290 : vector<128x128xf32>
    %lt3A_293 = arith.cmpf olt, %sub3A_292, %min3A_280 : vector<128x128xf32>
    %min3A_294 = arith.minimumf %sub3A_292, %min3A_280 : vector<128x128xf32>
    %jit3A_295 = arith.constant 24 : i32
    %broadcast_in_dim3A_296 = vector.broadcast %jit3A_295 : i32 to vector<128x128xi32>
    %select_n3A_297 = arith.select %lt3A_293, %broadcast_in_dim3A_296, %select_n3A_283 : vector<128x128xi1>, vector<128x128xi32>
    %get3A_298 = arith.constant 0 : index
    %get3A_299 = arith.constant 3200 : index
    %get3A_300 = vector.load %arg7[%get3A_298, %get3A_299] : memref<1x8192xf32, #tpu.memory_space<vmem>>, vector<1x128xf32>
    %slice3A_301 = vector.extract_strided_slice %dot_general3A_286 {offsets = [0, 128], sizes = [128, 128], strides = [1, 1]} : vector<128x1024xf32> to vector<128x128xf32>
    %sub3A_302 = vector.broadcast %get3A_300 : vector<1x128xf32> to vector<128x128xf32>
    %sub3A_303 = arith.subf %sub3A_302, %slice3A_301 : vector<128x128xf32>
    %lt3A_304 = arith.cmpf olt, %sub3A_303, %min3A_294 : vector<128x128xf32>
    %min3A_305 = arith.minimumf %sub3A_303, %min3A_294 : vector<128x128xf32>
    %jit3A_306 = arith.constant 25 : i32
    %broadcast_in_dim3A_307 = vector.broadcast %jit3A_306 : i32 to vector<128x128xi32>
    %select_n3A_308 = arith.select %lt3A_304, %broadcast_in_dim3A_307, %select_n3A_297 : vector<128x128xi1>, vector<128x128xi32>
    %get3A_309 = arith.constant 0 : index
    %get3A_310 = arith.constant 3328 : index
    %get3A_311 = vector.load %arg7[%get3A_309, %get3A_310] : memref<1x8192xf32, #tpu.memory_space<vmem>>, vector<1x128xf32>
    %slice3A_312 = vector.extract_strided_slice %dot_general3A_286 {offsets = [0, 256], sizes = [128, 128], strides = [1, 1]} : vector<128x1024xf32> to vector<128x128xf32>
    %sub3A_313 = vector.broadcast %get3A_311 : vector<1x128xf32> to vector<128x128xf32>
    %sub3A_314 = arith.subf %sub3A_313, %slice3A_312 : vector<128x128xf32>
    %lt3A_315 = arith.cmpf olt, %sub3A_314, %min3A_305 : vector<128x128xf32>
    %min3A_316 = arith.minimumf %sub3A_314, %min3A_305 : vector<128x128xf32>
    %jit3A_317 = arith.constant 26 : i32
    %broadcast_in_dim3A_318 = vector.broadcast %jit3A_317 : i32 to vector<128x128xi32>
    %select_n3A_319 = arith.select %lt3A_315, %broadcast_in_dim3A_318, %select_n3A_308 : vector<128x128xi1>, vector<128x128xi32>
    %get3A_320 = arith.constant 0 : index
    %get3A_321 = arith.constant 3456 : index
    %get3A_322 = vector.load %arg7[%get3A_320, %get3A_321] : memref<1x8192xf32, #tpu.memory_space<vmem>>, vector<1x128xf32>
    %slice3A_323 = vector.extract_strided_slice %dot_general3A_286 {offsets = [0, 384], sizes = [128, 128], strides = [1, 1]} : vector<128x1024xf32> to vector<128x128xf32>
    %sub3A_324 = vector.broadcast %get3A_322 : vector<1x128xf32> to vector<128x128xf32>
    %sub3A_325 = arith.subf %sub3A_324, %slice3A_323 : vector<128x128xf32>
    %lt3A_326 = arith.cmpf olt, %sub3A_325, %min3A_316 : vector<128x128xf32>
    %min3A_327 = arith.minimumf %sub3A_325, %min3A_316 : vector<128x128xf32>
    %jit3A_328 = arith.constant 27 : i32
    %broadcast_in_dim3A_329 = vector.broadcast %jit3A_328 : i32 to vector<128x128xi32>
    %select_n3A_330 = arith.select %lt3A_326, %broadcast_in_dim3A_329, %select_n3A_319 : vector<128x128xi1>, vector<128x128xi32>
    %get3A_331 = arith.constant 0 : index
    %get3A_332 = arith.constant 3584 : index
    %get3A_333 = vector.load %arg7[%get3A_331, %get3A_332] : memref<1x8192xf32, #tpu.memory_space<vmem>>, vector<1x128xf32>
    %slice3A_334 = vector.extract_strided_slice %dot_general3A_286 {offsets = [0, 512], sizes = [128, 128], strides = [1, 1]} : vector<128x1024xf32> to vector<128x128xf32>
    %sub3A_335 = vector.broadcast %get3A_333 : vector<1x128xf32> to vector<128x128xf32>
    %sub3A_336 = arith.subf %sub3A_335, %slice3A_334 : vector<128x128xf32>
    %lt3A_337 = arith.cmpf olt, %sub3A_336, %min3A_327 : vector<128x128xf32>
    %min3A_338 = arith.minimumf %sub3A_336, %min3A_327 : vector<128x128xf32>
    %jit3A_339 = arith.constant 28 : i32
    %broadcast_in_dim3A_340 = vector.broadcast %jit3A_339 : i32 to vector<128x128xi32>
    %select_n3A_341 = arith.select %lt3A_337, %broadcast_in_dim3A_340, %select_n3A_330 : vector<128x128xi1>, vector<128x128xi32>
    %get3A_342 = arith.constant 0 : index
    %get3A_343 = arith.constant 3712 : index
    %get3A_344 = vector.load %arg7[%get3A_342, %get3A_343] : memref<1x8192xf32, #tpu.memory_space<vmem>>, vector<1x128xf32>
    %slice3A_345 = vector.extract_strided_slice %dot_general3A_286 {offsets = [0, 640], sizes = [128, 128], strides = [1, 1]} : vector<128x1024xf32> to vector<128x128xf32>
    %sub3A_346 = vector.broadcast %get3A_344 : vector<1x128xf32> to vector<128x128xf32>
    %sub3A_347 = arith.subf %sub3A_346, %slice3A_345 : vector<128x128xf32>
    %lt3A_348 = arith.cmpf olt, %sub3A_347, %min3A_338 : vector<128x128xf32>
    %min3A_349 = arith.minimumf %sub3A_347, %min3A_338 : vector<128x128xf32>
    %jit3A_350 = arith.constant 29 : i32
    %broadcast_in_dim3A_351 = vector.broadcast %jit3A_350 : i32 to vector<128x128xi32>
    %select_n3A_352 = arith.select %lt3A_348, %broadcast_in_dim3A_351, %select_n3A_341 : vector<128x128xi1>, vector<128x128xi32>
    %get3A_353 = arith.constant 0 : index
    %get3A_354 = arith.constant 3840 : index
    %get3A_355 = vector.load %arg7[%get3A_353, %get3A_354] : memref<1x8192xf32, #tpu.memory_space<vmem>>, vector<1x128xf32>
    %slice3A_356 = vector.extract_strided_slice %dot_general3A_286 {offsets = [0, 768], sizes = [128, 128], strides = [1, 1]} : vector<128x1024xf32> to vector<128x128xf32>
    %sub3A_357 = vector.broadcast %get3A_355 : vector<1x128xf32> to vector<128x128xf32>
    %sub3A_358 = arith.subf %sub3A_357, %slice3A_356 : vector<128x128xf32>
    %lt3A_359 = arith.cmpf olt, %sub3A_358, %min3A_349 : vector<128x128xf32>
    %min3A_360 = arith.minimumf %sub3A_358, %min3A_349 : vector<128x128xf32>
    %jit3A_361 = arith.constant 30 : i32
    %broadcast_in_dim3A_362 = vector.broadcast %jit3A_361 : i32 to vector<128x128xi32>
    %select_n3A_363 = arith.select %lt3A_359, %broadcast_in_dim3A_362, %select_n3A_352 : vector<128x128xi1>, vector<128x128xi32>
    %get3A_364 = arith.constant 0 : index
    %get3A_365 = arith.constant 3968 : index
    %get3A_366 = vector.load %arg7[%get3A_364, %get3A_365] : memref<1x8192xf32, #tpu.memory_space<vmem>>, vector<1x128xf32>
    %slice3A_367 = vector.extract_strided_slice %dot_general3A_286 {offsets = [0, 896], sizes = [128, 128], strides = [1, 1]} : vector<128x1024xf32> to vector<128x128xf32>
    %sub3A_368 = vector.broadcast %get3A_366 : vector<1x128xf32> to vector<128x128xf32>
    %sub3A_369 = arith.subf %sub3A_368, %slice3A_367 : vector<128x128xf32>
    %lt3A_370 = arith.cmpf olt, %sub3A_369, %min3A_360 : vector<128x128xf32>
    %min3A_371 = arith.minimumf %sub3A_369, %min3A_360 : vector<128x128xf32>
    %jit3A_372 = arith.constant 31 : i32
    %broadcast_in_dim3A_373 = vector.broadcast %jit3A_372 : i32 to vector<128x128xi32>
    %select_n3A_374 = arith.select %lt3A_370, %broadcast_in_dim3A_373, %select_n3A_363 : vector<128x128xi1>, vector<128x128xi32>
    %slice3A_375 = vector.extract_strided_slice %get3A_9 {offsets = [0, 4096], sizes = [256, 1024], strides = [1, 1]} : vector<256x8192xbf16> to vector<256x1024xbf16>
    %dot_general3A_376 = arith.constant dense<0.000000e+00> : vector<128x1024xf32>
    %dot_general3A_377 = tpu.matmul %slice3A, %slice3A_375, %dot_general3A_376 {dimension_numbers = #tpu.dot_dimension_numbers<[1], [0], [0], [1], [0, 0, 1, 1], [], []>, transpose_lhs_hint = false} : vector<128x256xbf16>, vector<256x1024xbf16>, vector<128x1024xf32> -> vector<128x1024xf32>
    %get3A_378 = arith.constant 0 : index
    %get3A_379 = arith.constant 4096 : index
    %get3A_380 = vector.load %arg7[%get3A_378, %get3A_379] : memref<1x8192xf32, #tpu.memory_space<vmem>>, vector<1x128xf32>
    %slice3A_381 = vector.extract_strided_slice %dot_general3A_377 {offsets = [0, 0], sizes = [128, 128], strides = [1, 1]} : vector<128x1024xf32> to vector<128x128xf32>
    %sub3A_382 = vector.broadcast %get3A_380 : vector<1x128xf32> to vector<128x128xf32>
    %sub3A_383 = arith.subf %sub3A_382, %slice3A_381 : vector<128x128xf32>
    %lt3A_384 = arith.cmpf olt, %sub3A_383, %min3A_371 : vector<128x128xf32>
    %min3A_385 = arith.minimumf %sub3A_383, %min3A_371 : vector<128x128xf32>
    %jit3A_386 = arith.constant 32 : i32
    %broadcast_in_dim3A_387 = vector.broadcast %jit3A_386 : i32 to vector<128x128xi32>
    %select_n3A_388 = arith.select %lt3A_384, %broadcast_in_dim3A_387, %select_n3A_374 : vector<128x128xi1>, vector<128x128xi32>
    %get3A_389 = arith.constant 0 : index
    %get3A_390 = arith.constant 4224 : index
    %get3A_391 = vector.load %arg7[%get3A_389, %get3A_390] : memref<1x8192xf32, #tpu.memory_space<vmem>>, vector<1x128xf32>
    %slice3A_392 = vector.extract_strided_slice %dot_general3A_377 {offsets = [0, 128], sizes = [128, 128], strides = [1, 1]} : vector<128x1024xf32> to vector<128x128xf32>
    %sub3A_393 = vector.broadcast %get3A_391 : vector<1x128xf32> to vector<128x128xf32>
    %sub3A_394 = arith.subf %sub3A_393, %slice3A_392 : vector<128x128xf32>
    %lt3A_395 = arith.cmpf olt, %sub3A_394, %min3A_385 : vector<128x128xf32>
    %min3A_396 = arith.minimumf %sub3A_394, %min3A_385 : vector<128x128xf32>
    %jit3A_397 = arith.constant 33 : i32
    %broadcast_in_dim3A_398 = vector.broadcast %jit3A_397 : i32 to vector<128x128xi32>
    %select_n3A_399 = arith.select %lt3A_395, %broadcast_in_dim3A_398, %select_n3A_388 : vector<128x128xi1>, vector<128x128xi32>
    %get3A_400 = arith.constant 0 : index
    %get3A_401 = arith.constant 4352 : index
    %get3A_402 = vector.load %arg7[%get3A_400, %get3A_401] : memref<1x8192xf32, #tpu.memory_space<vmem>>, vector<1x128xf32>
    %slice3A_403 = vector.extract_strided_slice %dot_general3A_377 {offsets = [0, 256], sizes = [128, 128], strides = [1, 1]} : vector<128x1024xf32> to vector<128x128xf32>
    %sub3A_404 = vector.broadcast %get3A_402 : vector<1x128xf32> to vector<128x128xf32>
    %sub3A_405 = arith.subf %sub3A_404, %slice3A_403 : vector<128x128xf32>
    %lt3A_406 = arith.cmpf olt, %sub3A_405, %min3A_396 : vector<128x128xf32>
    %min3A_407 = arith.minimumf %sub3A_405, %min3A_396 : vector<128x128xf32>
    %jit3A_408 = arith.constant 34 : i32
    %broadcast_in_dim3A_409 = vector.broadcast %jit3A_408 : i32 to vector<128x128xi32>
    %select_n3A_410 = arith.select %lt3A_406, %broadcast_in_dim3A_409, %select_n3A_399 : vector<128x128xi1>, vector<128x128xi32>
    %get3A_411 = arith.constant 0 : index
    %get3A_412 = arith.constant 4480 : index
    %get3A_413 = vector.load %arg7[%get3A_411, %get3A_412] : memref<1x8192xf32, #tpu.memory_space<vmem>>, vector<1x128xf32>
    %slice3A_414 = vector.extract_strided_slice %dot_general3A_377 {offsets = [0, 384], sizes = [128, 128], strides = [1, 1]} : vector<128x1024xf32> to vector<128x128xf32>
    %sub3A_415 = vector.broadcast %get3A_413 : vector<1x128xf32> to vector<128x128xf32>
    %sub3A_416 = arith.subf %sub3A_415, %slice3A_414 : vector<128x128xf32>
    %lt3A_417 = arith.cmpf olt, %sub3A_416, %min3A_407 : vector<128x128xf32>
    %min3A_418 = arith.minimumf %sub3A_416, %min3A_407 : vector<128x128xf32>
    %jit3A_419 = arith.constant 35 : i32
    %broadcast_in_dim3A_420 = vector.broadcast %jit3A_419 : i32 to vector<128x128xi32>
    %select_n3A_421 = arith.select %lt3A_417, %broadcast_in_dim3A_420, %select_n3A_410 : vector<128x128xi1>, vector<128x128xi32>
    %get3A_422 = arith.constant 0 : index
    %get3A_423 = arith.constant 4608 : index
    %get3A_424 = vector.load %arg7[%get3A_422, %get3A_423] : memref<1x8192xf32, #tpu.memory_space<vmem>>, vector<1x128xf32>
    %slice3A_425 = vector.extract_strided_slice %dot_general3A_377 {offsets = [0, 512], sizes = [128, 128], strides = [1, 1]} : vector<128x1024xf32> to vector<128x128xf32>
    %sub3A_426 = vector.broadcast %get3A_424 : vector<1x128xf32> to vector<128x128xf32>
    %sub3A_427 = arith.subf %sub3A_426, %slice3A_425 : vector<128x128xf32>
    %lt3A_428 = arith.cmpf olt, %sub3A_427, %min3A_418 : vector<128x128xf32>
    %min3A_429 = arith.minimumf %sub3A_427, %min3A_418 : vector<128x128xf32>
    %jit3A_430 = arith.constant 36 : i32
    %broadcast_in_dim3A_431 = vector.broadcast %jit3A_430 : i32 to vector<128x128xi32>
    %select_n3A_432 = arith.select %lt3A_428, %broadcast_in_dim3A_431, %select_n3A_421 : vector<128x128xi1>, vector<128x128xi32>
    %get3A_433 = arith.constant 0 : index
    %get3A_434 = arith.constant 4736 : index
    %get3A_435 = vector.load %arg7[%get3A_433, %get3A_434] : memref<1x8192xf32, #tpu.memory_space<vmem>>, vector<1x128xf32>
    %slice3A_436 = vector.extract_strided_slice %dot_general3A_377 {offsets = [0, 640], sizes = [128, 128], strides = [1, 1]} : vector<128x1024xf32> to vector<128x128xf32>
    %sub3A_437 = vector.broadcast %get3A_435 : vector<1x128xf32> to vector<128x128xf32>
    %sub3A_438 = arith.subf %sub3A_437, %slice3A_436 : vector<128x128xf32>
    %lt3A_439 = arith.cmpf olt, %sub3A_438, %min3A_429 : vector<128x128xf32>
    %min3A_440 = arith.minimumf %sub3A_438, %min3A_429 : vector<128x128xf32>
    %jit3A_441 = arith.constant 37 : i32
    %broadcast_in_dim3A_442 = vector.broadcast %jit3A_441 : i32 to vector<128x128xi32>
    %select_n3A_443 = arith.select %lt3A_439, %broadcast_in_dim3A_442, %select_n3A_432 : vector<128x128xi1>, vector<128x128xi32>
    %get3A_444 = arith.constant 0 : index
    %get3A_445 = arith.constant 4864 : index
    %get3A_446 = vector.load %arg7[%get3A_444, %get3A_445] : memref<1x8192xf32, #tpu.memory_space<vmem>>, vector<1x128xf32>
    %slice3A_447 = vector.extract_strided_slice %dot_general3A_377 {offsets = [0, 768], sizes = [128, 128], strides = [1, 1]} : vector<128x1024xf32> to vector<128x128xf32>
    %sub3A_448 = vector.broadcast %get3A_446 : vector<1x128xf32> to vector<128x128xf32>
    %sub3A_449 = arith.subf %sub3A_448, %slice3A_447 : vector<128x128xf32>
    %lt3A_450 = arith.cmpf olt, %sub3A_449, %min3A_440 : vector<128x128xf32>
    %min3A_451 = arith.minimumf %sub3A_449, %min3A_440 : vector<128x128xf32>
    %jit3A_452 = arith.constant 38 : i32
    %broadcast_in_dim3A_453 = vector.broadcast %jit3A_452 : i32 to vector<128x128xi32>
    %select_n3A_454 = arith.select %lt3A_450, %broadcast_in_dim3A_453, %select_n3A_443 : vector<128x128xi1>, vector<128x128xi32>
    %get3A_455 = arith.constant 0 : index
    %get3A_456 = arith.constant 4992 : index
    %get3A_457 = vector.load %arg7[%get3A_455, %get3A_456] : memref<1x8192xf32, #tpu.memory_space<vmem>>, vector<1x128xf32>
    %slice3A_458 = vector.extract_strided_slice %dot_general3A_377 {offsets = [0, 896], sizes = [128, 128], strides = [1, 1]} : vector<128x1024xf32> to vector<128x128xf32>
    %sub3A_459 = vector.broadcast %get3A_457 : vector<1x128xf32> to vector<128x128xf32>
    %sub3A_460 = arith.subf %sub3A_459, %slice3A_458 : vector<128x128xf32>
    %lt3A_461 = arith.cmpf olt, %sub3A_460, %min3A_451 : vector<128x128xf32>
    %min3A_462 = arith.minimumf %sub3A_460, %min3A_451 : vector<128x128xf32>
    %jit3A_463 = arith.constant 39 : i32
    %broadcast_in_dim3A_464 = vector.broadcast %jit3A_463 : i32 to vector<128x128xi32>
    %select_n3A_465 = arith.select %lt3A_461, %broadcast_in_dim3A_464, %select_n3A_454 : vector<128x128xi1>, vector<128x128xi32>
    %slice3A_466 = vector.extract_strided_slice %get3A_9 {offsets = [0, 5120], sizes = [256, 1024], strides = [1, 1]} : vector<256x8192xbf16> to vector<256x1024xbf16>
    %dot_general3A_467 = arith.constant dense<0.000000e+00> : vector<128x1024xf32>
    %dot_general3A_468 = tpu.matmul %slice3A, %slice3A_466, %dot_general3A_467 {dimension_numbers = #tpu.dot_dimension_numbers<[1], [0], [0], [1], [0, 0, 1, 1], [], []>, transpose_lhs_hint = false} : vector<128x256xbf16>, vector<256x1024xbf16>, vector<128x1024xf32> -> vector<128x1024xf32>
    %get3A_469 = arith.constant 0 : index
    %get3A_470 = arith.constant 5120 : index
    %get3A_471 = vector.load %arg7[%get3A_469, %get3A_470] : memref<1x8192xf32, #tpu.memory_space<vmem>>, vector<1x128xf32>
    %slice3A_472 = vector.extract_strided_slice %dot_general3A_468 {offsets = [0, 0], sizes = [128, 128], strides = [1, 1]} : vector<128x1024xf32> to vector<128x128xf32>
    %sub3A_473 = vector.broadcast %get3A_471 : vector<1x128xf32> to vector<128x128xf32>
    %sub3A_474 = arith.subf %sub3A_473, %slice3A_472 : vector<128x128xf32>
    %lt3A_475 = arith.cmpf olt, %sub3A_474, %min3A_462 : vector<128x128xf32>
    %min3A_476 = arith.minimumf %sub3A_474, %min3A_462 : vector<128x128xf32>
    %jit3A_477 = arith.constant 40 : i32
    %broadcast_in_dim3A_478 = vector.broadcast %jit3A_477 : i32 to vector<128x128xi32>
    %select_n3A_479 = arith.select %lt3A_475, %broadcast_in_dim3A_478, %select_n3A_465 : vector<128x128xi1>, vector<128x128xi32>
    %get3A_480 = arith.constant 0 : index
    %get3A_481 = arith.constant 5248 : index
    %get3A_482 = vector.load %arg7[%get3A_480, %get3A_481] : memref<1x8192xf32, #tpu.memory_space<vmem>>, vector<1x128xf32>
    %slice3A_483 = vector.extract_strided_slice %dot_general3A_468 {offsets = [0, 128], sizes = [128, 128], strides = [1, 1]} : vector<128x1024xf32> to vector<128x128xf32>
    %sub3A_484 = vector.broadcast %get3A_482 : vector<1x128xf32> to vector<128x128xf32>
    %sub3A_485 = arith.subf %sub3A_484, %slice3A_483 : vector<128x128xf32>
    %lt3A_486 = arith.cmpf olt, %sub3A_485, %min3A_476 : vector<128x128xf32>
    %min3A_487 = arith.minimumf %sub3A_485, %min3A_476 : vector<128x128xf32>
    %jit3A_488 = arith.constant 41 : i32
    %broadcast_in_dim3A_489 = vector.broadcast %jit3A_488 : i32 to vector<128x128xi32>
    %select_n3A_490 = arith.select %lt3A_486, %broadcast_in_dim3A_489, %select_n3A_479 : vector<128x128xi1>, vector<128x128xi32>
    %get3A_491 = arith.constant 0 : index
    %get3A_492 = arith.constant 5376 : index
    %get3A_493 = vector.load %arg7[%get3A_491, %get3A_492] : memref<1x8192xf32, #tpu.memory_space<vmem>>, vector<1x128xf32>
    %slice3A_494 = vector.extract_strided_slice %dot_general3A_468 {offsets = [0, 256], sizes = [128, 128], strides = [1, 1]} : vector<128x1024xf32> to vector<128x128xf32>
    %sub3A_495 = vector.broadcast %get3A_493 : vector<1x128xf32> to vector<128x128xf32>
    %sub3A_496 = arith.subf %sub3A_495, %slice3A_494 : vector<128x128xf32>
    %lt3A_497 = arith.cmpf olt, %sub3A_496, %min3A_487 : vector<128x128xf32>
    %min3A_498 = arith.minimumf %sub3A_496, %min3A_487 : vector<128x128xf32>
    %jit3A_499 = arith.constant 42 : i32
    %broadcast_in_dim3A_500 = vector.broadcast %jit3A_499 : i32 to vector<128x128xi32>
    %select_n3A_501 = arith.select %lt3A_497, %broadcast_in_dim3A_500, %select_n3A_490 : vector<128x128xi1>, vector<128x128xi32>
    %get3A_502 = arith.constant 0 : index
    %get3A_503 = arith.constant 5504 : index
    %get3A_504 = vector.load %arg7[%get3A_502, %get3A_503] : memref<1x8192xf32, #tpu.memory_space<vmem>>, vector<1x128xf32>
    %slice3A_505 = vector.extract_strided_slice %dot_general3A_468 {offsets = [0, 384], sizes = [128, 128], strides = [1, 1]} : vector<128x1024xf32> to vector<128x128xf32>
    %sub3A_506 = vector.broadcast %get3A_504 : vector<1x128xf32> to vector<128x128xf32>
    %sub3A_507 = arith.subf %sub3A_506, %slice3A_505 : vector<128x128xf32>
    %lt3A_508 = arith.cmpf olt, %sub3A_507, %min3A_498 : vector<128x128xf32>
    %min3A_509 = arith.minimumf %sub3A_507, %min3A_498 : vector<128x128xf32>
    %jit3A_510 = arith.constant 43 : i32
    %broadcast_in_dim3A_511 = vector.broadcast %jit3A_510 : i32 to vector<128x128xi32>
    %select_n3A_512 = arith.select %lt3A_508, %broadcast_in_dim3A_511, %select_n3A_501 : vector<128x128xi1>, vector<128x128xi32>
    %get3A_513 = arith.constant 0 : index
    %get3A_514 = arith.constant 5632 : index
    %get3A_515 = vector.load %arg7[%get3A_513, %get3A_514] : memref<1x8192xf32, #tpu.memory_space<vmem>>, vector<1x128xf32>
    %slice3A_516 = vector.extract_strided_slice %dot_general3A_468 {offsets = [0, 512], sizes = [128, 128], strides = [1, 1]} : vector<128x1024xf32> to vector<128x128xf32>
    %sub3A_517 = vector.broadcast %get3A_515 : vector<1x128xf32> to vector<128x128xf32>
    %sub3A_518 = arith.subf %sub3A_517, %slice3A_516 : vector<128x128xf32>
    %lt3A_519 = arith.cmpf olt, %sub3A_518, %min3A_509 : vector<128x128xf32>
    %min3A_520 = arith.minimumf %sub3A_518, %min3A_509 : vector<128x128xf32>
    %jit3A_521 = arith.constant 44 : i32
    %broadcast_in_dim3A_522 = vector.broadcast %jit3A_521 : i32 to vector<128x128xi32>
    %select_n3A_523 = arith.select %lt3A_519, %broadcast_in_dim3A_522, %select_n3A_512 : vector<128x128xi1>, vector<128x128xi32>
    %get3A_524 = arith.constant 0 : index
    %get3A_525 = arith.constant 5760 : index
    %get3A_526 = vector.load %arg7[%get3A_524, %get3A_525] : memref<1x8192xf32, #tpu.memory_space<vmem>>, vector<1x128xf32>
    %slice3A_527 = vector.extract_strided_slice %dot_general3A_468 {offsets = [0, 640], sizes = [128, 128], strides = [1, 1]} : vector<128x1024xf32> to vector<128x128xf32>
    %sub3A_528 = vector.broadcast %get3A_526 : vector<1x128xf32> to vector<128x128xf32>
    %sub3A_529 = arith.subf %sub3A_528, %slice3A_527 : vector<128x128xf32>
    %lt3A_530 = arith.cmpf olt, %sub3A_529, %min3A_520 : vector<128x128xf32>
    %min3A_531 = arith.minimumf %sub3A_529, %min3A_520 : vector<128x128xf32>
    %jit3A_532 = arith.constant 45 : i32
    %broadcast_in_dim3A_533 = vector.broadcast %jit3A_532 : i32 to vector<128x128xi32>
    %select_n3A_534 = arith.select %lt3A_530, %broadcast_in_dim3A_533, %select_n3A_523 : vector<128x128xi1>, vector<128x128xi32>
    %get3A_535 = arith.constant 0 : index
    %get3A_536 = arith.constant 5888 : index
    %get3A_537 = vector.load %arg7[%get3A_535, %get3A_536] : memref<1x8192xf32, #tpu.memory_space<vmem>>, vector<1x128xf32>
    %slice3A_538 = vector.extract_strided_slice %dot_general3A_468 {offsets = [0, 768], sizes = [128, 128], strides = [1, 1]} : vector<128x1024xf32> to vector<128x128xf32>
    %sub3A_539 = vector.broadcast %get3A_537 : vector<1x128xf32> to vector<128x128xf32>
    %sub3A_540 = arith.subf %sub3A_539, %slice3A_538 : vector<128x128xf32>
    %lt3A_541 = arith.cmpf olt, %sub3A_540, %min3A_531 : vector<128x128xf32>
    %min3A_542 = arith.minimumf %sub3A_540, %min3A_531 : vector<128x128xf32>
    %jit3A_543 = arith.constant 46 : i32
    %broadcast_in_dim3A_544 = vector.broadcast %jit3A_543 : i32 to vector<128x128xi32>
    %select_n3A_545 = arith.select %lt3A_541, %broadcast_in_dim3A_544, %select_n3A_534 : vector<128x128xi1>, vector<128x128xi32>
    %get3A_546 = arith.constant 0 : index
    %get3A_547 = arith.constant 6016 : index
    %get3A_548 = vector.load %arg7[%get3A_546, %get3A_547] : memref<1x8192xf32, #tpu.memory_space<vmem>>, vector<1x128xf32>
    %slice3A_549 = vector.extract_strided_slice %dot_general3A_468 {offsets = [0, 896], sizes = [128, 128], strides = [1, 1]} : vector<128x1024xf32> to vector<128x128xf32>
    %sub3A_550 = vector.broadcast %get3A_548 : vector<1x128xf32> to vector<128x128xf32>
    %sub3A_551 = arith.subf %sub3A_550, %slice3A_549 : vector<128x128xf32>
    %lt3A_552 = arith.cmpf olt, %sub3A_551, %min3A_542 : vector<128x128xf32>
    %min3A_553 = arith.minimumf %sub3A_551, %min3A_542 : vector<128x128xf32>
    %jit3A_554 = arith.constant 47 : i32
    %broadcast_in_dim3A_555 = vector.broadcast %jit3A_554 : i32 to vector<128x128xi32>
    %select_n3A_556 = arith.select %lt3A_552, %broadcast_in_dim3A_555, %select_n3A_545 : vector<128x128xi1>, vector<128x128xi32>
    %slice3A_557 = vector.extract_strided_slice %get3A_9 {offsets = [0, 6144], sizes = [256, 1024], strides = [1, 1]} : vector<256x8192xbf16> to vector<256x1024xbf16>
    %dot_general3A_558 = arith.constant dense<0.000000e+00> : vector<128x1024xf32>
    %dot_general3A_559 = tpu.matmul %slice3A, %slice3A_557, %dot_general3A_558 {dimension_numbers = #tpu.dot_dimension_numbers<[1], [0], [0], [1], [0, 0, 1, 1], [], []>, transpose_lhs_hint = false} : vector<128x256xbf16>, vector<256x1024xbf16>, vector<128x1024xf32> -> vector<128x1024xf32>
    %get3A_560 = arith.constant 0 : index
    %get3A_561 = arith.constant 6144 : index
    %get3A_562 = vector.load %arg7[%get3A_560, %get3A_561] : memref<1x8192xf32, #tpu.memory_space<vmem>>, vector<1x128xf32>
    %slice3A_563 = vector.extract_strided_slice %dot_general3A_559 {offsets = [0, 0], sizes = [128, 128], strides = [1, 1]} : vector<128x1024xf32> to vector<128x128xf32>
    %sub3A_564 = vector.broadcast %get3A_562 : vector<1x128xf32> to vector<128x128xf32>
    %sub3A_565 = arith.subf %sub3A_564, %slice3A_563 : vector<128x128xf32>
    %lt3A_566 = arith.cmpf olt, %sub3A_565, %min3A_553 : vector<128x128xf32>
    %min3A_567 = arith.minimumf %sub3A_565, %min3A_553 : vector<128x128xf32>
    %jit3A_568 = arith.constant 48 : i32
    %broadcast_in_dim3A_569 = vector.broadcast %jit3A_568 : i32 to vector<128x128xi32>
    %select_n3A_570 = arith.select %lt3A_566, %broadcast_in_dim3A_569, %select_n3A_556 : vector<128x128xi1>, vector<128x128xi32>
    %get3A_571 = arith.constant 0 : index
    %get3A_572 = arith.constant 6272 : index
    %get3A_573 = vector.load %arg7[%get3A_571, %get3A_572] : memref<1x8192xf32, #tpu.memory_space<vmem>>, vector<1x128xf32>
    %slice3A_574 = vector.extract_strided_slice %dot_general3A_559 {offsets = [0, 128], sizes = [128, 128], strides = [1, 1]} : vector<128x1024xf32> to vector<128x128xf32>
    %sub3A_575 = vector.broadcast %get3A_573 : vector<1x128xf32> to vector<128x128xf32>
    %sub3A_576 = arith.subf %sub3A_575, %slice3A_574 : vector<128x128xf32>
    %lt3A_577 = arith.cmpf olt, %sub3A_576, %min3A_567 : vector<128x128xf32>
    %min3A_578 = arith.minimumf %sub3A_576, %min3A_567 : vector<128x128xf32>
    %jit3A_579 = arith.constant 49 : i32
    %broadcast_in_dim3A_580 = vector.broadcast %jit3A_579 : i32 to vector<128x128xi32>
    %select_n3A_581 = arith.select %lt3A_577, %broadcast_in_dim3A_580, %select_n3A_570 : vector<128x128xi1>, vector<128x128xi32>
    %get3A_582 = arith.constant 0 : index
    %get3A_583 = arith.constant 6400 : index
    %get3A_584 = vector.load %arg7[%get3A_582, %get3A_583] : memref<1x8192xf32, #tpu.memory_space<vmem>>, vector<1x128xf32>
    %slice3A_585 = vector.extract_strided_slice %dot_general3A_559 {offsets = [0, 256], sizes = [128, 128], strides = [1, 1]} : vector<128x1024xf32> to vector<128x128xf32>
    %sub3A_586 = vector.broadcast %get3A_584 : vector<1x128xf32> to vector<128x128xf32>
    %sub3A_587 = arith.subf %sub3A_586, %slice3A_585 : vector<128x128xf32>
    %lt3A_588 = arith.cmpf olt, %sub3A_587, %min3A_578 : vector<128x128xf32>
    %min3A_589 = arith.minimumf %sub3A_587, %min3A_578 : vector<128x128xf32>
    %jit3A_590 = arith.constant 50 : i32
    %broadcast_in_dim3A_591 = vector.broadcast %jit3A_590 : i32 to vector<128x128xi32>
    %select_n3A_592 = arith.select %lt3A_588, %broadcast_in_dim3A_591, %select_n3A_581 : vector<128x128xi1>, vector<128x128xi32>
    %get3A_593 = arith.constant 0 : index
    %get3A_594 = arith.constant 6528 : index
    %get3A_595 = vector.load %arg7[%get3A_593, %get3A_594] : memref<1x8192xf32, #tpu.memory_space<vmem>>, vector<1x128xf32>
    %slice3A_596 = vector.extract_strided_slice %dot_general3A_559 {offsets = [0, 384], sizes = [128, 128], strides = [1, 1]} : vector<128x1024xf32> to vector<128x128xf32>
    %sub3A_597 = vector.broadcast %get3A_595 : vector<1x128xf32> to vector<128x128xf32>
    %sub3A_598 = arith.subf %sub3A_597, %slice3A_596 : vector<128x128xf32>
    %lt3A_599 = arith.cmpf olt, %sub3A_598, %min3A_589 : vector<128x128xf32>
    %min3A_600 = arith.minimumf %sub3A_598, %min3A_589 : vector<128x128xf32>
    %jit3A_601 = arith.constant 51 : i32
    %broadcast_in_dim3A_602 = vector.broadcast %jit3A_601 : i32 to vector<128x128xi32>
    %select_n3A_603 = arith.select %lt3A_599, %broadcast_in_dim3A_602, %select_n3A_592 : vector<128x128xi1>, vector<128x128xi32>
    %get3A_604 = arith.constant 0 : index
    %get3A_605 = arith.constant 6656 : index
    %get3A_606 = vector.load %arg7[%get3A_604, %get3A_605] : memref<1x8192xf32, #tpu.memory_space<vmem>>, vector<1x128xf32>
    %slice3A_607 = vector.extract_strided_slice %dot_general3A_559 {offsets = [0, 512], sizes = [128, 128], strides = [1, 1]} : vector<128x1024xf32> to vector<128x128xf32>
    %sub3A_608 = vector.broadcast %get3A_606 : vector<1x128xf32> to vector<128x128xf32>
    %sub3A_609 = arith.subf %sub3A_608, %slice3A_607 : vector<128x128xf32>
    %lt3A_610 = arith.cmpf olt, %sub3A_609, %min3A_600 : vector<128x128xf32>
    %min3A_611 = arith.minimumf %sub3A_609, %min3A_600 : vector<128x128xf32>
    %jit3A_612 = arith.constant 52 : i32
    %broadcast_in_dim3A_613 = vector.broadcast %jit3A_612 : i32 to vector<128x128xi32>
    %select_n3A_614 = arith.select %lt3A_610, %broadcast_in_dim3A_613, %select_n3A_603 : vector<128x128xi1>, vector<128x128xi32>
    %get3A_615 = arith.constant 0 : index
    %get3A_616 = arith.constant 6784 : index
    %get3A_617 = vector.load %arg7[%get3A_615, %get3A_616] : memref<1x8192xf32, #tpu.memory_space<vmem>>, vector<1x128xf32>
    %slice3A_618 = vector.extract_strided_slice %dot_general3A_559 {offsets = [0, 640], sizes = [128, 128], strides = [1, 1]} : vector<128x1024xf32> to vector<128x128xf32>
    %sub3A_619 = vector.broadcast %get3A_617 : vector<1x128xf32> to vector<128x128xf32>
    %sub3A_620 = arith.subf %sub3A_619, %slice3A_618 : vector<128x128xf32>
    %lt3A_621 = arith.cmpf olt, %sub3A_620, %min3A_611 : vector<128x128xf32>
    %min3A_622 = arith.minimumf %sub3A_620, %min3A_611 : vector<128x128xf32>
    %jit3A_623 = arith.constant 53 : i32
    %broadcast_in_dim3A_624 = vector.broadcast %jit3A_623 : i32 to vector<128x128xi32>
    %select_n3A_625 = arith.select %lt3A_621, %broadcast_in_dim3A_624, %select_n3A_614 : vector<128x128xi1>, vector<128x128xi32>
    %get3A_626 = arith.constant 0 : index
    %get3A_627 = arith.constant 6912 : index
    %get3A_628 = vector.load %arg7[%get3A_626, %get3A_627] : memref<1x8192xf32, #tpu.memory_space<vmem>>, vector<1x128xf32>
    %slice3A_629 = vector.extract_strided_slice %dot_general3A_559 {offsets = [0, 768], sizes = [128, 128], strides = [1, 1]} : vector<128x1024xf32> to vector<128x128xf32>
    %sub3A_630 = vector.broadcast %get3A_628 : vector<1x128xf32> to vector<128x128xf32>
    %sub3A_631 = arith.subf %sub3A_630, %slice3A_629 : vector<128x128xf32>
    %lt3A_632 = arith.cmpf olt, %sub3A_631, %min3A_622 : vector<128x128xf32>
    %min3A_633 = arith.minimumf %sub3A_631, %min3A_622 : vector<128x128xf32>
    %jit3A_634 = arith.constant 54 : i32
    %broadcast_in_dim3A_635 = vector.broadcast %jit3A_634 : i32 to vector<128x128xi32>
    %select_n3A_636 = arith.select %lt3A_632, %broadcast_in_dim3A_635, %select_n3A_625 : vector<128x128xi1>, vector<128x128xi32>
    %get3A_637 = arith.constant 0 : index
    %get3A_638 = arith.constant 7040 : index
    %get3A_639 = vector.load %arg7[%get3A_637, %get3A_638] : memref<1x8192xf32, #tpu.memory_space<vmem>>, vector<1x128xf32>
    %slice3A_640 = vector.extract_strided_slice %dot_general3A_559 {offsets = [0, 896], sizes = [128, 128], strides = [1, 1]} : vector<128x1024xf32> to vector<128x128xf32>
    %sub3A_641 = vector.broadcast %get3A_639 : vector<1x128xf32> to vector<128x128xf32>
    %sub3A_642 = arith.subf %sub3A_641, %slice3A_640 : vector<128x128xf32>
    %lt3A_643 = arith.cmpf olt, %sub3A_642, %min3A_633 : vector<128x128xf32>
    %min3A_644 = arith.minimumf %sub3A_642, %min3A_633 : vector<128x128xf32>
    %jit3A_645 = arith.constant 55 : i32
    %broadcast_in_dim3A_646 = vector.broadcast %jit3A_645 : i32 to vector<128x128xi32>
    %select_n3A_647 = arith.select %lt3A_643, %broadcast_in_dim3A_646, %select_n3A_636 : vector<128x128xi1>, vector<128x128xi32>
    %slice3A_648 = vector.extract_strided_slice %get3A_9 {offsets = [0, 7168], sizes = [256, 1024], strides = [1, 1]} : vector<256x8192xbf16> to vector<256x1024xbf16>
    %dot_general3A_649 = arith.constant dense<0.000000e+00> : vector<128x1024xf32>
    %dot_general3A_650 = tpu.matmul %slice3A, %slice3A_648, %dot_general3A_649 {dimension_numbers = #tpu.dot_dimension_numbers<[1], [0], [0], [1], [0, 0, 1, 1], [], []>, transpose_lhs_hint = false} : vector<128x256xbf16>, vector<256x1024xbf16>, vector<128x1024xf32> -> vector<128x1024xf32>
    %get3A_651 = arith.constant 0 : index
    %get3A_652 = arith.constant 7168 : index
    %get3A_653 = vector.load %arg7[%get3A_651, %get3A_652] : memref<1x8192xf32, #tpu.memory_space<vmem>>, vector<1x128xf32>
    %slice3A_654 = vector.extract_strided_slice %dot_general3A_650 {offsets = [0, 0], sizes = [128, 128], strides = [1, 1]} : vector<128x1024xf32> to vector<128x128xf32>
    %sub3A_655 = vector.broadcast %get3A_653 : vector<1x128xf32> to vector<128x128xf32>
    %sub3A_656 = arith.subf %sub3A_655, %slice3A_654 : vector<128x128xf32>
    %lt3A_657 = arith.cmpf olt, %sub3A_656, %min3A_644 : vector<128x128xf32>
    %min3A_658 = arith.minimumf %sub3A_656, %min3A_644 : vector<128x128xf32>
    %jit3A_659 = arith.constant 56 : i32
    %broadcast_in_dim3A_660 = vector.broadcast %jit3A_659 : i32 to vector<128x128xi32>
    %select_n3A_661 = arith.select %lt3A_657, %broadcast_in_dim3A_660, %select_n3A_647 : vector<128x128xi1>, vector<128x128xi32>
    %get3A_662 = arith.constant 0 : index
    %get3A_663 = arith.constant 7296 : index
    %get3A_664 = vector.load %arg7[%get3A_662, %get3A_663] : memref<1x8192xf32, #tpu.memory_space<vmem>>, vector<1x128xf32>
    %slice3A_665 = vector.extract_strided_slice %dot_general3A_650 {offsets = [0, 128], sizes = [128, 128], strides = [1, 1]} : vector<128x1024xf32> to vector<128x128xf32>
    %sub3A_666 = vector.broadcast %get3A_664 : vector<1x128xf32> to vector<128x128xf32>
    %sub3A_667 = arith.subf %sub3A_666, %slice3A_665 : vector<128x128xf32>
    %lt3A_668 = arith.cmpf olt, %sub3A_667, %min3A_658 : vector<128x128xf32>
    %min3A_669 = arith.minimumf %sub3A_667, %min3A_658 : vector<128x128xf32>
    %jit3A_670 = arith.constant 57 : i32
    %broadcast_in_dim3A_671 = vector.broadcast %jit3A_670 : i32 to vector<128x128xi32>
    %select_n3A_672 = arith.select %lt3A_668, %broadcast_in_dim3A_671, %select_n3A_661 : vector<128x128xi1>, vector<128x128xi32>
    %get3A_673 = arith.constant 0 : index
    %get3A_674 = arith.constant 7424 : index
    %get3A_675 = vector.load %arg7[%get3A_673, %get3A_674] : memref<1x8192xf32, #tpu.memory_space<vmem>>, vector<1x128xf32>
    %slice3A_676 = vector.extract_strided_slice %dot_general3A_650 {offsets = [0, 256], sizes = [128, 128], strides = [1, 1]} : vector<128x1024xf32> to vector<128x128xf32>
    %sub3A_677 = vector.broadcast %get3A_675 : vector<1x128xf32> to vector<128x128xf32>
    %sub3A_678 = arith.subf %sub3A_677, %slice3A_676 : vector<128x128xf32>
    %lt3A_679 = arith.cmpf olt, %sub3A_678, %min3A_669 : vector<128x128xf32>
    %min3A_680 = arith.minimumf %sub3A_678, %min3A_669 : vector<128x128xf32>
    %jit3A_681 = arith.constant 58 : i32
    %broadcast_in_dim3A_682 = vector.broadcast %jit3A_681 : i32 to vector<128x128xi32>
    %select_n3A_683 = arith.select %lt3A_679, %broadcast_in_dim3A_682, %select_n3A_672 : vector<128x128xi1>, vector<128x128xi32>
    %get3A_684 = arith.constant 0 : index
    %get3A_685 = arith.constant 7552 : index
    %get3A_686 = vector.load %arg7[%get3A_684, %get3A_685] : memref<1x8192xf32, #tpu.memory_space<vmem>>, vector<1x128xf32>
    %slice3A_687 = vector.extract_strided_slice %dot_general3A_650 {offsets = [0, 384], sizes = [128, 128], strides = [1, 1]} : vector<128x1024xf32> to vector<128x128xf32>
    %sub3A_688 = vector.broadcast %get3A_686 : vector<1x128xf32> to vector<128x128xf32>
    %sub3A_689 = arith.subf %sub3A_688, %slice3A_687 : vector<128x128xf32>
    %lt3A_690 = arith.cmpf olt, %sub3A_689, %min3A_680 : vector<128x128xf32>
    %min3A_691 = arith.minimumf %sub3A_689, %min3A_680 : vector<128x128xf32>
    %jit3A_692 = arith.constant 59 : i32
    %broadcast_in_dim3A_693 = vector.broadcast %jit3A_692 : i32 to vector<128x128xi32>
    %select_n3A_694 = arith.select %lt3A_690, %broadcast_in_dim3A_693, %select_n3A_683 : vector<128x128xi1>, vector<128x128xi32>
    %get3A_695 = arith.constant 0 : index
    %get3A_696 = arith.constant 7680 : index
    %get3A_697 = vector.load %arg7[%get3A_695, %get3A_696] : memref<1x8192xf32, #tpu.memory_space<vmem>>, vector<1x128xf32>
    %slice3A_698 = vector.extract_strided_slice %dot_general3A_650 {offsets = [0, 512], sizes = [128, 128], strides = [1, 1]} : vector<128x1024xf32> to vector<128x128xf32>
    %sub3A_699 = vector.broadcast %get3A_697 : vector<1x128xf32> to vector<128x128xf32>
    %sub3A_700 = arith.subf %sub3A_699, %slice3A_698 : vector<128x128xf32>
    %lt3A_701 = arith.cmpf olt, %sub3A_700, %min3A_691 : vector<128x128xf32>
    %min3A_702 = arith.minimumf %sub3A_700, %min3A_691 : vector<128x128xf32>
    %jit3A_703 = arith.constant 60 : i32
    %broadcast_in_dim3A_704 = vector.broadcast %jit3A_703 : i32 to vector<128x128xi32>
    %select_n3A_705 = arith.select %lt3A_701, %broadcast_in_dim3A_704, %select_n3A_694 : vector<128x128xi1>, vector<128x128xi32>
    %get3A_706 = arith.constant 0 : index
    %get3A_707 = arith.constant 7808 : index
    %get3A_708 = vector.load %arg7[%get3A_706, %get3A_707] : memref<1x8192xf32, #tpu.memory_space<vmem>>, vector<1x128xf32>
    %slice3A_709 = vector.extract_strided_slice %dot_general3A_650 {offsets = [0, 640], sizes = [128, 128], strides = [1, 1]} : vector<128x1024xf32> to vector<128x128xf32>
    %sub3A_710 = vector.broadcast %get3A_708 : vector<1x128xf32> to vector<128x128xf32>
    %sub3A_711 = arith.subf %sub3A_710, %slice3A_709 : vector<128x128xf32>
    %lt3A_712 = arith.cmpf olt, %sub3A_711, %min3A_702 : vector<128x128xf32>
    %min3A_713 = arith.minimumf %sub3A_711, %min3A_702 : vector<128x128xf32>
    %jit3A_714 = arith.constant 61 : i32
    %broadcast_in_dim3A_715 = vector.broadcast %jit3A_714 : i32 to vector<128x128xi32>
    %select_n3A_716 = arith.select %lt3A_712, %broadcast_in_dim3A_715, %select_n3A_705 : vector<128x128xi1>, vector<128x128xi32>
    %get3A_717 = arith.constant 0 : index
    %get3A_718 = arith.constant 7936 : index
    %get3A_719 = vector.load %arg7[%get3A_717, %get3A_718] : memref<1x8192xf32, #tpu.memory_space<vmem>>, vector<1x128xf32>
    %slice3A_720 = vector.extract_strided_slice %dot_general3A_650 {offsets = [0, 768], sizes = [128, 128], strides = [1, 1]} : vector<128x1024xf32> to vector<128x128xf32>
    %sub3A_721 = vector.broadcast %get3A_719 : vector<1x128xf32> to vector<128x128xf32>
    %sub3A_722 = arith.subf %sub3A_721, %slice3A_720 : vector<128x128xf32>
    %lt3A_723 = arith.cmpf olt, %sub3A_722, %min3A_713 : vector<128x128xf32>
    %min3A_724 = arith.minimumf %sub3A_722, %min3A_713 : vector<128x128xf32>
    %jit3A_725 = arith.constant 62 : i32
    %broadcast_in_dim3A_726 = vector.broadcast %jit3A_725 : i32 to vector<128x128xi32>
    %select_n3A_727 = arith.select %lt3A_723, %broadcast_in_dim3A_726, %select_n3A_716 : vector<128x128xi1>, vector<128x128xi32>
    %get3A_728 = arith.constant 0 : index
    %get3A_729 = arith.constant 8064 : index
    %get3A_730 = vector.load %arg7[%get3A_728, %get3A_729] : memref<1x8192xf32, #tpu.memory_space<vmem>>, vector<1x128xf32>
    %slice3A_731 = vector.extract_strided_slice %dot_general3A_650 {offsets = [0, 896], sizes = [128, 128], strides = [1, 1]} : vector<128x1024xf32> to vector<128x128xf32>
    %sub3A_732 = vector.broadcast %get3A_730 : vector<1x128xf32> to vector<128x128xf32>
    %sub3A_733 = arith.subf %sub3A_732, %slice3A_731 : vector<128x128xf32>
    %lt3A_734 = arith.cmpf olt, %sub3A_733, %min3A_724 : vector<128x128xf32>
    %min3A_735 = arith.minimumf %sub3A_733, %min3A_724 : vector<128x128xf32>
    %jit3A_736 = arith.constant 63 : i32
    %broadcast_in_dim3A_737 = vector.broadcast %jit3A_736 : i32 to vector<128x128xi32>
    %select_n3A_738 = arith.select %lt3A_734, %broadcast_in_dim3A_737, %select_n3A_727 : vector<128x128xi1>, vector<128x128xi32>
    %mul3A_739 = arith.constant 128 : i32
    %mul3A_740 = vector.broadcast %mul3A_739 : i32 to vector<128x128xi32>
    %mul3A_741 = arith.muli %select_n3A_738, %mul3A_740 : vector<128x128xi32>
    %add3A_742 = arith.addi %mul3A_741, %iota3A : vector<128x128xi32>
    %reduce_min3A = arith.constant dense<0x7F800000> : vector<128xf32>
    %reduce_min3A_743 = vector.multi_reduction <minimumf>, %min3A_735, %reduce_min3A [1] : vector<128x128xf32> to vector<128xf32>
    %broadcast_in_dim3A_744 = vector.shape_cast %reduce_min3A_743 : vector<128xf32> to vector<128x1xf32>
    %eq3A_745 = vector.broadcast %broadcast_in_dim3A_744 : vector<128x1xf32> to vector<128x128xf32>
    %eq3A_746 = arith.cmpf oeq, %min3A_735, %eq3A_745 : vector<128x128xf32>
    %jit3A_747 = arith.constant 8192 : i32
    %broadcast_in_dim3A_748 = vector.broadcast %jit3A_747 : i32 to vector<128x128xi32>
    %select_n3A_749 = arith.select %eq3A_746, %add3A_742, %broadcast_in_dim3A_748 : vector<128x128xi1>, vector<128x128xi32>
    %reduce_min3A_750 = arith.constant dense<2147483647> : vector<128xi32>
    %reduce_min3A_751 = vector.multi_reduction <minsi>, %select_n3A_749, %reduce_min3A_750 [1] : vector<128x128xi32> to vector<128xi32>
    %swap3A_752 = arith.constant 0 : index
    %swap3A_753 = vector.load %arg3[%swap3A_752] : memref<512xi32, #tpu.memory_space<vmem>>, vector<128xi32>
    tpu.vector_store %arg3[%swap3A_752], %reduce_min3A_751 {strides = array<i32>} : memref<512xi32, #tpu.memory_space<vmem>>, vector<128xi32>,
    %reduce_sum3A = vector.shape_cast %broadcast_in_dim3A_744 : vector<128x1xf32> to vector<1x128x1xf32>
    %reduce_sum3A_754 = arith.constant dense<0.000000e+00> : vector<1xf32>
    %reduce_sum3A_755 = vector.multi_reduction <add>, %reduce_sum3A, %reduce_sum3A_754 [1, 2] : vector<1x128x1xf32> to vector<1xf32>
    %reduce_sum3A_756 = vector.shape_cast %reduce_sum3A_755 : vector<1xf32> to vector<1x1x1xf32>
    %reduce_sum3A_757 = vector.extract %reduce_sum3A_756[0, 0, 0] : f32 from vector<1x1x1xf32>
    %add3A_758 = arith.constant 0.000000e+00 : f32
    %add3A_759 = arith.addf %add3A_758, %reduce_sum3A_757 : f32
    %slice3A_760 = vector.extract_strided_slice %convert_element_type3A_13 {offsets = [128, 0], sizes = [128, 256], strides = [1, 1]} : vector<512x256xbf16> to vector<128x256xbf16>
    %broadcast_in_dim3A_761 = arith.constant 0x7F800000 : f32
    %broadcast_in_dim3A_762 = vector.broadcast %broadcast_in_dim3A_761 : f32 to vector<128x128xf32>
    %broadcast_in_dim3A_763 = arith.constant 0 : i32
    %broadcast_in_dim3A_764 = vector.broadcast %broadcast_in_dim3A_763 : i32 to vector<128x128xi32>
    %slice3A_765 = vector.extract_strided_slice %get3A_9 {offsets = [0, 0], sizes = [256, 1024], strides = [1, 1]} : vector<256x8192xbf16> to vector<256x1024xbf16>
    %dot_general3A_766 = arith.constant dense<0.000000e+00> : vector<128x1024xf32>
    %dot_general3A_767 = tpu.matmul %slice3A_760, %slice3A_765, %dot_general3A_766 {dimension_numbers = #tpu.dot_dimension_numbers<[1], [0], [0], [1], [0, 0, 1, 1], [], []>, transpose_lhs_hint = false} : vector<128x256xbf16>, vector<256x1024xbf16>, vector<128x1024xf32> -> vector<128x1024xf32>
    %get3A_768 = arith.constant 0 : index
    %get3A_769 = arith.constant 0 : index
    %get3A_770 = vector.load %arg7[%get3A_768, %get3A_769] : memref<1x8192xf32, #tpu.memory_space<vmem>>, vector<1x128xf32>
    %slice3A_771 = vector.extract_strided_slice %dot_general3A_767 {offsets = [0, 0], sizes = [128, 128], strides = [1, 1]} : vector<128x1024xf32> to vector<128x128xf32>
    %sub3A_772 = vector.broadcast %get3A_770 : vector<1x128xf32> to vector<128x128xf32>
    %sub3A_773 = arith.subf %sub3A_772, %slice3A_771 : vector<128x128xf32>
    %lt3A_774 = arith.cmpf olt, %sub3A_773, %broadcast_in_dim3A_762 : vector<128x128xf32>
    %min3A_775 = arith.minimumf %sub3A_773, %broadcast_in_dim3A_762 : vector<128x128xf32>
    %jit3A_776 = arith.constant 0 : i32
    %broadcast_in_dim3A_777 = vector.broadcast %jit3A_776 : i32 to vector<128x128xi32>
    %select_n3A_778 = arith.select %lt3A_774, %broadcast_in_dim3A_777, %broadcast_in_dim3A_764 : vector<128x128xi1>, vector<128x128xi32>
    %get3A_779 = arith.constant 0 : index
    %get3A_780 = arith.constant 128 : index
    %get3A_781 = vector.load %arg7[%get3A_779, %get3A_780] : memref<1x8192xf32, #tpu.memory_space<vmem>>, vector<1x128xf32>
    %slice3A_782 = vector.extract_strided_slice %dot_general3A_767 {offsets = [0, 128], sizes = [128, 128], strides = [1, 1]} : vector<128x1024xf32> to vector<128x128xf32>
    %sub3A_783 = vector.broadcast %get3A_781 : vector<1x128xf32> to vector<128x128xf32>
    %sub3A_784 = arith.subf %sub3A_783, %slice3A_782 : vector<128x128xf32>
    %lt3A_785 = arith.cmpf olt, %sub3A_784, %min3A_775 : vector<128x128xf32>
    %min3A_786 = arith.minimumf %sub3A_784, %min3A_775 : vector<128x128xf32>
    %jit3A_787 = arith.constant 1 : i32
    %broadcast_in_dim3A_788 = vector.broadcast %jit3A_787 : i32 to vector<128x128xi32>
    %select_n3A_789 = arith.select %lt3A_785, %broadcast_in_dim3A_788, %select_n3A_778 : vector<128x128xi1>, vector<128x128xi32>
    %get3A_790 = arith.constant 0 : index
    %get3A_791 = arith.constant 256 : index
    %get3A_792 = vector.load %arg7[%get3A_790, %get3A_791] : memref<1x8192xf32, #tpu.memory_space<vmem>>, vector<1x128xf32>
    %slice3A_793 = vector.extract_strided_slice %dot_general3A_767 {offsets = [0, 256], sizes = [128, 128], strides = [1, 1]} : vector<128x1024xf32> to vector<128x128xf32>
    %sub3A_794 = vector.broadcast %get3A_792 : vector<1x128xf32> to vector<128x128xf32>
    %sub3A_795 = arith.subf %sub3A_794, %slice3A_793 : vector<128x128xf32>
    %lt3A_796 = arith.cmpf olt, %sub3A_795, %min3A_786 : vector<128x128xf32>
    %min3A_797 = arith.minimumf %sub3A_795, %min3A_786 : vector<128x128xf32>
    %jit3A_798 = arith.constant 2 : i32
    %broadcast_in_dim3A_799 = vector.broadcast %jit3A_798 : i32 to vector<128x128xi32>
    %select_n3A_800 = arith.select %lt3A_796, %broadcast_in_dim3A_799, %select_n3A_789 : vector<128x128xi1>, vector<128x128xi32>
    %get3A_801 = arith.constant 0 : index
    %get3A_802 = arith.constant 384 : index
    %get3A_803 = vector.load %arg7[%get3A_801, %get3A_802] : memref<1x8192xf32, #tpu.memory_space<vmem>>, vector<1x128xf32>
    %slice3A_804 = vector.extract_strided_slice %dot_general3A_767 {offsets = [0, 384], sizes = [128, 128], strides = [1, 1]} : vector<128x1024xf32> to vector<128x128xf32>
    %sub3A_805 = vector.broadcast %get3A_803 : vector<1x128xf32> to vector<128x128xf32>
    %sub3A_806 = arith.subf %sub3A_805, %slice3A_804 : vector<128x128xf32>
    %lt3A_807 = arith.cmpf olt, %sub3A_806, %min3A_797 : vector<128x128xf32>
    %min3A_808 = arith.minimumf %sub3A_806, %min3A_797 : vector<128x128xf32>
    %jit3A_809 = arith.constant 3 : i32
    %broadcast_in_dim3A_810 = vector.broadcast %jit3A_809 : i32 to vector<128x128xi32>
    %select_n3A_811 = arith.select %lt3A_807, %broadcast_in_dim3A_810, %select_n3A_800 : vector<128x128xi1>, vector<128x128xi32>
    %get3A_812 = arith.constant 0 : index
    %get3A_813 = arith.constant 512 : index
    %get3A_814 = vector.load %arg7[%get3A_812, %get3A_813] : memref<1x8192xf32, #tpu.memory_space<vmem>>, vector<1x128xf32>
    %slice3A_815 = vector.extract_strided_slice %dot_general3A_767 {offsets = [0, 512], sizes = [128, 128], strides = [1, 1]} : vector<128x1024xf32> to vector<128x128xf32>
    %sub3A_816 = vector.broadcast %get3A_814 : vector<1x128xf32> to vector<128x128xf32>
    %sub3A_817 = arith.subf %sub3A_816, %slice3A_815 : vector<128x128xf32>
    %lt3A_818 = arith.cmpf olt, %sub3A_817, %min3A_808 : vector<128x128xf32>
    %min3A_819 = arith.minimumf %sub3A_817, %min3A_808 : vector<128x128xf32>
    %jit3A_820 = arith.constant 4 : i32
    %broadcast_in_dim3A_821 = vector.broadcast %jit3A_820 : i32 to vector<128x128xi32>
    %select_n3A_822 = arith.select %lt3A_818, %broadcast_in_dim3A_821, %select_n3A_811 : vector<128x128xi1>, vector<128x128xi32>
    %get3A_823 = arith.constant 0 : index
    %get3A_824 = arith.constant 640 : index
    %get3A_825 = vector.load %arg7[%get3A_823, %get3A_824] : memref<1x8192xf32, #tpu.memory_space<vmem>>, vector<1x128xf32>
    %slice3A_826 = vector.extract_strided_slice %dot_general3A_767 {offsets = [0, 640], sizes = [128, 128], strides = [1, 1]} : vector<128x1024xf32> to vector<128x128xf32>
    %sub3A_827 = vector.broadcast %get3A_825 : vector<1x128xf32> to vector<128x128xf32>
    %sub3A_828 = arith.subf %sub3A_827, %slice3A_826 : vector<128x128xf32>
    %lt3A_829 = arith.cmpf olt, %sub3A_828, %min3A_819 : vector<128x128xf32>
    %min3A_830 = arith.minimumf %sub3A_828, %min3A_819 : vector<128x128xf32>
    %jit3A_831 = arith.constant 5 : i32
    %broadcast_in_dim3A_832 = vector.broadcast %jit3A_831 : i32 to vector<128x128xi32>
    %select_n3A_833 = arith.select %lt3A_829, %broadcast_in_dim3A_832, %select_n3A_822 : vector<128x128xi1>, vector<128x128xi32>
    %get3A_834 = arith.constant 0 : index
    %get3A_835 = arith.constant 768 : index
    %get3A_836 = vector.load %arg7[%get3A_834, %get3A_835] : memref<1x8192xf32, #tpu.memory_space<vmem>>, vector<1x128xf32>
    %slice3A_837 = vector.extract_strided_slice %dot_general3A_767 {offsets = [0, 768], sizes = [128, 128], strides = [1, 1]} : vector<128x1024xf32> to vector<128x128xf32>
    %sub3A_838 = vector.broadcast %get3A_836 : vector<1x128xf32> to vector<128x128xf32>
    %sub3A_839 = arith.subf %sub3A_838, %slice3A_837 : vector<128x128xf32>
    %lt3A_840 = arith.cmpf olt, %sub3A_839, %min3A_830 : vector<128x128xf32>
    %min3A_841 = arith.minimumf %sub3A_839, %min3A_830 : vector<128x128xf32>
    %jit3A_842 = arith.constant 6 : i32
    %broadcast_in_dim3A_843 = vector.broadcast %jit3A_842 : i32 to vector<128x128xi32>
    %select_n3A_844 = arith.select %lt3A_840, %broadcast_in_dim3A_843, %select_n3A_833 : vector<128x128xi1>, vector<128x128xi32>
    %get3A_845 = arith.constant 0 : index
    %get3A_846 = arith.constant 896 : index
    %get3A_847 = vector.load %arg7[%get3A_845, %get3A_846] : memref<1x8192xf32, #tpu.memory_space<vmem>>, vector<1x128xf32>
    %slice3A_848 = vector.extract_strided_slice %dot_general3A_767 {offsets = [0, 896], sizes = [128, 128], strides = [1, 1]} : vector<128x1024xf32> to vector<128x128xf32>
    %sub3A_849 = vector.broadcast %get3A_847 : vector<1x128xf32> to vector<128x128xf32>
    %sub3A_850 = arith.subf %sub3A_849, %slice3A_848 : vector<128x128xf32>
    %lt3A_851 = arith.cmpf olt, %sub3A_850, %min3A_841 : vector<128x128xf32>
    %min3A_852 = arith.minimumf %sub3A_850, %min3A_841 : vector<128x128xf32>
    %jit3A_853 = arith.constant 7 : i32
    %broadcast_in_dim3A_854 = vector.broadcast %jit3A_853 : i32 to vector<128x128xi32>
    %select_n3A_855 = arith.select %lt3A_851, %broadcast_in_dim3A_854, %select_n3A_844 : vector<128x128xi1>, vector<128x128xi32>
    %slice3A_856 = vector.extract_strided_slice %get3A_9 {offsets = [0, 1024], sizes = [256, 1024], strides = [1, 1]} : vector<256x8192xbf16> to vector<256x1024xbf16>
    %dot_general3A_857 = arith.constant dense<0.000000e+00> : vector<128x1024xf32>
    %dot_general3A_858 = tpu.matmul %slice3A_760, %slice3A_856, %dot_general3A_857 {dimension_numbers = #tpu.dot_dimension_numbers<[1], [0], [0], [1], [0, 0, 1, 1], [], []>, transpose_lhs_hint = false} : vector<128x256xbf16>, vector<256x1024xbf16>, vector<128x1024xf32> -> vector<128x1024xf32>
    %get3A_859 = arith.constant 0 : index
    %get3A_860 = arith.constant 1024 : index
    %get3A_861 = vector.load %arg7[%get3A_859, %get3A_860] : memref<1x8192xf32, #tpu.memory_space<vmem>>, vector<1x128xf32>
    %slice3A_862 = vector.extract_strided_slice %dot_general3A_858 {offsets = [0, 0], sizes = [128, 128], strides = [1, 1]} : vector<128x1024xf32> to vector<128x128xf32>
    %sub3A_863 = vector.broadcast %get3A_861 : vector<1x128xf32> to vector<128x128xf32>
    %sub3A_864 = arith.subf %sub3A_863, %slice3A_862 : vector<128x128xf32>
    %lt3A_865 = arith.cmpf olt, %sub3A_864, %min3A_852 : vector<128x128xf32>
    %min3A_866 = arith.minimumf %sub3A_864, %min3A_852 : vector<128x128xf32>
    %jit3A_867 = arith.constant 8 : i32
    %broadcast_in_dim3A_868 = vector.broadcast %jit3A_867 : i32 to vector<128x128xi32>
    %select_n3A_869 = arith.select %lt3A_865, %broadcast_in_dim3A_868, %select_n3A_855 : vector<128x128xi1>, vector<128x128xi32>
    %get3A_870 = arith.constant 0 : index
    %get3A_871 = arith.constant 1152 : index
    %get3A_872 = vector.load %arg7[%get3A_870, %get3A_871] : memref<1x8192xf32, #tpu.memory_space<vmem>>, vector<1x128xf32>
    %slice3A_873 = vector.extract_strided_slice %dot_general3A_858 {offsets = [0, 128], sizes = [128, 128], strides = [1, 1]} : vector<128x1024xf32> to vector<128x128xf32>
    %sub3A_874 = vector.broadcast %get3A_872 : vector<1x128xf32> to vector<128x128xf32>
    %sub3A_875 = arith.subf %sub3A_874, %slice3A_873 : vector<128x128xf32>
    %lt3A_876 = arith.cmpf olt, %sub3A_875, %min3A_866 : vector<128x128xf32>
    %min3A_877 = arith.minimumf %sub3A_875, %min3A_866 : vector<128x128xf32>
    %jit3A_878 = arith.constant 9 : i32
    %broadcast_in_dim3A_879 = vector.broadcast %jit3A_878 : i32 to vector<128x128xi32>
    %select_n3A_880 = arith.select %lt3A_876, %broadcast_in_dim3A_879, %select_n3A_869 : vector<128x128xi1>, vector<128x128xi32>
    %get3A_881 = arith.constant 0 : index
    %get3A_882 = arith.constant 1280 : index
    %get3A_883 = vector.load %arg7[%get3A_881, %get3A_882] : memref<1x8192xf32, #tpu.memory_space<vmem>>, vector<1x128xf32>
    %slice3A_884 = vector.extract_strided_slice %dot_general3A_858 {offsets = [0, 256], sizes = [128, 128], strides = [1, 1]} : vector<128x1024xf32> to vector<128x128xf32>
    %sub3A_885 = vector.broadcast %get3A_883 : vector<1x128xf32> to vector<128x128xf32>
    %sub3A_886 = arith.subf %sub3A_885, %slice3A_884 : vector<128x128xf32>
    %lt3A_887 = arith.cmpf olt, %sub3A_886, %min3A_877 : vector<128x128xf32>
    %min3A_888 = arith.minimumf %sub3A_886, %min3A_877 : vector<128x128xf32>
    %jit3A_889 = arith.constant 10 : i32
    %broadcast_in_dim3A_890 = vector.broadcast %jit3A_889 : i32 to vector<128x128xi32>
    %select_n3A_891 = arith.select %lt3A_887, %broadcast_in_dim3A_890, %select_n3A_880 : vector<128x128xi1>, vector<128x128xi32>
    %get3A_892 = arith.constant 0 : index
    %get3A_893 = arith.constant 1408 : index
    %get3A_894 = vector.load %arg7[%get3A_892, %get3A_893] : memref<1x8192xf32, #tpu.memory_space<vmem>>, vector<1x128xf32>
    %slice3A_895 = vector.extract_strided_slice %dot_general3A_858 {offsets = [0, 384], sizes = [128, 128], strides = [1, 1]} : vector<128x1024xf32> to vector<128x128xf32>
    %sub3A_896 = vector.broadcast %get3A_894 : vector<1x128xf32> to vector<128x128xf32>
    %sub3A_897 = arith.subf %sub3A_896, %slice3A_895 : vector<128x128xf32>
    %lt3A_898 = arith.cmpf olt, %sub3A_897, %min3A_888 : vector<128x128xf32>
    %min3A_899 = arith.minimumf %sub3A_897, %min3A_888 : vector<128x128xf32>
    %jit3A_900 = arith.constant 11 : i32
    %broadcast_in_dim3A_901 = vector.broadcast %jit3A_900 : i32 to vector<128x128xi32>
    %select_n3A_902 = arith.select %lt3A_898, %broadcast_in_dim3A_901, %select_n3A_891 : vector<128x128xi1>, vector<128x128xi32>
    %get3A_903 = arith.constant 0 : index
    %get3A_904 = arith.constant 1536 : index
    %get3A_905 = vector.load %arg7[%get3A_903, %get3A_904] : memref<1x8192xf32, #tpu.memory_space<vmem>>, vector<1x128xf32>
    %slice3A_906 = vector.extract_strided_slice %dot_general3A_858 {offsets = [0, 512], sizes = [128, 128], strides = [1, 1]} : vector<128x1024xf32> to vector<128x128xf32>
    %sub3A_907 = vector.broadcast %get3A_905 : vector<1x128xf32> to vector<128x128xf32>
    %sub3A_908 = arith.subf %sub3A_907, %slice3A_906 : vector<128x128xf32>
    %lt3A_909 = arith.cmpf olt, %sub3A_908, %min3A_899 : vector<128x128xf32>
    %min3A_910 = arith.minimumf %sub3A_908, %min3A_899 : vector<128x128xf32>
    %jit3A_911 = arith.constant 12 : i32
    %broadcast_in_dim3A_912 = vector.broadcast %jit3A_911 : i32 to vector<128x128xi32>
    %select_n3A_913 = arith.select %lt3A_909, %broadcast_in_dim3A_912, %select_n3A_902 : vector<128x128xi1>, vector<128x128xi32>
    %get3A_914 = arith.constant 0 : index
    %get3A_915 = arith.constant 1664 : index
    %get3A_916 = vector.load %arg7[%get3A_914, %get3A_915] : memref<1x8192xf32, #tpu.memory_space<vmem>>, vector<1x128xf32>
    %slice3A_917 = vector.extract_strided_slice %dot_general3A_858 {offsets = [0, 640], sizes = [128, 128], strides = [1, 1]} : vector<128x1024xf32> to vector<128x128xf32>
    %sub3A_918 = vector.broadcast %get3A_916 : vector<1x128xf32> to vector<128x128xf32>
    %sub3A_919 = arith.subf %sub3A_918, %slice3A_917 : vector<128x128xf32>
    %lt3A_920 = arith.cmpf olt, %sub3A_919, %min3A_910 : vector<128x128xf32>
    %min3A_921 = arith.minimumf %sub3A_919, %min3A_910 : vector<128x128xf32>
    %jit3A_922 = arith.constant 13 : i32
    %broadcast_in_dim3A_923 = vector.broadcast %jit3A_922 : i32 to vector<128x128xi32>
    %select_n3A_924 = arith.select %lt3A_920, %broadcast_in_dim3A_923, %select_n3A_913 : vector<128x128xi1>, vector<128x128xi32>
    %get3A_925 = arith.constant 0 : index
    %get3A_926 = arith.constant 1792 : index
    %get3A_927 = vector.load %arg7[%get3A_925, %get3A_926] : memref<1x8192xf32, #tpu.memory_space<vmem>>, vector<1x128xf32>
    %slice3A_928 = vector.extract_strided_slice %dot_general3A_858 {offsets = [0, 768], sizes = [128, 128], strides = [1, 1]} : vector<128x1024xf32> to vector<128x128xf32>
    %sub3A_929 = vector.broadcast %get3A_927 : vector<1x128xf32> to vector<128x128xf32>
    %sub3A_930 = arith.subf %sub3A_929, %slice3A_928 : vector<128x128xf32>
    %lt3A_931 = arith.cmpf olt, %sub3A_930, %min3A_921 : vector<128x128xf32>
    %min3A_932 = arith.minimumf %sub3A_930, %min3A_921 : vector<128x128xf32>
    %jit3A_933 = arith.constant 14 : i32
    %broadcast_in_dim3A_934 = vector.broadcast %jit3A_933 : i32 to vector<128x128xi32>
    %select_n3A_935 = arith.select %lt3A_931, %broadcast_in_dim3A_934, %select_n3A_924 : vector<128x128xi1>, vector<128x128xi32>
    %get3A_936 = arith.constant 0 : index
    %get3A_937 = arith.constant 1920 : index
    %get3A_938 = vector.load %arg7[%get3A_936, %get3A_937] : memref<1x8192xf32, #tpu.memory_space<vmem>>, vector<1x128xf32>
    %slice3A_939 = vector.extract_strided_slice %dot_general3A_858 {offsets = [0, 896], sizes = [128, 128], strides = [1, 1]} : vector<128x1024xf32> to vector<128x128xf32>
    %sub3A_940 = vector.broadcast %get3A_938 : vector<1x128xf32> to vector<128x128xf32>
    %sub3A_941 = arith.subf %sub3A_940, %slice3A_939 : vector<128x128xf32>
    %lt3A_942 = arith.cmpf olt, %sub3A_941, %min3A_932 : vector<128x128xf32>
    %min3A_943 = arith.minimumf %sub3A_941, %min3A_932 : vector<128x128xf32>
    %jit3A_944 = arith.constant 15 : i32
    %broadcast_in_dim3A_945 = vector.broadcast %jit3A_944 : i32 to vector<128x128xi32>
    %select_n3A_946 = arith.select %lt3A_942, %broadcast_in_dim3A_945, %select_n3A_935 : vector<128x128xi1>, vector<128x128xi32>
    %slice3A_947 = vector.extract_strided_slice %get3A_9 {offsets = [0, 2048], sizes = [256, 1024], strides = [1, 1]} : vector<256x8192xbf16> to vector<256x1024xbf16>
    %dot_general3A_948 = arith.constant dense<0.000000e+00> : vector<128x1024xf32>
    %dot_general3A_949 = tpu.matmul %slice3A_760, %slice3A_947, %dot_general3A_948 {dimension_numbers = #tpu.dot_dimension_numbers<[1], [0], [0], [1], [0, 0, 1, 1], [], []>, transpose_lhs_hint = false} : vector<128x256xbf16>, vector<256x1024xbf16>, vector<128x1024xf32> -> vector<128x1024xf32>
    %get3A_950 = arith.constant 0 : index
    %get3A_951 = arith.constant 2048 : index
    %get3A_952 = vector.load %arg7[%get3A_950, %get3A_951] : memref<1x8192xf32, #tpu.memory_space<vmem>>, vector<1x128xf32>
    %slice3A_953 = vector.extract_strided_slice %dot_general3A_949 {offsets = [0, 0], sizes = [128, 128], strides = [1, 1]} : vector<128x1024xf32> to vector<128x128xf32>
    %sub3A_954 = vector.broadcast %get3A_952 : vector<1x128xf32> to vector<128x128xf32>
    %sub3A_955 = arith.subf %sub3A_954, %slice3A_953 : vector<128x128xf32>
    %lt3A_956 = arith.cmpf olt, %sub3A_955, %min3A_943 : vector<128x128xf32>
    %min3A_957 = arith.minimumf %sub3A_955, %min3A_943 : vector<128x128xf32>
    %jit3A_958 = arith.constant 16 : i32
    %broadcast_in_dim3A_959 = vector.broadcast %jit3A_958 : i32 to vector<128x128xi32>
    %select_n3A_960 = arith.select %lt3A_956, %broadcast_in_dim3A_959, %select_n3A_946 : vector<128x128xi1>, vector<128x128xi32>
    %get3A_961 = arith.constant 0 : index
    %get3A_962 = arith.constant 2176 : index
    %get3A_963 = vector.load %arg7[%get3A_961, %get3A_962] : memref<1x8192xf32, #tpu.memory_space<vmem>>, vector<1x128xf32>
    %slice3A_964 = vector.extract_strided_slice %dot_general3A_949 {offsets = [0, 128], sizes = [128, 128], strides = [1, 1]} : vector<128x1024xf32> to vector<128x128xf32>
    %sub3A_965 = vector.broadcast %get3A_963 : vector<1x128xf32> to vector<128x128xf32>
    %sub3A_966 = arith.subf %sub3A_965, %slice3A_964 : vector<128x128xf32>
    %lt3A_967 = arith.cmpf olt, %sub3A_966, %min3A_957 : vector<128x128xf32>
    %min3A_968 = arith.minimumf %sub3A_966, %min3A_957 : vector<128x128xf32>
    %jit3A_969 = arith.constant 17 : i32
    %broadcast_in_dim3A_970 = vector.broadcast %jit3A_969 : i32 to vector<128x128xi32>
    %select_n3A_971 = arith.select %lt3A_967, %broadcast_in_dim3A_970, %select_n3A_960 : vector<128x128xi1>, vector<128x128xi32>
    %get3A_972 = arith.constant 0 : index
    %get3A_973 = arith.constant 2304 : index
    %get3A_974 = vector.load %arg7[%get3A_972, %get3A_973] : memref<1x8192xf32, #tpu.memory_space<vmem>>, vector<1x128xf32>
    %slice3A_975 = vector.extract_strided_slice %dot_general3A_949 {offsets = [0, 256], sizes = [128, 128], strides = [1, 1]} : vector<128x1024xf32> to vector<128x128xf32>
    %sub3A_976 = vector.broadcast %get3A_974 : vector<1x128xf32> to vector<128x128xf32>
    %sub3A_977 = arith.subf %sub3A_976, %slice3A_975 : vector<128x128xf32>
    %lt3A_978 = arith.cmpf olt, %sub3A_977, %min3A_968 : vector<128x128xf32>
    %min3A_979 = arith.minimumf %sub3A_977, %min3A_968 : vector<128x128xf32>
    %jit3A_980 = arith.constant 18 : i32
    %broadcast_in_dim3A_981 = vector.broadcast %jit3A_980 : i32 to vector<128x128xi32>
    %select_n3A_982 = arith.select %lt3A_978, %broadcast_in_dim3A_981, %select_n3A_971 : vector<128x128xi1>, vector<128x128xi32>
    %get3A_983 = arith.constant 0 : index
    %get3A_984 = arith.constant 2432 : index
    %get3A_985 = vector.load %arg7[%get3A_983, %get3A_984] : memref<1x8192xf32, #tpu.memory_space<vmem>>, vector<1x128xf32>
    %slice3A_986 = vector.extract_strided_slice %dot_general3A_949 {offsets = [0, 384], sizes = [128, 128], strides = [1, 1]} : vector<128x1024xf32> to vector<128x128xf32>
    %sub3A_987 = vector.broadcast %get3A_985 : vector<1x128xf32> to vector<128x128xf32>
    %sub3A_988 = arith.subf %sub3A_987, %slice3A_986 : vector<128x128xf32>
    %lt3A_989 = arith.cmpf olt, %sub3A_988, %min3A_979 : vector<128x128xf32>
    %min3A_990 = arith.minimumf %sub3A_988, %min3A_979 : vector<128x128xf32>
    %jit3A_991 = arith.constant 19 : i32
    %broadcast_in_dim3A_992 = vector.broadcast %jit3A_991 : i32 to vector<128x128xi32>
    %select_n3A_993 = arith.select %lt3A_989, %broadcast_in_dim3A_992, %select_n3A_982 : vector<128x128xi1>, vector<128x128xi32>
    %get3A_994 = arith.constant 0 : index
    %get3A_995 = arith.constant 2560 : index
    %get3A_996 = vector.load %arg7[%get3A_994, %get3A_995] : memref<1x8192xf32, #tpu.memory_space<vmem>>, vector<1x128xf32>
    %slice3A_997 = vector.extract_strided_slice %dot_general3A_949 {offsets = [0, 512], sizes = [128, 128], strides = [1, 1]} : vector<128x1024xf32> to vector<128x128xf32>
    %sub3A_998 = vector.broadcast %get3A_996 : vector<1x128xf32> to vector<128x128xf32>
    %sub3A_999 = arith.subf %sub3A_998, %slice3A_997 : vector<128x128xf32>
    %lt3A_1000 = arith.cmpf olt, %sub3A_999, %min3A_990 : vector<128x128xf32>
    %min3A_1001 = arith.minimumf %sub3A_999, %min3A_990 : vector<128x128xf32>
    %jit3A_1002 = arith.constant 20 : i32
    %broadcast_in_dim3A_1003 = vector.broadcast %jit3A_1002 : i32 to vector<128x128xi32>
    %select_n3A_1004 = arith.select %lt3A_1000, %broadcast_in_dim3A_1003, %select_n3A_993 : vector<128x128xi1>, vector<128x128xi32>
    %get3A_1005 = arith.constant 0 : index
    %get3A_1006 = arith.constant 2688 : index
    %get3A_1007 = vector.load %arg7[%get3A_1005, %get3A_1006] : memref<1x8192xf32, #tpu.memory_space<vmem>>, vector<1x128xf32>
    %slice3A_1008 = vector.extract_strided_slice %dot_general3A_949 {offsets = [0, 640], sizes = [128, 128], strides = [1, 1]} : vector<128x1024xf32> to vector<128x128xf32>
    %sub3A_1009 = vector.broadcast %get3A_1007 : vector<1x128xf32> to vector<128x128xf32>
    %sub3A_1010 = arith.subf %sub3A_1009, %slice3A_1008 : vector<128x128xf32>
    %lt3A_1011 = arith.cmpf olt, %sub3A_1010, %min3A_1001 : vector<128x128xf32>
    %min3A_1012 = arith.minimumf %sub3A_1010, %min3A_1001 : vector<128x128xf32>
    %jit3A_1013 = arith.constant 21 : i32
    %broadcast_in_dim3A_1014 = vector.broadcast %jit3A_1013 : i32 to vector<128x128xi32>
    %select_n3A_1015 = arith.select %lt3A_1011, %broadcast_in_dim3A_1014, %select_n3A_1004 : vector<128x128xi1>, vector<128x128xi32>
    %get3A_1016 = arith.constant 0 : index
    %get3A_1017 = arith.constant 2816 : index
    %get3A_1018 = vector.load %arg7[%get3A_1016, %get3A_1017] : memref<1x8192xf32, #tpu.memory_space<vmem>>, vector<1x128xf32>
    %slice3A_1019 = vector.extract_strided_slice %dot_general3A_949 {offsets = [0, 768], sizes = [128, 128], strides = [1, 1]} : vector<128x1024xf32> to vector<128x128xf32>
    %sub3A_1020 = vector.broadcast %get3A_1018 : vector<1x128xf32> to vector<128x128xf32>
    %sub3A_1021 = arith.subf %sub3A_1020, %slice3A_1019 : vector<128x128xf32>
    %lt3A_1022 = arith.cmpf olt, %sub3A_1021, %min3A_1012 : vector<128x128xf32>
    %min3A_1023 = arith.minimumf %sub3A_1021, %min3A_1012 : vector<128x128xf32>
    %jit3A_1024 = arith.constant 22 : i32
    %broadcast_in_dim3A_1025 = vector.broadcast %jit3A_1024 : i32 to vector<128x128xi32>
    %select_n3A_1026 = arith.select %lt3A_1022, %broadcast_in_dim3A_1025, %select_n3A_1015 : vector<128x128xi1>, vector<128x128xi32>
    %get3A_1027 = arith.constant 0 : index
    %get3A_1028 = arith.constant 2944 : index
    %get3A_1029 = vector.load %arg7[%get3A_1027, %get3A_1028] : memref<1x8192xf32, #tpu.memory_space<vmem>>, vector<1x128xf32>
    %slice3A_1030 = vector.extract_strided_slice %dot_general3A_949 {offsets = [0, 896], sizes = [128, 128], strides = [1, 1]} : vector<128x1024xf32> to vector<128x128xf32>
    %sub3A_1031 = vector.broadcast %get3A_1029 : vector<1x128xf32> to vector<128x128xf32>
    %sub3A_1032 = arith.subf %sub3A_1031, %slice3A_1030 : vector<128x128xf32>
    %lt3A_1033 = arith.cmpf olt, %sub3A_1032, %min3A_1023 : vector<128x128xf32>
    %min3A_1034 = arith.minimumf %sub3A_1032, %min3A_1023 : vector<128x128xf32>
    %jit3A_1035 = arith.constant 23 : i32
    %broadcast_in_dim3A_1036 = vector.broadcast %jit3A_1035 : i32 to vector<128x128xi32>
    %select_n3A_1037 = arith.select %lt3A_1033, %broadcast_in_dim3A_1036, %select_n3A_1026 : vector<128x128xi1>, vector<128x128xi32>
    %slice3A_1038 = vector.extract_strided_slice %get3A_9 {offsets = [0, 3072], sizes = [256, 1024], strides = [1, 1]} : vector<256x8192xbf16> to vector<256x1024xbf16>
    %dot_general3A_1039 = arith.constant dense<0.000000e+00> : vector<128x1024xf32>
    %dot_general3A_1040 = tpu.matmul %slice3A_760, %slice3A_1038, %dot_general3A_1039 {dimension_numbers = #tpu.dot_dimension_numbers<[1], [0], [0], [1], [0, 0, 1, 1], [], []>, transpose_lhs_hint = false} : vector<128x256xbf16>, vector<256x1024xbf16>, vector<128x1024xf32> -> vector<128x1024xf32>
    %get3A_1041 = arith.constant 0 : index
    %get3A_1042 = arith.constant 3072 : index
    %get3A_1043 = vector.load %arg7[%get3A_1041, %get3A_1042] : memref<1x8192xf32, #tpu.memory_space<vmem>>, vector<1x128xf32>
    %slice3A_1044 = vector.extract_strided_slice %dot_general3A_1040 {offsets = [0, 0], sizes = [128, 128], strides = [1, 1]} : vector<128x1024xf32> to vector<128x128xf32>
    %sub3A_1045 = vector.broadcast %get3A_1043 : vector<1x128xf32> to vector<128x128xf32>
    %sub3A_1046 = arith.subf %sub3A_1045, %slice3A_1044 : vector<128x128xf32>
    %lt3A_1047 = arith.cmpf olt, %sub3A_1046, %min3A_1034 : vector<128x128xf32>
    %min3A_1048 = arith.minimumf %sub3A_1046, %min3A_1034 : vector<128x128xf32>
    %jit3A_1049 = arith.constant 24 : i32
    %broadcast_in_dim3A_1050 = vector.broadcast %jit3A_1049 : i32 to vector<128x128xi32>
    %select_n3A_1051 = arith.select %lt3A_1047, %broadcast_in_dim3A_1050, %select_n3A_1037 : vector<128x128xi1>, vector<128x128xi32>
    %get3A_1052 = arith.constant 0 : index
    %get3A_1053 = arith.constant 3200 : index
    %get3A_1054 = vector.load %arg7[%get3A_1052, %get3A_1053] : memref<1x8192xf32, #tpu.memory_space<vmem>>, vector<1x128xf32>
    %slice3A_1055 = vector.extract_strided_slice %dot_general3A_1040 {offsets = [0, 128], sizes = [128, 128], strides = [1, 1]} : vector<128x1024xf32> to vector<128x128xf32>
    %sub3A_1056 = vector.broadcast %get3A_1054 : vector<1x128xf32> to vector<128x128xf32>
    %sub3A_1057 = arith.subf %sub3A_1056, %slice3A_1055 : vector<128x128xf32>
    %lt3A_1058 = arith.cmpf olt, %sub3A_1057, %min3A_1048 : vector<128x128xf32>
    %min3A_1059 = arith.minimumf %sub3A_1057, %min3A_1048 : vector<128x128xf32>
    %jit3A_1060 = arith.constant 25 : i32
    %broadcast_in_dim3A_1061 = vector.broadcast %jit3A_1060 : i32 to vector<128x128xi32>
    %select_n3A_1062 = arith.select %lt3A_1058, %broadcast_in_dim3A_1061, %select_n3A_1051 : vector<128x128xi1>, vector<128x128xi32>
    %get3A_1063 = arith.constant 0 : index
    %get3A_1064 = arith.constant 3328 : index
    %get3A_1065 = vector.load %arg7[%get3A_1063, %get3A_1064] : memref<1x8192xf32, #tpu.memory_space<vmem>>, vector<1x128xf32>
    %slice3A_1066 = vector.extract_strided_slice %dot_general3A_1040 {offsets = [0, 256], sizes = [128, 128], strides = [1, 1]} : vector<128x1024xf32> to vector<128x128xf32>
    %sub3A_1067 = vector.broadcast %get3A_1065 : vector<1x128xf32> to vector<128x128xf32>
    %sub3A_1068 = arith.subf %sub3A_1067, %slice3A_1066 : vector<128x128xf32>
    %lt3A_1069 = arith.cmpf olt, %sub3A_1068, %min3A_1059 : vector<128x128xf32>
    %min3A_1070 = arith.minimumf %sub3A_1068, %min3A_1059 : vector<128x128xf32>
    %jit3A_1071 = arith.constant 26 : i32
    %broadcast_in_dim3A_1072 = vector.broadcast %jit3A_1071 : i32 to vector<128x128xi32>
    %select_n3A_1073 = arith.select %lt3A_1069, %broadcast_in_dim3A_1072, %select_n3A_1062 : vector<128x128xi1>, vector<128x128xi32>
    %get3A_1074 = arith.constant 0 : index
    %get3A_1075 = arith.constant 3456 : index
    %get3A_1076 = vector.load %arg7[%get3A_1074, %get3A_1075] : memref<1x8192xf32, #tpu.memory_space<vmem>>, vector<1x128xf32>
    %slice3A_1077 = vector.extract_strided_slice %dot_general3A_1040 {offsets = [0, 384], sizes = [128, 128], strides = [1, 1]} : vector<128x1024xf32> to vector<128x128xf32>
    %sub3A_1078 = vector.broadcast %get3A_1076 : vector<1x128xf32> to vector<128x128xf32>
    %sub3A_1079 = arith.subf %sub3A_1078, %slice3A_1077 : vector<128x128xf32>
    %lt3A_1080 = arith.cmpf olt, %sub3A_1079, %min3A_1070 : vector<128x128xf32>
    %min3A_1081 = arith.minimumf %sub3A_1079, %min3A_1070 : vector<128x128xf32>
    %jit3A_1082 = arith.constant 27 : i32
    %broadcast_in_dim3A_1083 = vector.broadcast %jit3A_1082 : i32 to vector<128x128xi32>
    %select_n3A_1084 = arith.select %lt3A_1080, %broadcast_in_dim3A_1083, %select_n3A_1073 : vector<128x128xi1>, vector<128x128xi32>
    %get3A_1085 = arith.constant 0 : index
    %get3A_1086 = arith.constant 3584 : index
    %get3A_1087 = vector.load %arg7[%get3A_1085, %get3A_1086] : memref<1x8192xf32, #tpu.memory_space<vmem>>, vector<1x128xf32>
    %slice3A_1088 = vector.extract_strided_slice %dot_general3A_1040 {offsets = [0, 512], sizes = [128, 128], strides = [1, 1]} : vector<128x1024xf32> to vector<128x128xf32>
    %sub3A_1089 = vector.broadcast %get3A_1087 : vector<1x128xf32> to vector<128x128xf32>
    %sub3A_1090 = arith.subf %sub3A_1089, %slice3A_1088 : vector<128x128xf32>
    %lt3A_1091 = arith.cmpf olt, %sub3A_1090, %min3A_1081 : vector<128x128xf32>
    %min3A_1092 = arith.minimumf %sub3A_1090, %min3A_1081 : vector<128x128xf32>
    %jit3A_1093 = arith.constant 28 : i32
    %broadcast_in_dim3A_1094 = vector.broadcast %jit3A_1093 : i32 to vector<128x128xi32>
    %select_n3A_1095 = arith.select %lt3A_1091, %broadcast_in_dim3A_1094, %select_n3A_1084 : vector<128x128xi1>, vector<128x128xi32>
    %get3A_1096 = arith.constant 0 : index
    %get3A_1097 = arith.constant 3712 : index
    %get3A_1098 = vector.load %arg7[%get3A_1096, %get3A_1097] : memref<1x8192xf32, #tpu.memory_space<vmem>>, vector<1x128xf32>
    %slice3A_1099 = vector.extract_strided_slice %dot_general3A_1040 {offsets = [0, 640], sizes = [128, 128], strides = [1, 1]} : vector<128x1024xf32> to vector<128x128xf32>
    %sub3A_1100 = vector.broadcast %get3A_1098 : vector<1x128xf32> to vector<128x128xf32>
    %sub3A_1101 = arith.subf %sub3A_1100, %slice3A_1099 : vector<128x128xf32>
    %lt3A_1102 = arith.cmpf olt, %sub3A_1101, %min3A_1092 : vector<128x128xf32>
    %min3A_1103 = arith.minimumf %sub3A_1101, %min3A_1092 : vector<128x128xf32>
    %jit3A_1104 = arith.constant 29 : i32
    %broadcast_in_dim3A_1105 = vector.broadcast %jit3A_1104 : i32 to vector<128x128xi32>
    %select_n3A_1106 = arith.select %lt3A_1102, %broadcast_in_dim3A_1105, %select_n3A_1095 : vector<128x128xi1>, vector<128x128xi32>
    %get3A_1107 = arith.constant 0 : index
    %get3A_1108 = arith.constant 3840 : index
    %get3A_1109 = vector.load %arg7[%get3A_1107, %get3A_1108] : memref<1x8192xf32, #tpu.memory_space<vmem>>, vector<1x128xf32>
    %slice3A_1110 = vector.extract_strided_slice %dot_general3A_1040 {offsets = [0, 768], sizes = [128, 128], strides = [1, 1]} : vector<128x1024xf32> to vector<128x128xf32>
    %sub3A_1111 = vector.broadcast %get3A_1109 : vector<1x128xf32> to vector<128x128xf32>
    %sub3A_1112 = arith.subf %sub3A_1111, %slice3A_1110 : vector<128x128xf32>
    %lt3A_1113 = arith.cmpf olt, %sub3A_1112, %min3A_1103 : vector<128x128xf32>
    %min3A_1114 = arith.minimumf %sub3A_1112, %min3A_1103 : vector<128x128xf32>
    %jit3A_1115 = arith.constant 30 : i32
    %broadcast_in_dim3A_1116 = vector.broadcast %jit3A_1115 : i32 to vector<128x128xi32>
    %select_n3A_1117 = arith.select %lt3A_1113, %broadcast_in_dim3A_1116, %select_n3A_1106 : vector<128x128xi1>, vector<128x128xi32>
    %get3A_1118 = arith.constant 0 : index
    %get3A_1119 = arith.constant 3968 : index
    %get3A_1120 = vector.load %arg7[%get3A_1118, %get3A_1119] : memref<1x8192xf32, #tpu.memory_space<vmem>>, vector<1x128xf32>
    %slice3A_1121 = vector.extract_strided_slice %dot_general3A_1040 {offsets = [0, 896], sizes = [128, 128], strides = [1, 1]} : vector<128x1024xf32> to vector<128x128xf32>
    %sub3A_1122 = vector.broadcast %get3A_1120 : vector<1x128xf32> to vector<128x128xf32>
    %sub3A_1123 = arith.subf %sub3A_1122, %slice3A_1121 : vector<128x128xf32>
    %lt3A_1124 = arith.cmpf olt, %sub3A_1123, %min3A_1114 : vector<128x128xf32>
    %min3A_1125 = arith.minimumf %sub3A_1123, %min3A_1114 : vector<128x128xf32>
    %jit3A_1126 = arith.constant 31 : i32
    %broadcast_in_dim3A_1127 = vector.broadcast %jit3A_1126 : i32 to vector<128x128xi32>
    %select_n3A_1128 = arith.select %lt3A_1124, %broadcast_in_dim3A_1127, %select_n3A_1117 : vector<128x128xi1>, vector<128x128xi32>
    %slice3A_1129 = vector.extract_strided_slice %get3A_9 {offsets = [0, 4096], sizes = [256, 1024], strides = [1, 1]} : vector<256x8192xbf16> to vector<256x1024xbf16>
    %dot_general3A_1130 = arith.constant dense<0.000000e+00> : vector<128x1024xf32>
    %dot_general3A_1131 = tpu.matmul %slice3A_760, %slice3A_1129, %dot_general3A_1130 {dimension_numbers = #tpu.dot_dimension_numbers<[1], [0], [0], [1], [0, 0, 1, 1], [], []>, transpose_lhs_hint = false} : vector<128x256xbf16>, vector<256x1024xbf16>, vector<128x1024xf32> -> vector<128x1024xf32>
    %get3A_1132 = arith.constant 0 : index
    %get3A_1133 = arith.constant 4096 : index
    %get3A_1134 = vector.load %arg7[%get3A_1132, %get3A_1133] : memref<1x8192xf32, #tpu.memory_space<vmem>>, vector<1x128xf32>
    %slice3A_1135 = vector.extract_strided_slice %dot_general3A_1131 {offsets = [0, 0], sizes = [128, 128], strides = [1, 1]} : vector<128x1024xf32> to vector<128x128xf32>
    %sub3A_1136 = vector.broadcast %get3A_1134 : vector<1x128xf32> to vector<128x128xf32>
    %sub3A_1137 = arith.subf %sub3A_1136, %slice3A_1135 : vector<128x128xf32>
    %lt3A_1138 = arith.cmpf olt, %sub3A_1137, %min3A_1125 : vector<128x128xf32>
    %min3A_1139 = arith.minimumf %sub3A_1137, %min3A_1125 : vector<128x128xf32>
    %jit3A_1140 = arith.constant 32 : i32
    %broadcast_in_dim3A_1141 = vector.broadcast %jit3A_1140 : i32 to vector<128x128xi32>
    %select_n3A_1142 = arith.select %lt3A_1138, %broadcast_in_dim3A_1141, %select_n3A_1128 : vector<128x128xi1>, vector<128x128xi32>
    %get3A_1143 = arith.constant 0 : index
    %get3A_1144 = arith.constant 4224 : index
    %get3A_1145 = vector.load %arg7[%get3A_1143, %get3A_1144] : memref<1x8192xf32, #tpu.memory_space<vmem>>, vector<1x128xf32>
    %slice3A_1146 = vector.extract_strided_slice %dot_general3A_1131 {offsets = [0, 128], sizes = [128, 128], strides = [1, 1]} : vector<128x1024xf32> to vector<128x128xf32>
    %sub3A_1147 = vector.broadcast %get3A_1145 : vector<1x128xf32> to vector<128x128xf32>
    %sub3A_1148 = arith.subf %sub3A_1147, %slice3A_1146 : vector<128x128xf32>
    %lt3A_1149 = arith.cmpf olt, %sub3A_1148, %min3A_1139 : vector<128x128xf32>
    %min3A_1150 = arith.minimumf %sub3A_1148, %min3A_1139 : vector<128x128xf32>
    %jit3A_1151 = arith.constant 33 : i32
    %broadcast_in_dim3A_1152 = vector.broadcast %jit3A_1151 : i32 to vector<128x128xi32>
    %select_n3A_1153 = arith.select %lt3A_1149, %broadcast_in_dim3A_1152, %select_n3A_1142 : vector<128x128xi1>, vector<128x128xi32>
    %get3A_1154 = arith.constant 0 : index
    %get3A_1155 = arith.constant 4352 : index
    %get3A_1156 = vector.load %arg7[%get3A_1154, %get3A_1155] : memref<1x8192xf32, #tpu.memory_space<vmem>>, vector<1x128xf32>
    %slice3A_1157 = vector.extract_strided_slice %dot_general3A_1131 {offsets = [0, 256], sizes = [128, 128], strides = [1, 1]} : vector<128x1024xf32> to vector<128x128xf32>
    %sub3A_1158 = vector.broadcast %get3A_1156 : vector<1x128xf32> to vector<128x128xf32>
    %sub3A_1159 = arith.subf %sub3A_1158, %slice3A_1157 : vector<128x128xf32>
    %lt3A_1160 = arith.cmpf olt, %sub3A_1159, %min3A_1150 : vector<128x128xf32>
    %min3A_1161 = arith.minimumf %sub3A_1159, %min3A_1150 : vector<128x128xf32>
    %jit3A_1162 = arith.constant 34 : i32
    %broadcast_in_dim3A_1163 = vector.broadcast %jit3A_1162 : i32 to vector<128x128xi32>
    %select_n3A_1164 = arith.select %lt3A_1160, %broadcast_in_dim3A_1163, %select_n3A_1153 : vector<128x128xi1>, vector<128x128xi32>
    %get3A_1165 = arith.constant 0 : index
    %get3A_1166 = arith.constant 4480 : index
    %get3A_1167 = vector.load %arg7[%get3A_1165, %get3A_1166] : memref<1x8192xf32, #tpu.memory_space<vmem>>, vector<1x128xf32>
    %slice3A_1168 = vector.extract_strided_slice %dot_general3A_1131 {offsets = [0, 384], sizes = [128, 128], strides = [1, 1]} : vector<128x1024xf32> to vector<128x128xf32>
    %sub3A_1169 = vector.broadcast %get3A_1167 : vector<1x128xf32> to vector<128x128xf32>
    %sub3A_1170 = arith.subf %sub3A_1169, %slice3A_1168 : vector<128x128xf32>
    %lt3A_1171 = arith.cmpf olt, %sub3A_1170, %min3A_1161 : vector<128x128xf32>
    %min3A_1172 = arith.minimumf %sub3A_1170, %min3A_1161 : vector<128x128xf32>
    %jit3A_1173 = arith.constant 35 : i32
    %broadcast_in_dim3A_1174 = vector.broadcast %jit3A_1173 : i32 to vector<128x128xi32>
    %select_n3A_1175 = arith.select %lt3A_1171, %broadcast_in_dim3A_1174, %select_n3A_1164 : vector<128x128xi1>, vector<128x128xi32>
    %get3A_1176 = arith.constant 0 : index
    %get3A_1177 = arith.constant 4608 : index
    %get3A_1178 = vector.load %arg7[%get3A_1176, %get3A_1177] : memref<1x8192xf32, #tpu.memory_space<vmem>>, vector<1x128xf32>
    %slice3A_1179 = vector.extract_strided_slice %dot_general3A_1131 {offsets = [0, 512], sizes = [128, 128], strides = [1, 1]} : vector<128x1024xf32> to vector<128x128xf32>
    %sub3A_1180 = vector.broadcast %get3A_1178 : vector<1x128xf32> to vector<128x128xf32>
    %sub3A_1181 = arith.subf %sub3A_1180, %slice3A_1179 : vector<128x128xf32>
    %lt3A_1182 = arith.cmpf olt, %sub3A_1181, %min3A_1172 : vector<128x128xf32>
    %min3A_1183 = arith.minimumf %sub3A_1181, %min3A_1172 : vector<128x128xf32>
    %jit3A_1184 = arith.constant 36 : i32
    %broadcast_in_dim3A_1185 = vector.broadcast %jit3A_1184 : i32 to vector<128x128xi32>
    %select_n3A_1186 = arith.select %lt3A_1182, %broadcast_in_dim3A_1185, %select_n3A_1175 : vector<128x128xi1>, vector<128x128xi32>
    %get3A_1187 = arith.constant 0 : index
    %get3A_1188 = arith.constant 4736 : index
    %get3A_1189 = vector.load %arg7[%get3A_1187, %get3A_1188] : memref<1x8192xf32, #tpu.memory_space<vmem>>, vector<1x128xf32>
    %slice3A_1190 = vector.extract_strided_slice %dot_general3A_1131 {offsets = [0, 640], sizes = [128, 128], strides = [1, 1]} : vector<128x1024xf32> to vector<128x128xf32>
    %sub3A_1191 = vector.broadcast %get3A_1189 : vector<1x128xf32> to vector<128x128xf32>
    %sub3A_1192 = arith.subf %sub3A_1191, %slice3A_1190 : vector<128x128xf32>
    %lt3A_1193 = arith.cmpf olt, %sub3A_1192, %min3A_1183 : vector<128x128xf32>
    %min3A_1194 = arith.minimumf %sub3A_1192, %min3A_1183 : vector<128x128xf32>
    %jit3A_1195 = arith.constant 37 : i32
    %broadcast_in_dim3A_1196 = vector.broadcast %jit3A_1195 : i32 to vector<128x128xi32>
    %select_n3A_1197 = arith.select %lt3A_1193, %broadcast_in_dim3A_1196, %select_n3A_1186 : vector<128x128xi1>, vector<128x128xi32>
    %get3A_1198 = arith.constant 0 : index
    %get3A_1199 = arith.constant 4864 : index
    %get3A_1200 = vector.load %arg7[%get3A_1198, %get3A_1199] : memref<1x8192xf32, #tpu.memory_space<vmem>>, vector<1x128xf32>
    %slice3A_1201 = vector.extract_strided_slice %dot_general3A_1131 {offsets = [0, 768], sizes = [128, 128], strides = [1, 1]} : vector<128x1024xf32> to vector<128x128xf32>
    %sub3A_1202 = vector.broadcast %get3A_1200 : vector<1x128xf32> to vector<128x128xf32>
    %sub3A_1203 = arith.subf %sub3A_1202, %slice3A_1201 : vector<128x128xf32>
    %lt3A_1204 = arith.cmpf olt, %sub3A_1203, %min3A_1194 : vector<128x128xf32>
    %min3A_1205 = arith.minimumf %sub3A_1203, %min3A_1194 : vector<128x128xf32>
    %jit3A_1206 = arith.constant 38 : i32
    %broadcast_in_dim3A_1207 = vector.broadcast %jit3A_1206 : i32 to vector<128x128xi32>
    %select_n3A_1208 = arith.select %lt3A_1204, %broadcast_in_dim3A_1207, %select_n3A_1197 : vector<128x128xi1>, vector<128x128xi32>
    %get3A_1209 = arith.constant 0 : index
    %get3A_1210 = arith.constant 4992 : index
    %get3A_1211 = vector.load %arg7[%get3A_1209, %get3A_1210] : memref<1x8192xf32, #tpu.memory_space<vmem>>, vector<1x128xf32>
    %slice3A_1212 = vector.extract_strided_slice %dot_general3A_1131 {offsets = [0, 896], sizes = [128, 128], strides = [1, 1]} : vector<128x1024xf32> to vector<128x128xf32>
    %sub3A_1213 = vector.broadcast %get3A_1211 : vector<1x128xf32> to vector<128x128xf32>
    %sub3A_1214 = arith.subf %sub3A_1213, %slice3A_1212 : vector<128x128xf32>
    %lt3A_1215 = arith.cmpf olt, %sub3A_1214, %min3A_1205 : vector<128x128xf32>
    %min3A_1216 = arith.minimumf %sub3A_1214, %min3A_1205 : vector<128x128xf32>
    %jit3A_1217 = arith.constant 39 : i32
    %broadcast_in_dim3A_1218 = vector.broadcast %jit3A_1217 : i32 to vector<128x128xi32>
    %select_n3A_1219 = arith.select %lt3A_1215, %broadcast_in_dim3A_1218, %select_n3A_1208 : vector<128x128xi1>, vector<128x128xi32>
    %slice3A_1220 = vector.extract_strided_slice %get3A_9 {offsets = [0, 5120], sizes = [256, 1024], strides = [1, 1]} : vector<256x8192xbf16> to vector<256x1024xbf16>
    %dot_general3A_1221 = arith.constant dense<0.000000e+00> : vector<128x1024xf32>
    %dot_general3A_1222 = tpu.matmul %slice3A_760, %slice3A_1220, %dot_general3A_1221 {dimension_numbers = #tpu.dot_dimension_numbers<[1], [0], [0], [1], [0, 0, 1, 1], [], []>, transpose_lhs_hint = false} : vector<128x256xbf16>, vector<256x1024xbf16>, vector<128x1024xf32> -> vector<128x1024xf32>
    %get3A_1223 = arith.constant 0 : index
    %get3A_1224 = arith.constant 5120 : index
    %get3A_1225 = vector.load %arg7[%get3A_1223, %get3A_1224] : memref<1x8192xf32, #tpu.memory_space<vmem>>, vector<1x128xf32>
    %slice3A_1226 = vector.extract_strided_slice %dot_general3A_1222 {offsets = [0, 0], sizes = [128, 128], strides = [1, 1]} : vector<128x1024xf32> to vector<128x128xf32>
    %sub3A_1227 = vector.broadcast %get3A_1225 : vector<1x128xf32> to vector<128x128xf32>
    %sub3A_1228 = arith.subf %sub3A_1227, %slice3A_1226 : vector<128x128xf32>
    %lt3A_1229 = arith.cmpf olt, %sub3A_1228, %min3A_1216 : vector<128x128xf32>
    %min3A_1230 = arith.minimumf %sub3A_1228, %min3A_1216 : vector<128x128xf32>
    %jit3A_1231 = arith.constant 40 : i32
    %broadcast_in_dim3A_1232 = vector.broadcast %jit3A_1231 : i32 to vector<128x128xi32>
    %select_n3A_1233 = arith.select %lt3A_1229, %broadcast_in_dim3A_1232, %select_n3A_1219 : vector<128x128xi1>, vector<128x128xi32>
    %get3A_1234 = arith.constant 0 : index
    %get3A_1235 = arith.constant 5248 : index
    %get3A_1236 = vector.load %arg7[%get3A_1234, %get3A_1235] : memref<1x8192xf32, #tpu.memory_space<vmem>>, vector<1x128xf32>
    %slice3A_1237 = vector.extract_strided_slice %dot_general3A_1222 {offsets = [0, 128], sizes = [128, 128], strides = [1, 1]} : vector<128x1024xf32> to vector<128x128xf32>
    %sub3A_1238 = vector.broadcast %get3A_1236 : vector<1x128xf32> to vector<128x128xf32>
    %sub3A_1239 = arith.subf %sub3A_1238, %slice3A_1237 : vector<128x128xf32>
    %lt3A_1240 = arith.cmpf olt, %sub3A_1239, %min3A_1230 : vector<128x128xf32>
    %min3A_1241 = arith.minimumf %sub3A_1239, %min3A_1230 : vector<128x128xf32>
    %jit3A_1242 = arith.constant 41 : i32
    %broadcast_in_dim3A_1243 = vector.broadcast %jit3A_1242 : i32 to vector<128x128xi32>
    %select_n3A_1244 = arith.select %lt3A_1240, %broadcast_in_dim3A_1243, %select_n3A_1233 : vector<128x128xi1>, vector<128x128xi32>
    %get3A_1245 = arith.constant 0 : index
    %get3A_1246 = arith.constant 5376 : index
    %get3A_1247 = vector.load %arg7[%get3A_1245, %get3A_1246] : memref<1x8192xf32, #tpu.memory_space<vmem>>, vector<1x128xf32>
    %slice3A_1248 = vector.extract_strided_slice %dot_general3A_1222 {offsets = [0, 256], sizes = [128, 128], strides = [1, 1]} : vector<128x1024xf32> to vector<128x128xf32>
    %sub3A_1249 = vector.broadcast %get3A_1247 : vector<1x128xf32> to vector<128x128xf32>
    %sub3A_1250 = arith.subf %sub3A_1249, %slice3A_1248 : vector<128x128xf32>
    %lt3A_1251 = arith.cmpf olt, %sub3A_1250, %min3A_1241 : vector<128x128xf32>
    %min3A_1252 = arith.minimumf %sub3A_1250, %min3A_1241 : vector<128x128xf32>
    %jit3A_1253 = arith.constant 42 : i32
    %broadcast_in_dim3A_1254 = vector.broadcast %jit3A_1253 : i32 to vector<128x128xi32>
    %select_n3A_1255 = arith.select %lt3A_1251, %broadcast_in_dim3A_1254, %select_n3A_1244 : vector<128x128xi1>, vector<128x128xi32>
    %get3A_1256 = arith.constant 0 : index
    %get3A_1257 = arith.constant 5504 : index
    %get3A_1258 = vector.load %arg7[%get3A_1256, %get3A_1257] : memref<1x8192xf32, #tpu.memory_space<vmem>>, vector<1x128xf32>
    %slice3A_1259 = vector.extract_strided_slice %dot_general3A_1222 {offsets = [0, 384], sizes = [128, 128], strides = [1, 1]} : vector<128x1024xf32> to vector<128x128xf32>
    %sub3A_1260 = vector.broadcast %get3A_1258 : vector<1x128xf32> to vector<128x128xf32>
    %sub3A_1261 = arith.subf %sub3A_1260, %slice3A_1259 : vector<128x128xf32>
    %lt3A_1262 = arith.cmpf olt, %sub3A_1261, %min3A_1252 : vector<128x128xf32>
    %min3A_1263 = arith.minimumf %sub3A_1261, %min3A_1252 : vector<128x128xf32>
    %jit3A_1264 = arith.constant 43 : i32
    %broadcast_in_dim3A_1265 = vector.broadcast %jit3A_1264 : i32 to vector<128x128xi32>
    %select_n3A_1266 = arith.select %lt3A_1262, %broadcast_in_dim3A_1265, %select_n3A_1255 : vector<128x128xi1>, vector<128x128xi32>
    %get3A_1267 = arith.constant 0 : index
    %get3A_1268 = arith.constant 5632 : index
    %get3A_1269 = vector.load %arg7[%get3A_1267, %get3A_1268] : memref<1x8192xf32, #tpu.memory_space<vmem>>, vector<1x128xf32>
    %slice3A_1270 = vector.extract_strided_slice %dot_general3A_1222 {offsets = [0, 512], sizes = [128, 128], strides = [1, 1]} : vector<128x1024xf32> to vector<128x128xf32>
    %sub3A_1271 = vector.broadcast %get3A_1269 : vector<1x128xf32> to vector<128x128xf32>
    %sub3A_1272 = arith.subf %sub3A_1271, %slice3A_1270 : vector<128x128xf32>
    %lt3A_1273 = arith.cmpf olt, %sub3A_1272, %min3A_1263 : vector<128x128xf32>
    %min3A_1274 = arith.minimumf %sub3A_1272, %min3A_1263 : vector<128x128xf32>
    %jit3A_1275 = arith.constant 44 : i32
    %broadcast_in_dim3A_1276 = vector.broadcast %jit3A_1275 : i32 to vector<128x128xi32>
    %select_n3A_1277 = arith.select %lt3A_1273, %broadcast_in_dim3A_1276, %select_n3A_1266 : vector<128x128xi1>, vector<128x128xi32>
    %get3A_1278 = arith.constant 0 : index
    %get3A_1279 = arith.constant 5760 : index
    %get3A_1280 = vector.load %arg7[%get3A_1278, %get3A_1279] : memref<1x8192xf32, #tpu.memory_space<vmem>>, vector<1x128xf32>
    %slice3A_1281 = vector.extract_strided_slice %dot_general3A_1222 {offsets = [0, 640], sizes = [128, 128], strides = [1, 1]} : vector<128x1024xf32> to vector<128x128xf32>
    %sub3A_1282 = vector.broadcast %get3A_1280 : vector<1x128xf32> to vector<128x128xf32>
    %sub3A_1283 = arith.subf %sub3A_1282, %slice3A_1281 : vector<128x128xf32>
    %lt3A_1284 = arith.cmpf olt, %sub3A_1283, %min3A_1274 : vector<128x128xf32>
    %min3A_1285 = arith.minimumf %sub3A_1283, %min3A_1274 : vector<128x128xf32>
    %jit3A_1286 = arith.constant 45 : i32
    %broadcast_in_dim3A_1287 = vector.broadcast %jit3A_1286 : i32 to vector<128x128xi32>
    %select_n3A_1288 = arith.select %lt3A_1284, %broadcast_in_dim3A_1287, %select_n3A_1277 : vector<128x128xi1>, vector<128x128xi32>
    %get3A_1289 = arith.constant 0 : index
    %get3A_1290 = arith.constant 5888 : index
    %get3A_1291 = vector.load %arg7[%get3A_1289, %get3A_1290] : memref<1x8192xf32, #tpu.memory_space<vmem>>, vector<1x128xf32>
    %slice3A_1292 = vector.extract_strided_slice %dot_general3A_1222 {offsets = [0, 768], sizes = [128, 128], strides = [1, 1]} : vector<128x1024xf32> to vector<128x128xf32>
    %sub3A_1293 = vector.broadcast %get3A_1291 : vector<1x128xf32> to vector<128x128xf32>
    %sub3A_1294 = arith.subf %sub3A_1293, %slice3A_1292 : vector<128x128xf32>
    %lt3A_1295 = arith.cmpf olt, %sub3A_1294, %min3A_1285 : vector<128x128xf32>
    %min3A_1296 = arith.minimumf %sub3A_1294, %min3A_1285 : vector<128x128xf32>
    %jit3A_1297 = arith.constant 46 : i32
    %broadcast_in_dim3A_1298 = vector.broadcast %jit3A_1297 : i32 to vector<128x128xi32>
    %select_n3A_1299 = arith.select %lt3A_1295, %broadcast_in_dim3A_1298, %select_n3A_1288 : vector<128x128xi1>, vector<128x128xi32>
    %get3A_1300 = arith.constant 0 : index
    %get3A_1301 = arith.constant 6016 : index
    %get3A_1302 = vector.load %arg7[%get3A_1300, %get3A_1301] : memref<1x8192xf32, #tpu.memory_space<vmem>>, vector<1x128xf32>
    %slice3A_1303 = vector.extract_strided_slice %dot_general3A_1222 {offsets = [0, 896], sizes = [128, 128], strides = [1, 1]} : vector<128x1024xf32> to vector<128x128xf32>
    %sub3A_1304 = vector.broadcast %get3A_1302 : vector<1x128xf32> to vector<128x128xf32>
    %sub3A_1305 = arith.subf %sub3A_1304, %slice3A_1303 : vector<128x128xf32>
    %lt3A_1306 = arith.cmpf olt, %sub3A_1305, %min3A_1296 : vector<128x128xf32>
    %min3A_1307 = arith.minimumf %sub3A_1305, %min3A_1296 : vector<128x128xf32>
    %jit3A_1308 = arith.constant 47 : i32
    %broadcast_in_dim3A_1309 = vector.broadcast %jit3A_1308 : i32 to vector<128x128xi32>
    %select_n3A_1310 = arith.select %lt3A_1306, %broadcast_in_dim3A_1309, %select_n3A_1299 : vector<128x128xi1>, vector<128x128xi32>
    %slice3A_1311 = vector.extract_strided_slice %get3A_9 {offsets = [0, 6144], sizes = [256, 1024], strides = [1, 1]} : vector<256x8192xbf16> to vector<256x1024xbf16>
    %dot_general3A_1312 = arith.constant dense<0.000000e+00> : vector<128x1024xf32>
    %dot_general3A_1313 = tpu.matmul %slice3A_760, %slice3A_1311, %dot_general3A_1312 {dimension_numbers = #tpu.dot_dimension_numbers<[1], [0], [0], [1], [0, 0, 1, 1], [], []>, transpose_lhs_hint = false} : vector<128x256xbf16>, vector<256x1024xbf16>, vector<128x1024xf32> -> vector<128x1024xf32>
    %get3A_1314 = arith.constant 0 : index
    %get3A_1315 = arith.constant 6144 : index
    %get3A_1316 = vector.load %arg7[%get3A_1314, %get3A_1315] : memref<1x8192xf32, #tpu.memory_space<vmem>>, vector<1x128xf32>
    %slice3A_1317 = vector.extract_strided_slice %dot_general3A_1313 {offsets = [0, 0], sizes = [128, 128], strides = [1, 1]} : vector<128x1024xf32> to vector<128x128xf32>
    %sub3A_1318 = vector.broadcast %get3A_1316 : vector<1x128xf32> to vector<128x128xf32>
    %sub3A_1319 = arith.subf %sub3A_1318, %slice3A_1317 : vector<128x128xf32>
    %lt3A_1320 = arith.cmpf olt, %sub3A_1319, %min3A_1307 : vector<128x128xf32>
    %min3A_1321 = arith.minimumf %sub3A_1319, %min3A_1307 : vector<128x128xf32>
    %jit3A_1322 = arith.constant 48 : i32
    %broadcast_in_dim3A_1323 = vector.broadcast %jit3A_1322 : i32 to vector<128x128xi32>
    %select_n3A_1324 = arith.select %lt3A_1320, %broadcast_in_dim3A_1323, %select_n3A_1310 : vector<128x128xi1>, vector<128x128xi32>
    %get3A_1325 = arith.constant 0 : index
    %get3A_1326 = arith.constant 6272 : index
    %get3A_1327 = vector.load %arg7[%get3A_1325, %get3A_1326] : memref<1x8192xf32, #tpu.memory_space<vmem>>, vector<1x128xf32>
    %slice3A_1328 = vector.extract_strided_slice %dot_general3A_1313 {offsets = [0, 128], sizes = [128, 128], strides = [1, 1]} : vector<128x1024xf32> to vector<128x128xf32>
    %sub3A_1329 = vector.broadcast %get3A_1327 : vector<1x128xf32> to vector<128x128xf32>
    %sub3A_1330 = arith.subf %sub3A_1329, %slice3A_1328 : vector<128x128xf32>
    %lt3A_1331 = arith.cmpf olt, %sub3A_1330, %min3A_1321 : vector<128x128xf32>
    %min3A_1332 = arith.minimumf %sub3A_1330, %min3A_1321 : vector<128x128xf32>
    %jit3A_1333 = arith.constant 49 : i32
    %broadcast_in_dim3A_1334 = vector.broadcast %jit3A_1333 : i32 to vector<128x128xi32>
    %select_n3A_1335 = arith.select %lt3A_1331, %broadcast_in_dim3A_1334, %select_n3A_1324 : vector<128x128xi1>, vector<128x128xi32>
    %get3A_1336 = arith.constant 0 : index
    %get3A_1337 = arith.constant 6400 : index
    %get3A_1338 = vector.load %arg7[%get3A_1336, %get3A_1337] : memref<1x8192xf32, #tpu.memory_space<vmem>>, vector<1x128xf32>
    %slice3A_1339 = vector.extract_strided_slice %dot_general3A_1313 {offsets = [0, 256], sizes = [128, 128], strides = [1, 1]} : vector<128x1024xf32> to vector<128x128xf32>
    %sub3A_1340 = vector.broadcast %get3A_1338 : vector<1x128xf32> to vector<128x128xf32>
    %sub3A_1341 = arith.subf %sub3A_1340, %slice3A_1339 : vector<128x128xf32>
    %lt3A_1342 = arith.cmpf olt, %sub3A_1341, %min3A_1332 : vector<128x128xf32>
    %min3A_1343 = arith.minimumf %sub3A_1341, %min3A_1332 : vector<128x128xf32>
    %jit3A_1344 = arith.constant 50 : i32
    %broadcast_in_dim3A_1345 = vector.broadcast %jit3A_1344 : i32 to vector<128x128xi32>
    %select_n3A_1346 = arith.select %lt3A_1342, %broadcast_in_dim3A_1345, %select_n3A_1335 : vector<128x128xi1>, vector<128x128xi32>
    %get3A_1347 = arith.constant 0 : index
    %get3A_1348 = arith.constant 6528 : index
    %get3A_1349 = vector.load %arg7[%get3A_1347, %get3A_1348] : memref<1x8192xf32, #tpu.memory_space<vmem>>, vector<1x128xf32>
    %slice3A_1350 = vector.extract_strided_slice %dot_general3A_1313 {offsets = [0, 384], sizes = [128, 128], strides = [1, 1]} : vector<128x1024xf32> to vector<128x128xf32>
    %sub3A_1351 = vector.broadcast %get3A_1349 : vector<1x128xf32> to vector<128x128xf32>
    %sub3A_1352 = arith.subf %sub3A_1351, %slice3A_1350 : vector<128x128xf32>
    %lt3A_1353 = arith.cmpf olt, %sub3A_1352, %min3A_1343 : vector<128x128xf32>
    %min3A_1354 = arith.minimumf %sub3A_1352, %min3A_1343 : vector<128x128xf32>
    %jit3A_1355 = arith.constant 51 : i32
    %broadcast_in_dim3A_1356 = vector.broadcast %jit3A_1355 : i32 to vector<128x128xi32>
    %select_n3A_1357 = arith.select %lt3A_1353, %broadcast_in_dim3A_1356, %select_n3A_1346 : vector<128x128xi1>, vector<128x128xi32>
    %get3A_1358 = arith.constant 0 : index
    %get3A_1359 = arith.constant 6656 : index
    %get3A_1360 = vector.load %arg7[%get3A_1358, %get3A_1359] : memref<1x8192xf32, #tpu.memory_space<vmem>>, vector<1x128xf32>
    %slice3A_1361 = vector.extract_strided_slice %dot_general3A_1313 {offsets = [0, 512], sizes = [128, 128], strides = [1, 1]} : vector<128x1024xf32> to vector<128x128xf32>
    %sub3A_1362 = vector.broadcast %get3A_1360 : vector<1x128xf32> to vector<128x128xf32>
    %sub3A_1363 = arith.subf %sub3A_1362, %slice3A_1361 : vector<128x128xf32>
    %lt3A_1364 = arith.cmpf olt, %sub3A_1363, %min3A_1354 : vector<128x128xf32>
    %min3A_1365 = arith.minimumf %sub3A_1363, %min3A_1354 : vector<128x128xf32>
    %jit3A_1366 = arith.constant 52 : i32
    %broadcast_in_dim3A_1367 = vector.broadcast %jit3A_1366 : i32 to vector<128x128xi32>
    %select_n3A_1368 = arith.select %lt3A_1364, %broadcast_in_dim3A_1367, %select_n3A_1357 : vector<128x128xi1>, vector<128x128xi32>
    %get3A_1369 = arith.constant 0 : index
    %get3A_1370 = arith.constant 6784 : index
    %get3A_1371 = vector.load %arg7[%get3A_1369, %get3A_1370] : memref<1x8192xf32, #tpu.memory_space<vmem>>, vector<1x128xf32>
    %slice3A_1372 = vector.extract_strided_slice %dot_general3A_1313 {offsets = [0, 640], sizes = [128, 128], strides = [1, 1]} : vector<128x1024xf32> to vector<128x128xf32>
    %sub3A_1373 = vector.broadcast %get3A_1371 : vector<1x128xf32> to vector<128x128xf32>
    %sub3A_1374 = arith.subf %sub3A_1373, %slice3A_1372 : vector<128x128xf32>
    %lt3A_1375 = arith.cmpf olt, %sub3A_1374, %min3A_1365 : vector<128x128xf32>
    %min3A_1376 = arith.minimumf %sub3A_1374, %min3A_1365 : vector<128x128xf32>
    %jit3A_1377 = arith.constant 53 : i32
    %broadcast_in_dim3A_1378 = vector.broadcast %jit3A_1377 : i32 to vector<128x128xi32>
    %select_n3A_1379 = arith.select %lt3A_1375, %broadcast_in_dim3A_1378, %select_n3A_1368 : vector<128x128xi1>, vector<128x128xi32>
    %get3A_1380 = arith.constant 0 : index
    %get3A_1381 = arith.constant 6912 : index
    %get3A_1382 = vector.load %arg7[%get3A_1380, %get3A_1381] : memref<1x8192xf32, #tpu.memory_space<vmem>>, vector<1x128xf32>
    %slice3A_1383 = vector.extract_strided_slice %dot_general3A_1313 {offsets = [0, 768], sizes = [128, 128], strides = [1, 1]} : vector<128x1024xf32> to vector<128x128xf32>
    %sub3A_1384 = vector.broadcast %get3A_1382 : vector<1x128xf32> to vector<128x128xf32>
    %sub3A_1385 = arith.subf %sub3A_1384, %slice3A_1383 : vector<128x128xf32>
    %lt3A_1386 = arith.cmpf olt, %sub3A_1385, %min3A_1376 : vector<128x128xf32>
    %min3A_1387 = arith.minimumf %sub3A_1385, %min3A_1376 : vector<128x128xf32>
    %jit3A_1388 = arith.constant 54 : i32
    %broadcast_in_dim3A_1389 = vector.broadcast %jit3A_1388 : i32 to vector<128x128xi32>
    %select_n3A_1390 = arith.select %lt3A_1386, %broadcast_in_dim3A_1389, %select_n3A_1379 : vector<128x128xi1>, vector<128x128xi32>
    %get3A_1391 = arith.constant 0 : index
    %get3A_1392 = arith.constant 7040 : index
    %get3A_1393 = vector.load %arg7[%get3A_1391, %get3A_1392] : memref<1x8192xf32, #tpu.memory_space<vmem>>, vector<1x128xf32>
    %slice3A_1394 = vector.extract_strided_slice %dot_general3A_1313 {offsets = [0, 896], sizes = [128, 128], strides = [1, 1]} : vector<128x1024xf32> to vector<128x128xf32>
    %sub3A_1395 = vector.broadcast %get3A_1393 : vector<1x128xf32> to vector<128x128xf32>
    %sub3A_1396 = arith.subf %sub3A_1395, %slice3A_1394 : vector<128x128xf32>
    %lt3A_1397 = arith.cmpf olt, %sub3A_1396, %min3A_1387 : vector<128x128xf32>
    %min3A_1398 = arith.minimumf %sub3A_1396, %min3A_1387 : vector<128x128xf32>
    %jit3A_1399 = arith.constant 55 : i32
    %broadcast_in_dim3A_1400 = vector.broadcast %jit3A_1399 : i32 to vector<128x128xi32>
    %select_n3A_1401 = arith.select %lt3A_1397, %broadcast_in_dim3A_1400, %select_n3A_1390 : vector<128x128xi1>, vector<128x128xi32>
    %slice3A_1402 = vector.extract_strided_slice %get3A_9 {offsets = [0, 7168], sizes = [256, 1024], strides = [1, 1]} : vector<256x8192xbf16> to vector<256x1024xbf16>
    %dot_general3A_1403 = arith.constant dense<0.000000e+00> : vector<128x1024xf32>
    %dot_general3A_1404 = tpu.matmul %slice3A_760, %slice3A_1402, %dot_general3A_1403 {dimension_numbers = #tpu.dot_dimension_numbers<[1], [0], [0], [1], [0, 0, 1, 1], [], []>, transpose_lhs_hint = false} : vector<128x256xbf16>, vector<256x1024xbf16>, vector<128x1024xf32> -> vector<128x1024xf32>
    %get3A_1405 = arith.constant 0 : index
    %get3A_1406 = arith.constant 7168 : index
    %get3A_1407 = vector.load %arg7[%get3A_1405, %get3A_1406] : memref<1x8192xf32, #tpu.memory_space<vmem>>, vector<1x128xf32>
    %slice3A_1408 = vector.extract_strided_slice %dot_general3A_1404 {offsets = [0, 0], sizes = [128, 128], strides = [1, 1]} : vector<128x1024xf32> to vector<128x128xf32>
    %sub3A_1409 = vector.broadcast %get3A_1407 : vector<1x128xf32> to vector<128x128xf32>
    %sub3A_1410 = arith.subf %sub3A_1409, %slice3A_1408 : vector<128x128xf32>
    %lt3A_1411 = arith.cmpf olt, %sub3A_1410, %min3A_1398 : vector<128x128xf32>
    %min3A_1412 = arith.minimumf %sub3A_1410, %min3A_1398 : vector<128x128xf32>
    %jit3A_1413 = arith.constant 56 : i32
    %broadcast_in_dim3A_1414 = vector.broadcast %jit3A_1413 : i32 to vector<128x128xi32>
    %select_n3A_1415 = arith.select %lt3A_1411, %broadcast_in_dim3A_1414, %select_n3A_1401 : vector<128x128xi1>, vector<128x128xi32>
    %get3A_1416 = arith.constant 0 : index
    %get3A_1417 = arith.constant 7296 : index
    %get3A_1418 = vector.load %arg7[%get3A_1416, %get3A_1417] : memref<1x8192xf32, #tpu.memory_space<vmem>>, vector<1x128xf32>
    %slice3A_1419 = vector.extract_strided_slice %dot_general3A_1404 {offsets = [0, 128], sizes = [128, 128], strides = [1, 1]} : vector<128x1024xf32> to vector<128x128xf32>
    %sub3A_1420 = vector.broadcast %get3A_1418 : vector<1x128xf32> to vector<128x128xf32>
    %sub3A_1421 = arith.subf %sub3A_1420, %slice3A_1419 : vector<128x128xf32>
    %lt3A_1422 = arith.cmpf olt, %sub3A_1421, %min3A_1412 : vector<128x128xf32>
    %min3A_1423 = arith.minimumf %sub3A_1421, %min3A_1412 : vector<128x128xf32>
    %jit3A_1424 = arith.constant 57 : i32
    %broadcast_in_dim3A_1425 = vector.broadcast %jit3A_1424 : i32 to vector<128x128xi32>
    %select_n3A_1426 = arith.select %lt3A_1422, %broadcast_in_dim3A_1425, %select_n3A_1415 : vector<128x128xi1>, vector<128x128xi32>
    %get3A_1427 = arith.constant 0 : index
    %get3A_1428 = arith.constant 7424 : index
    %get3A_1429 = vector.load %arg7[%get3A_1427, %get3A_1428] : memref<1x8192xf32, #tpu.memory_space<vmem>>, vector<1x128xf32>
    %slice3A_1430 = vector.extract_strided_slice %dot_general3A_1404 {offsets = [0, 256], sizes = [128, 128], strides = [1, 1]} : vector<128x1024xf32> to vector<128x128xf32>
    %sub3A_1431 = vector.broadcast %get3A_1429 : vector<1x128xf32> to vector<128x128xf32>
    %sub3A_1432 = arith.subf %sub3A_1431, %slice3A_1430 : vector<128x128xf32>
    %lt3A_1433 = arith.cmpf olt, %sub3A_1432, %min3A_1423 : vector<128x128xf32>
    %min3A_1434 = arith.minimumf %sub3A_1432, %min3A_1423 : vector<128x128xf32>
    %jit3A_1435 = arith.constant 58 : i32
    %broadcast_in_dim3A_1436 = vector.broadcast %jit3A_1435 : i32 to vector<128x128xi32>
    %select_n3A_1437 = arith.select %lt3A_1433, %broadcast_in_dim3A_1436, %select_n3A_1426 : vector<128x128xi1>, vector<128x128xi32>
    %get3A_1438 = arith.constant 0 : index
    %get3A_1439 = arith.constant 7552 : index
    %get3A_1440 = vector.load %arg7[%get3A_1438, %get3A_1439] : memref<1x8192xf32, #tpu.memory_space<vmem>>, vector<1x128xf32>
    %slice3A_1441 = vector.extract_strided_slice %dot_general3A_1404 {offsets = [0, 384], sizes = [128, 128], strides = [1, 1]} : vector<128x1024xf32> to vector<128x128xf32>
    %sub3A_1442 = vector.broadcast %get3A_1440 : vector<1x128xf32> to vector<128x128xf32>
    %sub3A_1443 = arith.subf %sub3A_1442, %slice3A_1441 : vector<128x128xf32>
    %lt3A_1444 = arith.cmpf olt, %sub3A_1443, %min3A_1434 : vector<128x128xf32>
    %min3A_1445 = arith.minimumf %sub3A_1443, %min3A_1434 : vector<128x128xf32>
    %jit3A_1446 = arith.constant 59 : i32
    %broadcast_in_dim3A_1447 = vector.broadcast %jit3A_1446 : i32 to vector<128x128xi32>
    %select_n3A_1448 = arith.select %lt3A_1444, %broadcast_in_dim3A_1447, %select_n3A_1437 : vector<128x128xi1>, vector<128x128xi32>
    %get3A_1449 = arith.constant 0 : index
    %get3A_1450 = arith.constant 7680 : index
    %get3A_1451 = vector.load %arg7[%get3A_1449, %get3A_1450] : memref<1x8192xf32, #tpu.memory_space<vmem>>, vector<1x128xf32>
    %slice3A_1452 = vector.extract_strided_slice %dot_general3A_1404 {offsets = [0, 512], sizes = [128, 128], strides = [1, 1]} : vector<128x1024xf32> to vector<128x128xf32>
    %sub3A_1453 = vector.broadcast %get3A_1451 : vector<1x128xf32> to vector<128x128xf32>
    %sub3A_1454 = arith.subf %sub3A_1453, %slice3A_1452 : vector<128x128xf32>
    %lt3A_1455 = arith.cmpf olt, %sub3A_1454, %min3A_1445 : vector<128x128xf32>
    %min3A_1456 = arith.minimumf %sub3A_1454, %min3A_1445 : vector<128x128xf32>
    %jit3A_1457 = arith.constant 60 : i32
    %broadcast_in_dim3A_1458 = vector.broadcast %jit3A_1457 : i32 to vector<128x128xi32>
    %select_n3A_1459 = arith.select %lt3A_1455, %broadcast_in_dim3A_1458, %select_n3A_1448 : vector<128x128xi1>, vector<128x128xi32>
    %get3A_1460 = arith.constant 0 : index
    %get3A_1461 = arith.constant 7808 : index
    %get3A_1462 = vector.load %arg7[%get3A_1460, %get3A_1461] : memref<1x8192xf32, #tpu.memory_space<vmem>>, vector<1x128xf32>
    %slice3A_1463 = vector.extract_strided_slice %dot_general3A_1404 {offsets = [0, 640], sizes = [128, 128], strides = [1, 1]} : vector<128x1024xf32> to vector<128x128xf32>
    %sub3A_1464 = vector.broadcast %get3A_1462 : vector<1x128xf32> to vector<128x128xf32>
    %sub3A_1465 = arith.subf %sub3A_1464, %slice3A_1463 : vector<128x128xf32>
    %lt3A_1466 = arith.cmpf olt, %sub3A_1465, %min3A_1456 : vector<128x128xf32>
    %min3A_1467 = arith.minimumf %sub3A_1465, %min3A_1456 : vector<128x128xf32>
    %jit3A_1468 = arith.constant 61 : i32
    %broadcast_in_dim3A_1469 = vector.broadcast %jit3A_1468 : i32 to vector<128x128xi32>
    %select_n3A_1470 = arith.select %lt3A_1466, %broadcast_in_dim3A_1469, %select_n3A_1459 : vector<128x128xi1>, vector<128x128xi32>
    %get3A_1471 = arith.constant 0 : index
    %get3A_1472 = arith.constant 7936 : index
    %get3A_1473 = vector.load %arg7[%get3A_1471, %get3A_1472] : memref<1x8192xf32, #tpu.memory_space<vmem>>, vector<1x128xf32>
    %slice3A_1474 = vector.extract_strided_slice %dot_general3A_1404 {offsets = [0, 768], sizes = [128, 128], strides = [1, 1]} : vector<128x1024xf32> to vector<128x128xf32>
    %sub3A_1475 = vector.broadcast %get3A_1473 : vector<1x128xf32> to vector<128x128xf32>
    %sub3A_1476 = arith.subf %sub3A_1475, %slice3A_1474 : vector<128x128xf32>
    %lt3A_1477 = arith.cmpf olt, %sub3A_1476, %min3A_1467 : vector<128x128xf32>
    %min3A_1478 = arith.minimumf %sub3A_1476, %min3A_1467 : vector<128x128xf32>
    %jit3A_1479 = arith.constant 62 : i32
    %broadcast_in_dim3A_1480 = vector.broadcast %jit3A_1479 : i32 to vector<128x128xi32>
    %select_n3A_1481 = arith.select %lt3A_1477, %broadcast_in_dim3A_1480, %select_n3A_1470 : vector<128x128xi1>, vector<128x128xi32>
    %get3A_1482 = arith.constant 0 : index
    %get3A_1483 = arith.constant 8064 : index
    %get3A_1484 = vector.load %arg7[%get3A_1482, %get3A_1483] : memref<1x8192xf32, #tpu.memory_space<vmem>>, vector<1x128xf32>
    %slice3A_1485 = vector.extract_strided_slice %dot_general3A_1404 {offsets = [0, 896], sizes = [128, 128], strides = [1, 1]} : vector<128x1024xf32> to vector<128x128xf32>
    %sub3A_1486 = vector.broadcast %get3A_1484 : vector<1x128xf32> to vector<128x128xf32>
    %sub3A_1487 = arith.subf %sub3A_1486, %slice3A_1485 : vector<128x128xf32>
    %lt3A_1488 = arith.cmpf olt, %sub3A_1487, %min3A_1478 : vector<128x128xf32>
    %min3A_1489 = arith.minimumf %sub3A_1487, %min3A_1478 : vector<128x128xf32>
    %jit3A_1490 = arith.constant 63 : i32
    %broadcast_in_dim3A_1491 = vector.broadcast %jit3A_1490 : i32 to vector<128x128xi32>
    %select_n3A_1492 = arith.select %lt3A_1488, %broadcast_in_dim3A_1491, %select_n3A_1481 : vector<128x128xi1>, vector<128x128xi32>
    %mul3A_1493 = arith.constant 128 : i32
    %mul3A_1494 = vector.broadcast %mul3A_1493 : i32 to vector<128x128xi32>
    %mul3A_1495 = arith.muli %select_n3A_1492, %mul3A_1494 : vector<128x128xi32>
    %add3A_1496 = arith.addi %mul3A_1495, %iota3A : vector<128x128xi32>
    %reduce_min3A_1497 = arith.constant dense<0x7F800000> : vector<128xf32>
    %reduce_min3A_1498 = vector.multi_reduction <minimumf>, %min3A_1489, %reduce_min3A_1497 [1] : vector<128x128xf32> to vector<128xf32>
    %broadcast_in_dim3A_1499 = vector.shape_cast %reduce_min3A_1498 : vector<128xf32> to vector<128x1xf32>
    %eq3A_1500 = vector.broadcast %broadcast_in_dim3A_1499 : vector<128x1xf32> to vector<128x128xf32>
    %eq3A_1501 = arith.cmpf oeq, %min3A_1489, %eq3A_1500 : vector<128x128xf32>
    %jit3A_1502 = arith.constant 8192 : i32
    %broadcast_in_dim3A_1503 = vector.broadcast %jit3A_1502 : i32 to vector<128x128xi32>
    %select_n3A_1504 = arith.select %eq3A_1501, %add3A_1496, %broadcast_in_dim3A_1503 : vector<128x128xi1>, vector<128x128xi32>
    %reduce_min3A_1505 = arith.constant dense<2147483647> : vector<128xi32>
    %reduce_min3A_1506 = vector.multi_reduction <minsi>, %select_n3A_1504, %reduce_min3A_1505 [1] : vector<128x128xi32> to vector<128xi32>
    %swap3A_1507 = arith.constant 128 : index
    %swap3A_1508 = vector.load %arg3[%swap3A_1507] : memref<512xi32, #tpu.memory_space<vmem>>, vector<128xi32>
    tpu.vector_store %arg3[%swap3A_1507], %reduce_min3A_1506 {strides = array<i32>} : memref<512xi32, #tpu.memory_space<vmem>>, vector<128xi32>,
    %reduce_sum3A_1509 = vector.shape_cast %broadcast_in_dim3A_1499 : vector<128x1xf32> to vector<1x128x1xf32>
    %reduce_sum3A_1510 = arith.constant dense<0.000000e+00> : vector<1xf32>
    %reduce_sum3A_1511 = vector.multi_reduction <add>, %reduce_sum3A_1509, %reduce_sum3A_1510 [1, 2] : vector<1x128x1xf32> to vector<1xf32>
    %reduce_sum3A_1512 = vector.shape_cast %reduce_sum3A_1511 : vector<1xf32> to vector<1x1x1xf32>
    %reduce_sum3A_1513 = vector.extract %reduce_sum3A_1512[0, 0, 0] : f32 from vector<1x1x1xf32>
    %add3A_1514 = arith.addf %add3A_759, %reduce_sum3A_1513 : f32
    %slice3A_1515 = vector.extract_strided_slice %convert_element_type3A_13 {offsets = [256, 0], sizes = [128, 256], strides = [1, 1]} : vector<512x256xbf16> to vector<128x256xbf16>
    %broadcast_in_dim3A_1516 = arith.constant 0x7F800000 : f32
    %broadcast_in_dim3A_1517 = vector.broadcast %broadcast_in_dim3A_1516 : f32 to vector<128x128xf32>
    %broadcast_in_dim3A_1518 = arith.constant 0 : i32
    %broadcast_in_dim3A_1519 = vector.broadcast %broadcast_in_dim3A_1518 : i32 to vector<128x128xi32>
    %slice3A_1520 = vector.extract_strided_slice %get3A_9 {offsets = [0, 0], sizes = [256, 1024], strides = [1, 1]} : vector<256x8192xbf16> to vector<256x1024xbf16>
    %dot_general3A_1521 = arith.constant dense<0.000000e+00> : vector<128x1024xf32>
    %dot_general3A_1522 = tpu.matmul %slice3A_1515, %slice3A_1520, %dot_general3A_1521 {dimension_numbers = #tpu.dot_dimension_numbers<[1], [0], [0], [1], [0, 0, 1, 1], [], []>, transpose_lhs_hint = false} : vector<128x256xbf16>, vector<256x1024xbf16>, vector<128x1024xf32> -> vector<128x1024xf32>
    %get3A_1523 = arith.constant 0 : index
    %get3A_1524 = arith.constant 0 : index
    %get3A_1525 = vector.load %arg7[%get3A_1523, %get3A_1524] : memref<1x8192xf32, #tpu.memory_space<vmem>>, vector<1x128xf32>
    %slice3A_1526 = vector.extract_strided_slice %dot_general3A_1522 {offsets = [0, 0], sizes = [128, 128], strides = [1, 1]} : vector<128x1024xf32> to vector<128x128xf32>
    %sub3A_1527 = vector.broadcast %get3A_1525 : vector<1x128xf32> to vector<128x128xf32>
    %sub3A_1528 = arith.subf %sub3A_1527, %slice3A_1526 : vector<128x128xf32>
    %lt3A_1529 = arith.cmpf olt, %sub3A_1528, %broadcast_in_dim3A_1517 : vector<128x128xf32>
    %min3A_1530 = arith.minimumf %sub3A_1528, %broadcast_in_dim3A_1517 : vector<128x128xf32>
    %jit3A_1531 = arith.constant 0 : i32
    %broadcast_in_dim3A_1532 = vector.broadcast %jit3A_1531 : i32 to vector<128x128xi32>
    %select_n3A_1533 = arith.select %lt3A_1529, %broadcast_in_dim3A_1532, %broadcast_in_dim3A_1519 : vector<128x128xi1>, vector<128x128xi32>
    %get3A_1534 = arith.constant 0 : index
    %get3A_1535 = arith.constant 128 : index
    %get3A_1536 = vector.load %arg7[%get3A_1534, %get3A_1535] : memref<1x8192xf32, #tpu.memory_space<vmem>>, vector<1x128xf32>
    %slice3A_1537 = vector.extract_strided_slice %dot_general3A_1522 {offsets = [0, 128], sizes = [128, 128], strides = [1, 1]} : vector<128x1024xf32> to vector<128x128xf32>
    %sub3A_1538 = vector.broadcast %get3A_1536 : vector<1x128xf32> to vector<128x128xf32>
    %sub3A_1539 = arith.subf %sub3A_1538, %slice3A_1537 : vector<128x128xf32>
    %lt3A_1540 = arith.cmpf olt, %sub3A_1539, %min3A_1530 : vector<128x128xf32>
    %min3A_1541 = arith.minimumf %sub3A_1539, %min3A_1530 : vector<128x128xf32>
    %jit3A_1542 = arith.constant 1 : i32
    %broadcast_in_dim3A_1543 = vector.broadcast %jit3A_1542 : i32 to vector<128x128xi32>
    %select_n3A_1544 = arith.select %lt3A_1540, %broadcast_in_dim3A_1543, %select_n3A_1533 : vector<128x128xi1>, vector<128x128xi32>
    %get3A_1545 = arith.constant 0 : index
    %get3A_1546 = arith.constant 256 : index
    %get3A_1547 = vector.load %arg7[%get3A_1545, %get3A_1546] : memref<1x8192xf32, #tpu.memory_space<vmem>>, vector<1x128xf32>
    %slice3A_1548 = vector.extract_strided_slice %dot_general3A_1522 {offsets = [0, 256], sizes = [128, 128], strides = [1, 1]} : vector<128x1024xf32> to vector<128x128xf32>
    %sub3A_1549 = vector.broadcast %get3A_1547 : vector<1x128xf32> to vector<128x128xf32>
    %sub3A_1550 = arith.subf %sub3A_1549, %slice3A_1548 : vector<128x128xf32>
    %lt3A_1551 = arith.cmpf olt, %sub3A_1550, %min3A_1541 : vector<128x128xf32>
    %min3A_1552 = arith.minimumf %sub3A_1550, %min3A_1541 : vector<128x128xf32>
    %jit3A_1553 = arith.constant 2 : i32
    %broadcast_in_dim3A_1554 = vector.broadcast %jit3A_1553 : i32 to vector<128x128xi32>
    %select_n3A_1555 = arith.select %lt3A_1551, %broadcast_in_dim3A_1554, %select_n3A_1544 : vector<128x128xi1>, vector<128x128xi32>
    %get3A_1556 = arith.constant 0 : index
    %get3A_1557 = arith.constant 384 : index
    %get3A_1558 = vector.load %arg7[%get3A_1556, %get3A_1557] : memref<1x8192xf32, #tpu.memory_space<vmem>>, vector<1x128xf32>
    %slice3A_1559 = vector.extract_strided_slice %dot_general3A_1522 {offsets = [0, 384], sizes = [128, 128], strides = [1, 1]} : vector<128x1024xf32> to vector<128x128xf32>
    %sub3A_1560 = vector.broadcast %get3A_1558 : vector<1x128xf32> to vector<128x128xf32>
    %sub3A_1561 = arith.subf %sub3A_1560, %slice3A_1559 : vector<128x128xf32>
    %lt3A_1562 = arith.cmpf olt, %sub3A_1561, %min3A_1552 : vector<128x128xf32>
    %min3A_1563 = arith.minimumf %sub3A_1561, %min3A_1552 : vector<128x128xf32>
    %jit3A_1564 = arith.constant 3 : i32
    %broadcast_in_dim3A_1565 = vector.broadcast %jit3A_1564 : i32 to vector<128x128xi32>
    %select_n3A_1566 = arith.select %lt3A_1562, %broadcast_in_dim3A_1565, %select_n3A_1555 : vector<128x128xi1>, vector<128x128xi32>
    %get3A_1567 = arith.constant 0 : index
    %get3A_1568 = arith.constant 512 : index
    %get3A_1569 = vector.load %arg7[%get3A_1567, %get3A_1568] : memref<1x8192xf32, #tpu.memory_space<vmem>>, vector<1x128xf32>
    %slice3A_1570 = vector.extract_strided_slice %dot_general3A_1522 {offsets = [0, 512], sizes = [128, 128], strides = [1, 1]} : vector<128x1024xf32> to vector<128x128xf32>
    %sub3A_1571 = vector.broadcast %get3A_1569 : vector<1x128xf32> to vector<128x128xf32>
    %sub3A_1572 = arith.subf %sub3A_1571, %slice3A_1570 : vector<128x128xf32>
    %lt3A_1573 = arith.cmpf olt, %sub3A_1572, %min3A_1563 : vector<128x128xf32>
    %min3A_1574 = arith.minimumf %sub3A_1572, %min3A_1563 : vector<128x128xf32>
    %jit3A_1575 = arith.constant 4 : i32
    %broadcast_in_dim3A_1576 = vector.broadcast %jit3A_1575 : i32 to vector<128x128xi32>
    %select_n3A_1577 = arith.select %lt3A_1573, %broadcast_in_dim3A_1576, %select_n3A_1566 : vector<128x128xi1>, vector<128x128xi32>
    %get3A_1578 = arith.constant 0 : index
    %get3A_1579 = arith.constant 640 : index
    %get3A_1580 = vector.load %arg7[%get3A_1578, %get3A_1579] : memref<1x8192xf32, #tpu.memory_space<vmem>>, vector<1x128xf32>
    %slice3A_1581 = vector.extract_strided_slice %dot_general3A_1522 {offsets = [0, 640], sizes = [128, 128], strides = [1, 1]} : vector<128x1024xf32> to vector<128x128xf32>
    %sub3A_1582 = vector.broadcast %get3A_1580 : vector<1x128xf32> to vector<128x128xf32>
    %sub3A_1583 = arith.subf %sub3A_1582, %slice3A_1581 : vector<128x128xf32>
    %lt3A_1584 = arith.cmpf olt, %sub3A_1583, %min3A_1574 : vector<128x128xf32>
    %min3A_1585 = arith.minimumf %sub3A_1583, %min3A_1574 : vector<128x128xf32>
    %jit3A_1586 = arith.constant 5 : i32
    %broadcast_in_dim3A_1587 = vector.broadcast %jit3A_1586 : i32 to vector<128x128xi32>
    %select_n3A_1588 = arith.select %lt3A_1584, %broadcast_in_dim3A_1587, %select_n3A_1577 : vector<128x128xi1>, vector<128x128xi32>
    %get3A_1589 = arith.constant 0 : index
    %get3A_1590 = arith.constant 768 : index
    %get3A_1591 = vector.load %arg7[%get3A_1589, %get3A_1590] : memref<1x8192xf32, #tpu.memory_space<vmem>>, vector<1x128xf32>
    %slice3A_1592 = vector.extract_strided_slice %dot_general3A_1522 {offsets = [0, 768], sizes = [128, 128], strides = [1, 1]} : vector<128x1024xf32> to vector<128x128xf32>
    %sub3A_1593 = vector.broadcast %get3A_1591 : vector<1x128xf32> to vector<128x128xf32>
    %sub3A_1594 = arith.subf %sub3A_1593, %slice3A_1592 : vector<128x128xf32>
    %lt3A_1595 = arith.cmpf olt, %sub3A_1594, %min3A_1585 : vector<128x128xf32>
    %min3A_1596 = arith.minimumf %sub3A_1594, %min3A_1585 : vector<128x128xf32>
    %jit3A_1597 = arith.constant 6 : i32
    %broadcast_in_dim3A_1598 = vector.broadcast %jit3A_1597 : i32 to vector<128x128xi32>
    %select_n3A_1599 = arith.select %lt3A_1595, %broadcast_in_dim3A_1598, %select_n3A_1588 : vector<128x128xi1>, vector<128x128xi32>
    %get3A_1600 = arith.constant 0 : index
    %get3A_1601 = arith.constant 896 : index
    %get3A_1602 = vector.load %arg7[%get3A_1600, %get3A_1601] : memref<1x8192xf32, #tpu.memory_space<vmem>>, vector<1x128xf32>
    %slice3A_1603 = vector.extract_strided_slice %dot_general3A_1522 {offsets = [0, 896], sizes = [128, 128], strides = [1, 1]} : vector<128x1024xf32> to vector<128x128xf32>
    %sub3A_1604 = vector.broadcast %get3A_1602 : vector<1x128xf32> to vector<128x128xf32>
    %sub3A_1605 = arith.subf %sub3A_1604, %slice3A_1603 : vector<128x128xf32>
    %lt3A_1606 = arith.cmpf olt, %sub3A_1605, %min3A_1596 : vector<128x128xf32>
    %min3A_1607 = arith.minimumf %sub3A_1605, %min3A_1596 : vector<128x128xf32>
    %jit3A_1608 = arith.constant 7 : i32
    %broadcast_in_dim3A_1609 = vector.broadcast %jit3A_1608 : i32 to vector<128x128xi32>
    %select_n3A_1610 = arith.select %lt3A_1606, %broadcast_in_dim3A_1609, %select_n3A_1599 : vector<128x128xi1>, vector<128x128xi32>
    %slice3A_1611 = vector.extract_strided_slice %get3A_9 {offsets = [0, 1024], sizes = [256, 1024], strides = [1, 1]} : vector<256x8192xbf16> to vector<256x1024xbf16>
    %dot_general3A_1612 = arith.constant dense<0.000000e+00> : vector<128x1024xf32>
    %dot_general3A_1613 = tpu.matmul %slice3A_1515, %slice3A_1611, %dot_general3A_1612 {dimension_numbers = #tpu.dot_dimension_numbers<[1], [0], [0], [1], [0, 0, 1, 1], [], []>, transpose_lhs_hint = false} : vector<128x256xbf16>, vector<256x1024xbf16>, vector<128x1024xf32> -> vector<128x1024xf32>
    %get3A_1614 = arith.constant 0 : index
    %get3A_1615 = arith.constant 1024 : index
    %get3A_1616 = vector.load %arg7[%get3A_1614, %get3A_1615] : memref<1x8192xf32, #tpu.memory_space<vmem>>, vector<1x128xf32>
    %slice3A_1617 = vector.extract_strided_slice %dot_general3A_1613 {offsets = [0, 0], sizes = [128, 128], strides = [1, 1]} : vector<128x1024xf32> to vector<128x128xf32>
    %sub3A_1618 = vector.broadcast %get3A_1616 : vector<1x128xf32> to vector<128x128xf32>
    %sub3A_1619 = arith.subf %sub3A_1618, %slice3A_1617 : vector<128x128xf32>
    %lt3A_1620 = arith.cmpf olt, %sub3A_1619, %min3A_1607 : vector<128x128xf32>
    %min3A_1621 = arith.minimumf %sub3A_1619, %min3A_1607 : vector<128x128xf32>
    %jit3A_1622 = arith.constant 8 : i32
    %broadcast_in_dim3A_1623 = vector.broadcast %jit3A_1622 : i32 to vector<128x128xi32>
    %select_n3A_1624 = arith.select %lt3A_1620, %broadcast_in_dim3A_1623, %select_n3A_1610 : vector<128x128xi1>, vector<128x128xi32>
    %get3A_1625 = arith.constant 0 : index
    %get3A_1626 = arith.constant 1152 : index
    %get3A_1627 = vector.load %arg7[%get3A_1625, %get3A_1626] : memref<1x8192xf32, #tpu.memory_space<vmem>>, vector<1x128xf32>
    %slice3A_1628 = vector.extract_strided_slice %dot_general3A_1613 {offsets = [0, 128], sizes = [128, 128], strides = [1, 1]} : vector<128x1024xf32> to vector<128x128xf32>
    %sub3A_1629 = vector.broadcast %get3A_1627 : vector<1x128xf32> to vector<128x128xf32>
    %sub3A_1630 = arith.subf %sub3A_1629, %slice3A_1628 : vector<128x128xf32>
    %lt3A_1631 = arith.cmpf olt, %sub3A_1630, %min3A_1621 : vector<128x128xf32>
    %min3A_1632 = arith.minimumf %sub3A_1630, %min3A_1621 : vector<128x128xf32>
    %jit3A_1633 = arith.constant 9 : i32
    %broadcast_in_dim3A_1634 = vector.broadcast %jit3A_1633 : i32 to vector<128x128xi32>
    %select_n3A_1635 = arith.select %lt3A_1631, %broadcast_in_dim3A_1634, %select_n3A_1624 : vector<128x128xi1>, vector<128x128xi32>
    %get3A_1636 = arith.constant 0 : index
    %get3A_1637 = arith.constant 1280 : index
    %get3A_1638 = vector.load %arg7[%get3A_1636, %get3A_1637] : memref<1x8192xf32, #tpu.memory_space<vmem>>, vector<1x128xf32>
    %slice3A_1639 = vector.extract_strided_slice %dot_general3A_1613 {offsets = [0, 256], sizes = [128, 128], strides = [1, 1]} : vector<128x1024xf32> to vector<128x128xf32>
    %sub3A_1640 = vector.broadcast %get3A_1638 : vector<1x128xf32> to vector<128x128xf32>
    %sub3A_1641 = arith.subf %sub3A_1640, %slice3A_1639 : vector<128x128xf32>
    %lt3A_1642 = arith.cmpf olt, %sub3A_1641, %min3A_1632 : vector<128x128xf32>
    %min3A_1643 = arith.minimumf %sub3A_1641, %min3A_1632 : vector<128x128xf32>
    %jit3A_1644 = arith.constant 10 : i32
    %broadcast_in_dim3A_1645 = vector.broadcast %jit3A_1644 : i32 to vector<128x128xi32>
    %select_n3A_1646 = arith.select %lt3A_1642, %broadcast_in_dim3A_1645, %select_n3A_1635 : vector<128x128xi1>, vector<128x128xi32>
    %get3A_1647 = arith.constant 0 : index
    %get3A_1648 = arith.constant 1408 : index
    %get3A_1649 = vector.load %arg7[%get3A_1647, %get3A_1648] : memref<1x8192xf32, #tpu.memory_space<vmem>>, vector<1x128xf32>
    %slice3A_1650 = vector.extract_strided_slice %dot_general3A_1613 {offsets = [0, 384], sizes = [128, 128], strides = [1, 1]} : vector<128x1024xf32> to vector<128x128xf32>
    %sub3A_1651 = vector.broadcast %get3A_1649 : vector<1x128xf32> to vector<128x128xf32>
    %sub3A_1652 = arith.subf %sub3A_1651, %slice3A_1650 : vector<128x128xf32>
    %lt3A_1653 = arith.cmpf olt, %sub3A_1652, %min3A_1643 : vector<128x128xf32>
    %min3A_1654 = arith.minimumf %sub3A_1652, %min3A_1643 : vector<128x128xf32>
    %jit3A_1655 = arith.constant 11 : i32
    %broadcast_in_dim3A_1656 = vector.broadcast %jit3A_1655 : i32 to vector<128x128xi32>
    %select_n3A_1657 = arith.select %lt3A_1653, %broadcast_in_dim3A_1656, %select_n3A_1646 : vector<128x128xi1>, vector<128x128xi32>
    %get3A_1658 = arith.constant 0 : index
    %get3A_1659 = arith.constant 1536 : index
    %get3A_1660 = vector.load %arg7[%get3A_1658, %get3A_1659] : memref<1x8192xf32, #tpu.memory_space<vmem>>, vector<1x128xf32>
    %slice3A_1661 = vector.extract_strided_slice %dot_general3A_1613 {offsets = [0, 512], sizes = [128, 128], strides = [1, 1]} : vector<128x1024xf32> to vector<128x128xf32>
    %sub3A_1662 = vector.broadcast %get3A_1660 : vector<1x128xf32> to vector<128x128xf32>
    %sub3A_1663 = arith.subf %sub3A_1662, %slice3A_1661 : vector<128x128xf32>
    %lt3A_1664 = arith.cmpf olt, %sub3A_1663, %min3A_1654 : vector<128x128xf32>
    %min3A_1665 = arith.minimumf %sub3A_1663, %min3A_1654 : vector<128x128xf32>
    %jit3A_1666 = arith.constant 12 : i32
    %broadcast_in_dim3A_1667 = vector.broadcast %jit3A_1666 : i32 to vector<128x128xi32>
    %select_n3A_1668 = arith.select %lt3A_1664, %broadcast_in_dim3A_1667, %select_n3A_1657 : vector<128x128xi1>, vector<128x128xi32>
    %get3A_1669 = arith.constant 0 : index
    %get3A_1670 = arith.constant 1664 : index
    %get3A_1671 = vector.load %arg7[%get3A_1669, %get3A_1670] : memref<1x8192xf32, #tpu.memory_space<vmem>>, vector<1x128xf32>
    %slice3A_1672 = vector.extract_strided_slice %dot_general3A_1613 {offsets = [0, 640], sizes = [128, 128], strides = [1, 1]} : vector<128x1024xf32> to vector<128x128xf32>
    %sub3A_1673 = vector.broadcast %get3A_1671 : vector<1x128xf32> to vector<128x128xf32>
    %sub3A_1674 = arith.subf %sub3A_1673, %slice3A_1672 : vector<128x128xf32>
    %lt3A_1675 = arith.cmpf olt, %sub3A_1674, %min3A_1665 : vector<128x128xf32>
    %min3A_1676 = arith.minimumf %sub3A_1674, %min3A_1665 : vector<128x128xf32>
    %jit3A_1677 = arith.constant 13 : i32
    %broadcast_in_dim3A_1678 = vector.broadcast %jit3A_1677 : i32 to vector<128x128xi32>
    %select_n3A_1679 = arith.select %lt3A_1675, %broadcast_in_dim3A_1678, %select_n3A_1668 : vector<128x128xi1>, vector<128x128xi32>
    %get3A_1680 = arith.constant 0 : index
    %get3A_1681 = arith.constant 1792 : index
    %get3A_1682 = vector.load %arg7[%get3A_1680, %get3A_1681] : memref<1x8192xf32, #tpu.memory_space<vmem>>, vector<1x128xf32>
    %slice3A_1683 = vector.extract_strided_slice %dot_general3A_1613 {offsets = [0, 768], sizes = [128, 128], strides = [1, 1]} : vector<128x1024xf32> to vector<128x128xf32>
    %sub3A_1684 = vector.broadcast %get3A_1682 : vector<1x128xf32> to vector<128x128xf32>
    %sub3A_1685 = arith.subf %sub3A_1684, %slice3A_1683 : vector<128x128xf32>
    %lt3A_1686 = arith.cmpf olt, %sub3A_1685, %min3A_1676 : vector<128x128xf32>
    %min3A_1687 = arith.minimumf %sub3A_1685, %min3A_1676 : vector<128x128xf32>
    %jit3A_1688 = arith.constant 14 : i32
    %broadcast_in_dim3A_1689 = vector.broadcast %jit3A_1688 : i32 to vector<128x128xi32>
    %select_n3A_1690 = arith.select %lt3A_1686, %broadcast_in_dim3A_1689, %select_n3A_1679 : vector<128x128xi1>, vector<128x128xi32>
    %get3A_1691 = arith.constant 0 : index
    %get3A_1692 = arith.constant 1920 : index
    %get3A_1693 = vector.load %arg7[%get3A_1691, %get3A_1692] : memref<1x8192xf32, #tpu.memory_space<vmem>>, vector<1x128xf32>
    %slice3A_1694 = vector.extract_strided_slice %dot_general3A_1613 {offsets = [0, 896], sizes = [128, 128], strides = [1, 1]} : vector<128x1024xf32> to vector<128x128xf32>
    %sub3A_1695 = vector.broadcast %get3A_1693 : vector<1x128xf32> to vector<128x128xf32>
    %sub3A_1696 = arith.subf %sub3A_1695, %slice3A_1694 : vector<128x128xf32>
    %lt3A_1697 = arith.cmpf olt, %sub3A_1696, %min3A_1687 : vector<128x128xf32>
    %min3A_1698 = arith.minimumf %sub3A_1696, %min3A_1687 : vector<128x128xf32>
    %jit3A_1699 = arith.constant 15 : i32
    %broadcast_in_dim3A_1700 = vector.broadcast %jit3A_1699 : i32 to vector<128x128xi32>
    %select_n3A_1701 = arith.select %lt3A_1697, %broadcast_in_dim3A_1700, %select_n3A_1690 : vector<128x128xi1>, vector<128x128xi32>
    %slice3A_1702 = vector.extract_strided_slice %get3A_9 {offsets = [0, 2048], sizes = [256, 1024], strides = [1, 1]} : vector<256x8192xbf16> to vector<256x1024xbf16>
    %dot_general3A_1703 = arith.constant dense<0.000000e+00> : vector<128x1024xf32>
    %dot_general3A_1704 = tpu.matmul %slice3A_1515, %slice3A_1702, %dot_general3A_1703 {dimension_numbers = #tpu.dot_dimension_numbers<[1], [0], [0], [1], [0, 0, 1, 1], [], []>, transpose_lhs_hint = false} : vector<128x256xbf16>, vector<256x1024xbf16>, vector<128x1024xf32> -> vector<128x1024xf32>
    %get3A_1705 = arith.constant 0 : index
    %get3A_1706 = arith.constant 2048 : index
    %get3A_1707 = vector.load %arg7[%get3A_1705, %get3A_1706] : memref<1x8192xf32, #tpu.memory_space<vmem>>, vector<1x128xf32>
    %slice3A_1708 = vector.extract_strided_slice %dot_general3A_1704 {offsets = [0, 0], sizes = [128, 128], strides = [1, 1]} : vector<128x1024xf32> to vector<128x128xf32>
    %sub3A_1709 = vector.broadcast %get3A_1707 : vector<1x128xf32> to vector<128x128xf32>
    %sub3A_1710 = arith.subf %sub3A_1709, %slice3A_1708 : vector<128x128xf32>
    %lt3A_1711 = arith.cmpf olt, %sub3A_1710, %min3A_1698 : vector<128x128xf32>
    %min3A_1712 = arith.minimumf %sub3A_1710, %min3A_1698 : vector<128x128xf32>
    %jit3A_1713 = arith.constant 16 : i32
    %broadcast_in_dim3A_1714 = vector.broadcast %jit3A_1713 : i32 to vector<128x128xi32>
    %select_n3A_1715 = arith.select %lt3A_1711, %broadcast_in_dim3A_1714, %select_n3A_1701 : vector<128x128xi1>, vector<128x128xi32>
    %get3A_1716 = arith.constant 0 : index
    %get3A_1717 = arith.constant 2176 : index
    %get3A_1718 = vector.load %arg7[%get3A_1716, %get3A_1717] : memref<1x8192xf32, #tpu.memory_space<vmem>>, vector<1x128xf32>
    %slice3A_1719 = vector.extract_strided_slice %dot_general3A_1704 {offsets = [0, 128], sizes = [128, 128], strides = [1, 1]} : vector<128x1024xf32> to vector<128x128xf32>
    %sub3A_1720 = vector.broadcast %get3A_1718 : vector<1x128xf32> to vector<128x128xf32>
    %sub3A_1721 = arith.subf %sub3A_1720, %slice3A_1719 : vector<128x128xf32>
    %lt3A_1722 = arith.cmpf olt, %sub3A_1721, %min3A_1712 : vector<128x128xf32>
    %min3A_1723 = arith.minimumf %sub3A_1721, %min3A_1712 : vector<128x128xf32>
    %jit3A_1724 = arith.constant 17 : i32
    %broadcast_in_dim3A_1725 = vector.broadcast %jit3A_1724 : i32 to vector<128x128xi32>
    %select_n3A_1726 = arith.select %lt3A_1722, %broadcast_in_dim3A_1725, %select_n3A_1715 : vector<128x128xi1>, vector<128x128xi32>
    %get3A_1727 = arith.constant 0 : index
    %get3A_1728 = arith.constant 2304 : index
    %get3A_1729 = vector.load %arg7[%get3A_1727, %get3A_1728] : memref<1x8192xf32, #tpu.memory_space<vmem>>, vector<1x128xf32>
    %slice3A_1730 = vector.extract_strided_slice %dot_general3A_1704 {offsets = [0, 256], sizes = [128, 128], strides = [1, 1]} : vector<128x1024xf32> to vector<128x128xf32>
    %sub3A_1731 = vector.broadcast %get3A_1729 : vector<1x128xf32> to vector<128x128xf32>
    %sub3A_1732 = arith.subf %sub3A_1731, %slice3A_1730 : vector<128x128xf32>
    %lt3A_1733 = arith.cmpf olt, %sub3A_1732, %min3A_1723 : vector<128x128xf32>
    %min3A_1734 = arith.minimumf %sub3A_1732, %min3A_1723 : vector<128x128xf32>
    %jit3A_1735 = arith.constant 18 : i32
    %broadcast_in_dim3A_1736 = vector.broadcast %jit3A_1735 : i32 to vector<128x128xi32>
    %select_n3A_1737 = arith.select %lt3A_1733, %broadcast_in_dim3A_1736, %select_n3A_1726 : vector<128x128xi1>, vector<128x128xi32>
    %get3A_1738 = arith.constant 0 : index
    %get3A_1739 = arith.constant 2432 : index
    %get3A_1740 = vector.load %arg7[%get3A_1738, %get3A_1739] : memref<1x8192xf32, #tpu.memory_space<vmem>>, vector<1x128xf32>
    %slice3A_1741 = vector.extract_strided_slice %dot_general3A_1704 {offsets = [0, 384], sizes = [128, 128], strides = [1, 1]} : vector<128x1024xf32> to vector<128x128xf32>
    %sub3A_1742 = vector.broadcast %get3A_1740 : vector<1x128xf32> to vector<128x128xf32>
    %sub3A_1743 = arith.subf %sub3A_1742, %slice3A_1741 : vector<128x128xf32>
    %lt3A_1744 = arith.cmpf olt, %sub3A_1743, %min3A_1734 : vector<128x128xf32>
    %min3A_1745 = arith.minimumf %sub3A_1743, %min3A_1734 : vector<128x128xf32>
    %jit3A_1746 = arith.constant 19 : i32
    %broadcast_in_dim3A_1747 = vector.broadcast %jit3A_1746 : i32 to vector<128x128xi32>
    %select_n3A_1748 = arith.select %lt3A_1744, %broadcast_in_dim3A_1747, %select_n3A_1737 : vector<128x128xi1>, vector<128x128xi32>
    %get3A_1749 = arith.constant 0 : index
    %get3A_1750 = arith.constant 2560 : index
    %get3A_1751 = vector.load %arg7[%get3A_1749, %get3A_1750] : memref<1x8192xf32, #tpu.memory_space<vmem>>, vector<1x128xf32>
    %slice3A_1752 = vector.extract_strided_slice %dot_general3A_1704 {offsets = [0, 512], sizes = [128, 128], strides = [1, 1]} : vector<128x1024xf32> to vector<128x128xf32>
    %sub3A_1753 = vector.broadcast %get3A_1751 : vector<1x128xf32> to vector<128x128xf32>
    %sub3A_1754 = arith.subf %sub3A_1753, %slice3A_1752 : vector<128x128xf32>
    %lt3A_1755 = arith.cmpf olt, %sub3A_1754, %min3A_1745 : vector<128x128xf32>
    %min3A_1756 = arith.minimumf %sub3A_1754, %min3A_1745 : vector<128x128xf32>
    %jit3A_1757 = arith.constant 20 : i32
    %broadcast_in_dim3A_1758 = vector.broadcast %jit3A_1757 : i32 to vector<128x128xi32>
    %select_n3A_1759 = arith.select %lt3A_1755, %broadcast_in_dim3A_1758, %select_n3A_1748 : vector<128x128xi1>, vector<128x128xi32>
    %get3A_1760 = arith.constant 0 : index
    %get3A_1761 = arith.constant 2688 : index
    %get3A_1762 = vector.load %arg7[%get3A_1760, %get3A_1761] : memref<1x8192xf32, #tpu.memory_space<vmem>>, vector<1x128xf32>
    %slice3A_1763 = vector.extract_strided_slice %dot_general3A_1704 {offsets = [0, 640], sizes = [128, 128], strides = [1, 1]} : vector<128x1024xf32> to vector<128x128xf32>
    %sub3A_1764 = vector.broadcast %get3A_1762 : vector<1x128xf32> to vector<128x128xf32>
    %sub3A_1765 = arith.subf %sub3A_1764, %slice3A_1763 : vector<128x128xf32>
    %lt3A_1766 = arith.cmpf olt, %sub3A_1765, %min3A_1756 : vector<128x128xf32>
    %min3A_1767 = arith.minimumf %sub3A_1765, %min3A_1756 : vector<128x128xf32>
    %jit3A_1768 = arith.constant 21 : i32
    %broadcast_in_dim3A_1769 = vector.broadcast %jit3A_1768 : i32 to vector<128x128xi32>
    %select_n3A_1770 = arith.select %lt3A_1766, %broadcast_in_dim3A_1769, %select_n3A_1759 : vector<128x128xi1>, vector<128x128xi32>
    %get3A_1771 = arith.constant 0 : index
    %get3A_1772 = arith.constant 2816 : index
    %get3A_1773 = vector.load %arg7[%get3A_1771, %get3A_1772] : memref<1x8192xf32, #tpu.memory_space<vmem>>, vector<1x128xf32>
    %slice3A_1774 = vector.extract_strided_slice %dot_general3A_1704 {offsets = [0, 768], sizes = [128, 128], strides = [1, 1]} : vector<128x1024xf32> to vector<128x128xf32>
    %sub3A_1775 = vector.broadcast %get3A_1773 : vector<1x128xf32> to vector<128x128xf32>
    %sub3A_1776 = arith.subf %sub3A_1775, %slice3A_1774 : vector<128x128xf32>
    %lt3A_1777 = arith.cmpf olt, %sub3A_1776, %min3A_1767 : vector<128x128xf32>
    %min3A_1778 = arith.minimumf %sub3A_1776, %min3A_1767 : vector<128x128xf32>
    %jit3A_1779 = arith.constant 22 : i32
    %broadcast_in_dim3A_1780 = vector.broadcast %jit3A_1779 : i32 to vector<128x128xi32>
    %select_n3A_1781 = arith.select %lt3A_1777, %broadcast_in_dim3A_1780, %select_n3A_1770 : vector<128x128xi1>, vector<128x128xi32>
    %get3A_1782 = arith.constant 0 : index
    %get3A_1783 = arith.constant 2944 : index
    %get3A_1784 = vector.load %arg7[%get3A_1782, %get3A_1783] : memref<1x8192xf32, #tpu.memory_space<vmem>>, vector<1x128xf32>
    %slice3A_1785 = vector.extract_strided_slice %dot_general3A_1704 {offsets = [0, 896], sizes = [128, 128], strides = [1, 1]} : vector<128x1024xf32> to vector<128x128xf32>
    %sub3A_1786 = vector.broadcast %get3A_1784 : vector<1x128xf32> to vector<128x128xf32>
    %sub3A_1787 = arith.subf %sub3A_1786, %slice3A_1785 : vector<128x128xf32>
    %lt3A_1788 = arith.cmpf olt, %sub3A_1787, %min3A_1778 : vector<128x128xf32>
    %min3A_1789 = arith.minimumf %sub3A_1787, %min3A_1778 : vector<128x128xf32>
    %jit3A_1790 = arith.constant 23 : i32
    %broadcast_in_dim3A_1791 = vector.broadcast %jit3A_1790 : i32 to vector<128x128xi32>
    %select_n3A_1792 = arith.select %lt3A_1788, %broadcast_in_dim3A_1791, %select_n3A_1781 : vector<128x128xi1>, vector<128x128xi32>
    %slice3A_1793 = vector.extract_strided_slice %get3A_9 {offsets = [0, 3072], sizes = [256, 1024], strides = [1, 1]} : vector<256x8192xbf16> to vector<256x1024xbf16>
    %dot_general3A_1794 = arith.constant dense<0.000000e+00> : vector<128x1024xf32>
    %dot_general3A_1795 = tpu.matmul %slice3A_1515, %slice3A_1793, %dot_general3A_1794 {dimension_numbers = #tpu.dot_dimension_numbers<[1], [0], [0], [1], [0, 0, 1, 1], [], []>, transpose_lhs_hint = false} : vector<128x256xbf16>, vector<256x1024xbf16>, vector<128x1024xf32> -> vector<128x1024xf32>
    %get3A_1796 = arith.constant 0 : index
    %get3A_1797 = arith.constant 3072 : index
    %get3A_1798 = vector.load %arg7[%get3A_1796, %get3A_1797] : memref<1x8192xf32, #tpu.memory_space<vmem>>, vector<1x128xf32>
    %slice3A_1799 = vector.extract_strided_slice %dot_general3A_1795 {offsets = [0, 0], sizes = [128, 128], strides = [1, 1]} : vector<128x1024xf32> to vector<128x128xf32>
    %sub3A_1800 = vector.broadcast %get3A_1798 : vector<1x128xf32> to vector<128x128xf32>
    %sub3A_1801 = arith.subf %sub3A_1800, %slice3A_1799 : vector<128x128xf32>
    %lt3A_1802 = arith.cmpf olt, %sub3A_1801, %min3A_1789 : vector<128x128xf32>
    %min3A_1803 = arith.minimumf %sub3A_1801, %min3A_1789 : vector<128x128xf32>
    %jit3A_1804 = arith.constant 24 : i32
    %broadcast_in_dim3A_1805 = vector.broadcast %jit3A_1804 : i32 to vector<128x128xi32>
    %select_n3A_1806 = arith.select %lt3A_1802, %broadcast_in_dim3A_1805, %select_n3A_1792 : vector<128x128xi1>, vector<128x128xi32>
    %get3A_1807 = arith.constant 0 : index
    %get3A_1808 = arith.constant 3200 : index
    %get3A_1809 = vector.load %arg7[%get3A_1807, %get3A_1808] : memref<1x8192xf32, #tpu.memory_space<vmem>>, vector<1x128xf32>
    %slice3A_1810 = vector.extract_strided_slice %dot_general3A_1795 {offsets = [0, 128], sizes = [128, 128], strides = [1, 1]} : vector<128x1024xf32> to vector<128x128xf32>
    %sub3A_1811 = vector.broadcast %get3A_1809 : vector<1x128xf32> to vector<128x128xf32>
    %sub3A_1812 = arith.subf %sub3A_1811, %slice3A_1810 : vector<128x128xf32>
    %lt3A_1813 = arith.cmpf olt, %sub3A_1812, %min3A_1803 : vector<128x128xf32>
    %min3A_1814 = arith.minimumf %sub3A_1812, %min3A_1803 : vector<128x128xf32>
    %jit3A_1815 = arith.constant 25 : i32
    %broadcast_in_dim3A_1816 = vector.broadcast %jit3A_1815 : i32 to vector<128x128xi32>
    %select_n3A_1817 = arith.select %lt3A_1813, %broadcast_in_dim3A_1816, %select_n3A_1806 : vector<128x128xi1>, vector<128x128xi32>
    %get3A_1818 = arith.constant 0 : index
    %get3A_1819 = arith.constant 3328 : index
    %get3A_1820 = vector.load %arg7[%get3A_1818, %get3A_1819] : memref<1x8192xf32, #tpu.memory_space<vmem>>, vector<1x128xf32>
    %slice3A_1821 = vector.extract_strided_slice %dot_general3A_1795 {offsets = [0, 256], sizes = [128, 128], strides = [1, 1]} : vector<128x1024xf32> to vector<128x128xf32>
    %sub3A_1822 = vector.broadcast %get3A_1820 : vector<1x128xf32> to vector<128x128xf32>
    %sub3A_1823 = arith.subf %sub3A_1822, %slice3A_1821 : vector<128x128xf32>
    %lt3A_1824 = arith.cmpf olt, %sub3A_1823, %min3A_1814 : vector<128x128xf32>
    %min3A_1825 = arith.minimumf %sub3A_1823, %min3A_1814 : vector<128x128xf32>
    %jit3A_1826 = arith.constant 26 : i32
    %broadcast_in_dim3A_1827 = vector.broadcast %jit3A_1826 : i32 to vector<128x128xi32>
    %select_n3A_1828 = arith.select %lt3A_1824, %broadcast_in_dim3A_1827, %select_n3A_1817 : vector<128x128xi1>, vector<128x128xi32>
    %get3A_1829 = arith.constant 0 : index
    %get3A_1830 = arith.constant 3456 : index
    %get3A_1831 = vector.load %arg7[%get3A_1829, %get3A_1830] : memref<1x8192xf32, #tpu.memory_space<vmem>>, vector<1x128xf32>
    %slice3A_1832 = vector.extract_strided_slice %dot_general3A_1795 {offsets = [0, 384], sizes = [128, 128], strides = [1, 1]} : vector<128x1024xf32> to vector<128x128xf32>
    %sub3A_1833 = vector.broadcast %get3A_1831 : vector<1x128xf32> to vector<128x128xf32>
    %sub3A_1834 = arith.subf %sub3A_1833, %slice3A_1832 : vector<128x128xf32>
    %lt3A_1835 = arith.cmpf olt, %sub3A_1834, %min3A_1825 : vector<128x128xf32>
    %min3A_1836 = arith.minimumf %sub3A_1834, %min3A_1825 : vector<128x128xf32>
    %jit3A_1837 = arith.constant 27 : i32
    %broadcast_in_dim3A_1838 = vector.broadcast %jit3A_1837 : i32 to vector<128x128xi32>
    %select_n3A_1839 = arith.select %lt3A_1835, %broadcast_in_dim3A_1838, %select_n3A_1828 : vector<128x128xi1>, vector<128x128xi32>
    %get3A_1840 = arith.constant 0 : index
    %get3A_1841 = arith.constant 3584 : index
    %get3A_1842 = vector.load %arg7[%get3A_1840, %get3A_1841] : memref<1x8192xf32, #tpu.memory_space<vmem>>, vector<1x128xf32>
    %slice3A_1843 = vector.extract_strided_slice %dot_general3A_1795 {offsets = [0, 512], sizes = [128, 128], strides = [1, 1]} : vector<128x1024xf32> to vector<128x128xf32>
    %sub3A_1844 = vector.broadcast %get3A_1842 : vector<1x128xf32> to vector<128x128xf32>
    %sub3A_1845 = arith.subf %sub3A_1844, %slice3A_1843 : vector<128x128xf32>
    %lt3A_1846 = arith.cmpf olt, %sub3A_1845, %min3A_1836 : vector<128x128xf32>
    %min3A_1847 = arith.minimumf %sub3A_1845, %min3A_1836 : vector<128x128xf32>
    %jit3A_1848 = arith.constant 28 : i32
    %broadcast_in_dim3A_1849 = vector.broadcast %jit3A_1848 : i32 to vector<128x128xi32>
    %select_n3A_1850 = arith.select %lt3A_1846, %broadcast_in_dim3A_1849, %select_n3A_1839 : vector<128x128xi1>, vector<128x128xi32>
    %get3A_1851 = arith.constant 0 : index
    %get3A_1852 = arith.constant 3712 : index
    %get3A_1853 = vector.load %arg7[%get3A_1851, %get3A_1852] : memref<1x8192xf32, #tpu.memory_space<vmem>>, vector<1x128xf32>
    %slice3A_1854 = vector.extract_strided_slice %dot_general3A_1795 {offsets = [0, 640], sizes = [128, 128], strides = [1, 1]} : vector<128x1024xf32> to vector<128x128xf32>
    %sub3A_1855 = vector.broadcast %get3A_1853 : vector<1x128xf32> to vector<128x128xf32>
    %sub3A_1856 = arith.subf %sub3A_1855, %slice3A_1854 : vector<128x128xf32>
    %lt3A_1857 = arith.cmpf olt, %sub3A_1856, %min3A_1847 : vector<128x128xf32>
    %min3A_1858 = arith.minimumf %sub3A_1856, %min3A_1847 : vector<128x128xf32>
    %jit3A_1859 = arith.constant 29 : i32
    %broadcast_in_dim3A_1860 = vector.broadcast %jit3A_1859 : i32 to vector<128x128xi32>
    %select_n3A_1861 = arith.select %lt3A_1857, %broadcast_in_dim3A_1860, %select_n3A_1850 : vector<128x128xi1>, vector<128x128xi32>
    %get3A_1862 = arith.constant 0 : index
    %get3A_1863 = arith.constant 3840 : index
    %get3A_1864 = vector.load %arg7[%get3A_1862, %get3A_1863] : memref<1x8192xf32, #tpu.memory_space<vmem>>, vector<1x128xf32>
    %slice3A_1865 = vector.extract_strided_slice %dot_general3A_1795 {offsets = [0, 768], sizes = [128, 128], strides = [1, 1]} : vector<128x1024xf32> to vector<128x128xf32>
    %sub3A_1866 = vector.broadcast %get3A_1864 : vector<1x128xf32> to vector<128x128xf32>
    %sub3A_1867 = arith.subf %sub3A_1866, %slice3A_1865 : vector<128x128xf32>
    %lt3A_1868 = arith.cmpf olt, %sub3A_1867, %min3A_1858 : vector<128x128xf32>
    %min3A_1869 = arith.minimumf %sub3A_1867, %min3A_1858 : vector<128x128xf32>
    %jit3A_1870 = arith.constant 30 : i32
    %broadcast_in_dim3A_1871 = vector.broadcast %jit3A_1870 : i32 to vector<128x128xi32>
    %select_n3A_1872 = arith.select %lt3A_1868, %broadcast_in_dim3A_1871, %select_n3A_1861 : vector<128x128xi1>, vector<128x128xi32>
    %get3A_1873 = arith.constant 0 : index
    %get3A_1874 = arith.constant 3968 : index
    %get3A_1875 = vector.load %arg7[%get3A_1873, %get3A_1874] : memref<1x8192xf32, #tpu.memory_space<vmem>>, vector<1x128xf32>
    %slice3A_1876 = vector.extract_strided_slice %dot_general3A_1795 {offsets = [0, 896], sizes = [128, 128], strides = [1, 1]} : vector<128x1024xf32> to vector<128x128xf32>
    %sub3A_1877 = vector.broadcast %get3A_1875 : vector<1x128xf32> to vector<128x128xf32>
    %sub3A_1878 = arith.subf %sub3A_1877, %slice3A_1876 : vector<128x128xf32>
    %lt3A_1879 = arith.cmpf olt, %sub3A_1878, %min3A_1869 : vector<128x128xf32>
    %min3A_1880 = arith.minimumf %sub3A_1878, %min3A_1869 : vector<128x128xf32>
    %jit3A_1881 = arith.constant 31 : i32
    %broadcast_in_dim3A_1882 = vector.broadcast %jit3A_1881 : i32 to vector<128x128xi32>
    %select_n3A_1883 = arith.select %lt3A_1879, %broadcast_in_dim3A_1882, %select_n3A_1872 : vector<128x128xi1>, vector<128x128xi32>
    %slice3A_1884 = vector.extract_strided_slice %get3A_9 {offsets = [0, 4096], sizes = [256, 1024], strides = [1, 1]} : vector<256x8192xbf16> to vector<256x1024xbf16>
    %dot_general3A_1885 = arith.constant dense<0.000000e+00> : vector<128x1024xf32>
    %dot_general3A_1886 = tpu.matmul %slice3A_1515, %slice3A_1884, %dot_general3A_1885 {dimension_numbers = #tpu.dot_dimension_numbers<[1], [0], [0], [1], [0, 0, 1, 1], [], []>, transpose_lhs_hint = false} : vector<128x256xbf16>, vector<256x1024xbf16>, vector<128x1024xf32> -> vector<128x1024xf32>
    %get3A_1887 = arith.constant 0 : index
    %get3A_1888 = arith.constant 4096 : index
    %get3A_1889 = vector.load %arg7[%get3A_1887, %get3A_1888] : memref<1x8192xf32, #tpu.memory_space<vmem>>, vector<1x128xf32>
    %slice3A_1890 = vector.extract_strided_slice %dot_general3A_1886 {offsets = [0, 0], sizes = [128, 128], strides = [1, 1]} : vector<128x1024xf32> to vector<128x128xf32>
    %sub3A_1891 = vector.broadcast %get3A_1889 : vector<1x128xf32> to vector<128x128xf32>
    %sub3A_1892 = arith.subf %sub3A_1891, %slice3A_1890 : vector<128x128xf32>
    %lt3A_1893 = arith.cmpf olt, %sub3A_1892, %min3A_1880 : vector<128x128xf32>
    %min3A_1894 = arith.minimumf %sub3A_1892, %min3A_1880 : vector<128x128xf32>
    %jit3A_1895 = arith.constant 32 : i32
    %broadcast_in_dim3A_1896 = vector.broadcast %jit3A_1895 : i32 to vector<128x128xi32>
    %select_n3A_1897 = arith.select %lt3A_1893, %broadcast_in_dim3A_1896, %select_n3A_1883 : vector<128x128xi1>, vector<128x128xi32>
    %get3A_1898 = arith.constant 0 : index
    %get3A_1899 = arith.constant 4224 : index
    %get3A_1900 = vector.load %arg7[%get3A_1898, %get3A_1899] : memref<1x8192xf32, #tpu.memory_space<vmem>>, vector<1x128xf32>
    %slice3A_1901 = vector.extract_strided_slice %dot_general3A_1886 {offsets = [0, 128], sizes = [128, 128], strides = [1, 1]} : vector<128x1024xf32> to vector<128x128xf32>
    %sub3A_1902 = vector.broadcast %get3A_1900 : vector<1x128xf32> to vector<128x128xf32>
    %sub3A_1903 = arith.subf %sub3A_1902, %slice3A_1901 : vector<128x128xf32>
    %lt3A_1904 = arith.cmpf olt, %sub3A_1903, %min3A_1894 : vector<128x128xf32>
    %min3A_1905 = arith.minimumf %sub3A_1903, %min3A_1894 : vector<128x128xf32>
    %jit3A_1906 = arith.constant 33 : i32
    %broadcast_in_dim3A_1907 = vector.broadcast %jit3A_1906 : i32 to vector<128x128xi32>
    %select_n3A_1908 = arith.select %lt3A_1904, %broadcast_in_dim3A_1907, %select_n3A_1897 : vector<128x128xi1>, vector<128x128xi32>
    %get3A_1909 = arith.constant 0 : index
    %get3A_1910 = arith.constant 4352 : index
    %get3A_1911 = vector.load %arg7[%get3A_1909, %get3A_1910] : memref<1x8192xf32, #tpu.memory_space<vmem>>, vector<1x128xf32>
    %slice3A_1912 = vector.extract_strided_slice %dot_general3A_1886 {offsets = [0, 256], sizes = [128, 128], strides = [1, 1]} : vector<128x1024xf32> to vector<128x128xf32>
    %sub3A_1913 = vector.broadcast %get3A_1911 : vector<1x128xf32> to vector<128x128xf32>
    %sub3A_1914 = arith.subf %sub3A_1913, %slice3A_1912 : vector<128x128xf32>
    %lt3A_1915 = arith.cmpf olt, %sub3A_1914, %min3A_1905 : vector<128x128xf32>
    %min3A_1916 = arith.minimumf %sub3A_1914, %min3A_1905 : vector<128x128xf32>
    %jit3A_1917 = arith.constant 34 : i32
    %broadcast_in_dim3A_1918 = vector.broadcast %jit3A_1917 : i32 to vector<128x128xi32>
    %select_n3A_1919 = arith.select %lt3A_1915, %broadcast_in_dim3A_1918, %select_n3A_1908 : vector<128x128xi1>, vector<128x128xi32>
    %get3A_1920 = arith.constant 0 : index
    %get3A_1921 = arith.constant 4480 : index
    %get3A_1922 = vector.load %arg7[%get3A_1920, %get3A_1921] : memref<1x8192xf32, #tpu.memory_space<vmem>>, vector<1x128xf32>
    %slice3A_1923 = vector.extract_strided_slice %dot_general3A_1886 {offsets = [0, 384], sizes = [128, 128], strides = [1, 1]} : vector<128x1024xf32> to vector<128x128xf32>
    %sub3A_1924 = vector.broadcast %get3A_1922 : vector<1x128xf32> to vector<128x128xf32>
    %sub3A_1925 = arith.subf %sub3A_1924, %slice3A_1923 : vector<128x128xf32>
    %lt3A_1926 = arith.cmpf olt, %sub3A_1925, %min3A_1916 : vector<128x128xf32>
    %min3A_1927 = arith.minimumf %sub3A_1925, %min3A_1916 : vector<128x128xf32>
    %jit3A_1928 = arith.constant 35 : i32
    %broadcast_in_dim3A_1929 = vector.broadcast %jit3A_1928 : i32 to vector<128x128xi32>
    %select_n3A_1930 = arith.select %lt3A_1926, %broadcast_in_dim3A_1929, %select_n3A_1919 : vector<128x128xi1>, vector<128x128xi32>
    %get3A_1931 = arith.constant 0 : index
    %get3A_1932 = arith.constant 4608 : index
    %get3A_1933 = vector.load %arg7[%get3A_1931, %get3A_1932] : memref<1x8192xf32, #tpu.memory_space<vmem>>, vector<1x128xf32>
    %slice3A_1934 = vector.extract_strided_slice %dot_general3A_1886 {offsets = [0, 512], sizes = [128, 128], strides = [1, 1]} : vector<128x1024xf32> to vector<128x128xf32>
    %sub3A_1935 = vector.broadcast %get3A_1933 : vector<1x128xf32> to vector<128x128xf32>
    %sub3A_1936 = arith.subf %sub3A_1935, %slice3A_1934 : vector<128x128xf32>
    %lt3A_1937 = arith.cmpf olt, %sub3A_1936, %min3A_1927 : vector<128x128xf32>
    %min3A_1938 = arith.minimumf %sub3A_1936, %min3A_1927 : vector<128x128xf32>
    %jit3A_1939 = arith.constant 36 : i32
    %broadcast_in_dim3A_1940 = vector.broadcast %jit3A_1939 : i32 to vector<128x128xi32>
    %select_n3A_1941 = arith.select %lt3A_1937, %broadcast_in_dim3A_1940, %select_n3A_1930 : vector<128x128xi1>, vector<128x128xi32>
    %get3A_1942 = arith.constant 0 : index
    %get3A_1943 = arith.constant 4736 : index
    %get3A_1944 = vector.load %arg7[%get3A_1942, %get3A_1943] : memref<1x8192xf32, #tpu.memory_space<vmem>>, vector<1x128xf32>
    %slice3A_1945 = vector.extract_strided_slice %dot_general3A_1886 {offsets = [0, 640], sizes = [128, 128], strides = [1, 1]} : vector<128x1024xf32> to vector<128x128xf32>
    %sub3A_1946 = vector.broadcast %get3A_1944 : vector<1x128xf32> to vector<128x128xf32>
    %sub3A_1947 = arith.subf %sub3A_1946, %slice3A_1945 : vector<128x128xf32>
    %lt3A_1948 = arith.cmpf olt, %sub3A_1947, %min3A_1938 : vector<128x128xf32>
    %min3A_1949 = arith.minimumf %sub3A_1947, %min3A_1938 : vector<128x128xf32>
    %jit3A_1950 = arith.constant 37 : i32
    %broadcast_in_dim3A_1951 = vector.broadcast %jit3A_1950 : i32 to vector<128x128xi32>
    %select_n3A_1952 = arith.select %lt3A_1948, %broadcast_in_dim3A_1951, %select_n3A_1941 : vector<128x128xi1>, vector<128x128xi32>
    %get3A_1953 = arith.constant 0 : index
    %get3A_1954 = arith.constant 4864 : index
    %get3A_1955 = vector.load %arg7[%get3A_1953, %get3A_1954] : memref<1x8192xf32, #tpu.memory_space<vmem>>, vector<1x128xf32>
    %slice3A_1956 = vector.extract_strided_slice %dot_general3A_1886 {offsets = [0, 768], sizes = [128, 128], strides = [1, 1]} : vector<128x1024xf32> to vector<128x128xf32>
    %sub3A_1957 = vector.broadcast %get3A_1955 : vector<1x128xf32> to vector<128x128xf32>
    %sub3A_1958 = arith.subf %sub3A_1957, %slice3A_1956 : vector<128x128xf32>
    %lt3A_1959 = arith.cmpf olt, %sub3A_1958, %min3A_1949 : vector<128x128xf32>
    %min3A_1960 = arith.minimumf %sub3A_1958, %min3A_1949 : vector<128x128xf32>
    %jit3A_1961 = arith.constant 38 : i32
    %broadcast_in_dim3A_1962 = vector.broadcast %jit3A_1961 : i32 to vector<128x128xi32>
    %select_n3A_1963 = arith.select %lt3A_1959, %broadcast_in_dim3A_1962, %select_n3A_1952 : vector<128x128xi1>, vector<128x128xi32>
    %get3A_1964 = arith.constant 0 : index
    %get3A_1965 = arith.constant 4992 : index
    %get3A_1966 = vector.load %arg7[%get3A_1964, %get3A_1965] : memref<1x8192xf32, #tpu.memory_space<vmem>>, vector<1x128xf32>
    %slice3A_1967 = vector.extract_strided_slice %dot_general3A_1886 {offsets = [0, 896], sizes = [128, 128], strides = [1, 1]} : vector<128x1024xf32> to vector<128x128xf32>
    %sub3A_1968 = vector.broadcast %get3A_1966 : vector<1x128xf32> to vector<128x128xf32>
    %sub3A_1969 = arith.subf %sub3A_1968, %slice3A_1967 : vector<128x128xf32>
    %lt3A_1970 = arith.cmpf olt, %sub3A_1969, %min3A_1960 : vector<128x128xf32>
    %min3A_1971 = arith.minimumf %sub3A_1969, %min3A_1960 : vector<128x128xf32>
    %jit3A_1972 = arith.constant 39 : i32
    %broadcast_in_dim3A_1973 = vector.broadcast %jit3A_1972 : i32 to vector<128x128xi32>
    %select_n3A_1974 = arith.select %lt3A_1970, %broadcast_in_dim3A_1973, %select_n3A_1963 : vector<128x128xi1>, vector<128x128xi32>
    %slice3A_1975 = vector.extract_strided_slice %get3A_9 {offsets = [0, 5120], sizes = [256, 1024], strides = [1, 1]} : vector<256x8192xbf16> to vector<256x1024xbf16>
    %dot_general3A_1976 = arith.constant dense<0.000000e+00> : vector<128x1024xf32>
    %dot_general3A_1977 = tpu.matmul %slice3A_1515, %slice3A_1975, %dot_general3A_1976 {dimension_numbers = #tpu.dot_dimension_numbers<[1], [0], [0], [1], [0, 0, 1, 1], [], []>, transpose_lhs_hint = false} : vector<128x256xbf16>, vector<256x1024xbf16>, vector<128x1024xf32> -> vector<128x1024xf32>
    %get3A_1978 = arith.constant 0 : index
    %get3A_1979 = arith.constant 5120 : index
    %get3A_1980 = vector.load %arg7[%get3A_1978, %get3A_1979] : memref<1x8192xf32, #tpu.memory_space<vmem>>, vector<1x128xf32>
    %slice3A_1981 = vector.extract_strided_slice %dot_general3A_1977 {offsets = [0, 0], sizes = [128, 128], strides = [1, 1]} : vector<128x1024xf32> to vector<128x128xf32>
    %sub3A_1982 = vector.broadcast %get3A_1980 : vector<1x128xf32> to vector<128x128xf32>
    %sub3A_1983 = arith.subf %sub3A_1982, %slice3A_1981 : vector<128x128xf32>
    %lt3A_1984 = arith.cmpf olt, %sub3A_1983, %min3A_1971 : vector<128x128xf32>
    %min3A_1985 = arith.minimumf %sub3A_1983, %min3A_1971 : vector<128x128xf32>
    %jit3A_1986 = arith.constant 40 : i32
    %broadcast_in_dim3A_1987 = vector.broadcast %jit3A_1986 : i32 to vector<128x128xi32>
    %select_n3A_1988 = arith.select %lt3A_1984, %broadcast_in_dim3A_1987, %select_n3A_1974 : vector<128x128xi1>, vector<128x128xi32>
    %get3A_1989 = arith.constant 0 : index
    %get3A_1990 = arith.constant 5248 : index
    %get3A_1991 = vector.load %arg7[%get3A_1989, %get3A_1990] : memref<1x8192xf32, #tpu.memory_space<vmem>>, vector<1x128xf32>
    %slice3A_1992 = vector.extract_strided_slice %dot_general3A_1977 {offsets = [0, 128], sizes = [128, 128], strides = [1, 1]} : vector<128x1024xf32> to vector<128x128xf32>
    %sub3A_1993 = vector.broadcast %get3A_1991 : vector<1x128xf32> to vector<128x128xf32>
    %sub3A_1994 = arith.subf %sub3A_1993, %slice3A_1992 : vector<128x128xf32>
    %lt3A_1995 = arith.cmpf olt, %sub3A_1994, %min3A_1985 : vector<128x128xf32>
    %min3A_1996 = arith.minimumf %sub3A_1994, %min3A_1985 : vector<128x128xf32>
    %jit3A_1997 = arith.constant 41 : i32
    %broadcast_in_dim3A_1998 = vector.broadcast %jit3A_1997 : i32 to vector<128x128xi32>
    %select_n3A_1999 = arith.select %lt3A_1995, %broadcast_in_dim3A_1998, %select_n3A_1988 : vector<128x128xi1>, vector<128x128xi32>
    %get3A_2000 = arith.constant 0 : index
    %get3A_2001 = arith.constant 5376 : index
    %get3A_2002 = vector.load %arg7[%get3A_2000, %get3A_2001] : memref<1x8192xf32, #tpu.memory_space<vmem>>, vector<1x128xf32>
    %slice3A_2003 = vector.extract_strided_slice %dot_general3A_1977 {offsets = [0, 256], sizes = [128, 128], strides = [1, 1]} : vector<128x1024xf32> to vector<128x128xf32>
    %sub3A_2004 = vector.broadcast %get3A_2002 : vector<1x128xf32> to vector<128x128xf32>
    %sub3A_2005 = arith.subf %sub3A_2004, %slice3A_2003 : vector<128x128xf32>
    %lt3A_2006 = arith.cmpf olt, %sub3A_2005, %min3A_1996 : vector<128x128xf32>
    %min3A_2007 = arith.minimumf %sub3A_2005, %min3A_1996 : vector<128x128xf32>
    %jit3A_2008 = arith.constant 42 : i32
    %broadcast_in_dim3A_2009 = vector.broadcast %jit3A_2008 : i32 to vector<128x128xi32>
    %select_n3A_2010 = arith.select %lt3A_2006, %broadcast_in_dim3A_2009, %select_n3A_1999 : vector<128x128xi1>, vector<128x128xi32>
    %get3A_2011 = arith.constant 0 : index
    %get3A_2012 = arith.constant 5504 : index
    %get3A_2013 = vector.load %arg7[%get3A_2011, %get3A_2012] : memref<1x8192xf32, #tpu.memory_space<vmem>>, vector<1x128xf32>
    %slice3A_2014 = vector.extract_strided_slice %dot_general3A_1977 {offsets = [0, 384], sizes = [128, 128], strides = [1, 1]} : vector<128x1024xf32> to vector<128x128xf32>
    %sub3A_2015 = vector.broadcast %get3A_2013 : vector<1x128xf32> to vector<128x128xf32>
    %sub3A_2016 = arith.subf %sub3A_2015, %slice3A_2014 : vector<128x128xf32>
    %lt3A_2017 = arith.cmpf olt, %sub3A_2016, %min3A_2007 : vector<128x128xf32>
    %min3A_2018 = arith.minimumf %sub3A_2016, %min3A_2007 : vector<128x128xf32>
    %jit3A_2019 = arith.constant 43 : i32
    %broadcast_in_dim3A_2020 = vector.broadcast %jit3A_2019 : i32 to vector<128x128xi32>
    %select_n3A_2021 = arith.select %lt3A_2017, %broadcast_in_dim3A_2020, %select_n3A_2010 : vector<128x128xi1>, vector<128x128xi32>
    %get3A_2022 = arith.constant 0 : index
    %get3A_2023 = arith.constant 5632 : index
    %get3A_2024 = vector.load %arg7[%get3A_2022, %get3A_2023] : memref<1x8192xf32, #tpu.memory_space<vmem>>, vector<1x128xf32>
    %slice3A_2025 = vector.extract_strided_slice %dot_general3A_1977 {offsets = [0, 512], sizes = [128, 128], strides = [1, 1]} : vector<128x1024xf32> to vector<128x128xf32>
    %sub3A_2026 = vector.broadcast %get3A_2024 : vector<1x128xf32> to vector<128x128xf32>
    %sub3A_2027 = arith.subf %sub3A_2026, %slice3A_2025 : vector<128x128xf32>
    %lt3A_2028 = arith.cmpf olt, %sub3A_2027, %min3A_2018 : vector<128x128xf32>
    %min3A_2029 = arith.minimumf %sub3A_2027, %min3A_2018 : vector<128x128xf32>
    %jit3A_2030 = arith.constant 44 : i32
    %broadcast_in_dim3A_2031 = vector.broadcast %jit3A_2030 : i32 to vector<128x128xi32>
    %select_n3A_2032 = arith.select %lt3A_2028, %broadcast_in_dim3A_2031, %select_n3A_2021 : vector<128x128xi1>, vector<128x128xi32>
    %get3A_2033 = arith.constant 0 : index
    %get3A_2034 = arith.constant 5760 : index
    %get3A_2035 = vector.load %arg7[%get3A_2033, %get3A_2034] : memref<1x8192xf32, #tpu.memory_space<vmem>>, vector<1x128xf32>
    %slice3A_2036 = vector.extract_strided_slice %dot_general3A_1977 {offsets = [0, 640], sizes = [128, 128], strides = [1, 1]} : vector<128x1024xf32> to vector<128x128xf32>
    %sub3A_2037 = vector.broadcast %get3A_2035 : vector<1x128xf32> to vector<128x128xf32>
    %sub3A_2038 = arith.subf %sub3A_2037, %slice3A_2036 : vector<128x128xf32>
    %lt3A_2039 = arith.cmpf olt, %sub3A_2038, %min3A_2029 : vector<128x128xf32>
    %min3A_2040 = arith.minimumf %sub3A_2038, %min3A_2029 : vector<128x128xf32>
    %jit3A_2041 = arith.constant 45 : i32
    %broadcast_in_dim3A_2042 = vector.broadcast %jit3A_2041 : i32 to vector<128x128xi32>
    %select_n3A_2043 = arith.select %lt3A_2039, %broadcast_in_dim3A_2042, %select_n3A_2032 : vector<128x128xi1>, vector<128x128xi32>
    %get3A_2044 = arith.constant 0 : index
    %get3A_2045 = arith.constant 5888 : index
    %get3A_2046 = vector.load %arg7[%get3A_2044, %get3A_2045] : memref<1x8192xf32, #tpu.memory_space<vmem>>, vector<1x128xf32>
    %slice3A_2047 = vector.extract_strided_slice %dot_general3A_1977 {offsets = [0, 768], sizes = [128, 128], strides = [1, 1]} : vector<128x1024xf32> to vector<128x128xf32>
    %sub3A_2048 = vector.broadcast %get3A_2046 : vector<1x128xf32> to vector<128x128xf32>
    %sub3A_2049 = arith.subf %sub3A_2048, %slice3A_2047 : vector<128x128xf32>
    %lt3A_2050 = arith.cmpf olt, %sub3A_2049, %min3A_2040 : vector<128x128xf32>
    %min3A_2051 = arith.minimumf %sub3A_2049, %min3A_2040 : vector<128x128xf32>
    %jit3A_2052 = arith.constant 46 : i32
    %broadcast_in_dim3A_2053 = vector.broadcast %jit3A_2052 : i32 to vector<128x128xi32>
    %select_n3A_2054 = arith.select %lt3A_2050, %broadcast_in_dim3A_2053, %select_n3A_2043 : vector<128x128xi1>, vector<128x128xi32>
    %get3A_2055 = arith.constant 0 : index
    %get3A_2056 = arith.constant 6016 : index
    %get3A_2057 = vector.load %arg7[%get3A_2055, %get3A_2056] : memref<1x8192xf32, #tpu.memory_space<vmem>>, vector<1x128xf32>
    %slice3A_2058 = vector.extract_strided_slice %dot_general3A_1977 {offsets = [0, 896], sizes = [128, 128], strides = [1, 1]} : vector<128x1024xf32> to vector<128x128xf32>
    %sub3A_2059 = vector.broadcast %get3A_2057 : vector<1x128xf32> to vector<128x128xf32>
    %sub3A_2060 = arith.subf %sub3A_2059, %slice3A_2058 : vector<128x128xf32>
    %lt3A_2061 = arith.cmpf olt, %sub3A_2060, %min3A_2051 : vector<128x128xf32>
    %min3A_2062 = arith.minimumf %sub3A_2060, %min3A_2051 : vector<128x128xf32>
    %jit3A_2063 = arith.constant 47 : i32
    %broadcast_in_dim3A_2064 = vector.broadcast %jit3A_2063 : i32 to vector<128x128xi32>
    %select_n3A_2065 = arith.select %lt3A_2061, %broadcast_in_dim3A_2064, %select_n3A_2054 : vector<128x128xi1>, vector<128x128xi32>
    %slice3A_2066 = vector.extract_strided_slice %get3A_9 {offsets = [0, 6144], sizes = [256, 1024], strides = [1, 1]} : vector<256x8192xbf16> to vector<256x1024xbf16>
    %dot_general3A_2067 = arith.constant dense<0.000000e+00> : vector<128x1024xf32>
    %dot_general3A_2068 = tpu.matmul %slice3A_1515, %slice3A_2066, %dot_general3A_2067 {dimension_numbers = #tpu.dot_dimension_numbers<[1], [0], [0], [1], [0, 0, 1, 1], [], []>, transpose_lhs_hint = false} : vector<128x256xbf16>, vector<256x1024xbf16>, vector<128x1024xf32> -> vector<128x1024xf32>
    %get3A_2069 = arith.constant 0 : index
    %get3A_2070 = arith.constant 6144 : index
    %get3A_2071 = vector.load %arg7[%get3A_2069, %get3A_2070] : memref<1x8192xf32, #tpu.memory_space<vmem>>, vector<1x128xf32>
    %slice3A_2072 = vector.extract_strided_slice %dot_general3A_2068 {offsets = [0, 0], sizes = [128, 128], strides = [1, 1]} : vector<128x1024xf32> to vector<128x128xf32>
    %sub3A_2073 = vector.broadcast %get3A_2071 : vector<1x128xf32> to vector<128x128xf32>
    %sub3A_2074 = arith.subf %sub3A_2073, %slice3A_2072 : vector<128x128xf32>
    %lt3A_2075 = arith.cmpf olt, %sub3A_2074, %min3A_2062 : vector<128x128xf32>
    %min3A_2076 = arith.minimumf %sub3A_2074, %min3A_2062 : vector<128x128xf32>
    %jit3A_2077 = arith.constant 48 : i32
    %broadcast_in_dim3A_2078 = vector.broadcast %jit3A_2077 : i32 to vector<128x128xi32>
    %select_n3A_2079 = arith.select %lt3A_2075, %broadcast_in_dim3A_2078, %select_n3A_2065 : vector<128x128xi1>, vector<128x128xi32>
    %get3A_2080 = arith.constant 0 : index
    %get3A_2081 = arith.constant 6272 : index
    %get3A_2082 = vector.load %arg7[%get3A_2080, %get3A_2081] : memref<1x8192xf32, #tpu.memory_space<vmem>>, vector<1x128xf32>
    %slice3A_2083 = vector.extract_strided_slice %dot_general3A_2068 {offsets = [0, 128], sizes = [128, 128], strides = [1, 1]} : vector<128x1024xf32> to vector<128x128xf32>
    %sub3A_2084 = vector.broadcast %get3A_2082 : vector<1x128xf32> to vector<128x128xf32>
    %sub3A_2085 = arith.subf %sub3A_2084, %slice3A_2083 : vector<128x128xf32>
    %lt3A_2086 = arith.cmpf olt, %sub3A_2085, %min3A_2076 : vector<128x128xf32>
    %min3A_2087 = arith.minimumf %sub3A_2085, %min3A_2076 : vector<128x128xf32>
    %jit3A_2088 = arith.constant 49 : i32
    %broadcast_in_dim3A_2089 = vector.broadcast %jit3A_2088 : i32 to vector<128x128xi32>
    %select_n3A_2090 = arith.select %lt3A_2086, %broadcast_in_dim3A_2089, %select_n3A_2079 : vector<128x128xi1>, vector<128x128xi32>
    %get3A_2091 = arith.constant 0 : index
    %get3A_2092 = arith.constant 6400 : index
    %get3A_2093 = vector.load %arg7[%get3A_2091, %get3A_2092] : memref<1x8192xf32, #tpu.memory_space<vmem>>, vector<1x128xf32>
    %slice3A_2094 = vector.extract_strided_slice %dot_general3A_2068 {offsets = [0, 256], sizes = [128, 128], strides = [1, 1]} : vector<128x1024xf32> to vector<128x128xf32>
    %sub3A_2095 = vector.broadcast %get3A_2093 : vector<1x128xf32> to vector<128x128xf32>
    %sub3A_2096 = arith.subf %sub3A_2095, %slice3A_2094 : vector<128x128xf32>
    %lt3A_2097 = arith.cmpf olt, %sub3A_2096, %min3A_2087 : vector<128x128xf32>
    %min3A_2098 = arith.minimumf %sub3A_2096, %min3A_2087 : vector<128x128xf32>
    %jit3A_2099 = arith.constant 50 : i32
    %broadcast_in_dim3A_2100 = vector.broadcast %jit3A_2099 : i32 to vector<128x128xi32>
    %select_n3A_2101 = arith.select %lt3A_2097, %broadcast_in_dim3A_2100, %select_n3A_2090 : vector<128x128xi1>, vector<128x128xi32>
    %get3A_2102 = arith.constant 0 : index
    %get3A_2103 = arith.constant 6528 : index
    %get3A_2104 = vector.load %arg7[%get3A_2102, %get3A_2103] : memref<1x8192xf32, #tpu.memory_space<vmem>>, vector<1x128xf32>
    %slice3A_2105 = vector.extract_strided_slice %dot_general3A_2068 {offsets = [0, 384], sizes = [128, 128], strides = [1, 1]} : vector<128x1024xf32> to vector<128x128xf32>
    %sub3A_2106 = vector.broadcast %get3A_2104 : vector<1x128xf32> to vector<128x128xf32>
    %sub3A_2107 = arith.subf %sub3A_2106, %slice3A_2105 : vector<128x128xf32>
    %lt3A_2108 = arith.cmpf olt, %sub3A_2107, %min3A_2098 : vector<128x128xf32>
    %min3A_2109 = arith.minimumf %sub3A_2107, %min3A_2098 : vector<128x128xf32>
    %jit3A_2110 = arith.constant 51 : i32
    %broadcast_in_dim3A_2111 = vector.broadcast %jit3A_2110 : i32 to vector<128x128xi32>
    %select_n3A_2112 = arith.select %lt3A_2108, %broadcast_in_dim3A_2111, %select_n3A_2101 : vector<128x128xi1>, vector<128x128xi32>
    %get3A_2113 = arith.constant 0 : index
    %get3A_2114 = arith.constant 6656 : index
    %get3A_2115 = vector.load %arg7[%get3A_2113, %get3A_2114] : memref<1x8192xf32, #tpu.memory_space<vmem>>, vector<1x128xf32>
    %slice3A_2116 = vector.extract_strided_slice %dot_general3A_2068 {offsets = [0, 512], sizes = [128, 128], strides = [1, 1]} : vector<128x1024xf32> to vector<128x128xf32>
    %sub3A_2117 = vector.broadcast %get3A_2115 : vector<1x128xf32> to vector<128x128xf32>
    %sub3A_2118 = arith.subf %sub3A_2117, %slice3A_2116 : vector<128x128xf32>
    %lt3A_2119 = arith.cmpf olt, %sub3A_2118, %min3A_2109 : vector<128x128xf32>
    %min3A_2120 = arith.minimumf %sub3A_2118, %min3A_2109 : vector<128x128xf32>
    %jit3A_2121 = arith.constant 52 : i32
    %broadcast_in_dim3A_2122 = vector.broadcast %jit3A_2121 : i32 to vector<128x128xi32>
    %select_n3A_2123 = arith.select %lt3A_2119, %broadcast_in_dim3A_2122, %select_n3A_2112 : vector<128x128xi1>, vector<128x128xi32>
    %get3A_2124 = arith.constant 0 : index
    %get3A_2125 = arith.constant 6784 : index
    %get3A_2126 = vector.load %arg7[%get3A_2124, %get3A_2125] : memref<1x8192xf32, #tpu.memory_space<vmem>>, vector<1x128xf32>
    %slice3A_2127 = vector.extract_strided_slice %dot_general3A_2068 {offsets = [0, 640], sizes = [128, 128], strides = [1, 1]} : vector<128x1024xf32> to vector<128x128xf32>
    %sub3A_2128 = vector.broadcast %get3A_2126 : vector<1x128xf32> to vector<128x128xf32>
    %sub3A_2129 = arith.subf %sub3A_2128, %slice3A_2127 : vector<128x128xf32>
    %lt3A_2130 = arith.cmpf olt, %sub3A_2129, %min3A_2120 : vector<128x128xf32>
    %min3A_2131 = arith.minimumf %sub3A_2129, %min3A_2120 : vector<128x128xf32>
    %jit3A_2132 = arith.constant 53 : i32
    %broadcast_in_dim3A_2133 = vector.broadcast %jit3A_2132 : i32 to vector<128x128xi32>
    %select_n3A_2134 = arith.select %lt3A_2130, %broadcast_in_dim3A_2133, %select_n3A_2123 : vector<128x128xi1>, vector<128x128xi32>
    %get3A_2135 = arith.constant 0 : index
    %get3A_2136 = arith.constant 6912 : index
    %get3A_2137 = vector.load %arg7[%get3A_2135, %get3A_2136] : memref<1x8192xf32, #tpu.memory_space<vmem>>, vector<1x128xf32>
    %slice3A_2138 = vector.extract_strided_slice %dot_general3A_2068 {offsets = [0, 768], sizes = [128, 128], strides = [1, 1]} : vector<128x1024xf32> to vector<128x128xf32>
    %sub3A_2139 = vector.broadcast %get3A_2137 : vector<1x128xf32> to vector<128x128xf32>
    %sub3A_2140 = arith.subf %sub3A_2139, %slice3A_2138 : vector<128x128xf32>
    %lt3A_2141 = arith.cmpf olt, %sub3A_2140, %min3A_2131 : vector<128x128xf32>
    %min3A_2142 = arith.minimumf %sub3A_2140, %min3A_2131 : vector<128x128xf32>
    %jit3A_2143 = arith.constant 54 : i32
    %broadcast_in_dim3A_2144 = vector.broadcast %jit3A_2143 : i32 to vector<128x128xi32>
    %select_n3A_2145 = arith.select %lt3A_2141, %broadcast_in_dim3A_2144, %select_n3A_2134 : vector<128x128xi1>, vector<128x128xi32>
    %get3A_2146 = arith.constant 0 : index
    %get3A_2147 = arith.constant 7040 : index
    %get3A_2148 = vector.load %arg7[%get3A_2146, %get3A_2147] : memref<1x8192xf32, #tpu.memory_space<vmem>>, vector<1x128xf32>
    %slice3A_2149 = vector.extract_strided_slice %dot_general3A_2068 {offsets = [0, 896], sizes = [128, 128], strides = [1, 1]} : vector<128x1024xf32> to vector<128x128xf32>
    %sub3A_2150 = vector.broadcast %get3A_2148 : vector<1x128xf32> to vector<128x128xf32>
    %sub3A_2151 = arith.subf %sub3A_2150, %slice3A_2149 : vector<128x128xf32>
    %lt3A_2152 = arith.cmpf olt, %sub3A_2151, %min3A_2142 : vector<128x128xf32>
    %min3A_2153 = arith.minimumf %sub3A_2151, %min3A_2142 : vector<128x128xf32>
    %jit3A_2154 = arith.constant 55 : i32
    %broadcast_in_dim3A_2155 = vector.broadcast %jit3A_2154 : i32 to vector<128x128xi32>
    %select_n3A_2156 = arith.select %lt3A_2152, %broadcast_in_dim3A_2155, %select_n3A_2145 : vector<128x128xi1>, vector<128x128xi32>
    %slice3A_2157 = vector.extract_strided_slice %get3A_9 {offsets = [0, 7168], sizes = [256, 1024], strides = [1, 1]} : vector<256x8192xbf16> to vector<256x1024xbf16>
    %dot_general3A_2158 = arith.constant dense<0.000000e+00> : vector<128x1024xf32>
    %dot_general3A_2159 = tpu.matmul %slice3A_1515, %slice3A_2157, %dot_general3A_2158 {dimension_numbers = #tpu.dot_dimension_numbers<[1], [0], [0], [1], [0, 0, 1, 1], [], []>, transpose_lhs_hint = false} : vector<128x256xbf16>, vector<256x1024xbf16>, vector<128x1024xf32> -> vector<128x1024xf32>
    %get3A_2160 = arith.constant 0 : index
    %get3A_2161 = arith.constant 7168 : index
    %get3A_2162 = vector.load %arg7[%get3A_2160, %get3A_2161] : memref<1x8192xf32, #tpu.memory_space<vmem>>, vector<1x128xf32>
    %slice3A_2163 = vector.extract_strided_slice %dot_general3A_2159 {offsets = [0, 0], sizes = [128, 128], strides = [1, 1]} : vector<128x1024xf32> to vector<128x128xf32>
    %sub3A_2164 = vector.broadcast %get3A_2162 : vector<1x128xf32> to vector<128x128xf32>
    %sub3A_2165 = arith.subf %sub3A_2164, %slice3A_2163 : vector<128x128xf32>
    %lt3A_2166 = arith.cmpf olt, %sub3A_2165, %min3A_2153 : vector<128x128xf32>
    %min3A_2167 = arith.minimumf %sub3A_2165, %min3A_2153 : vector<128x128xf32>
    %jit3A_2168 = arith.constant 56 : i32
    %broadcast_in_dim3A_2169 = vector.broadcast %jit3A_2168 : i32 to vector<128x128xi32>
    %select_n3A_2170 = arith.select %lt3A_2166, %broadcast_in_dim3A_2169, %select_n3A_2156 : vector<128x128xi1>, vector<128x128xi32>
    %get3A_2171 = arith.constant 0 : index
    %get3A_2172 = arith.constant 7296 : index
    %get3A_2173 = vector.load %arg7[%get3A_2171, %get3A_2172] : memref<1x8192xf32, #tpu.memory_space<vmem>>, vector<1x128xf32>
    %slice3A_2174 = vector.extract_strided_slice %dot_general3A_2159 {offsets = [0, 128], sizes = [128, 128], strides = [1, 1]} : vector<128x1024xf32> to vector<128x128xf32>
    %sub3A_2175 = vector.broadcast %get3A_2173 : vector<1x128xf32> to vector<128x128xf32>
    %sub3A_2176 = arith.subf %sub3A_2175, %slice3A_2174 : vector<128x128xf32>
    %lt3A_2177 = arith.cmpf olt, %sub3A_2176, %min3A_2167 : vector<128x128xf32>
    %min3A_2178 = arith.minimumf %sub3A_2176, %min3A_2167 : vector<128x128xf32>
    %jit3A_2179 = arith.constant 57 : i32
    %broadcast_in_dim3A_2180 = vector.broadcast %jit3A_2179 : i32 to vector<128x128xi32>
    %select_n3A_2181 = arith.select %lt3A_2177, %broadcast_in_dim3A_2180, %select_n3A_2170 : vector<128x128xi1>, vector<128x128xi32>
    %get3A_2182 = arith.constant 0 : index
    %get3A_2183 = arith.constant 7424 : index
    %get3A_2184 = vector.load %arg7[%get3A_2182, %get3A_2183] : memref<1x8192xf32, #tpu.memory_space<vmem>>, vector<1x128xf32>
    %slice3A_2185 = vector.extract_strided_slice %dot_general3A_2159 {offsets = [0, 256], sizes = [128, 128], strides = [1, 1]} : vector<128x1024xf32> to vector<128x128xf32>
    %sub3A_2186 = vector.broadcast %get3A_2184 : vector<1x128xf32> to vector<128x128xf32>
    %sub3A_2187 = arith.subf %sub3A_2186, %slice3A_2185 : vector<128x128xf32>
    %lt3A_2188 = arith.cmpf olt, %sub3A_2187, %min3A_2178 : vector<128x128xf32>
    %min3A_2189 = arith.minimumf %sub3A_2187, %min3A_2178 : vector<128x128xf32>
    %jit3A_2190 = arith.constant 58 : i32
    %broadcast_in_dim3A_2191 = vector.broadcast %jit3A_2190 : i32 to vector<128x128xi32>
    %select_n3A_2192 = arith.select %lt3A_2188, %broadcast_in_dim3A_2191, %select_n3A_2181 : vector<128x128xi1>, vector<128x128xi32>
    %get3A_2193 = arith.constant 0 : index
    %get3A_2194 = arith.constant 7552 : index
    %get3A_2195 = vector.load %arg7[%get3A_2193, %get3A_2194] : memref<1x8192xf32, #tpu.memory_space<vmem>>, vector<1x128xf32>
    %slice3A_2196 = vector.extract_strided_slice %dot_general3A_2159 {offsets = [0, 384], sizes = [128, 128], strides = [1, 1]} : vector<128x1024xf32> to vector<128x128xf32>
    %sub3A_2197 = vector.broadcast %get3A_2195 : vector<1x128xf32> to vector<128x128xf32>
    %sub3A_2198 = arith.subf %sub3A_2197, %slice3A_2196 : vector<128x128xf32>
    %lt3A_2199 = arith.cmpf olt, %sub3A_2198, %min3A_2189 : vector<128x128xf32>
    %min3A_2200 = arith.minimumf %sub3A_2198, %min3A_2189 : vector<128x128xf32>
    %jit3A_2201 = arith.constant 59 : i32
    %broadcast_in_dim3A_2202 = vector.broadcast %jit3A_2201 : i32 to vector<128x128xi32>
    %select_n3A_2203 = arith.select %lt3A_2199, %broadcast_in_dim3A_2202, %select_n3A_2192 : vector<128x128xi1>, vector<128x128xi32>
    %get3A_2204 = arith.constant 0 : index
    %get3A_2205 = arith.constant 7680 : index
    %get3A_2206 = vector.load %arg7[%get3A_2204, %get3A_2205] : memref<1x8192xf32, #tpu.memory_space<vmem>>, vector<1x128xf32>
    %slice3A_2207 = vector.extract_strided_slice %dot_general3A_2159 {offsets = [0, 512], sizes = [128, 128], strides = [1, 1]} : vector<128x1024xf32> to vector<128x128xf32>
    %sub3A_2208 = vector.broadcast %get3A_2206 : vector<1x128xf32> to vector<128x128xf32>
    %sub3A_2209 = arith.subf %sub3A_2208, %slice3A_2207 : vector<128x128xf32>
    %lt3A_2210 = arith.cmpf olt, %sub3A_2209, %min3A_2200 : vector<128x128xf32>
    %min3A_2211 = arith.minimumf %sub3A_2209, %min3A_2200 : vector<128x128xf32>
    %jit3A_2212 = arith.constant 60 : i32
    %broadcast_in_dim3A_2213 = vector.broadcast %jit3A_2212 : i32 to vector<128x128xi32>
    %select_n3A_2214 = arith.select %lt3A_2210, %broadcast_in_dim3A_2213, %select_n3A_2203 : vector<128x128xi1>, vector<128x128xi32>
    %get3A_2215 = arith.constant 0 : index
    %get3A_2216 = arith.constant 7808 : index
    %get3A_2217 = vector.load %arg7[%get3A_2215, %get3A_2216] : memref<1x8192xf32, #tpu.memory_space<vmem>>, vector<1x128xf32>
    %slice3A_2218 = vector.extract_strided_slice %dot_general3A_2159 {offsets = [0, 640], sizes = [128, 128], strides = [1, 1]} : vector<128x1024xf32> to vector<128x128xf32>
    %sub3A_2219 = vector.broadcast %get3A_2217 : vector<1x128xf32> to vector<128x128xf32>
    %sub3A_2220 = arith.subf %sub3A_2219, %slice3A_2218 : vector<128x128xf32>
    %lt3A_2221 = arith.cmpf olt, %sub3A_2220, %min3A_2211 : vector<128x128xf32>
    %min3A_2222 = arith.minimumf %sub3A_2220, %min3A_2211 : vector<128x128xf32>
    %jit3A_2223 = arith.constant 61 : i32
    %broadcast_in_dim3A_2224 = vector.broadcast %jit3A_2223 : i32 to vector<128x128xi32>
    %select_n3A_2225 = arith.select %lt3A_2221, %broadcast_in_dim3A_2224, %select_n3A_2214 : vector<128x128xi1>, vector<128x128xi32>
    %get3A_2226 = arith.constant 0 : index
    %get3A_2227 = arith.constant 7936 : index
    %get3A_2228 = vector.load %arg7[%get3A_2226, %get3A_2227] : memref<1x8192xf32, #tpu.memory_space<vmem>>, vector<1x128xf32>
    %slice3A_2229 = vector.extract_strided_slice %dot_general3A_2159 {offsets = [0, 768], sizes = [128, 128], strides = [1, 1]} : vector<128x1024xf32> to vector<128x128xf32>
    %sub3A_2230 = vector.broadcast %get3A_2228 : vector<1x128xf32> to vector<128x128xf32>
    %sub3A_2231 = arith.subf %sub3A_2230, %slice3A_2229 : vector<128x128xf32>
    %lt3A_2232 = arith.cmpf olt, %sub3A_2231, %min3A_2222 : vector<128x128xf32>
    %min3A_2233 = arith.minimumf %sub3A_2231, %min3A_2222 : vector<128x128xf32>
    %jit3A_2234 = arith.constant 62 : i32
    %broadcast_in_dim3A_2235 = vector.broadcast %jit3A_2234 : i32 to vector<128x128xi32>
    %select_n3A_2236 = arith.select %lt3A_2232, %broadcast_in_dim3A_2235, %select_n3A_2225 : vector<128x128xi1>, vector<128x128xi32>
    %get3A_2237 = arith.constant 0 : index
    %get3A_2238 = arith.constant 8064 : index
    %get3A_2239 = vector.load %arg7[%get3A_2237, %get3A_2238] : memref<1x8192xf32, #tpu.memory_space<vmem>>, vector<1x128xf32>
    %slice3A_2240 = vector.extract_strided_slice %dot_general3A_2159 {offsets = [0, 896], sizes = [128, 128], strides = [1, 1]} : vector<128x1024xf32> to vector<128x128xf32>
    %sub3A_2241 = vector.broadcast %get3A_2239 : vector<1x128xf32> to vector<128x128xf32>
    %sub3A_2242 = arith.subf %sub3A_2241, %slice3A_2240 : vector<128x128xf32>
    %lt3A_2243 = arith.cmpf olt, %sub3A_2242, %min3A_2233 : vector<128x128xf32>
    %min3A_2244 = arith.minimumf %sub3A_2242, %min3A_2233 : vector<128x128xf32>
    %jit3A_2245 = arith.constant 63 : i32
    %broadcast_in_dim3A_2246 = vector.broadcast %jit3A_2245 : i32 to vector<128x128xi32>
    %select_n3A_2247 = arith.select %lt3A_2243, %broadcast_in_dim3A_2246, %select_n3A_2236 : vector<128x128xi1>, vector<128x128xi32>
    %mul3A_2248 = arith.constant 128 : i32
    %mul3A_2249 = vector.broadcast %mul3A_2248 : i32 to vector<128x128xi32>
    %mul3A_2250 = arith.muli %select_n3A_2247, %mul3A_2249 : vector<128x128xi32>
    %add3A_2251 = arith.addi %mul3A_2250, %iota3A : vector<128x128xi32>
    %reduce_min3A_2252 = arith.constant dense<0x7F800000> : vector<128xf32>
    %reduce_min3A_2253 = vector.multi_reduction <minimumf>, %min3A_2244, %reduce_min3A_2252 [1] : vector<128x128xf32> to vector<128xf32>
    %broadcast_in_dim3A_2254 = vector.shape_cast %reduce_min3A_2253 : vector<128xf32> to vector<128x1xf32>
    %eq3A_2255 = vector.broadcast %broadcast_in_dim3A_2254 : vector<128x1xf32> to vector<128x128xf32>
    %eq3A_2256 = arith.cmpf oeq, %min3A_2244, %eq3A_2255 : vector<128x128xf32>
    %jit3A_2257 = arith.constant 8192 : i32
    %broadcast_in_dim3A_2258 = vector.broadcast %jit3A_2257 : i32 to vector<128x128xi32>
    %select_n3A_2259 = arith.select %eq3A_2256, %add3A_2251, %broadcast_in_dim3A_2258 : vector<128x128xi1>, vector<128x128xi32>
    %reduce_min3A_2260 = arith.constant dense<2147483647> : vector<128xi32>
    %reduce_min3A_2261 = vector.multi_reduction <minsi>, %select_n3A_2259, %reduce_min3A_2260 [1] : vector<128x128xi32> to vector<128xi32>
    %swap3A_2262 = arith.constant 256 : index
    %swap3A_2263 = vector.load %arg3[%swap3A_2262] : memref<512xi32, #tpu.memory_space<vmem>>, vector<128xi32>
    tpu.vector_store %arg3[%swap3A_2262], %reduce_min3A_2261 {strides = array<i32>} : memref<512xi32, #tpu.memory_space<vmem>>, vector<128xi32>,
    %reduce_sum3A_2264 = vector.shape_cast %broadcast_in_dim3A_2254 : vector<128x1xf32> to vector<1x128x1xf32>
    %reduce_sum3A_2265 = arith.constant dense<0.000000e+00> : vector<1xf32>
    %reduce_sum3A_2266 = vector.multi_reduction <add>, %reduce_sum3A_2264, %reduce_sum3A_2265 [1, 2] : vector<1x128x1xf32> to vector<1xf32>
    %reduce_sum3A_2267 = vector.shape_cast %reduce_sum3A_2266 : vector<1xf32> to vector<1x1x1xf32>
    %reduce_sum3A_2268 = vector.extract %reduce_sum3A_2267[0, 0, 0] : f32 from vector<1x1x1xf32>
    %add3A_2269 = arith.addf %add3A_1514, %reduce_sum3A_2268 : f32
    %slice3A_2270 = vector.extract_strided_slice %convert_element_type3A_13 {offsets = [384, 0], sizes = [128, 256], strides = [1, 1]} : vector<512x256xbf16> to vector<128x256xbf16>
    %broadcast_in_dim3A_2271 = arith.constant 0x7F800000 : f32
    %broadcast_in_dim3A_2272 = vector.broadcast %broadcast_in_dim3A_2271 : f32 to vector<128x128xf32>
    %broadcast_in_dim3A_2273 = arith.constant 0 : i32
    %broadcast_in_dim3A_2274 = vector.broadcast %broadcast_in_dim3A_2273 : i32 to vector<128x128xi32>
    %slice3A_2275 = vector.extract_strided_slice %get3A_9 {offsets = [0, 0], sizes = [256, 1024], strides = [1, 1]} : vector<256x8192xbf16> to vector<256x1024xbf16>
    %dot_general3A_2276 = arith.constant dense<0.000000e+00> : vector<128x1024xf32>
    %dot_general3A_2277 = tpu.matmul %slice3A_2270, %slice3A_2275, %dot_general3A_2276 {dimension_numbers = #tpu.dot_dimension_numbers<[1], [0], [0], [1], [0, 0, 1, 1], [], []>, transpose_lhs_hint = false} : vector<128x256xbf16>, vector<256x1024xbf16>, vector<128x1024xf32> -> vector<128x1024xf32>
    %get3A_2278 = arith.constant 0 : index
    %get3A_2279 = arith.constant 0 : index
    %get3A_2280 = vector.load %arg7[%get3A_2278, %get3A_2279] : memref<1x8192xf32, #tpu.memory_space<vmem>>, vector<1x128xf32>
    %slice3A_2281 = vector.extract_strided_slice %dot_general3A_2277 {offsets = [0, 0], sizes = [128, 128], strides = [1, 1]} : vector<128x1024xf32> to vector<128x128xf32>
    %sub3A_2282 = vector.broadcast %get3A_2280 : vector<1x128xf32> to vector<128x128xf32>
    %sub3A_2283 = arith.subf %sub3A_2282, %slice3A_2281 : vector<128x128xf32>
    %lt3A_2284 = arith.cmpf olt, %sub3A_2283, %broadcast_in_dim3A_2272 : vector<128x128xf32>
    %min3A_2285 = arith.minimumf %sub3A_2283, %broadcast_in_dim3A_2272 : vector<128x128xf32>
    %jit3A_2286 = arith.constant 0 : i32
    %broadcast_in_dim3A_2287 = vector.broadcast %jit3A_2286 : i32 to vector<128x128xi32>
    %select_n3A_2288 = arith.select %lt3A_2284, %broadcast_in_dim3A_2287, %broadcast_in_dim3A_2274 : vector<128x128xi1>, vector<128x128xi32>
    %get3A_2289 = arith.constant 0 : index
    %get3A_2290 = arith.constant 128 : index
    %get3A_2291 = vector.load %arg7[%get3A_2289, %get3A_2290] : memref<1x8192xf32, #tpu.memory_space<vmem>>, vector<1x128xf32>
    %slice3A_2292 = vector.extract_strided_slice %dot_general3A_2277 {offsets = [0, 128], sizes = [128, 128], strides = [1, 1]} : vector<128x1024xf32> to vector<128x128xf32>
    %sub3A_2293 = vector.broadcast %get3A_2291 : vector<1x128xf32> to vector<128x128xf32>
    %sub3A_2294 = arith.subf %sub3A_2293, %slice3A_2292 : vector<128x128xf32>
    %lt3A_2295 = arith.cmpf olt, %sub3A_2294, %min3A_2285 : vector<128x128xf32>
    %min3A_2296 = arith.minimumf %sub3A_2294, %min3A_2285 : vector<128x128xf32>
    %jit3A_2297 = arith.constant 1 : i32
    %broadcast_in_dim3A_2298 = vector.broadcast %jit3A_2297 : i32 to vector<128x128xi32>
    %select_n3A_2299 = arith.select %lt3A_2295, %broadcast_in_dim3A_2298, %select_n3A_2288 : vector<128x128xi1>, vector<128x128xi32>
    %get3A_2300 = arith.constant 0 : index
    %get3A_2301 = arith.constant 256 : index
    %get3A_2302 = vector.load %arg7[%get3A_2300, %get3A_2301] : memref<1x8192xf32, #tpu.memory_space<vmem>>, vector<1x128xf32>
    %slice3A_2303 = vector.extract_strided_slice %dot_general3A_2277 {offsets = [0, 256], sizes = [128, 128], strides = [1, 1]} : vector<128x1024xf32> to vector<128x128xf32>
    %sub3A_2304 = vector.broadcast %get3A_2302 : vector<1x128xf32> to vector<128x128xf32>
    %sub3A_2305 = arith.subf %sub3A_2304, %slice3A_2303 : vector<128x128xf32>
    %lt3A_2306 = arith.cmpf olt, %sub3A_2305, %min3A_2296 : vector<128x128xf32>
    %min3A_2307 = arith.minimumf %sub3A_2305, %min3A_2296 : vector<128x128xf32>
    %jit3A_2308 = arith.constant 2 : i32
    %broadcast_in_dim3A_2309 = vector.broadcast %jit3A_2308 : i32 to vector<128x128xi32>
    %select_n3A_2310 = arith.select %lt3A_2306, %broadcast_in_dim3A_2309, %select_n3A_2299 : vector<128x128xi1>, vector<128x128xi32>
    %get3A_2311 = arith.constant 0 : index
    %get3A_2312 = arith.constant 384 : index
    %get3A_2313 = vector.load %arg7[%get3A_2311, %get3A_2312] : memref<1x8192xf32, #tpu.memory_space<vmem>>, vector<1x128xf32>
    %slice3A_2314 = vector.extract_strided_slice %dot_general3A_2277 {offsets = [0, 384], sizes = [128, 128], strides = [1, 1]} : vector<128x1024xf32> to vector<128x128xf32>
    %sub3A_2315 = vector.broadcast %get3A_2313 : vector<1x128xf32> to vector<128x128xf32>
    %sub3A_2316 = arith.subf %sub3A_2315, %slice3A_2314 : vector<128x128xf32>
    %lt3A_2317 = arith.cmpf olt, %sub3A_2316, %min3A_2307 : vector<128x128xf32>
    %min3A_2318 = arith.minimumf %sub3A_2316, %min3A_2307 : vector<128x128xf32>
    %jit3A_2319 = arith.constant 3 : i32
    %broadcast_in_dim3A_2320 = vector.broadcast %jit3A_2319 : i32 to vector<128x128xi32>
    %select_n3A_2321 = arith.select %lt3A_2317, %broadcast_in_dim3A_2320, %select_n3A_2310 : vector<128x128xi1>, vector<128x128xi32>
    %get3A_2322 = arith.constant 0 : index
    %get3A_2323 = arith.constant 512 : index
    %get3A_2324 = vector.load %arg7[%get3A_2322, %get3A_2323] : memref<1x8192xf32, #tpu.memory_space<vmem>>, vector<1x128xf32>
    %slice3A_2325 = vector.extract_strided_slice %dot_general3A_2277 {offsets = [0, 512], sizes = [128, 128], strides = [1, 1]} : vector<128x1024xf32> to vector<128x128xf32>
    %sub3A_2326 = vector.broadcast %get3A_2324 : vector<1x128xf32> to vector<128x128xf32>
    %sub3A_2327 = arith.subf %sub3A_2326, %slice3A_2325 : vector<128x128xf32>
    %lt3A_2328 = arith.cmpf olt, %sub3A_2327, %min3A_2318 : vector<128x128xf32>
    %min3A_2329 = arith.minimumf %sub3A_2327, %min3A_2318 : vector<128x128xf32>
    %jit3A_2330 = arith.constant 4 : i32
    %broadcast_in_dim3A_2331 = vector.broadcast %jit3A_2330 : i32 to vector<128x128xi32>
    %select_n3A_2332 = arith.select %lt3A_2328, %broadcast_in_dim3A_2331, %select_n3A_2321 : vector<128x128xi1>, vector<128x128xi32>
    %get3A_2333 = arith.constant 0 : index
    %get3A_2334 = arith.constant 640 : index
    %get3A_2335 = vector.load %arg7[%get3A_2333, %get3A_2334] : memref<1x8192xf32, #tpu.memory_space<vmem>>, vector<1x128xf32>
    %slice3A_2336 = vector.extract_strided_slice %dot_general3A_2277 {offsets = [0, 640], sizes = [128, 128], strides = [1, 1]} : vector<128x1024xf32> to vector<128x128xf32>
    %sub3A_2337 = vector.broadcast %get3A_2335 : vector<1x128xf32> to vector<128x128xf32>
    %sub3A_2338 = arith.subf %sub3A_2337, %slice3A_2336 : vector<128x128xf32>
    %lt3A_2339 = arith.cmpf olt, %sub3A_2338, %min3A_2329 : vector<128x128xf32>
    %min3A_2340 = arith.minimumf %sub3A_2338, %min3A_2329 : vector<128x128xf32>
    %jit3A_2341 = arith.constant 5 : i32
    %broadcast_in_dim3A_2342 = vector.broadcast %jit3A_2341 : i32 to vector<128x128xi32>
    %select_n3A_2343 = arith.select %lt3A_2339, %broadcast_in_dim3A_2342, %select_n3A_2332 : vector<128x128xi1>, vector<128x128xi32>
    %get3A_2344 = arith.constant 0 : index
    %get3A_2345 = arith.constant 768 : index
    %get3A_2346 = vector.load %arg7[%get3A_2344, %get3A_2345] : memref<1x8192xf32, #tpu.memory_space<vmem>>, vector<1x128xf32>
    %slice3A_2347 = vector.extract_strided_slice %dot_general3A_2277 {offsets = [0, 768], sizes = [128, 128], strides = [1, 1]} : vector<128x1024xf32> to vector<128x128xf32>
    %sub3A_2348 = vector.broadcast %get3A_2346 : vector<1x128xf32> to vector<128x128xf32>
    %sub3A_2349 = arith.subf %sub3A_2348, %slice3A_2347 : vector<128x128xf32>
    %lt3A_2350 = arith.cmpf olt, %sub3A_2349, %min3A_2340 : vector<128x128xf32>
    %min3A_2351 = arith.minimumf %sub3A_2349, %min3A_2340 : vector<128x128xf32>
    %jit3A_2352 = arith.constant 6 : i32
    %broadcast_in_dim3A_2353 = vector.broadcast %jit3A_2352 : i32 to vector<128x128xi32>
    %select_n3A_2354 = arith.select %lt3A_2350, %broadcast_in_dim3A_2353, %select_n3A_2343 : vector<128x128xi1>, vector<128x128xi32>
    %get3A_2355 = arith.constant 0 : index
    %get3A_2356 = arith.constant 896 : index
    %get3A_2357 = vector.load %arg7[%get3A_2355, %get3A_2356] : memref<1x8192xf32, #tpu.memory_space<vmem>>, vector<1x128xf32>
    %slice3A_2358 = vector.extract_strided_slice %dot_general3A_2277 {offsets = [0, 896], sizes = [128, 128], strides = [1, 1]} : vector<128x1024xf32> to vector<128x128xf32>
    %sub3A_2359 = vector.broadcast %get3A_2357 : vector<1x128xf32> to vector<128x128xf32>
    %sub3A_2360 = arith.subf %sub3A_2359, %slice3A_2358 : vector<128x128xf32>
    %lt3A_2361 = arith.cmpf olt, %sub3A_2360, %min3A_2351 : vector<128x128xf32>
    %min3A_2362 = arith.minimumf %sub3A_2360, %min3A_2351 : vector<128x128xf32>
    %jit3A_2363 = arith.constant 7 : i32
    %broadcast_in_dim3A_2364 = vector.broadcast %jit3A_2363 : i32 to vector<128x128xi32>
    %select_n3A_2365 = arith.select %lt3A_2361, %broadcast_in_dim3A_2364, %select_n3A_2354 : vector<128x128xi1>, vector<128x128xi32>
    %slice3A_2366 = vector.extract_strided_slice %get3A_9 {offsets = [0, 1024], sizes = [256, 1024], strides = [1, 1]} : vector<256x8192xbf16> to vector<256x1024xbf16>
    %dot_general3A_2367 = arith.constant dense<0.000000e+00> : vector<128x1024xf32>
    %dot_general3A_2368 = tpu.matmul %slice3A_2270, %slice3A_2366, %dot_general3A_2367 {dimension_numbers = #tpu.dot_dimension_numbers<[1], [0], [0], [1], [0, 0, 1, 1], [], []>, transpose_lhs_hint = false} : vector<128x256xbf16>, vector<256x1024xbf16>, vector<128x1024xf32> -> vector<128x1024xf32>
    %get3A_2369 = arith.constant 0 : index
    %get3A_2370 = arith.constant 1024 : index
    %get3A_2371 = vector.load %arg7[%get3A_2369, %get3A_2370] : memref<1x8192xf32, #tpu.memory_space<vmem>>, vector<1x128xf32>
    %slice3A_2372 = vector.extract_strided_slice %dot_general3A_2368 {offsets = [0, 0], sizes = [128, 128], strides = [1, 1]} : vector<128x1024xf32> to vector<128x128xf32>
    %sub3A_2373 = vector.broadcast %get3A_2371 : vector<1x128xf32> to vector<128x128xf32>
    %sub3A_2374 = arith.subf %sub3A_2373, %slice3A_2372 : vector<128x128xf32>
    %lt3A_2375 = arith.cmpf olt, %sub3A_2374, %min3A_2362 : vector<128x128xf32>
    %min3A_2376 = arith.minimumf %sub3A_2374, %min3A_2362 : vector<128x128xf32>
    %jit3A_2377 = arith.constant 8 : i32
    %broadcast_in_dim3A_2378 = vector.broadcast %jit3A_2377 : i32 to vector<128x128xi32>
    %select_n3A_2379 = arith.select %lt3A_2375, %broadcast_in_dim3A_2378, %select_n3A_2365 : vector<128x128xi1>, vector<128x128xi32>
    %get3A_2380 = arith.constant 0 : index
    %get3A_2381 = arith.constant 1152 : index
    %get3A_2382 = vector.load %arg7[%get3A_2380, %get3A_2381] : memref<1x8192xf32, #tpu.memory_space<vmem>>, vector<1x128xf32>
    %slice3A_2383 = vector.extract_strided_slice %dot_general3A_2368 {offsets = [0, 128], sizes = [128, 128], strides = [1, 1]} : vector<128x1024xf32> to vector<128x128xf32>
    %sub3A_2384 = vector.broadcast %get3A_2382 : vector<1x128xf32> to vector<128x128xf32>
    %sub3A_2385 = arith.subf %sub3A_2384, %slice3A_2383 : vector<128x128xf32>
    %lt3A_2386 = arith.cmpf olt, %sub3A_2385, %min3A_2376 : vector<128x128xf32>
    %min3A_2387 = arith.minimumf %sub3A_2385, %min3A_2376 : vector<128x128xf32>
    %jit3A_2388 = arith.constant 9 : i32
    %broadcast_in_dim3A_2389 = vector.broadcast %jit3A_2388 : i32 to vector<128x128xi32>
    %select_n3A_2390 = arith.select %lt3A_2386, %broadcast_in_dim3A_2389, %select_n3A_2379 : vector<128x128xi1>, vector<128x128xi32>
    %get3A_2391 = arith.constant 0 : index
    %get3A_2392 = arith.constant 1280 : index
    %get3A_2393 = vector.load %arg7[%get3A_2391, %get3A_2392] : memref<1x8192xf32, #tpu.memory_space<vmem>>, vector<1x128xf32>
    %slice3A_2394 = vector.extract_strided_slice %dot_general3A_2368 {offsets = [0, 256], sizes = [128, 128], strides = [1, 1]} : vector<128x1024xf32> to vector<128x128xf32>
    %sub3A_2395 = vector.broadcast %get3A_2393 : vector<1x128xf32> to vector<128x128xf32>
    %sub3A_2396 = arith.subf %sub3A_2395, %slice3A_2394 : vector<128x128xf32>
    %lt3A_2397 = arith.cmpf olt, %sub3A_2396, %min3A_2387 : vector<128x128xf32>
    %min3A_2398 = arith.minimumf %sub3A_2396, %min3A_2387 : vector<128x128xf32>
    %jit3A_2399 = arith.constant 10 : i32
    %broadcast_in_dim3A_2400 = vector.broadcast %jit3A_2399 : i32 to vector<128x128xi32>
    %select_n3A_2401 = arith.select %lt3A_2397, %broadcast_in_dim3A_2400, %select_n3A_2390 : vector<128x128xi1>, vector<128x128xi32>
    %get3A_2402 = arith.constant 0 : index
    %get3A_2403 = arith.constant 1408 : index
    %get3A_2404 = vector.load %arg7[%get3A_2402, %get3A_2403] : memref<1x8192xf32, #tpu.memory_space<vmem>>, vector<1x128xf32>
    %slice3A_2405 = vector.extract_strided_slice %dot_general3A_2368 {offsets = [0, 384], sizes = [128, 128], strides = [1, 1]} : vector<128x1024xf32> to vector<128x128xf32>
    %sub3A_2406 = vector.broadcast %get3A_2404 : vector<1x128xf32> to vector<128x128xf32>
    %sub3A_2407 = arith.subf %sub3A_2406, %slice3A_2405 : vector<128x128xf32>
    %lt3A_2408 = arith.cmpf olt, %sub3A_2407, %min3A_2398 : vector<128x128xf32>
    %min3A_2409 = arith.minimumf %sub3A_2407, %min3A_2398 : vector<128x128xf32>
    %jit3A_2410 = arith.constant 11 : i32
    %broadcast_in_dim3A_2411 = vector.broadcast %jit3A_2410 : i32 to vector<128x128xi32>
    %select_n3A_2412 = arith.select %lt3A_2408, %broadcast_in_dim3A_2411, %select_n3A_2401 : vector<128x128xi1>, vector<128x128xi32>
    %get3A_2413 = arith.constant 0 : index
    %get3A_2414 = arith.constant 1536 : index
    %get3A_2415 = vector.load %arg7[%get3A_2413, %get3A_2414] : memref<1x8192xf32, #tpu.memory_space<vmem>>, vector<1x128xf32>
    %slice3A_2416 = vector.extract_strided_slice %dot_general3A_2368 {offsets = [0, 512], sizes = [128, 128], strides = [1, 1]} : vector<128x1024xf32> to vector<128x128xf32>
    %sub3A_2417 = vector.broadcast %get3A_2415 : vector<1x128xf32> to vector<128x128xf32>
    %sub3A_2418 = arith.subf %sub3A_2417, %slice3A_2416 : vector<128x128xf32>
    %lt3A_2419 = arith.cmpf olt, %sub3A_2418, %min3A_2409 : vector<128x128xf32>
    %min3A_2420 = arith.minimumf %sub3A_2418, %min3A_2409 : vector<128x128xf32>
    %jit3A_2421 = arith.constant 12 : i32
    %broadcast_in_dim3A_2422 = vector.broadcast %jit3A_2421 : i32 to vector<128x128xi32>
    %select_n3A_2423 = arith.select %lt3A_2419, %broadcast_in_dim3A_2422, %select_n3A_2412 : vector<128x128xi1>, vector<128x128xi32>
    %get3A_2424 = arith.constant 0 : index
    %get3A_2425 = arith.constant 1664 : index
    %get3A_2426 = vector.load %arg7[%get3A_2424, %get3A_2425] : memref<1x8192xf32, #tpu.memory_space<vmem>>, vector<1x128xf32>
    %slice3A_2427 = vector.extract_strided_slice %dot_general3A_2368 {offsets = [0, 640], sizes = [128, 128], strides = [1, 1]} : vector<128x1024xf32> to vector<128x128xf32>
    %sub3A_2428 = vector.broadcast %get3A_2426 : vector<1x128xf32> to vector<128x128xf32>
    %sub3A_2429 = arith.subf %sub3A_2428, %slice3A_2427 : vector<128x128xf32>
    %lt3A_2430 = arith.cmpf olt, %sub3A_2429, %min3A_2420 : vector<128x128xf32>
    %min3A_2431 = arith.minimumf %sub3A_2429, %min3A_2420 : vector<128x128xf32>
    %jit3A_2432 = arith.constant 13 : i32
    %broadcast_in_dim3A_2433 = vector.broadcast %jit3A_2432 : i32 to vector<128x128xi32>
    %select_n3A_2434 = arith.select %lt3A_2430, %broadcast_in_dim3A_2433, %select_n3A_2423 : vector<128x128xi1>, vector<128x128xi32>
    %get3A_2435 = arith.constant 0 : index
    %get3A_2436 = arith.constant 1792 : index
    %get3A_2437 = vector.load %arg7[%get3A_2435, %get3A_2436] : memref<1x8192xf32, #tpu.memory_space<vmem>>, vector<1x128xf32>
    %slice3A_2438 = vector.extract_strided_slice %dot_general3A_2368 {offsets = [0, 768], sizes = [128, 128], strides = [1, 1]} : vector<128x1024xf32> to vector<128x128xf32>
    %sub3A_2439 = vector.broadcast %get3A_2437 : vector<1x128xf32> to vector<128x128xf32>
    %sub3A_2440 = arith.subf %sub3A_2439, %slice3A_2438 : vector<128x128xf32>
    %lt3A_2441 = arith.cmpf olt, %sub3A_2440, %min3A_2431 : vector<128x128xf32>
    %min3A_2442 = arith.minimumf %sub3A_2440, %min3A_2431 : vector<128x128xf32>
    %jit3A_2443 = arith.constant 14 : i32
    %broadcast_in_dim3A_2444 = vector.broadcast %jit3A_2443 : i32 to vector<128x128xi32>
    %select_n3A_2445 = arith.select %lt3A_2441, %broadcast_in_dim3A_2444, %select_n3A_2434 : vector<128x128xi1>, vector<128x128xi32>
    %get3A_2446 = arith.constant 0 : index
    %get3A_2447 = arith.constant 1920 : index
    %get3A_2448 = vector.load %arg7[%get3A_2446, %get3A_2447] : memref<1x8192xf32, #tpu.memory_space<vmem>>, vector<1x128xf32>
    %slice3A_2449 = vector.extract_strided_slice %dot_general3A_2368 {offsets = [0, 896], sizes = [128, 128], strides = [1, 1]} : vector<128x1024xf32> to vector<128x128xf32>
    %sub3A_2450 = vector.broadcast %get3A_2448 : vector<1x128xf32> to vector<128x128xf32>
    %sub3A_2451 = arith.subf %sub3A_2450, %slice3A_2449 : vector<128x128xf32>
    %lt3A_2452 = arith.cmpf olt, %sub3A_2451, %min3A_2442 : vector<128x128xf32>
    %min3A_2453 = arith.minimumf %sub3A_2451, %min3A_2442 : vector<128x128xf32>
    %jit3A_2454 = arith.constant 15 : i32
    %broadcast_in_dim3A_2455 = vector.broadcast %jit3A_2454 : i32 to vector<128x128xi32>
    %select_n3A_2456 = arith.select %lt3A_2452, %broadcast_in_dim3A_2455, %select_n3A_2445 : vector<128x128xi1>, vector<128x128xi32>
    %slice3A_2457 = vector.extract_strided_slice %get3A_9 {offsets = [0, 2048], sizes = [256, 1024], strides = [1, 1]} : vector<256x8192xbf16> to vector<256x1024xbf16>
    %dot_general3A_2458 = arith.constant dense<0.000000e+00> : vector<128x1024xf32>
    %dot_general3A_2459 = tpu.matmul %slice3A_2270, %slice3A_2457, %dot_general3A_2458 {dimension_numbers = #tpu.dot_dimension_numbers<[1], [0], [0], [1], [0, 0, 1, 1], [], []>, transpose_lhs_hint = false} : vector<128x256xbf16>, vector<256x1024xbf16>, vector<128x1024xf32> -> vector<128x1024xf32>
    %get3A_2460 = arith.constant 0 : index
    %get3A_2461 = arith.constant 2048 : index
    %get3A_2462 = vector.load %arg7[%get3A_2460, %get3A_2461] : memref<1x8192xf32, #tpu.memory_space<vmem>>, vector<1x128xf32>
    %slice3A_2463 = vector.extract_strided_slice %dot_general3A_2459 {offsets = [0, 0], sizes = [128, 128], strides = [1, 1]} : vector<128x1024xf32> to vector<128x128xf32>
    %sub3A_2464 = vector.broadcast %get3A_2462 : vector<1x128xf32> to vector<128x128xf32>
    %sub3A_2465 = arith.subf %sub3A_2464, %slice3A_2463 : vector<128x128xf32>
    %lt3A_2466 = arith.cmpf olt, %sub3A_2465, %min3A_2453 : vector<128x128xf32>
    %min3A_2467 = arith.minimumf %sub3A_2465, %min3A_2453 : vector<128x128xf32>
    %jit3A_2468 = arith.constant 16 : i32
    %broadcast_in_dim3A_2469 = vector.broadcast %jit3A_2468 : i32 to vector<128x128xi32>
    %select_n3A_2470 = arith.select %lt3A_2466, %broadcast_in_dim3A_2469, %select_n3A_2456 : vector<128x128xi1>, vector<128x128xi32>
    %get3A_2471 = arith.constant 0 : index
    %get3A_2472 = arith.constant 2176 : index
    %get3A_2473 = vector.load %arg7[%get3A_2471, %get3A_2472] : memref<1x8192xf32, #tpu.memory_space<vmem>>, vector<1x128xf32>
    %slice3A_2474 = vector.extract_strided_slice %dot_general3A_2459 {offsets = [0, 128], sizes = [128, 128], strides = [1, 1]} : vector<128x1024xf32> to vector<128x128xf32>
    %sub3A_2475 = vector.broadcast %get3A_2473 : vector<1x128xf32> to vector<128x128xf32>
    %sub3A_2476 = arith.subf %sub3A_2475, %slice3A_2474 : vector<128x128xf32>
    %lt3A_2477 = arith.cmpf olt, %sub3A_2476, %min3A_2467 : vector<128x128xf32>
    %min3A_2478 = arith.minimumf %sub3A_2476, %min3A_2467 : vector<128x128xf32>
    %jit3A_2479 = arith.constant 17 : i32
    %broadcast_in_dim3A_2480 = vector.broadcast %jit3A_2479 : i32 to vector<128x128xi32>
    %select_n3A_2481 = arith.select %lt3A_2477, %broadcast_in_dim3A_2480, %select_n3A_2470 : vector<128x128xi1>, vector<128x128xi32>
    %get3A_2482 = arith.constant 0 : index
    %get3A_2483 = arith.constant 2304 : index
    %get3A_2484 = vector.load %arg7[%get3A_2482, %get3A_2483] : memref<1x8192xf32, #tpu.memory_space<vmem>>, vector<1x128xf32>
    %slice3A_2485 = vector.extract_strided_slice %dot_general3A_2459 {offsets = [0, 256], sizes = [128, 128], strides = [1, 1]} : vector<128x1024xf32> to vector<128x128xf32>
    %sub3A_2486 = vector.broadcast %get3A_2484 : vector<1x128xf32> to vector<128x128xf32>
    %sub3A_2487 = arith.subf %sub3A_2486, %slice3A_2485 : vector<128x128xf32>
    %lt3A_2488 = arith.cmpf olt, %sub3A_2487, %min3A_2478 : vector<128x128xf32>
    %min3A_2489 = arith.minimumf %sub3A_2487, %min3A_2478 : vector<128x128xf32>
    %jit3A_2490 = arith.constant 18 : i32
    %broadcast_in_dim3A_2491 = vector.broadcast %jit3A_2490 : i32 to vector<128x128xi32>
    %select_n3A_2492 = arith.select %lt3A_2488, %broadcast_in_dim3A_2491, %select_n3A_2481 : vector<128x128xi1>, vector<128x128xi32>
    %get3A_2493 = arith.constant 0 : index
    %get3A_2494 = arith.constant 2432 : index
    %get3A_2495 = vector.load %arg7[%get3A_2493, %get3A_2494] : memref<1x8192xf32, #tpu.memory_space<vmem>>, vector<1x128xf32>
    %slice3A_2496 = vector.extract_strided_slice %dot_general3A_2459 {offsets = [0, 384], sizes = [128, 128], strides = [1, 1]} : vector<128x1024xf32> to vector<128x128xf32>
    %sub3A_2497 = vector.broadcast %get3A_2495 : vector<1x128xf32> to vector<128x128xf32>
    %sub3A_2498 = arith.subf %sub3A_2497, %slice3A_2496 : vector<128x128xf32>
    %lt3A_2499 = arith.cmpf olt, %sub3A_2498, %min3A_2489 : vector<128x128xf32>
    %min3A_2500 = arith.minimumf %sub3A_2498, %min3A_2489 : vector<128x128xf32>
    %jit3A_2501 = arith.constant 19 : i32
    %broadcast_in_dim3A_2502 = vector.broadcast %jit3A_2501 : i32 to vector<128x128xi32>
    %select_n3A_2503 = arith.select %lt3A_2499, %broadcast_in_dim3A_2502, %select_n3A_2492 : vector<128x128xi1>, vector<128x128xi32>
    %get3A_2504 = arith.constant 0 : index
    %get3A_2505 = arith.constant 2560 : index
    %get3A_2506 = vector.load %arg7[%get3A_2504, %get3A_2505] : memref<1x8192xf32, #tpu.memory_space<vmem>>, vector<1x128xf32>
    %slice3A_2507 = vector.extract_strided_slice %dot_general3A_2459 {offsets = [0, 512], sizes = [128, 128], strides = [1, 1]} : vector<128x1024xf32> to vector<128x128xf32>
    %sub3A_2508 = vector.broadcast %get3A_2506 : vector<1x128xf32> to vector<128x128xf32>
    %sub3A_2509 = arith.subf %sub3A_2508, %slice3A_2507 : vector<128x128xf32>
    %lt3A_2510 = arith.cmpf olt, %sub3A_2509, %min3A_2500 : vector<128x128xf32>
    %min3A_2511 = arith.minimumf %sub3A_2509, %min3A_2500 : vector<128x128xf32>
    %jit3A_2512 = arith.constant 20 : i32
    %broadcast_in_dim3A_2513 = vector.broadcast %jit3A_2512 : i32 to vector<128x128xi32>
    %select_n3A_2514 = arith.select %lt3A_2510, %broadcast_in_dim3A_2513, %select_n3A_2503 : vector<128x128xi1>, vector<128x128xi32>
    %get3A_2515 = arith.constant 0 : index
    %get3A_2516 = arith.constant 2688 : index
    %get3A_2517 = vector.load %arg7[%get3A_2515, %get3A_2516] : memref<1x8192xf32, #tpu.memory_space<vmem>>, vector<1x128xf32>
    %slice3A_2518 = vector.extract_strided_slice %dot_general3A_2459 {offsets = [0, 640], sizes = [128, 128], strides = [1, 1]} : vector<128x1024xf32> to vector<128x128xf32>
    %sub3A_2519 = vector.broadcast %get3A_2517 : vector<1x128xf32> to vector<128x128xf32>
    %sub3A_2520 = arith.subf %sub3A_2519, %slice3A_2518 : vector<128x128xf32>
    %lt3A_2521 = arith.cmpf olt, %sub3A_2520, %min3A_2511 : vector<128x128xf32>
    %min3A_2522 = arith.minimumf %sub3A_2520, %min3A_2511 : vector<128x128xf32>
    %jit3A_2523 = arith.constant 21 : i32
    %broadcast_in_dim3A_2524 = vector.broadcast %jit3A_2523 : i32 to vector<128x128xi32>
    %select_n3A_2525 = arith.select %lt3A_2521, %broadcast_in_dim3A_2524, %select_n3A_2514 : vector<128x128xi1>, vector<128x128xi32>
    %get3A_2526 = arith.constant 0 : index
    %get3A_2527 = arith.constant 2816 : index
    %get3A_2528 = vector.load %arg7[%get3A_2526, %get3A_2527] : memref<1x8192xf32, #tpu.memory_space<vmem>>, vector<1x128xf32>
    %slice3A_2529 = vector.extract_strided_slice %dot_general3A_2459 {offsets = [0, 768], sizes = [128, 128], strides = [1, 1]} : vector<128x1024xf32> to vector<128x128xf32>
    %sub3A_2530 = vector.broadcast %get3A_2528 : vector<1x128xf32> to vector<128x128xf32>
    %sub3A_2531 = arith.subf %sub3A_2530, %slice3A_2529 : vector<128x128xf32>
    %lt3A_2532 = arith.cmpf olt, %sub3A_2531, %min3A_2522 : vector<128x128xf32>
    %min3A_2533 = arith.minimumf %sub3A_2531, %min3A_2522 : vector<128x128xf32>
    %jit3A_2534 = arith.constant 22 : i32
    %broadcast_in_dim3A_2535 = vector.broadcast %jit3A_2534 : i32 to vector<128x128xi32>
    %select_n3A_2536 = arith.select %lt3A_2532, %broadcast_in_dim3A_2535, %select_n3A_2525 : vector<128x128xi1>, vector<128x128xi32>
    %get3A_2537 = arith.constant 0 : index
    %get3A_2538 = arith.constant 2944 : index
    %get3A_2539 = vector.load %arg7[%get3A_2537, %get3A_2538] : memref<1x8192xf32, #tpu.memory_space<vmem>>, vector<1x128xf32>
    %slice3A_2540 = vector.extract_strided_slice %dot_general3A_2459 {offsets = [0, 896], sizes = [128, 128], strides = [1, 1]} : vector<128x1024xf32> to vector<128x128xf32>
    %sub3A_2541 = vector.broadcast %get3A_2539 : vector<1x128xf32> to vector<128x128xf32>
    %sub3A_2542 = arith.subf %sub3A_2541, %slice3A_2540 : vector<128x128xf32>
    %lt3A_2543 = arith.cmpf olt, %sub3A_2542, %min3A_2533 : vector<128x128xf32>
    %min3A_2544 = arith.minimumf %sub3A_2542, %min3A_2533 : vector<128x128xf32>
    %jit3A_2545 = arith.constant 23 : i32
    %broadcast_in_dim3A_2546 = vector.broadcast %jit3A_2545 : i32 to vector<128x128xi32>
    %select_n3A_2547 = arith.select %lt3A_2543, %broadcast_in_dim3A_2546, %select_n3A_2536 : vector<128x128xi1>, vector<128x128xi32>
    %slice3A_2548 = vector.extract_strided_slice %get3A_9 {offsets = [0, 3072], sizes = [256, 1024], strides = [1, 1]} : vector<256x8192xbf16> to vector<256x1024xbf16>
    %dot_general3A_2549 = arith.constant dense<0.000000e+00> : vector<128x1024xf32>
    %dot_general3A_2550 = tpu.matmul %slice3A_2270, %slice3A_2548, %dot_general3A_2549 {dimension_numbers = #tpu.dot_dimension_numbers<[1], [0], [0], [1], [0, 0, 1, 1], [], []>, transpose_lhs_hint = false} : vector<128x256xbf16>, vector<256x1024xbf16>, vector<128x1024xf32> -> vector<128x1024xf32>
    %get3A_2551 = arith.constant 0 : index
    %get3A_2552 = arith.constant 3072 : index
    %get3A_2553 = vector.load %arg7[%get3A_2551, %get3A_2552] : memref<1x8192xf32, #tpu.memory_space<vmem>>, vector<1x128xf32>
    %slice3A_2554 = vector.extract_strided_slice %dot_general3A_2550 {offsets = [0, 0], sizes = [128, 128], strides = [1, 1]} : vector<128x1024xf32> to vector<128x128xf32>
    %sub3A_2555 = vector.broadcast %get3A_2553 : vector<1x128xf32> to vector<128x128xf32>
    %sub3A_2556 = arith.subf %sub3A_2555, %slice3A_2554 : vector<128x128xf32>
    %lt3A_2557 = arith.cmpf olt, %sub3A_2556, %min3A_2544 : vector<128x128xf32>
    %min3A_2558 = arith.minimumf %sub3A_2556, %min3A_2544 : vector<128x128xf32>
    %jit3A_2559 = arith.constant 24 : i32
    %broadcast_in_dim3A_2560 = vector.broadcast %jit3A_2559 : i32 to vector<128x128xi32>
    %select_n3A_2561 = arith.select %lt3A_2557, %broadcast_in_dim3A_2560, %select_n3A_2547 : vector<128x128xi1>, vector<128x128xi32>
    %get3A_2562 = arith.constant 0 : index
    %get3A_2563 = arith.constant 3200 : index
    %get3A_2564 = vector.load %arg7[%get3A_2562, %get3A_2563] : memref<1x8192xf32, #tpu.memory_space<vmem>>, vector<1x128xf32>
    %slice3A_2565 = vector.extract_strided_slice %dot_general3A_2550 {offsets = [0, 128], sizes = [128, 128], strides = [1, 1]} : vector<128x1024xf32> to vector<128x128xf32>
    %sub3A_2566 = vector.broadcast %get3A_2564 : vector<1x128xf32> to vector<128x128xf32>
    %sub3A_2567 = arith.subf %sub3A_2566, %slice3A_2565 : vector<128x128xf32>
    %lt3A_2568 = arith.cmpf olt, %sub3A_2567, %min3A_2558 : vector<128x128xf32>
    %min3A_2569 = arith.minimumf %sub3A_2567, %min3A_2558 : vector<128x128xf32>
    %jit3A_2570 = arith.constant 25 : i32
    %broadcast_in_dim3A_2571 = vector.broadcast %jit3A_2570 : i32 to vector<128x128xi32>
    %select_n3A_2572 = arith.select %lt3A_2568, %broadcast_in_dim3A_2571, %select_n3A_2561 : vector<128x128xi1>, vector<128x128xi32>
    %get3A_2573 = arith.constant 0 : index
    %get3A_2574 = arith.constant 3328 : index
    %get3A_2575 = vector.load %arg7[%get3A_2573, %get3A_2574] : memref<1x8192xf32, #tpu.memory_space<vmem>>, vector<1x128xf32>
    %slice3A_2576 = vector.extract_strided_slice %dot_general3A_2550 {offsets = [0, 256], sizes = [128, 128], strides = [1, 1]} : vector<128x1024xf32> to vector<128x128xf32>
    %sub3A_2577 = vector.broadcast %get3A_2575 : vector<1x128xf32> to vector<128x128xf32>
    %sub3A_2578 = arith.subf %sub3A_2577, %slice3A_2576 : vector<128x128xf32>
    %lt3A_2579 = arith.cmpf olt, %sub3A_2578, %min3A_2569 : vector<128x128xf32>
    %min3A_2580 = arith.minimumf %sub3A_2578, %min3A_2569 : vector<128x128xf32>
    %jit3A_2581 = arith.constant 26 : i32
    %broadcast_in_dim3A_2582 = vector.broadcast %jit3A_2581 : i32 to vector<128x128xi32>
    %select_n3A_2583 = arith.select %lt3A_2579, %broadcast_in_dim3A_2582, %select_n3A_2572 : vector<128x128xi1>, vector<128x128xi32>
    %get3A_2584 = arith.constant 0 : index
    %get3A_2585 = arith.constant 3456 : index
    %get3A_2586 = vector.load %arg7[%get3A_2584, %get3A_2585] : memref<1x8192xf32, #tpu.memory_space<vmem>>, vector<1x128xf32>
    %slice3A_2587 = vector.extract_strided_slice %dot_general3A_2550 {offsets = [0, 384], sizes = [128, 128], strides = [1, 1]} : vector<128x1024xf32> to vector<128x128xf32>
    %sub3A_2588 = vector.broadcast %get3A_2586 : vector<1x128xf32> to vector<128x128xf32>
    %sub3A_2589 = arith.subf %sub3A_2588, %slice3A_2587 : vector<128x128xf32>
    %lt3A_2590 = arith.cmpf olt, %sub3A_2589, %min3A_2580 : vector<128x128xf32>
    %min3A_2591 = arith.minimumf %sub3A_2589, %min3A_2580 : vector<128x128xf32>
    %jit3A_2592 = arith.constant 27 : i32
    %broadcast_in_dim3A_2593 = vector.broadcast %jit3A_2592 : i32 to vector<128x128xi32>
    %select_n3A_2594 = arith.select %lt3A_2590, %broadcast_in_dim3A_2593, %select_n3A_2583 : vector<128x128xi1>, vector<128x128xi32>
    %get3A_2595 = arith.constant 0 : index
    %get3A_2596 = arith.constant 3584 : index
    %get3A_2597 = vector.load %arg7[%get3A_2595, %get3A_2596] : memref<1x8192xf32, #tpu.memory_space<vmem>>, vector<1x128xf32>
    %slice3A_2598 = vector.extract_strided_slice %dot_general3A_2550 {offsets = [0, 512], sizes = [128, 128], strides = [1, 1]} : vector<128x1024xf32> to vector<128x128xf32>
    %sub3A_2599 = vector.broadcast %get3A_2597 : vector<1x128xf32> to vector<128x128xf32>
    %sub3A_2600 = arith.subf %sub3A_2599, %slice3A_2598 : vector<128x128xf32>
    %lt3A_2601 = arith.cmpf olt, %sub3A_2600, %min3A_2591 : vector<128x128xf32>
    %min3A_2602 = arith.minimumf %sub3A_2600, %min3A_2591 : vector<128x128xf32>
    %jit3A_2603 = arith.constant 28 : i32
    %broadcast_in_dim3A_2604 = vector.broadcast %jit3A_2603 : i32 to vector<128x128xi32>
    %select_n3A_2605 = arith.select %lt3A_2601, %broadcast_in_dim3A_2604, %select_n3A_2594 : vector<128x128xi1>, vector<128x128xi32>
    %get3A_2606 = arith.constant 0 : index
    %get3A_2607 = arith.constant 3712 : index
    %get3A_2608 = vector.load %arg7[%get3A_2606, %get3A_2607] : memref<1x8192xf32, #tpu.memory_space<vmem>>, vector<1x128xf32>
    %slice3A_2609 = vector.extract_strided_slice %dot_general3A_2550 {offsets = [0, 640], sizes = [128, 128], strides = [1, 1]} : vector<128x1024xf32> to vector<128x128xf32>
    %sub3A_2610 = vector.broadcast %get3A_2608 : vector<1x128xf32> to vector<128x128xf32>
    %sub3A_2611 = arith.subf %sub3A_2610, %slice3A_2609 : vector<128x128xf32>
    %lt3A_2612 = arith.cmpf olt, %sub3A_2611, %min3A_2602 : vector<128x128xf32>
    %min3A_2613 = arith.minimumf %sub3A_2611, %min3A_2602 : vector<128x128xf32>
    %jit3A_2614 = arith.constant 29 : i32
    %broadcast_in_dim3A_2615 = vector.broadcast %jit3A_2614 : i32 to vector<128x128xi32>
    %select_n3A_2616 = arith.select %lt3A_2612, %broadcast_in_dim3A_2615, %select_n3A_2605 : vector<128x128xi1>, vector<128x128xi32>
    %get3A_2617 = arith.constant 0 : index
    %get3A_2618 = arith.constant 3840 : index
    %get3A_2619 = vector.load %arg7[%get3A_2617, %get3A_2618] : memref<1x8192xf32, #tpu.memory_space<vmem>>, vector<1x128xf32>
    %slice3A_2620 = vector.extract_strided_slice %dot_general3A_2550 {offsets = [0, 768], sizes = [128, 128], strides = [1, 1]} : vector<128x1024xf32> to vector<128x128xf32>
    %sub3A_2621 = vector.broadcast %get3A_2619 : vector<1x128xf32> to vector<128x128xf32>
    %sub3A_2622 = arith.subf %sub3A_2621, %slice3A_2620 : vector<128x128xf32>
    %lt3A_2623 = arith.cmpf olt, %sub3A_2622, %min3A_2613 : vector<128x128xf32>
    %min3A_2624 = arith.minimumf %sub3A_2622, %min3A_2613 : vector<128x128xf32>
    %jit3A_2625 = arith.constant 30 : i32
    %broadcast_in_dim3A_2626 = vector.broadcast %jit3A_2625 : i32 to vector<128x128xi32>
    %select_n3A_2627 = arith.select %lt3A_2623, %broadcast_in_dim3A_2626, %select_n3A_2616 : vector<128x128xi1>, vector<128x128xi32>
    %get3A_2628 = arith.constant 0 : index
    %get3A_2629 = arith.constant 3968 : index
    %get3A_2630 = vector.load %arg7[%get3A_2628, %get3A_2629] : memref<1x8192xf32, #tpu.memory_space<vmem>>, vector<1x128xf32>
    %slice3A_2631 = vector.extract_strided_slice %dot_general3A_2550 {offsets = [0, 896], sizes = [128, 128], strides = [1, 1]} : vector<128x1024xf32> to vector<128x128xf32>
    %sub3A_2632 = vector.broadcast %get3A_2630 : vector<1x128xf32> to vector<128x128xf32>
    %sub3A_2633 = arith.subf %sub3A_2632, %slice3A_2631 : vector<128x128xf32>
    %lt3A_2634 = arith.cmpf olt, %sub3A_2633, %min3A_2624 : vector<128x128xf32>
    %min3A_2635 = arith.minimumf %sub3A_2633, %min3A_2624 : vector<128x128xf32>
    %jit3A_2636 = arith.constant 31 : i32
    %broadcast_in_dim3A_2637 = vector.broadcast %jit3A_2636 : i32 to vector<128x128xi32>
    %select_n3A_2638 = arith.select %lt3A_2634, %broadcast_in_dim3A_2637, %select_n3A_2627 : vector<128x128xi1>, vector<128x128xi32>
    %slice3A_2639 = vector.extract_strided_slice %get3A_9 {offsets = [0, 4096], sizes = [256, 1024], strides = [1, 1]} : vector<256x8192xbf16> to vector<256x1024xbf16>
    %dot_general3A_2640 = arith.constant dense<0.000000e+00> : vector<128x1024xf32>
    %dot_general3A_2641 = tpu.matmul %slice3A_2270, %slice3A_2639, %dot_general3A_2640 {dimension_numbers = #tpu.dot_dimension_numbers<[1], [0], [0], [1], [0, 0, 1, 1], [], []>, transpose_lhs_hint = false} : vector<128x256xbf16>, vector<256x1024xbf16>, vector<128x1024xf32> -> vector<128x1024xf32>
    %get3A_2642 = arith.constant 0 : index
    %get3A_2643 = arith.constant 4096 : index
    %get3A_2644 = vector.load %arg7[%get3A_2642, %get3A_2643] : memref<1x8192xf32, #tpu.memory_space<vmem>>, vector<1x128xf32>
    %slice3A_2645 = vector.extract_strided_slice %dot_general3A_2641 {offsets = [0, 0], sizes = [128, 128], strides = [1, 1]} : vector<128x1024xf32> to vector<128x128xf32>
    %sub3A_2646 = vector.broadcast %get3A_2644 : vector<1x128xf32> to vector<128x128xf32>
    %sub3A_2647 = arith.subf %sub3A_2646, %slice3A_2645 : vector<128x128xf32>
    %lt3A_2648 = arith.cmpf olt, %sub3A_2647, %min3A_2635 : vector<128x128xf32>
    %min3A_2649 = arith.minimumf %sub3A_2647, %min3A_2635 : vector<128x128xf32>
    %jit3A_2650 = arith.constant 32 : i32
    %broadcast_in_dim3A_2651 = vector.broadcast %jit3A_2650 : i32 to vector<128x128xi32>
    %select_n3A_2652 = arith.select %lt3A_2648, %broadcast_in_dim3A_2651, %select_n3A_2638 : vector<128x128xi1>, vector<128x128xi32>
    %get3A_2653 = arith.constant 0 : index
    %get3A_2654 = arith.constant 4224 : index
    %get3A_2655 = vector.load %arg7[%get3A_2653, %get3A_2654] : memref<1x8192xf32, #tpu.memory_space<vmem>>, vector<1x128xf32>
    %slice3A_2656 = vector.extract_strided_slice %dot_general3A_2641 {offsets = [0, 128], sizes = [128, 128], strides = [1, 1]} : vector<128x1024xf32> to vector<128x128xf32>
    %sub3A_2657 = vector.broadcast %get3A_2655 : vector<1x128xf32> to vector<128x128xf32>
    %sub3A_2658 = arith.subf %sub3A_2657, %slice3A_2656 : vector<128x128xf32>
    %lt3A_2659 = arith.cmpf olt, %sub3A_2658, %min3A_2649 : vector<128x128xf32>
    %min3A_2660 = arith.minimumf %sub3A_2658, %min3A_2649 : vector<128x128xf32>
    %jit3A_2661 = arith.constant 33 : i32
    %broadcast_in_dim3A_2662 = vector.broadcast %jit3A_2661 : i32 to vector<128x128xi32>
    %select_n3A_2663 = arith.select %lt3A_2659, %broadcast_in_dim3A_2662, %select_n3A_2652 : vector<128x128xi1>, vector<128x128xi32>
    %get3A_2664 = arith.constant 0 : index
    %get3A_2665 = arith.constant 4352 : index
    %get3A_2666 = vector.load %arg7[%get3A_2664, %get3A_2665] : memref<1x8192xf32, #tpu.memory_space<vmem>>, vector<1x128xf32>
    %slice3A_2667 = vector.extract_strided_slice %dot_general3A_2641 {offsets = [0, 256], sizes = [128, 128], strides = [1, 1]} : vector<128x1024xf32> to vector<128x128xf32>
    %sub3A_2668 = vector.broadcast %get3A_2666 : vector<1x128xf32> to vector<128x128xf32>
    %sub3A_2669 = arith.subf %sub3A_2668, %slice3A_2667 : vector<128x128xf32>
    %lt3A_2670 = arith.cmpf olt, %sub3A_2669, %min3A_2660 : vector<128x128xf32>
    %min3A_2671 = arith.minimumf %sub3A_2669, %min3A_2660 : vector<128x128xf32>
    %jit3A_2672 = arith.constant 34 : i32
    %broadcast_in_dim3A_2673 = vector.broadcast %jit3A_2672 : i32 to vector<128x128xi32>
    %select_n3A_2674 = arith.select %lt3A_2670, %broadcast_in_dim3A_2673, %select_n3A_2663 : vector<128x128xi1>, vector<128x128xi32>
    %get3A_2675 = arith.constant 0 : index
    %get3A_2676 = arith.constant 4480 : index
    %get3A_2677 = vector.load %arg7[%get3A_2675, %get3A_2676] : memref<1x8192xf32, #tpu.memory_space<vmem>>, vector<1x128xf32>
    %slice3A_2678 = vector.extract_strided_slice %dot_general3A_2641 {offsets = [0, 384], sizes = [128, 128], strides = [1, 1]} : vector<128x1024xf32> to vector<128x128xf32>
    %sub3A_2679 = vector.broadcast %get3A_2677 : vector<1x128xf32> to vector<128x128xf32>
    %sub3A_2680 = arith.subf %sub3A_2679, %slice3A_2678 : vector<128x128xf32>
    %lt3A_2681 = arith.cmpf olt, %sub3A_2680, %min3A_2671 : vector<128x128xf32>
    %min3A_2682 = arith.minimumf %sub3A_2680, %min3A_2671 : vector<128x128xf32>
    %jit3A_2683 = arith.constant 35 : i32
    %broadcast_in_dim3A_2684 = vector.broadcast %jit3A_2683 : i32 to vector<128x128xi32>
    %select_n3A_2685 = arith.select %lt3A_2681, %broadcast_in_dim3A_2684, %select_n3A_2674 : vector<128x128xi1>, vector<128x128xi32>
    %get3A_2686 = arith.constant 0 : index
    %get3A_2687 = arith.constant 4608 : index
    %get3A_2688 = vector.load %arg7[%get3A_2686, %get3A_2687] : memref<1x8192xf32, #tpu.memory_space<vmem>>, vector<1x128xf32>
    %slice3A_2689 = vector.extract_strided_slice %dot_general3A_2641 {offsets = [0, 512], sizes = [128, 128], strides = [1, 1]} : vector<128x1024xf32> to vector<128x128xf32>
    %sub3A_2690 = vector.broadcast %get3A_2688 : vector<1x128xf32> to vector<128x128xf32>
    %sub3A_2691 = arith.subf %sub3A_2690, %slice3A_2689 : vector<128x128xf32>
    %lt3A_2692 = arith.cmpf olt, %sub3A_2691, %min3A_2682 : vector<128x128xf32>
    %min3A_2693 = arith.minimumf %sub3A_2691, %min3A_2682 : vector<128x128xf32>
    %jit3A_2694 = arith.constant 36 : i32
    %broadcast_in_dim3A_2695 = vector.broadcast %jit3A_2694 : i32 to vector<128x128xi32>
    %select_n3A_2696 = arith.select %lt3A_2692, %broadcast_in_dim3A_2695, %select_n3A_2685 : vector<128x128xi1>, vector<128x128xi32>
    %get3A_2697 = arith.constant 0 : index
    %get3A_2698 = arith.constant 4736 : index
    %get3A_2699 = vector.load %arg7[%get3A_2697, %get3A_2698] : memref<1x8192xf32, #tpu.memory_space<vmem>>, vector<1x128xf32>
    %slice3A_2700 = vector.extract_strided_slice %dot_general3A_2641 {offsets = [0, 640], sizes = [128, 128], strides = [1, 1]} : vector<128x1024xf32> to vector<128x128xf32>
    %sub3A_2701 = vector.broadcast %get3A_2699 : vector<1x128xf32> to vector<128x128xf32>
    %sub3A_2702 = arith.subf %sub3A_2701, %slice3A_2700 : vector<128x128xf32>
    %lt3A_2703 = arith.cmpf olt, %sub3A_2702, %min3A_2693 : vector<128x128xf32>
    %min3A_2704 = arith.minimumf %sub3A_2702, %min3A_2693 : vector<128x128xf32>
    %jit3A_2705 = arith.constant 37 : i32
    %broadcast_in_dim3A_2706 = vector.broadcast %jit3A_2705 : i32 to vector<128x128xi32>
    %select_n3A_2707 = arith.select %lt3A_2703, %broadcast_in_dim3A_2706, %select_n3A_2696 : vector<128x128xi1>, vector<128x128xi32>
    %get3A_2708 = arith.constant 0 : index
    %get3A_2709 = arith.constant 4864 : index
    %get3A_2710 = vector.load %arg7[%get3A_2708, %get3A_2709] : memref<1x8192xf32, #tpu.memory_space<vmem>>, vector<1x128xf32>
    %slice3A_2711 = vector.extract_strided_slice %dot_general3A_2641 {offsets = [0, 768], sizes = [128, 128], strides = [1, 1]} : vector<128x1024xf32> to vector<128x128xf32>
    %sub3A_2712 = vector.broadcast %get3A_2710 : vector<1x128xf32> to vector<128x128xf32>
    %sub3A_2713 = arith.subf %sub3A_2712, %slice3A_2711 : vector<128x128xf32>
    %lt3A_2714 = arith.cmpf olt, %sub3A_2713, %min3A_2704 : vector<128x128xf32>
    %min3A_2715 = arith.minimumf %sub3A_2713, %min3A_2704 : vector<128x128xf32>
    %jit3A_2716 = arith.constant 38 : i32
    %broadcast_in_dim3A_2717 = vector.broadcast %jit3A_2716 : i32 to vector<128x128xi32>
    %select_n3A_2718 = arith.select %lt3A_2714, %broadcast_in_dim3A_2717, %select_n3A_2707 : vector<128x128xi1>, vector<128x128xi32>
    %get3A_2719 = arith.constant 0 : index
    %get3A_2720 = arith.constant 4992 : index
    %get3A_2721 = vector.load %arg7[%get3A_2719, %get3A_2720] : memref<1x8192xf32, #tpu.memory_space<vmem>>, vector<1x128xf32>
    %slice3A_2722 = vector.extract_strided_slice %dot_general3A_2641 {offsets = [0, 896], sizes = [128, 128], strides = [1, 1]} : vector<128x1024xf32> to vector<128x128xf32>
    %sub3A_2723 = vector.broadcast %get3A_2721 : vector<1x128xf32> to vector<128x128xf32>
    %sub3A_2724 = arith.subf %sub3A_2723, %slice3A_2722 : vector<128x128xf32>
    %lt3A_2725 = arith.cmpf olt, %sub3A_2724, %min3A_2715 : vector<128x128xf32>
    %min3A_2726 = arith.minimumf %sub3A_2724, %min3A_2715 : vector<128x128xf32>
    %jit3A_2727 = arith.constant 39 : i32
    %broadcast_in_dim3A_2728 = vector.broadcast %jit3A_2727 : i32 to vector<128x128xi32>
    %select_n3A_2729 = arith.select %lt3A_2725, %broadcast_in_dim3A_2728, %select_n3A_2718 : vector<128x128xi1>, vector<128x128xi32>
    %slice3A_2730 = vector.extract_strided_slice %get3A_9 {offsets = [0, 5120], sizes = [256, 1024], strides = [1, 1]} : vector<256x8192xbf16> to vector<256x1024xbf16>
    %dot_general3A_2731 = arith.constant dense<0.000000e+00> : vector<128x1024xf32>
    %dot_general3A_2732 = tpu.matmul %slice3A_2270, %slice3A_2730, %dot_general3A_2731 {dimension_numbers = #tpu.dot_dimension_numbers<[1], [0], [0], [1], [0, 0, 1, 1], [], []>, transpose_lhs_hint = false} : vector<128x256xbf16>, vector<256x1024xbf16>, vector<128x1024xf32> -> vector<128x1024xf32>
    %get3A_2733 = arith.constant 0 : index
    %get3A_2734 = arith.constant 5120 : index
    %get3A_2735 = vector.load %arg7[%get3A_2733, %get3A_2734] : memref<1x8192xf32, #tpu.memory_space<vmem>>, vector<1x128xf32>
    %slice3A_2736 = vector.extract_strided_slice %dot_general3A_2732 {offsets = [0, 0], sizes = [128, 128], strides = [1, 1]} : vector<128x1024xf32> to vector<128x128xf32>
    %sub3A_2737 = vector.broadcast %get3A_2735 : vector<1x128xf32> to vector<128x128xf32>
    %sub3A_2738 = arith.subf %sub3A_2737, %slice3A_2736 : vector<128x128xf32>
    %lt3A_2739 = arith.cmpf olt, %sub3A_2738, %min3A_2726 : vector<128x128xf32>
    %min3A_2740 = arith.minimumf %sub3A_2738, %min3A_2726 : vector<128x128xf32>
    %jit3A_2741 = arith.constant 40 : i32
    %broadcast_in_dim3A_2742 = vector.broadcast %jit3A_2741 : i32 to vector<128x128xi32>
    %select_n3A_2743 = arith.select %lt3A_2739, %broadcast_in_dim3A_2742, %select_n3A_2729 : vector<128x128xi1>, vector<128x128xi32>
    %get3A_2744 = arith.constant 0 : index
    %get3A_2745 = arith.constant 5248 : index
    %get3A_2746 = vector.load %arg7[%get3A_2744, %get3A_2745] : memref<1x8192xf32, #tpu.memory_space<vmem>>, vector<1x128xf32>
    %slice3A_2747 = vector.extract_strided_slice %dot_general3A_2732 {offsets = [0, 128], sizes = [128, 128], strides = [1, 1]} : vector<128x1024xf32> to vector<128x128xf32>
    %sub3A_2748 = vector.broadcast %get3A_2746 : vector<1x128xf32> to vector<128x128xf32>
    %sub3A_2749 = arith.subf %sub3A_2748, %slice3A_2747 : vector<128x128xf32>
    %lt3A_2750 = arith.cmpf olt, %sub3A_2749, %min3A_2740 : vector<128x128xf32>
    %min3A_2751 = arith.minimumf %sub3A_2749, %min3A_2740 : vector<128x128xf32>
    %jit3A_2752 = arith.constant 41 : i32
    %broadcast_in_dim3A_2753 = vector.broadcast %jit3A_2752 : i32 to vector<128x128xi32>
    %select_n3A_2754 = arith.select %lt3A_2750, %broadcast_in_dim3A_2753, %select_n3A_2743 : vector<128x128xi1>, vector<128x128xi32>
    %get3A_2755 = arith.constant 0 : index
    %get3A_2756 = arith.constant 5376 : index
    %get3A_2757 = vector.load %arg7[%get3A_2755, %get3A_2756] : memref<1x8192xf32, #tpu.memory_space<vmem>>, vector<1x128xf32>
    %slice3A_2758 = vector.extract_strided_slice %dot_general3A_2732 {offsets = [0, 256], sizes = [128, 128], strides = [1, 1]} : vector<128x1024xf32> to vector<128x128xf32>
    %sub3A_2759 = vector.broadcast %get3A_2757 : vector<1x128xf32> to vector<128x128xf32>
    %sub3A_2760 = arith.subf %sub3A_2759, %slice3A_2758 : vector<128x128xf32>
    %lt3A_2761 = arith.cmpf olt, %sub3A_2760, %min3A_2751 : vector<128x128xf32>
    %min3A_2762 = arith.minimumf %sub3A_2760, %min3A_2751 : vector<128x128xf32>
    %jit3A_2763 = arith.constant 42 : i32
    %broadcast_in_dim3A_2764 = vector.broadcast %jit3A_2763 : i32 to vector<128x128xi32>
    %select_n3A_2765 = arith.select %lt3A_2761, %broadcast_in_dim3A_2764, %select_n3A_2754 : vector<128x128xi1>, vector<128x128xi32>
    %get3A_2766 = arith.constant 0 : index
    %get3A_2767 = arith.constant 5504 : index
    %get3A_2768 = vector.load %arg7[%get3A_2766, %get3A_2767] : memref<1x8192xf32, #tpu.memory_space<vmem>>, vector<1x128xf32>
    %slice3A_2769 = vector.extract_strided_slice %dot_general3A_2732 {offsets = [0, 384], sizes = [128, 128], strides = [1, 1]} : vector<128x1024xf32> to vector<128x128xf32>
    %sub3A_2770 = vector.broadcast %get3A_2768 : vector<1x128xf32> to vector<128x128xf32>
    %sub3A_2771 = arith.subf %sub3A_2770, %slice3A_2769 : vector<128x128xf32>
    %lt3A_2772 = arith.cmpf olt, %sub3A_2771, %min3A_2762 : vector<128x128xf32>
    %min3A_2773 = arith.minimumf %sub3A_2771, %min3A_2762 : vector<128x128xf32>
    %jit3A_2774 = arith.constant 43 : i32
    %broadcast_in_dim3A_2775 = vector.broadcast %jit3A_2774 : i32 to vector<128x128xi32>
    %select_n3A_2776 = arith.select %lt3A_2772, %broadcast_in_dim3A_2775, %select_n3A_2765 : vector<128x128xi1>, vector<128x128xi32>
    %get3A_2777 = arith.constant 0 : index
    %get3A_2778 = arith.constant 5632 : index
    %get3A_2779 = vector.load %arg7[%get3A_2777, %get3A_2778] : memref<1x8192xf32, #tpu.memory_space<vmem>>, vector<1x128xf32>
    %slice3A_2780 = vector.extract_strided_slice %dot_general3A_2732 {offsets = [0, 512], sizes = [128, 128], strides = [1, 1]} : vector<128x1024xf32> to vector<128x128xf32>
    %sub3A_2781 = vector.broadcast %get3A_2779 : vector<1x128xf32> to vector<128x128xf32>
    %sub3A_2782 = arith.subf %sub3A_2781, %slice3A_2780 : vector<128x128xf32>
    %lt3A_2783 = arith.cmpf olt, %sub3A_2782, %min3A_2773 : vector<128x128xf32>
    %min3A_2784 = arith.minimumf %sub3A_2782, %min3A_2773 : vector<128x128xf32>
    %jit3A_2785 = arith.constant 44 : i32
    %broadcast_in_dim3A_2786 = vector.broadcast %jit3A_2785 : i32 to vector<128x128xi32>
    %select_n3A_2787 = arith.select %lt3A_2783, %broadcast_in_dim3A_2786, %select_n3A_2776 : vector<128x128xi1>, vector<128x128xi32>
    %get3A_2788 = arith.constant 0 : index
    %get3A_2789 = arith.constant 5760 : index
    %get3A_2790 = vector.load %arg7[%get3A_2788, %get3A_2789] : memref<1x8192xf32, #tpu.memory_space<vmem>>, vector<1x128xf32>
    %slice3A_2791 = vector.extract_strided_slice %dot_general3A_2732 {offsets = [0, 640], sizes = [128, 128], strides = [1, 1]} : vector<128x1024xf32> to vector<128x128xf32>
    %sub3A_2792 = vector.broadcast %get3A_2790 : vector<1x128xf32> to vector<128x128xf32>
    %sub3A_2793 = arith.subf %sub3A_2792, %slice3A_2791 : vector<128x128xf32>
    %lt3A_2794 = arith.cmpf olt, %sub3A_2793, %min3A_2784 : vector<128x128xf32>
    %min3A_2795 = arith.minimumf %sub3A_2793, %min3A_2784 : vector<128x128xf32>
    %jit3A_2796 = arith.constant 45 : i32
    %broadcast_in_dim3A_2797 = vector.broadcast %jit3A_2796 : i32 to vector<128x128xi32>
    %select_n3A_2798 = arith.select %lt3A_2794, %broadcast_in_dim3A_2797, %select_n3A_2787 : vector<128x128xi1>, vector<128x128xi32>
    %get3A_2799 = arith.constant 0 : index
    %get3A_2800 = arith.constant 5888 : index
    %get3A_2801 = vector.load %arg7[%get3A_2799, %get3A_2800] : memref<1x8192xf32, #tpu.memory_space<vmem>>, vector<1x128xf32>
    %slice3A_2802 = vector.extract_strided_slice %dot_general3A_2732 {offsets = [0, 768], sizes = [128, 128], strides = [1, 1]} : vector<128x1024xf32> to vector<128x128xf32>
    %sub3A_2803 = vector.broadcast %get3A_2801 : vector<1x128xf32> to vector<128x128xf32>
    %sub3A_2804 = arith.subf %sub3A_2803, %slice3A_2802 : vector<128x128xf32>
    %lt3A_2805 = arith.cmpf olt, %sub3A_2804, %min3A_2795 : vector<128x128xf32>
    %min3A_2806 = arith.minimumf %sub3A_2804, %min3A_2795 : vector<128x128xf32>
    %jit3A_2807 = arith.constant 46 : i32
    %broadcast_in_dim3A_2808 = vector.broadcast %jit3A_2807 : i32 to vector<128x128xi32>
    %select_n3A_2809 = arith.select %lt3A_2805, %broadcast_in_dim3A_2808, %select_n3A_2798 : vector<128x128xi1>, vector<128x128xi32>
    %get3A_2810 = arith.constant 0 : index
    %get3A_2811 = arith.constant 6016 : index
    %get3A_2812 = vector.load %arg7[%get3A_2810, %get3A_2811] : memref<1x8192xf32, #tpu.memory_space<vmem>>, vector<1x128xf32>
    %slice3A_2813 = vector.extract_strided_slice %dot_general3A_2732 {offsets = [0, 896], sizes = [128, 128], strides = [1, 1]} : vector<128x1024xf32> to vector<128x128xf32>
    %sub3A_2814 = vector.broadcast %get3A_2812 : vector<1x128xf32> to vector<128x128xf32>
    %sub3A_2815 = arith.subf %sub3A_2814, %slice3A_2813 : vector<128x128xf32>
    %lt3A_2816 = arith.cmpf olt, %sub3A_2815, %min3A_2806 : vector<128x128xf32>
    %min3A_2817 = arith.minimumf %sub3A_2815, %min3A_2806 : vector<128x128xf32>
    %jit3A_2818 = arith.constant 47 : i32
    %broadcast_in_dim3A_2819 = vector.broadcast %jit3A_2818 : i32 to vector<128x128xi32>
    %select_n3A_2820 = arith.select %lt3A_2816, %broadcast_in_dim3A_2819, %select_n3A_2809 : vector<128x128xi1>, vector<128x128xi32>
    %slice3A_2821 = vector.extract_strided_slice %get3A_9 {offsets = [0, 6144], sizes = [256, 1024], strides = [1, 1]} : vector<256x8192xbf16> to vector<256x1024xbf16>
    %dot_general3A_2822 = arith.constant dense<0.000000e+00> : vector<128x1024xf32>
    %dot_general3A_2823 = tpu.matmul %slice3A_2270, %slice3A_2821, %dot_general3A_2822 {dimension_numbers = #tpu.dot_dimension_numbers<[1], [0], [0], [1], [0, 0, 1, 1], [], []>, transpose_lhs_hint = false} : vector<128x256xbf16>, vector<256x1024xbf16>, vector<128x1024xf32> -> vector<128x1024xf32>
    %get3A_2824 = arith.constant 0 : index
    %get3A_2825 = arith.constant 6144 : index
    %get3A_2826 = vector.load %arg7[%get3A_2824, %get3A_2825] : memref<1x8192xf32, #tpu.memory_space<vmem>>, vector<1x128xf32>
    %slice3A_2827 = vector.extract_strided_slice %dot_general3A_2823 {offsets = [0, 0], sizes = [128, 128], strides = [1, 1]} : vector<128x1024xf32> to vector<128x128xf32>
    %sub3A_2828 = vector.broadcast %get3A_2826 : vector<1x128xf32> to vector<128x128xf32>
    %sub3A_2829 = arith.subf %sub3A_2828, %slice3A_2827 : vector<128x128xf32>
    %lt3A_2830 = arith.cmpf olt, %sub3A_2829, %min3A_2817 : vector<128x128xf32>
    %min3A_2831 = arith.minimumf %sub3A_2829, %min3A_2817 : vector<128x128xf32>
    %jit3A_2832 = arith.constant 48 : i32
    %broadcast_in_dim3A_2833 = vector.broadcast %jit3A_2832 : i32 to vector<128x128xi32>
    %select_n3A_2834 = arith.select %lt3A_2830, %broadcast_in_dim3A_2833, %select_n3A_2820 : vector<128x128xi1>, vector<128x128xi32>
    %get3A_2835 = arith.constant 0 : index
    %get3A_2836 = arith.constant 6272 : index
    %get3A_2837 = vector.load %arg7[%get3A_2835, %get3A_2836] : memref<1x8192xf32, #tpu.memory_space<vmem>>, vector<1x128xf32>
    %slice3A_2838 = vector.extract_strided_slice %dot_general3A_2823 {offsets = [0, 128], sizes = [128, 128], strides = [1, 1]} : vector<128x1024xf32> to vector<128x128xf32>
    %sub3A_2839 = vector.broadcast %get3A_2837 : vector<1x128xf32> to vector<128x128xf32>
    %sub3A_2840 = arith.subf %sub3A_2839, %slice3A_2838 : vector<128x128xf32>
    %lt3A_2841 = arith.cmpf olt, %sub3A_2840, %min3A_2831 : vector<128x128xf32>
    %min3A_2842 = arith.minimumf %sub3A_2840, %min3A_2831 : vector<128x128xf32>
    %jit3A_2843 = arith.constant 49 : i32
    %broadcast_in_dim3A_2844 = vector.broadcast %jit3A_2843 : i32 to vector<128x128xi32>
    %select_n3A_2845 = arith.select %lt3A_2841, %broadcast_in_dim3A_2844, %select_n3A_2834 : vector<128x128xi1>, vector<128x128xi32>
    %get3A_2846 = arith.constant 0 : index
    %get3A_2847 = arith.constant 6400 : index
    %get3A_2848 = vector.load %arg7[%get3A_2846, %get3A_2847] : memref<1x8192xf32, #tpu.memory_space<vmem>>, vector<1x128xf32>
    %slice3A_2849 = vector.extract_strided_slice %dot_general3A_2823 {offsets = [0, 256], sizes = [128, 128], strides = [1, 1]} : vector<128x1024xf32> to vector<128x128xf32>
    %sub3A_2850 = vector.broadcast %get3A_2848 : vector<1x128xf32> to vector<128x128xf32>
    %sub3A_2851 = arith.subf %sub3A_2850, %slice3A_2849 : vector<128x128xf32>
    %lt3A_2852 = arith.cmpf olt, %sub3A_2851, %min3A_2842 : vector<128x128xf32>
    %min3A_2853 = arith.minimumf %sub3A_2851, %min3A_2842 : vector<128x128xf32>
    %jit3A_2854 = arith.constant 50 : i32
    %broadcast_in_dim3A_2855 = vector.broadcast %jit3A_2854 : i32 to vector<128x128xi32>
    %select_n3A_2856 = arith.select %lt3A_2852, %broadcast_in_dim3A_2855, %select_n3A_2845 : vector<128x128xi1>, vector<128x128xi32>
    %get3A_2857 = arith.constant 0 : index
    %get3A_2858 = arith.constant 6528 : index
    %get3A_2859 = vector.load %arg7[%get3A_2857, %get3A_2858] : memref<1x8192xf32, #tpu.memory_space<vmem>>, vector<1x128xf32>
    %slice3A_2860 = vector.extract_strided_slice %dot_general3A_2823 {offsets = [0, 384], sizes = [128, 128], strides = [1, 1]} : vector<128x1024xf32> to vector<128x128xf32>
    %sub3A_2861 = vector.broadcast %get3A_2859 : vector<1x128xf32> to vector<128x128xf32>
    %sub3A_2862 = arith.subf %sub3A_2861, %slice3A_2860 : vector<128x128xf32>
    %lt3A_2863 = arith.cmpf olt, %sub3A_2862, %min3A_2853 : vector<128x128xf32>
    %min3A_2864 = arith.minimumf %sub3A_2862, %min3A_2853 : vector<128x128xf32>
    %jit3A_2865 = arith.constant 51 : i32
    %broadcast_in_dim3A_2866 = vector.broadcast %jit3A_2865 : i32 to vector<128x128xi32>
    %select_n3A_2867 = arith.select %lt3A_2863, %broadcast_in_dim3A_2866, %select_n3A_2856 : vector<128x128xi1>, vector<128x128xi32>
    %get3A_2868 = arith.constant 0 : index
    %get3A_2869 = arith.constant 6656 : index
    %get3A_2870 = vector.load %arg7[%get3A_2868, %get3A_2869] : memref<1x8192xf32, #tpu.memory_space<vmem>>, vector<1x128xf32>
    %slice3A_2871 = vector.extract_strided_slice %dot_general3A_2823 {offsets = [0, 512], sizes = [128, 128], strides = [1, 1]} : vector<128x1024xf32> to vector<128x128xf32>
    %sub3A_2872 = vector.broadcast %get3A_2870 : vector<1x128xf32> to vector<128x128xf32>
    %sub3A_2873 = arith.subf %sub3A_2872, %slice3A_2871 : vector<128x128xf32>
    %lt3A_2874 = arith.cmpf olt, %sub3A_2873, %min3A_2864 : vector<128x128xf32>
    %min3A_2875 = arith.minimumf %sub3A_2873, %min3A_2864 : vector<128x128xf32>
    %jit3A_2876 = arith.constant 52 : i32
    %broadcast_in_dim3A_2877 = vector.broadcast %jit3A_2876 : i32 to vector<128x128xi32>
    %select_n3A_2878 = arith.select %lt3A_2874, %broadcast_in_dim3A_2877, %select_n3A_2867 : vector<128x128xi1>, vector<128x128xi32>
    %get3A_2879 = arith.constant 0 : index
    %get3A_2880 = arith.constant 6784 : index
    %get3A_2881 = vector.load %arg7[%get3A_2879, %get3A_2880] : memref<1x8192xf32, #tpu.memory_space<vmem>>, vector<1x128xf32>
    %slice3A_2882 = vector.extract_strided_slice %dot_general3A_2823 {offsets = [0, 640], sizes = [128, 128], strides = [1, 1]} : vector<128x1024xf32> to vector<128x128xf32>
    %sub3A_2883 = vector.broadcast %get3A_2881 : vector<1x128xf32> to vector<128x128xf32>
    %sub3A_2884 = arith.subf %sub3A_2883, %slice3A_2882 : vector<128x128xf32>
    %lt3A_2885 = arith.cmpf olt, %sub3A_2884, %min3A_2875 : vector<128x128xf32>
    %min3A_2886 = arith.minimumf %sub3A_2884, %min3A_2875 : vector<128x128xf32>
    %jit3A_2887 = arith.constant 53 : i32
    %broadcast_in_dim3A_2888 = vector.broadcast %jit3A_2887 : i32 to vector<128x128xi32>
    %select_n3A_2889 = arith.select %lt3A_2885, %broadcast_in_dim3A_2888, %select_n3A_2878 : vector<128x128xi1>, vector<128x128xi32>
    %get3A_2890 = arith.constant 0 : index
    %get3A_2891 = arith.constant 6912 : index
    %get3A_2892 = vector.load %arg7[%get3A_2890, %get3A_2891] : memref<1x8192xf32, #tpu.memory_space<vmem>>, vector<1x128xf32>
    %slice3A_2893 = vector.extract_strided_slice %dot_general3A_2823 {offsets = [0, 768], sizes = [128, 128], strides = [1, 1]} : vector<128x1024xf32> to vector<128x128xf32>
    %sub3A_2894 = vector.broadcast %get3A_2892 : vector<1x128xf32> to vector<128x128xf32>
    %sub3A_2895 = arith.subf %sub3A_2894, %slice3A_2893 : vector<128x128xf32>
    %lt3A_2896 = arith.cmpf olt, %sub3A_2895, %min3A_2886 : vector<128x128xf32>
    %min3A_2897 = arith.minimumf %sub3A_2895, %min3A_2886 : vector<128x128xf32>
    %jit3A_2898 = arith.constant 54 : i32
    %broadcast_in_dim3A_2899 = vector.broadcast %jit3A_2898 : i32 to vector<128x128xi32>
    %select_n3A_2900 = arith.select %lt3A_2896, %broadcast_in_dim3A_2899, %select_n3A_2889 : vector<128x128xi1>, vector<128x128xi32>
    %get3A_2901 = arith.constant 0 : index
    %get3A_2902 = arith.constant 7040 : index
    %get3A_2903 = vector.load %arg7[%get3A_2901, %get3A_2902] : memref<1x8192xf32, #tpu.memory_space<vmem>>, vector<1x128xf32>
    %slice3A_2904 = vector.extract_strided_slice %dot_general3A_2823 {offsets = [0, 896], sizes = [128, 128], strides = [1, 1]} : vector<128x1024xf32> to vector<128x128xf32>
    %sub3A_2905 = vector.broadcast %get3A_2903 : vector<1x128xf32> to vector<128x128xf32>
    %sub3A_2906 = arith.subf %sub3A_2905, %slice3A_2904 : vector<128x128xf32>
    %lt3A_2907 = arith.cmpf olt, %sub3A_2906, %min3A_2897 : vector<128x128xf32>
    %min3A_2908 = arith.minimumf %sub3A_2906, %min3A_2897 : vector<128x128xf32>
    %jit3A_2909 = arith.constant 55 : i32
    %broadcast_in_dim3A_2910 = vector.broadcast %jit3A_2909 : i32 to vector<128x128xi32>
    %select_n3A_2911 = arith.select %lt3A_2907, %broadcast_in_dim3A_2910, %select_n3A_2900 : vector<128x128xi1>, vector<128x128xi32>
    %slice3A_2912 = vector.extract_strided_slice %get3A_9 {offsets = [0, 7168], sizes = [256, 1024], strides = [1, 1]} : vector<256x8192xbf16> to vector<256x1024xbf16>
    %dot_general3A_2913 = arith.constant dense<0.000000e+00> : vector<128x1024xf32>
    %dot_general3A_2914 = tpu.matmul %slice3A_2270, %slice3A_2912, %dot_general3A_2913 {dimension_numbers = #tpu.dot_dimension_numbers<[1], [0], [0], [1], [0, 0, 1, 1], [], []>, transpose_lhs_hint = false} : vector<128x256xbf16>, vector<256x1024xbf16>, vector<128x1024xf32> -> vector<128x1024xf32>
    %get3A_2915 = arith.constant 0 : index
    %get3A_2916 = arith.constant 7168 : index
    %get3A_2917 = vector.load %arg7[%get3A_2915, %get3A_2916] : memref<1x8192xf32, #tpu.memory_space<vmem>>, vector<1x128xf32>
    %slice3A_2918 = vector.extract_strided_slice %dot_general3A_2914 {offsets = [0, 0], sizes = [128, 128], strides = [1, 1]} : vector<128x1024xf32> to vector<128x128xf32>
    %sub3A_2919 = vector.broadcast %get3A_2917 : vector<1x128xf32> to vector<128x128xf32>
    %sub3A_2920 = arith.subf %sub3A_2919, %slice3A_2918 : vector<128x128xf32>
    %lt3A_2921 = arith.cmpf olt, %sub3A_2920, %min3A_2908 : vector<128x128xf32>
    %min3A_2922 = arith.minimumf %sub3A_2920, %min3A_2908 : vector<128x128xf32>
    %jit3A_2923 = arith.constant 56 : i32
    %broadcast_in_dim3A_2924 = vector.broadcast %jit3A_2923 : i32 to vector<128x128xi32>
    %select_n3A_2925 = arith.select %lt3A_2921, %broadcast_in_dim3A_2924, %select_n3A_2911 : vector<128x128xi1>, vector<128x128xi32>
    %get3A_2926 = arith.constant 0 : index
    %get3A_2927 = arith.constant 7296 : index
    %get3A_2928 = vector.load %arg7[%get3A_2926, %get3A_2927] : memref<1x8192xf32, #tpu.memory_space<vmem>>, vector<1x128xf32>
    %slice3A_2929 = vector.extract_strided_slice %dot_general3A_2914 {offsets = [0, 128], sizes = [128, 128], strides = [1, 1]} : vector<128x1024xf32> to vector<128x128xf32>
    %sub3A_2930 = vector.broadcast %get3A_2928 : vector<1x128xf32> to vector<128x128xf32>
    %sub3A_2931 = arith.subf %sub3A_2930, %slice3A_2929 : vector<128x128xf32>
    %lt3A_2932 = arith.cmpf olt, %sub3A_2931, %min3A_2922 : vector<128x128xf32>
    %min3A_2933 = arith.minimumf %sub3A_2931, %min3A_2922 : vector<128x128xf32>
    %jit3A_2934 = arith.constant 57 : i32
    %broadcast_in_dim3A_2935 = vector.broadcast %jit3A_2934 : i32 to vector<128x128xi32>
    %select_n3A_2936 = arith.select %lt3A_2932, %broadcast_in_dim3A_2935, %select_n3A_2925 : vector<128x128xi1>, vector<128x128xi32>
    %get3A_2937 = arith.constant 0 : index
    %get3A_2938 = arith.constant 7424 : index
    %get3A_2939 = vector.load %arg7[%get3A_2937, %get3A_2938] : memref<1x8192xf32, #tpu.memory_space<vmem>>, vector<1x128xf32>
    %slice3A_2940 = vector.extract_strided_slice %dot_general3A_2914 {offsets = [0, 256], sizes = [128, 128], strides = [1, 1]} : vector<128x1024xf32> to vector<128x128xf32>
    %sub3A_2941 = vector.broadcast %get3A_2939 : vector<1x128xf32> to vector<128x128xf32>
    %sub3A_2942 = arith.subf %sub3A_2941, %slice3A_2940 : vector<128x128xf32>
    %lt3A_2943 = arith.cmpf olt, %sub3A_2942, %min3A_2933 : vector<128x128xf32>
    %min3A_2944 = arith.minimumf %sub3A_2942, %min3A_2933 : vector<128x128xf32>
    %jit3A_2945 = arith.constant 58 : i32
    %broadcast_in_dim3A_2946 = vector.broadcast %jit3A_2945 : i32 to vector<128x128xi32>
    %select_n3A_2947 = arith.select %lt3A_2943, %broadcast_in_dim3A_2946, %select_n3A_2936 : vector<128x128xi1>, vector<128x128xi32>
    %get3A_2948 = arith.constant 0 : index
    %get3A_2949 = arith.constant 7552 : index
    %get3A_2950 = vector.load %arg7[%get3A_2948, %get3A_2949] : memref<1x8192xf32, #tpu.memory_space<vmem>>, vector<1x128xf32>
    %slice3A_2951 = vector.extract_strided_slice %dot_general3A_2914 {offsets = [0, 384], sizes = [128, 128], strides = [1, 1]} : vector<128x1024xf32> to vector<128x128xf32>
    %sub3A_2952 = vector.broadcast %get3A_2950 : vector<1x128xf32> to vector<128x128xf32>
    %sub3A_2953 = arith.subf %sub3A_2952, %slice3A_2951 : vector<128x128xf32>
    %lt3A_2954 = arith.cmpf olt, %sub3A_2953, %min3A_2944 : vector<128x128xf32>
    %min3A_2955 = arith.minimumf %sub3A_2953, %min3A_2944 : vector<128x128xf32>
    %jit3A_2956 = arith.constant 59 : i32
    %broadcast_in_dim3A_2957 = vector.broadcast %jit3A_2956 : i32 to vector<128x128xi32>
    %select_n3A_2958 = arith.select %lt3A_2954, %broadcast_in_dim3A_2957, %select_n3A_2947 : vector<128x128xi1>, vector<128x128xi32>
    %get3A_2959 = arith.constant 0 : index
    %get3A_2960 = arith.constant 7680 : index
    %get3A_2961 = vector.load %arg7[%get3A_2959, %get3A_2960] : memref<1x8192xf32, #tpu.memory_space<vmem>>, vector<1x128xf32>
    %slice3A_2962 = vector.extract_strided_slice %dot_general3A_2914 {offsets = [0, 512], sizes = [128, 128], strides = [1, 1]} : vector<128x1024xf32> to vector<128x128xf32>
    %sub3A_2963 = vector.broadcast %get3A_2961 : vector<1x128xf32> to vector<128x128xf32>
    %sub3A_2964 = arith.subf %sub3A_2963, %slice3A_2962 : vector<128x128xf32>
    %lt3A_2965 = arith.cmpf olt, %sub3A_2964, %min3A_2955 : vector<128x128xf32>
    %min3A_2966 = arith.minimumf %sub3A_2964, %min3A_2955 : vector<128x128xf32>
    %jit3A_2967 = arith.constant 60 : i32
    %broadcast_in_dim3A_2968 = vector.broadcast %jit3A_2967 : i32 to vector<128x128xi32>
    %select_n3A_2969 = arith.select %lt3A_2965, %broadcast_in_dim3A_2968, %select_n3A_2958 : vector<128x128xi1>, vector<128x128xi32>
    %get3A_2970 = arith.constant 0 : index
    %get3A_2971 = arith.constant 7808 : index
    %get3A_2972 = vector.load %arg7[%get3A_2970, %get3A_2971] : memref<1x8192xf32, #tpu.memory_space<vmem>>, vector<1x128xf32>
    %slice3A_2973 = vector.extract_strided_slice %dot_general3A_2914 {offsets = [0, 640], sizes = [128, 128], strides = [1, 1]} : vector<128x1024xf32> to vector<128x128xf32>
    %sub3A_2974 = vector.broadcast %get3A_2972 : vector<1x128xf32> to vector<128x128xf32>
    %sub3A_2975 = arith.subf %sub3A_2974, %slice3A_2973 : vector<128x128xf32>
    %lt3A_2976 = arith.cmpf olt, %sub3A_2975, %min3A_2966 : vector<128x128xf32>
    %min3A_2977 = arith.minimumf %sub3A_2975, %min3A_2966 : vector<128x128xf32>
    %jit3A_2978 = arith.constant 61 : i32
    %broadcast_in_dim3A_2979 = vector.broadcast %jit3A_2978 : i32 to vector<128x128xi32>
    %select_n3A_2980 = arith.select %lt3A_2976, %broadcast_in_dim3A_2979, %select_n3A_2969 : vector<128x128xi1>, vector<128x128xi32>
    %get3A_2981 = arith.constant 0 : index
    %get3A_2982 = arith.constant 7936 : index
    %get3A_2983 = vector.load %arg7[%get3A_2981, %get3A_2982] : memref<1x8192xf32, #tpu.memory_space<vmem>>, vector<1x128xf32>
    %slice3A_2984 = vector.extract_strided_slice %dot_general3A_2914 {offsets = [0, 768], sizes = [128, 128], strides = [1, 1]} : vector<128x1024xf32> to vector<128x128xf32>
    %sub3A_2985 = vector.broadcast %get3A_2983 : vector<1x128xf32> to vector<128x128xf32>
    %sub3A_2986 = arith.subf %sub3A_2985, %slice3A_2984 : vector<128x128xf32>
    %lt3A_2987 = arith.cmpf olt, %sub3A_2986, %min3A_2977 : vector<128x128xf32>
    %min3A_2988 = arith.minimumf %sub3A_2986, %min3A_2977 : vector<128x128xf32>
    %jit3A_2989 = arith.constant 62 : i32
    %broadcast_in_dim3A_2990 = vector.broadcast %jit3A_2989 : i32 to vector<128x128xi32>
    %select_n3A_2991 = arith.select %lt3A_2987, %broadcast_in_dim3A_2990, %select_n3A_2980 : vector<128x128xi1>, vector<128x128xi32>
    %get3A_2992 = arith.constant 0 : index
    %get3A_2993 = arith.constant 8064 : index
    %get3A_2994 = vector.load %arg7[%get3A_2992, %get3A_2993] : memref<1x8192xf32, #tpu.memory_space<vmem>>, vector<1x128xf32>
    %slice3A_2995 = vector.extract_strided_slice %dot_general3A_2914 {offsets = [0, 896], sizes = [128, 128], strides = [1, 1]} : vector<128x1024xf32> to vector<128x128xf32>
    %sub3A_2996 = vector.broadcast %get3A_2994 : vector<1x128xf32> to vector<128x128xf32>
    %sub3A_2997 = arith.subf %sub3A_2996, %slice3A_2995 : vector<128x128xf32>
    %lt3A_2998 = arith.cmpf olt, %sub3A_2997, %min3A_2988 : vector<128x128xf32>
    %min3A_2999 = arith.minimumf %sub3A_2997, %min3A_2988 : vector<128x128xf32>
    %jit3A_3000 = arith.constant 63 : i32
    %broadcast_in_dim3A_3001 = vector.broadcast %jit3A_3000 : i32 to vector<128x128xi32>
    %select_n3A_3002 = arith.select %lt3A_2998, %broadcast_in_dim3A_3001, %select_n3A_2991 : vector<128x128xi1>, vector<128x128xi32>
    %mul3A_3003 = arith.constant 128 : i32
    %mul3A_3004 = vector.broadcast %mul3A_3003 : i32 to vector<128x128xi32>
    %mul3A_3005 = arith.muli %select_n3A_3002, %mul3A_3004 : vector<128x128xi32>
    %add3A_3006 = arith.addi %mul3A_3005, %iota3A : vector<128x128xi32>
    %reduce_min3A_3007 = arith.constant dense<0x7F800000> : vector<128xf32>
    %reduce_min3A_3008 = vector.multi_reduction <minimumf>, %min3A_2999, %reduce_min3A_3007 [1] : vector<128x128xf32> to vector<128xf32>
    %broadcast_in_dim3A_3009 = vector.shape_cast %reduce_min3A_3008 : vector<128xf32> to vector<128x1xf32>
    %eq3A_3010 = vector.broadcast %broadcast_in_dim3A_3009 : vector<128x1xf32> to vector<128x128xf32>
    %eq3A_3011 = arith.cmpf oeq, %min3A_2999, %eq3A_3010 : vector<128x128xf32>
    %jit3A_3012 = arith.constant 8192 : i32
    %broadcast_in_dim3A_3013 = vector.broadcast %jit3A_3012 : i32 to vector<128x128xi32>
    %select_n3A_3014 = arith.select %eq3A_3011, %add3A_3006, %broadcast_in_dim3A_3013 : vector<128x128xi1>, vector<128x128xi32>
    %reduce_min3A_3015 = arith.constant dense<2147483647> : vector<128xi32>
    %reduce_min3A_3016 = vector.multi_reduction <minsi>, %select_n3A_3014, %reduce_min3A_3015 [1] : vector<128x128xi32> to vector<128xi32>
    %swap3A_3017 = arith.constant 384 : index
    %swap3A_3018 = vector.load %arg3[%swap3A_3017] : memref<512xi32, #tpu.memory_space<vmem>>, vector<128xi32>
    tpu.vector_store %arg3[%swap3A_3017], %reduce_min3A_3016 {strides = array<i32>} : memref<512xi32, #tpu.memory_space<vmem>>, vector<128xi32>,
    %reduce_sum3A_3019 = vector.shape_cast %broadcast_in_dim3A_3009 : vector<128x1xf32> to vector<1x128x1xf32>
    %reduce_sum3A_3020 = arith.constant dense<0.000000e+00> : vector<1xf32>
    %reduce_sum3A_3021 = vector.multi_reduction <add>, %reduce_sum3A_3019, %reduce_sum3A_3020 [1, 2] : vector<1x128x1xf32> to vector<1xf32>
    %reduce_sum3A_3022 = vector.shape_cast %reduce_sum3A_3021 : vector<1xf32> to vector<1x1x1xf32>
    %reduce_sum3A_3023 = vector.extract %reduce_sum3A_3022[0, 0, 0] : f32 from vector<1x1x1xf32>
    %add3A_3024 = arith.addf %add3A_2269, %reduce_sum3A_3023 : f32
    %get3A_3025 = arith.constant 0 : index
    %get3A_3026 = memref.load %arg8[%get3A_3025] : memref<1xf32, #tpu.memory_space<smem>>
    %mul3A_3027 = arith.mulf %get3A_12, %get3A_12 : vector<512x256xf32>
    %reduce_sum3A_3028 = vector.shape_cast %mul3A_3027 : vector<512x256xf32> to vector<1x512x256xf32>
    %reduce_sum3A_3029 = arith.constant dense<0.000000e+00> : vector<1xf32>
    %reduce_sum3A_3030 = vector.multi_reduction <add>, %reduce_sum3A_3028, %reduce_sum3A_3029 [1, 2] : vector<1x512x256xf32> to vector<1xf32>
    %reduce_sum3A_3031 = vector.shape_cast %reduce_sum3A_3030 : vector<1xf32> to vector<1x1x1xf32>
    %reduce_sum3A_3032 = vector.extract %reduce_sum3A_3031[0, 0, 0] : f32 from vector<1x1x1xf32>
    %add3A_3033 = arith.addf %reduce_sum3A_3032, %add3A_3024 : f32
    %add3A_3034 = arith.addf %get3A_3026, %add3A_3033 : f32
    %swap3A_3035 = arith.constant 0 : index
    %swap3A_3036 = memref.load %arg8[%swap3A_3035] : memref<1xf32, #tpu.memory_space<smem>>
    memref.store %add3A_3034, %arg8[%swap3A_3035] : memref<1xf32, #tpu.memory_space<smem>>
    %eq3A_3037 = arith.constant 15 : i32
    %eq3A_3038 = arith.cmpi eq, %arg0, %eq3A_3037 : i32
    %convert_element_type3A_3039 = arith.extui %eq3A_3038 : i1 to i32
    %cond3A_3040 = arith.constant 0 : i32
    %cond3A_3041 = arith.cmpi ne, %convert_element_type3A_3039, %cond3A_3040 : i32
    scf.if %cond3A_3041 {
      %get3A_3042 = arith.constant 0 : index
      %get3A_3043 = memref.load %arg8[%get3A_3042] : memref<1xf32, #tpu.memory_space<smem>>
      %swap3A_3044 = arith.constant 0 : index
      %swap3A_3045 = memref.load %arg4[%swap3A_3044] : memref<1xf32, #tpu.memory_space<smem>>
      memref.store %get3A_3043, %arg4[%swap3A_3044] : memref<1xf32, #tpu.memory_space<smem>>
    } else {
    }
    return
  }
  func.func @transform_0(%arg0: i32) -> (i32, i32) {
    %c0_i32 = arith.constant 0 : i32
    %c0_i32_0 = arith.constant 0 : i32
    return %arg0, %c0_i32 : i32, i32
  }
  func.func @transform_1(%arg0: i32) -> (i32, i32) {
    %c0_i32 = arith.constant 0 : i32
    %c0_i32_0 = arith.constant 0 : i32
    %c0_i32_1 = arith.constant 0 : i32
    return %c0_i32, %c0_i32_0 : i32, i32
  }
  func.func @transform_2(%arg0: i32) -> i32 {
    %c0_i32 = arith.constant 0 : i32
    return %arg0 : i32
  }
  func.func @transform_3(%arg0: i32) -> i32 {
    %c0_i32 = arith.constant 0 : i32
    %c0_i32_0 = arith.constant 0 : i32
    return %c0_i32 : i32
  }
  func.func @transform_4(%arg0: i32) -> (i32, i32) {
    %c0_i32 = arith.constant 0 : i32
    %c0_i32_0 = arith.constant 0 : i32
    return %arg0, %c0_i32 : i32, i32
  }
}

</mosaic_0001>

<sc_bundles>
// kernel: kernel.4.cloned.1.call-start
scs
__scs_entry_jumppad:
0x0: {  	(pc) =	sbr.rel $0x88, $3  }
0x1: {  	(tag) =	ssettag $0x0;
	lr =	simm.s32 $0x1  }
0x2: {  	[smem:$0x3F9F] =	sst lr;
	_ =	strace $0xD0000000  }
0x3: {  	_ = 	snop  }
0x4: {  	_ = 	snop  }
0x5: {  	_ = 	snop  }
0x6: {  	_ = 	snop  }
0x7: {  	_ = 	snop  }
__scs_overlays_trampoline_lowered:
0x8: {  	[smem:$0x3FAE] =	sst s0  }
0x9: {  	[smem:$0x3FAF] =	sst s1  }
0xa: {  	[smem:$0x3FB0] =	sst s2  }
0xb: {  	[smem:$0x3FB1] =	sst s3  }
0xc: {  	[smem:$0x3FB2] =	sst s4  }
0xd: {  	[smem:$0x3FB3] =	sst s5  }
0xe: {  	[smem:$0x3FB4] =	sst s6  }
0xf: {  	[smem:$0x3FB5] =	sst s7  }
0x10: {  	[smem:$0x3FB6] =	sst s8  }
0x11: {  	[smem:$0x3FB7] =	sst s9;
	s0 =	simm.s32 @!p0 $0x0  }
0x12: {  	s1 =	sld [smem:$0x3F9D];
	s0 =	simm.s32 @p0 $0x1  }
0x13: {  	[smem:$0x3FB8] =	sst s0;
	s0 =	simm.s32 @!p1 $0x0  }
0x14: {  	s2 =	sld [smem:$0x3F9C];
	s0 =	simm.s32 @p1 $0x1  }
0x15: {  	[smem:$0x3FB9] =	sst s0;
	s0 =	simm.s32 @!p2 $0x0  }
0x16: {  	s3 =	sld [smem:$0x3FDB];
	s0 =	simm.s32 @p2 $0x1  }
0x17: {  	s4 =	simm.s32 $0x1BF5;
	[smem:$0x3FBB] =	sst s0  }
0x18: {  	s0 =	sld [smem:$0x3F9E];
	_ =	swait.ge [sflag:s4], $0x0  }
0x19: {  	s7 =	sld [smem:$0x3F9F]  }
0x1a: {  	s8 =	sadd.s32 $0xFFFFE003, lr  }
0x1b: {  	s9 =	sadd.s32 $0xFFFFFEF7, lr;
	s5 =	simm.s32 $0xFFFFFFFF;
	p2 =	slt.u32 s8, $0xFFFFF086  }
0x1c: {  	p1 =	slt.u32 s9, $0xF7A;
	s5 =	simm.s32 @!p2 $0x0  }
0x1d: {  	s5 =	simm.s32 @p1 $0x1;
	p0 =	seq.s32 s7, s2  }
0x1e: {  	s7 =	smul.u32 @!p0 $0xF7A, s2;
	p2 =	seq.s32 @!p0 s5, $0x0  }
0x1f: {  	s9 =	smul.u32 $0xF7A, s1;
	s8 =	simm.s32 @!p0 $0x1BF5;
	p2 =	por !p2, p0  }
0x20: {  	[sflag:s8] =	ssyncset.s32 @!p0 $0xFFFFF086;
	s6 =	sadd.s32 @!p0 s3, s7;
	s7 =	simm.s32 @!p0 $0x108  }
0x21: {  	s3 =	sadd.s32 s3, s9;
	s6 =	sadd.s32 @!p0 $0x88, s6;
	s7 =	simm.s32 @p2 $0x1082  }
0x22: {  	[simem:s7], [sflag:s8] =	dma.local @!p0 [hbm:s6], $0xF7A  }
0x23: {  	s9 =	sor.u32 $0xD0000000, s2;
	s6 =	simm.s32 $0x108;
	_ =	swait.ge @!p0 [sflag:s8], $0x0  }
0x24: {  	s3 =	sadd.s32 $0x88, s3;
	s6 =	simm.s32 @!p1 $0x1082;
	[sflag:s4] =	ssyncset.s32 $0xFFFFF086  }
0x25: {  	[simem:s6], [sflag:s4] =	dma.local [hbm:s3], $0xF7A  }
0x26: {  	[smem:$0x3F9F] =	sst s1;
	(tag) =	ssettag s2;
	_ =	strace s9  }
0x27: {  	s1 =	sld [smem:$0x3FAF]  }
0x28: {  	s2 =	sld [smem:$0x3FB0]  }
0x29: {  	s4 =	sld [smem:$0x3FB2]  }
0x2a: {  	p0 =	seq.s32 s5, $0x0;
	s5 =	sld [smem:$0x3FB3]  }
0x2b: {  	s6 =	sld [smem:$0x3FB4]  }
0x2c: {  	s7 =	sld [smem:$0x3FB5]  }
0x2d: {  	s3 =	simm.s32 $0x108;
	s8 =	sld [smem:$0x3FB6]  }
0x2e: {  	s3 =	simm.s32 @!p0 $0x1082;
	s9 =	sld [smem:$0x3FB7]  }
0x2f: {  	lr =	sadd.s32 s0, s3;
	s0 =	sld [smem:$0x3FAE]  }
0x30: {  	s3 =	sld [smem:$0x3FB1]  }
0x31: {  	[smem:$0x3FBA] =	sst s10  }
0x32: {  	s10 =	sld [smem:$0x3FB8];
	_ =	sdelay $0x3  }
0x33: {  	p0 =	seq.s32 s10, $0x1;
	s10 =	sld [smem:$0x3FBA];
	_ =	sdelay $0x3  }
0x34: {  	[smem:$0x3FBA] =	sst s10  }
0x35: {  	s10 =	sld [smem:$0x3FB9];
	_ =	sdelay $0x3  }
0x36: {  	p1 =	seq.s32 s10, $0x1;
	s10 =	sld [smem:$0x3FBA];
	_ =	sdelay $0x3  }
0x37: {  	[smem:$0x3FBA] =	sst s10  }
0x38: {  	s10 =	sld [smem:$0x3FBB]  }
0x39: {  	_ = 	snop;
	(pc) =	sbr.ind lr, $3  }
0x3a: {  	_ = 	snop  }
0x3b: {  	_ = 	snop  }
0x3c: {  	p2 =	seq.s32 s10, $0x1;
	s10 =	sld [smem:$0x3FBA]  }
0x3d: {  	_ =	shalt  }
0x3e: {  	_ =	shalt  }
0x3f: {  	_ =	shalt  }
0x40: {  	_ =	shalt  }
0x41: {  	_ =	shalt  }
0x42: {  	_ =	shalt  }
0x43: {  	_ =	shalt  }
0x44: {  	_ =	shalt  }
0x45: {  	_ =	shalt  }
0x46: {  	_ =	shalt  }
0x47: {  	_ =	shalt  }
0x48: {  	_ =	shalt  }
0x49: {  	_ =	shalt  }
0x4a: {  	_ =	shalt  }
0x4b: {  	_ =	shalt  }
0x4c: {  	_ =	shalt  }
0x4d: {  	_ =	shalt  }
0x4e: {  	_ =	shalt  }
0x4f: {  	_ =	shalt  }
0x50: {  	_ =	shalt  }
0x51: {  	_ =	shalt  }
0x52: {  	_ =	shalt  }
0x53: {  	_ =	shalt  }
0x54: {  	_ =	shalt  }
0x55: {  	_ =	shalt  }
0x56: {  	_ =	shalt  }
0x57: {  	_ =	shalt  }
0x58: {  	_ =	shalt  }
0x59: {  	_ =	shalt  }
0x5a: {  	_ =	shalt  }
0x5b: {  	_ =	shalt  }
0x5c: {  	_ =	shalt  }
0x5d: {  	_ =	shalt  }
0x5e: {  	_ =	shalt  }
0x5f: {  	_ =	shalt  }
0x60: {  	_ =	shalt  }
0x61: {  	_ =	shalt  }
0x62: {  	_ =	shalt  }
0x63: {  	_ =	shalt  }
0x64: {  	_ =	shalt  }
0x65: {  	_ =	shalt  }
0x66: {  	_ =	shalt  }
0x67: {  	_ =	shalt  }
0x68: {  	_ =	shalt  }
0x69: {  	_ =	shalt  }
0x6a: {  	_ =	shalt  }
0x6b: {  	_ =	shalt  }
0x6c: {  	_ =	shalt  }
0x6d: {  	_ =	shalt  }
0x6e: {  	_ =	shalt  }
0x6f: {  	_ =	shalt  }
0x70: {  	_ =	shalt  }
0x71: {  	_ =	shalt  }
0x72: {  	_ =	shalt  }
0x73: {  	_ =	shalt  }
0x74: {  	_ =	shalt  }
0x75: {  	_ =	shalt  }
0x76: {  	_ =	shalt  }
0x77: {  	_ =	shalt  }
0x78: {  	_ =	shalt  }
0x79: {  	_ =	shalt  }
0x7a: {  	_ =	shalt  }
0x7b: {  	_ =	shalt  }
0x7c: {  	_ =	shalt  }
0x7d: {  	_ =	shalt  }
0x7e: {  	_ =	shalt  }
0x7f: {  	_ =	shalt  }
0x80: {  	_ =	shalt  }
0x81: {  	_ =	shalt  }
0x82: {  	_ =	shalt  }
0x83: {  	_ =	shalt  }
0x84: {  	_ =	shalt  }
0x85: {  	_ =	shalt  }
0x86: {  	_ =	shalt  }
0x87: {  	_ =	shalt  }
.Lfunc_end0:
.L_simem_size_0:
called_computation_lowered:
.L_overlay_start_0:
0x88: {  	s2 =	sld [smem:$0x3FD9]  }
0x89: {  	s3 =	sld [smem:$0x3FFE];
	_ =	sdelay $0x1  }
0x8a: {  	s1 =	srdreg.scid  }
0x8b: {  	s0 =	sand.u32 $0x1, s1  }
0x8c: {  	s14 =	sshll.u32 s0, $0xA;
	s2 =	sadd.s32 s3, s2  }
0x8d: {  	s2 =	sadd.s32 s2, s14  }
0x8e: {  	[smem:$0x3FC6] =	sst s2  }
0x8f: {  	_ = 	snop  }
0x90: {  	s2 =	sld [smem:$0x3FD0];
	_ =	sdelay $0x2  }
0x91: {  	s15 =	simm.s32 $0xA;
	s4 =	simm.s32 $0x10  }
0x92: {  	[smem:s4], [sflag:s15] =	dma.local [hbm:s2], $0x1  }
0x93: {  	_ =	swait.eq [sflag:s15], $0x1  }
0x94: {  	[sflag:s15] =	ssyncset.done $0x0  }
0x95: {  	s16 =	sld [smem:$0x10];
	[sflag:s15] =	ssyncadd.s32 $0xFFFFFFFF  }
0x96: {  	s17 =	sld [smem:$0x12];
	(tm) =	ssettm $0x1  }
0x97: {  	s18 =	sld [smem:$0x3FFB];
	_ =	sdelay $0x3  }
0x98: {  	_ =	strace s18  }
0x99: {  	s4 =	sld [smem:$0x3FFC];
	_ =	sdelay $0x3  }
0x9a: {  	_ =	strace s4  }
0x9b: {  	s4 =	sld [smem:$0x3FFD];
	_ =	sdelay $0x3  }
0x9c: {  	_ =	strace s4  }
0x9d: {  	_ =	strace $0x8FFFFFFF  }
0x9e: {  	s19 =	sld [smem:$0x3FDB];
	_ =	sdelay $0x1  }
0x9f: {  	s5 =	simm.s32 $_scs_section_size  }
0xa0: {  	s6 =	simm.s32 $_size__tile_overlayer_lowered;
	s7 =	simm.s32 $_tile_overlayer_lowered  }
0xa1: {  	s22 =	simm.s32 $0x1BFF;
	s21 =	sshll.u32 s7, $0x1;
	s4 =	sadd.s32 s5, s19  }
0xa2: {  	s8 =	simm.s32 $0x0;
	s20 =	sshll.u32 s6, $0x1;
	s6 =	sadd.s32 s21, s4  }
0xa3: {  	[timem:s8], [sflag:s22] =	dma.local [hbm:s6], s20  }
0xa4: {  	_ =	swait.ge [sflag:s22], s20  }
0xa5: {  	s5 =	ssub.s32 $0x0, s20;
	[sflag:s22] =	ssyncset.done $0x0  }
0xa6: {  	[sflag:s22] =	ssyncadd.s32 s5;
	_ =	sdelay $0x1  }
0xa7: {  	s23 =	simm.s32 $0x1B8B  }
0xa8: {  	_ =	swait.ge [sflag:s23], $0x1  }
0xa9: {  	[sflag:s23] =	ssyncset.done $0x0  }
0xaa: {  	s25 =	simm.s32 $0x1B8E;
	s24 =	sld [smem:$0x3FFE];
	[sflag:s23] =	ssyncadd.s32 $0xFFFFFFFF  }
0xab: {  	s26 =	simm.s32 $execute0_lowered;
	[smem:$0x3FD2] =	sst s25  }
0xac: {  	s6 =	sshll.u32 s26, $0x1;
	_ =	strace $0x80000046;
	[dreg:$0x1] =	wrdreg $0xFFFFFFFF  }
0xad: {  	s28 =	simm.s32 $_size_execute0_lowered;
	s4 =	sadd.s32 s4, s6;
	[dreg:$0x0] =	wrdreg $0x0  }
0xae: {  	s6 =	sshll.u32 s28, $0x1;
	[dreg:$0x2] =	wrdreg s4  }
0xaf: {  	[dreg:$0x3] =	wrdreg s6  }
0xb0: {  	[dreg:$0x4] =	wrdreg $0xC0  }
0xb1: {  	_ =	task [dreg:s8], $0x5FFFF  }
0xb2: {  	[dreg:$0x1] =	wrdreg $0xFFFFFFFF  }
0xb3: {  	[dreg:$0x0] =	wrdreg $0x60  }
0xb4: {  	[dreg:$0x2] =	wrdreg s24  }
0xb5: {  	[dreg:$0x3] =	wrdreg s17  }
0xb6: {  	[dreg:$0x4] =	wrdreg s16  }
0xb7: {  	[dreg:$0x5] =	wrdreg $0x9  }
0xb8: {  	_ =	task.clear_ibuf [dreg:s8], $0x6FFFF;
	_ =	strace $0x90000046  }
0xb9: {  	s29 =	simm.s32 $0x9;
	_ =	strace $0x8000004F  }
0xba: {  	_ =	swait.ge [sflag:s29], $0x1  }
0xbb: {  	[sflag:s29] =	ssyncadd.s32 $0xFFFFFFFF  }
0xbc: {  	_ =	strace $0x9000004F  }
0xbd: {  	_ =	sfence  }
0xbe: {  	s30 =	sld [smem:$0x0];
	_ =	sdelay $0x2  }
0xbf: {  	s31 =	sshll.u32 s1, $0xD;
	s1 =	sshrl.u32 s1, $0x2  }
0xc0: {  	s3 =	sand.u32 $0x4000, s31;
	s1 =	sadd.s32 s1, s30  }
0xc1: {  	s0 =	sor.u32 s3, s0;
	s1 =	sshll.u32 s1, $0x11  }
0xc2: {  	s0 =	sor.u32 s1, s0  }
0xc3: {  	s0 =	sadd.s32 $0x8F2B, s0  }
0xc4: {  	[sflag:s0] =	ssyncadd.remote.s32 $0x1  }
0xc5: {  	_ =	sfence.sel $0xFFFF  }
0xc6: {  	[dreg:$0x0] =	wrdreg $0xFFFFFFFF;
	(pc) =	sbr.abs _section_cstart, $3  }
0xc7: {  	[dreg:$0x1] =	wrdreg $0xFFFFFFFF  }
0xc8: {  	_ =	task.clear_ibuf [dreg:s8], $0x2FFFF;
	_ =	strace $0x9FFFFFFF  }
0xc9: {  	(tm) =	ssettm $0x7FFFFFFF  }
tec
execute0_lowered:
.L_overlay_start_1:
0x0: {  	(tag) =	ssettag $0x1  }
0x1: {  	s5 =	rddreg [dreg:$0x0]  }
0x2: {  	s1 =	rddreg [dreg:$0x1]  }
0x3: {  	s2 =	rddreg [dreg:$0x2]  }
0x4: {  	s0 =	rddreg [dreg:$0x3];
	s4 =	simm.s32 $0x0;
	s3 =	srdreg.scid  }
0x5: {  	s9 =	simm.s32 $0x5;
	s10 =	simm.s32 $0x4;
	s11 =	simm.s32 $0x0  }
.Ltmp0:
0x6: {  	[smem:$0x7FF] =	sst s4;
	s6 =	sand.u32 $0x1, s3;
	(pc) =	sbr.rel .LBB2_1-.Ltmp0, $4  }
0x7: {  	s3 =	stileid.u32;
	s7 =	ssub.s32 $0x2, s6;
	s6 =	sshll.u32 s6, $0x4  }
0x8: {  	v2 =	vlaneseq.u32;
	s5 =	sadd.s32 $0xA00, s5;
	s8 =	sshrl.u32 s7, $0x1;
	s6 =	sor.u32 s3, s6  }
0x9: {  	vm0 =	vmmov $0xffff;
	v1 =	vshrl.u32 v2, $0x3;
	_ =	strace $0x80000047;
	s8 =	ssub.s32 s7, s8;
	s31 =	sshll.u32 s6, $0x5  }
0xa: {  	v0 =	vand.u32 $0x7, v2;
	v2 =	vor.u32 $0x8, v2;
	v1 =	vmul.u32 $0x8, v1;
	s6 =	sshll.u32 s6, $0x1;
	s7 =	sadd.s32 s1, s31;
	s8 =	smax.u32 s8, $0x1  }
.LBB2_4:
0xb: {  	s12 =	sand.u32 $0x1, s12  }
0xc: {  	_ =	strace $0x8000004D;
	s12 =	sadd.s32 $0x3, s12  }
0xd: {  	_ =	swait.ge [sflag:s12], $0x8000  }
0xe: {  	[sflag:s12] =	ssyncset.done $0x0  }
0xf: {  	s11 =	sadd.s32 $0x1, s11;
	[sflag:s12] =	ssyncadd.s32 $0xFFFF8000  }
0x10: {  	p0 =	sne.s32 s11, s8;
	_ =	strace $0x9000004D  }
.Ltmp1:
0x11: {  	_ =	strace $0x8000004E;
	(pc) =	sbr.rel @!p0 .LBB2_5-.Ltmp1, $4  }
0x12: {  	_ =	swait.ge [sflag:s10], $0x8000  }
0x13: {  	[sflag:s10] =	ssyncset.done $0x0  }
0x14: {  	[sflag:s10] =	ssyncadd.s32 $0xFFFF8000  }
0x15: {  	_ =	strace $0x9000004E  }
.LBB2_1:
0x16: {  	_ =	strace $0x80000048  }
0x17: {  	p0 =	por $0x1, $0x1;
	p2 =	por $0x0, $0x0;
	s13 =	simm.s32 $0x0  }
0x18: {  	s12 =	simm.s32 $0x0;
	s17 =	simm.s32 $0x0;
	s14 =	simm.s32 $0x0  }
0x19: {  	[tilespmem:s4], [sflag:$0x1] =	stream.linear.gather [hbm4b:s7+s4], $0x80, $0x200038;
	[tilespmem:$0x10100] =	vst v63  }
0x1a: {  	s15 =	simm.s32 $0x1;
	s16 =	simm.s32 $0x0;
	_ =	strace $0x90000048  }
.LBB2_2:
0x1b: {  	s18 =	smov.u32 s13;
	s13 =	sadd.s32 $0x1, s13  }
0x1c: {  	p1 =	seq.s32 s13, $0x2  }
0x1d: {  	s13 =	simm.s32 @p1 $0x0  }
0x1e: {  	p1 =	sne.s32 s18, s13  }
0x1f: {  	p1 =	por !p0, !p1  }
0x20: {  	p1 =	por !p1, !p1  }
0x21: {  	s19 =	sadd.s32 @p1 s6, s13  }
0x22: {  	s20 =	sand.u32 @p1 $0x1, s15;
	s19 =	sshll.u32 @p1 s19, $0x4  }
0x23: {  	_ =	strace @p1 $0x80000049;
	s22 =	simm.s32 @p1 $0x0;
	s19 =	sand.u32 @p1 $0x1FFFFFF0, s19  }
0x24: {  	s21 =	sshll.u32 @p1 s20, $0x7;
	s20 =	sadd.s32 @p1 $0x1, s20;
	s19 =	sadd.s32 @p1 s1, s19  }
0x25: {  	[tilespmem:s21], [sflag:s20] =	stream.linear.gather @p1 [hbm4b:s19+s22], $0x80, $0x200038;
	[tilespmem:$0x10100] =	vst v63  }
0x26: {  	s23 =	sand.u32 $0x1, s14;
	_ =	strace @p1 $0x90000049  }
0x27: {  	s19 =	sadd.s32 $0x1, s23;
	_ =	strace $0x8000004A  }
0x28: {  	_ =	swait.ge [sflag:s19], $0x80  }
0x29: {  	[sflag:s19] =	ssyncset.done $0x0  }
0x2a: {  	[sflag:s19] =	ssyncadd.s32 $0xFFFFFF80  }
0x2b: {  	s24 =	sshll.u32 s14, $0x7;
	_ =	strace $0x9000004A  }
0x2c: {  	s22 =	sand.u32 $0x80, s24;
	_ =	strace $0x8000004B  }
0x2d: {  	v3 =	vld [tilespmem:s22+$0x0];
	_ =	sdelay $0x4  }
0x2e: {  	v4 =	vshll.u32 v3, $0x1  }
0x2f: {  	v3 =	vand.u32 $0x7, v3;
	v4 =	vand.u32 $0xFFFFFFF0, v4  }
0x30: {  	v3 =	vor.u32 v3, v4  }
0x31: {  	v4 =	vperm.xlane v3, v0;
	_ =	sdelay $0x1  }
0x32: {  	v3 =	vperm.xlane v3, v2;
	v4 =	vadd.s32 v1, v4;
	_ =	sdelay $0x1  }
0x33: {  	s19 =	sand.u32 $0x1, s17;
	v3 =	vadd.s32 v1, v3  }
0x34: {  	s21 =	sshll.u32 s19, $0xF  }
0x35: {  	s20 =	sor.u32 $0x100, s21  }
0x36: {  	[tilespmem:s20], [sflag:$0x5] =	stream.indirect_vreg.gather [hbm4b:s5+s4], $0x80, v4, vm0, $0x2000b8;
	[tilespmem:$0x10100] =	vst v63  }
0x37: {  	s23 =	sor.u32 $0x900, s21  }
0x38: {  	[tilespmem:s23], [sflag:$0x5] =	stream.indirect_vreg.gather [hbm4b:s5+s4], $0x80, v3, vm0, $0x2000b8;
	[tilespmem:$0x10100] =	vst v63  }
0x39: {  	v3 =	vld [tilespmem:s22+$0x10];
	_ =	sdelay $0x4  }
0x3a: {  	v57 =	vshll.u32 v3, $0x1  }
0x3b: {  	v3 =	vand.u32 $0x7, v3;
	v4 =	vand.u32 $0xFFFFFFF0, v57  }
0x3c: {  	v3 =	vor.u32 v3, v4  }
0x3d: {  	v4 =	vperm.xlane v3, v0;
	_ =	sdelay $0x1  }
0x3e: {  	v3 =	vperm.xlane v3, v2;
	v4 =	vadd.s32 v1, v4;
	_ =	sdelay $0x1  }
0x3f: {  	v3 =	vadd.s32 v1, v3;
	_ =	sdelay $0x1  }
0x40: {  	s25 =	sor.u32 $0x1100, s21  }
0x41: {  	[tilespmem:s25], [sflag:$0x5] =	stream.indirect_vreg.gather [hbm4b:s5+s4], $0x80, v4, vm0, $0x2000b8;
	[tilespmem:$0x10100] =	vst v63  }
0x42: {  	s26 =	sor.u32 $0x1900, s21  }
0x43: {  	[tilespmem:s26], [sflag:$0x5] =	stream.indirect_vreg.gather [hbm4b:s5+s4], $0x80, v3, vm0, $0x2000b8;
	[tilespmem:$0x10100] =	vst v63  }
0x44: {  	v3 =	vld [tilespmem:s22+$0x20];
	_ =	sdelay $0x4  }
0x45: {  	v58 =	vshll.u32 v3, $0x1  }
0x46: {  	v3 =	vand.u32 $0x7, v3;
	v4 =	vand.u32 $0xFFFFFFF0, v58  }
0x47: {  	v3 =	vor.u32 v3, v4  }
0x48: {  	v4 =	vperm.xlane v3, v0;
	_ =	sdelay $0x1  }
0x49: {  	v3 =	vperm.xlane v3, v2;
	v4 =	vadd.s32 v1, v4;
	_ =	sdelay $0x1  }
0x4a: {  	v3 =	vadd.s32 v1, v3;
	_ =	sdelay $0x1  }
0x4b: {  	s28 =	sor.u32 $0x2100, s21  }
0x4c: {  	[tilespmem:s28], [sflag:$0x5] =	stream.indirect_vreg.gather [hbm4b:s5+s4], $0x80, v4, vm0, $0x2000b8;
	[tilespmem:$0x10100] =	vst v63  }
0x4d: {  	s29 =	sor.u32 $0x2900, s21  }
0x4e: {  	[tilespmem:s29], [sflag:$0x5] =	stream.indirect_vreg.gather [hbm4b:s5+s4], $0x80, v3, vm0, $0x2000b8;
	[tilespmem:$0x10100] =	vst v63  }
0x4f: {  	v3 =	vld [tilespmem:s22+$0x30];
	_ =	sdelay $0x4  }
0x50: {  	v59 =	vshll.u32 v3, $0x1  }
0x51: {  	v3 =	vand.u32 $0x7, v3;
	v4 =	vand.u32 $0xFFFFFFF0, v59  }
0x52: {  	v3 =	vor.u32 v3, v4  }
0x53: {  	v4 =	vperm.xlane v3, v0;
	_ =	sdelay $0x1  }
0x54: {  	v3 =	vperm.xlane v3, v2;
	v4 =	vadd.s32 v1, v4;
	_ =	sdelay $0x1  }
0x55: {  	v3 =	vadd.s32 v1, v3;
	_ =	sdelay $0x1  }
0x56: {  	s30 =	sor.u32 $0x3100, s21  }
0x57: {  	[tilespmem:s30], [sflag:$0x5] =	stream.indirect_vreg.gather [hbm4b:s5+s4], $0x80, v4, vm0, $0x2000b8;
	[tilespmem:$0x10100] =	vst v63  }
0x58: {  	s31 =	sor.u32 $0x3900, s21  }
0x59: {  	[tilespmem:s31], [sflag:$0x5] =	stream.indirect_vreg.gather [hbm4b:s5+s4], $0x80, v3, vm0, $0x2000b8;
	[tilespmem:$0x10100] =	vst v63  }
0x5a: {  	v3 =	vld [tilespmem:s22+$0x40];
	_ =	sdelay $0x4  }
0x5b: {  	v60 =	vshll.u32 v3, $0x1  }
0x5c: {  	v3 =	vand.u32 $0x7, v3;
	v4 =	vand.u32 $0xFFFFFFF0, v60  }
0x5d: {  	v3 =	vor.u32 v3, v4  }
0x5e: {  	v4 =	vperm.xlane v3, v0;
	_ =	sdelay $0x1  }
0x5f: {  	v3 =	vperm.xlane v3, v2;
	v4 =	vadd.s32 v1, v4;
	_ =	sdelay $0x1  }
0x60: {  	v3 =	vadd.s32 v1, v3;
	_ =	sdelay $0x1  }
0x61: {  	s24 =	sor.u32 $0x4100, s21  }
0x62: {  	[tilespmem:s24], [sflag:$0x5] =	stream.indirect_vreg.gather [hbm4b:s5+s4], $0x80, v4, vm0, $0x2000b8;
	[tilespmem:$0x10100] =	vst v63  }
0x63: {  	s25 =	sor.u32 $0x4900, s21  }
0x64: {  	[tilespmem:s25], [sflag:$0x5] =	stream.indirect_vreg.gather [hbm4b:s5+s4], $0x80, v3, vm0, $0x2000b8;
	[tilespmem:$0x10100] =	vst v63  }
0x65: {  	v3 =	vld [tilespmem:s22+$0x50];
	_ =	sdelay $0x4  }
0x66: {  	v61 =	vshll.u32 v3, $0x1  }
0x67: {  	v3 =	vand.u32 $0x7, v3;
	v4 =	vand.u32 $0xFFFFFFF0, v61  }
0x68: {  	v3 =	vor.u32 v3, v4  }
0x69: {  	v4 =	vperm.xlane v3, v0;
	_ =	sdelay $0x1  }
0x6a: {  	v3 =	vperm.xlane v3, v2;
	v4 =	vadd.s32 v1, v4;
	_ =	sdelay $0x1  }
0x6b: {  	v3 =	vadd.s32 v1, v3;
	_ =	sdelay $0x1  }
0x6c: {  	s26 =	sor.u32 $0x5100, s21  }
0x6d: {  	[tilespmem:s26], [sflag:$0x5] =	stream.indirect_vreg.gather [hbm4b:s5+s4], $0x80, v4, vm0, $0x2000b8;
	[tilespmem:$0x10100] =	vst v63  }
0x6e: {  	s28 =	sor.u32 $0x5900, s21  }
0x6f: {  	[tilespmem:s28], [sflag:$0x5] =	stream.indirect_vreg.gather [hbm4b:s5+s4], $0x80, v3, vm0, $0x2000b8;
	[tilespmem:$0x10100] =	vst v63  }
0x70: {  	v3 =	vld [tilespmem:s22+$0x60];
	_ =	sdelay $0x4  }
0x71: {  	v62 =	vshll.u32 v3, $0x1  }
0x72: {  	v3 =	vand.u32 $0x7, v3;
	v4 =	vand.u32 $0xFFFFFFF0, v62  }
0x73: {  	v3 =	vor.u32 v3, v4  }
0x74: {  	v4 =	vperm.xlane v3, v0;
	_ =	sdelay $0x1  }
0x75: {  	v3 =	vperm.xlane v3, v2;
	v4 =	vadd.s32 v1, v4;
	_ =	sdelay $0x1  }
0x76: {  	v3 =	vadd.s32 v1, v3;
	_ =	sdelay $0x1  }
0x77: {  	s29 =	sor.u32 $0x6100, s21  }
0x78: {  	[tilespmem:s29], [sflag:$0x5] =	stream.indirect_vreg.gather [hbm4b:s5+s4], $0x80, v4, vm0, $0x2000b8;
	[tilespmem:$0x10100] =	vst v63  }
0x79: {  	s30 =	sor.u32 $0x6900, s21  }
0x7a: {  	[tilespmem:s30], [sflag:$0x5] =	stream.indirect_vreg.gather [hbm4b:s5+s4], $0x80, v3, vm0, $0x2000b8;
	[tilespmem:$0x10100] =	vst v63  }
0x7b: {  	v3 =	vld [tilespmem:s22+$0x70];
	_ =	sdelay $0x4  }
0x7c: {  	v63 =	vshll.u32 v3, $0x1  }
0x7d: {  	v3 =	vand.u32 $0x7, v3;
	v4 =	vand.u32 $0xFFFFFFF0, v63  }
0x7e: {  	v3 =	vor.u32 v3, v4  }
0x7f: {  	v4 =	vperm.xlane v3, v0;
	_ =	sdelay $0x1  }
0x80: {  	v3 =	vperm.xlane v3, v2;
	v4 =	vadd.s32 v1, v4;
	_ =	sdelay $0x1  }
0x81: {  	v3 =	vadd.s32 v1, v3;
	_ =	sdelay $0x1  }
0x82: {  	p2 =	por !p2, !p2;
	p3 =	seq.s32 s18, s13;
	s31 =	sor.u32 $0x7100, s21  }
0x83: {  	[tilespmem:s31], [sflag:$0x5] =	stream.indirect_vreg.gather [hbm4b:s5+s4], $0x80, v4, vm0, $0x2000b8;
	[tilespmem:$0x10100] =	vst v63  }
0x84: {  	p2 =	por !p2, !p3;
	s21 =	sor.u32 $0x7900, s21  }
0x85: {  	[tilespmem:s21], [sflag:$0x5] =	stream.indirect_vreg.gather [hbm4b:s5+s4], $0x80, v3, vm0, $0x2000b8;
	[tilespmem:$0x10100] =	vst v63  }
0x86: {  	s18 =	sadd.s32 s6, s18;
	p2 =	por !p2, !p2;
	_ =	swait.ge [sflag:s9], $0x8000  }
0x87: {  	s18 =	sshll.u32 @!p2 s18, $0xC;
	p0 =	por p2, p0;
	[sflag:s9] =	ssyncset.done $0x0  }
.Ltmp2:
0x88: {  	s18 =	sand.u32 @!p2 $0x1FFFF000, s18;
	[sflag:s9] =	ssyncadd.s32 $0xFFFF8000;
	(pc) =	sbr.rel @!p0 .LBB2_4-.Ltmp2, $4  }
0x89: {  	s18 =	sadd.s32 @!p2 s2, s18;
	_ =	strace $0x9000004B  }
0x8a: {  	s19 =	sadd.s32 @!p2 $0x3, s19;
	s21 =	simm.s32 @!p2 $0x0;
	_ =	strace @!p2 $0x8000004C  }
0x8b: {  	[hbm4b:s18+s21] =	stream.linear.scatter @!p2 [tilespmem:s20], [sflag:s19], $0x8000, $0x200038;
	[tilespmem:$0x10100] =	vst v63  }
0x8c: {  	_ =	strace @!p2 $0x9000004C  }
.Ltmp3:
0x8d: {  	s18 =	simm.s32 $0x1;
	(pc) =	sbr.rel .LBB2_2-.Ltmp3, $4  }
0x8e: {  	s19 =	simm.s32 @!p2 $0x1;
	s12 =	sadd.s32 s16, s12;
	s18 =	simm.s32 @!p1 $0x0  }
0x8f: {  	s16 =	simm.s32 $0x1;
	s15 =	sadd.s32 s18, s15;
	s18 =	sadd.s32 @!p2 $0x1, s17  }
0x90: {  	p0 =	por $0x0, $0x0;
	s19 =	simm.s32 @p2 $0x0;
	s18 =	smov.u32 @p2 s17  }
0x91: {  	s14 =	sadd.s32 s14, s19;
	p2 =	por $0x1, $0x1;
	s17 =	smov.u32 s18  }
.LBB2_5:
0x92: {  	_ =	sfence.sel $0x180000  }
0x93: {  	[bflag:$0x0] =	sbarrier.arrive $0xFFFF  }
0x94: {  	p0 =	sne.s32 s3, $0x0;
	_ =	strace $0x90000047  }
0x95: {  	s0 =	sadd.s32 @!p0 $0x100000, s0;
	[bflag:$0x2] =	sbarrier.arrive $0xFFFF  }
0x96: {  	[sflag:s0] =	ssyncadd.tile.s32 @!p0 $0x1;
	_ =	shalt  }
.Lfunc_end2:
_tile_overlayer_lowered:
.L_overlay_start_2:
0x97: {  	(tag) =	ssettag $0x2  }
0x98: {  	s0 =	rddreg [dreg:$0x0];
	s2 =	stileid.u32  }
0x99: {  	s1 =	rddreg [dreg:$0x1];
	p0 =	sne.s32 s2, $0x0  }
0x9a: {  	s3 =	rddreg [dreg:$0x2];
	[bflag:$0x3] =	sbarrier.arrive $0xFFFF;
	s2 =	simm.s32 @!p0 $0x1C01  }
0x9b: {  	[timem:s3], [sflag:s2] =	dma.local @!p0 [hbm:s0], s1  }
0x9c: {  	s0 =	simm.s32 @!p0 $0x1  }
0x9d: {  	_ =	swait.ge @!p0 [sflag:s0], s1  }
0x9e: {  	s1 =	ssub.s32 @!p0 $0x0, s1;
	[sflag:s0] =	ssyncset.done @!p0 $0x0  }
0x9f: {  	[sflag:s0] =	ssyncadd.s32 @!p0 s1  }
0xa0: {  	[bflag:$0x3] =	sbarrier.arrive $0xFFFF  }
0xa1: {  	_ =	shalt  }

</sc_bundles>
